<compile_context>
chip_gen: v7x
topology: tpu7x:2x2x1
jax: 0.10.2.dev20260603
libtpu: 0.0.44.dev20260713+nightly
codegen_flags: <defaults>
</compile_context>

<pallas_src>
import jax
import jax.numpy as jnp
from jax import lax
from jax.experimental import pallas as pl
from jax.experimental.pallas import tpu as pltpu
from jax.experimental.pallas import tpu_sc as plsc

N_NODE = 50000
N_Z = 96
N_ORB = 19
D = 64
DH = D // 2
MAXM = 15
NL = 16

NW = 32
NB = 512
NBLK = 98
NPAD = NBLK * NB
NITEM = N_ORB * 2 * NBLK
NPAIR = 59

_mesh = plsc.VectorSubcoreMesh(core_axis_name="c", subcore_axis_name="s")


def _body(
    elecT1, e1, zp, out, ev, zvi, ctr, zb, ob, zsem0, zsem1, ssem0, ssem1, tsem
):
    wid = lax.axis_index("s") * 2 + lax.axis_index("c")
    s = (wid * NITEM) // NW
    e = ((wid + 1) * NITEM) // NW
    iota = lax.broadcasted_iota(jnp.int32, (16,), 0)
    jsplat = [jnp.full((16,), j, jnp.int32) for j in range(NL)]

    def start_zb(i, b):
        zsem = zsem0 if b == 0 else zsem1
        pltpu.async_copy(
            zp.at[pl.ds(lax.rem(i, NBLK) * NB, NB)], zb.at[b], zsem
        )

    def wait_zb(b):
        zsem = zsem0 if b == 0 else zsem1
        pltpu.make_async_copy(zp.at[pl.ds(0, NB)], zb.at[b], zsem).wait()

    def build_ctr(o, half):
        pltpu.sync_copy(elecT1.at[pl.ds(o * N_Z, N_Z)], zvi)
        pltpu.sync_copy(e1.at[pl.ds(o * (MAXM * D), MAXM * D)], ev)
        d0 = half * DH

        def d_loop(dl, carry):
            d = d0 + dl
            for zg in range(N_Z // 16):
                eidx = zvi[pl.ds(zg * 16, 16)] * D + d
                v = plsc.load_gather(ev, [eidx])
                base = dl * N_Z * NL + zg * 16 * NL
                for j in range(NL):
                    vb = v.at[jsplat[j]].get(mode="promise_in_bounds")
                    ctr[pl.ds(base + j * NL, NL)] = vb
            return carry

        lax.fori_loop(0, DH, d_loop, 0)

    start_zb(s, 0)

    def do_item(i, b, o, half):
        nb = lax.rem(i, NBLK)
        n0 = nb * NB
        nxt = i + 1

        @pl.when(nxt < e)
        def _():
            start_zb(nxt, 1 - b)

        wait_zb(b)

        def g_loop(g, carry):
            BATCH = 8
            for u in range(2):
                n16 = (2 * g + u) * 16
                idx16 = zb[b, pl.ds(n16, 16)] * NL + iota

                def load1(dl):
                    return plsc.load_gather(
                        ctr.at[pl.ds(dl * N_Z * NL, N_Z * NL)], [idx16]
                    )

                vs_prev = [load1(k) for k in range(BATCH)]
                for dd in range(BATCH, DH, BATCH):
                    vs_next = []
                    for k in range(BATCH):
                        vs_next.append(load1(dd + k))
                        ob[b, dd - BATCH + k, pl.ds(n16, 16)] = vs_prev[k]
                    vs_prev = vs_next
                for k in range(BATCH):
                    ob[b, DH - BATCH + k, pl.ds(n16, 16)] = vs_prev[k]
            return carry

        lax.fori_loop(0, NB // 32, g_loop, 0)

        @pl.when(nb < NBLK - 1)
        def _():
            ssem = ssem0 if b == 0 else ssem1
            pltpu.async_copy(
                ob.at[b], out.at[o, pl.ds(half * DH, DH), pl.ds(n0, NB)], ssem
            )

        @pl.when(nb == NBLK - 1)
        def _():
            pltpu.async_copy(
                ob.at[b, :, pl.ds(0, 384)],
                out.at[o, pl.ds(half * DH, DH), pl.ds(n0, 384)],
                tsem,
            ).wait()

    def pair(j, oh_prev):
        for b in range(2):
            i = s + 2 * j + b
            ip = i - 2
            prev_issued = (
                (j >= 1) & (ip < e) & (lax.rem(ip, NBLK) != NBLK - 1)
            )

            @pl.when(prev_issued)
            def _():
                ssem = ssem0 if b == 0 else ssem1
                pltpu.make_async_copy(
                    ob.at[b], out.at[0, pl.ds(0, DH), pl.ds(0, NB)], ssem
                ).wait()

            oh = i // NBLK
            o = oh // 2
            half = oh - o * 2
            active = i < e

            @pl.when(active)
            def _():
                @pl.when(oh != oh_prev)
                def _():
                    build_ctr(o, half)

                do_item(i, b, o, half)

            oh_prev = jnp.where(active, oh, oh_prev)
        return oh_prev

    lax.fori_loop(0, NPAIR, pair, jnp.int32(-1))

    for b in range(2):
        ilast = s + 2 * (NPAIR - 1) + b

        @pl.when((ilast < e) & (lax.rem(ilast, NBLK) != NBLK - 1))
        def _():
            ssem = ssem0 if b == 0 else ssem1
            pltpu.make_async_copy(
                ob.at[b], out.at[0, pl.ds(0, DH), pl.ds(0, NB)], ssem
            ).wait()


_expand = pl.kernel(
    _body,
    out_type=jax.ShapeDtypeStruct((N_ORB, D, N_NODE), jnp.float32),
    mesh=_mesh,
    compiler_params=pltpu.CompilerParams(needs_layout_passes=False),
    scratch_types=[
        pltpu.VMEM((MAXM * D,), jnp.float32),
        pltpu.VMEM((N_Z,), jnp.int32),
        pltpu.VMEM((DH * N_Z * NL,), jnp.float32),
        pltpu.VMEM((2, NB), jnp.int32),
        pltpu.VMEM((2, DH, NB), jnp.float32),
        pltpu.SemaphoreType.DMA,
        pltpu.SemaphoreType.DMA,
        pltpu.SemaphoreType.DMA,
        pltpu.SemaphoreType.DMA,
        pltpu.SemaphoreType.DMA,
    ],
)


def kernel(z, elec, e_embeds):
    elecT1 = elec.astype(jnp.int32).T.reshape(-1)
    e1 = e_embeds.reshape(-1)
    pad = NPAD - N_NODE
    zp = jnp.concatenate([z.astype(jnp.int32), jnp.zeros((pad,), jnp.int32)])
    out_t = _expand(elecT1, e1, zp)
    return jnp.transpose(out_t, (2, 0, 1))

# --- scband reference (transcript-rebuilt; emitter-appended) ---
"""Pipeline reference for scband-embed-elec-4140348473497 (READ-ONLY COPY).

The authoritative reference and input builder live on the scoring server;
editing this copy changes nothing except your own understanding.
"""

import jax, jax.numpy as jnp
import numpy as np
import math

N_NODE = 50000
N_Z = 96
N_ORB = 19
EMBED_DIM = 64
MAX_ELEC_IDX = [3, 3, 7, 3, 7, 3, 11, 7, 3, 11, 7, 3, 15, 11, 7, 3, 15, 11, 7]
MAX_M = 15


def setup_inputs(seed: int = 0) -> dict:
    key = jax.random.key(seed)
    k1, k2, k3 = jax.random.split(key, 3)
    # atomic numbers (row indices into the electron table)
    z = jax.random.randint(k1, (N_NODE,), 0, N_Z)
    # elec_info.elec_table buffer: electron-count index per (atomic number, orbital)
    cols = []
    for i, m in enumerate(MAX_ELEC_IDX):
        cols.append(jax.random.randint(jax.random.fold_in(k2, i), (N_Z,), 0, m))
    elec = jnp.stack(cols, axis=1)  # [N_Z, N_ORB]
    # per-orbital embedding tables, padded to MAX_M rows; uniform(-sqrt(3), sqrt(3))
    s3 = math.sqrt(3.0)
    e_embeds = jax.random.uniform(k3, (N_ORB, MAX_M, EMBED_DIM), minval=-s3, maxval=s3, dtype=jnp.float32)
    # extend_orb=False -> padding_idx=0 is a zero vector in every table
    e_embeds = e_embeds.at[:, 0, :].set(0.0)
    return {"z": z, "elec": elec, "e_embeds": e_embeds}


def reference(z, elec, e_embeds):
    # elec = self.elec[z]
    el = jnp.take(elec, z, axis=0)          # [N, n_orb]
    el = jnp.transpose(el, (1, 0))          # [n_orb, N]
    # stack of per-orbital embedding lookups
    e_embed = jnp.stack([e_embeds[i][el[i]] for i in range(N_ORB)], axis=0)  # [n_orb, N, D]
    e_embed = jnp.transpose(e_embed, (1, 0, 2))  # [N, n_orb, D]
    return e_embed

if __name__ == "__main__":
    import jax
    _d = setup_inputs()
    print(jax.jit(kernel)(*tuple(_d.values())))

</pallas_src>

<mosaic_0001>
#map = affine_map<(d0, d1) -> (0)>
#map1 = affine_map<(d0, d1) -> (0, 0, 0)>
module attributes {stable_mosaic.version = 14 : i64} {
  func.func @_body(%arg0: i32, %arg1: i32, %arg2: memref<1824xi32, #tpu.memory_space<hbm>>, %arg3: memref<18240xf32, #tpu.memory_space<hbm>>, %arg4: memref<50176xi32, #tpu.memory_space<hbm>>, %arg5: memref<19x64x50000xf32, #tpu.memory_space<hbm>>, %arg6: memref<960xf32, #tpu.memory_space<vmem>>, %arg7: memref<96xi32, #tpu.memory_space<vmem>>, %arg8: memref<49152xf32, #tpu.memory_space<vmem>>, %arg9: memref<2x512xi32, #tpu.memory_space<vmem>>, %arg10: memref<2x32x512xf32, #tpu.memory_space<vmem>>, %arg11: memref<!tpu.dma_semaphore, #tpu.memory_space<semaphore_mem>>, %arg12: memref<!tpu.dma_semaphore, #tpu.memory_space<semaphore_mem>>, %arg13: memref<!tpu.dma_semaphore, #tpu.memory_space<semaphore_mem>>, %arg14: memref<!tpu.dma_semaphore, #tpu.memory_space<semaphore_mem>>, %arg15: memref<!tpu.dma_semaphore, #tpu.memory_space<semaphore_mem>>) attributes {dimension_semantics = [#tpu.dimension_semantics<core_parallel>, #tpu.dimension_semantics<subcore_parallel>], iteration_bounds = array<i64: 2, 16>, scalar_prefetch = 0 : i64, scratch_operands = 10 : i64, tpu.core_type = #tpu.core_type<sc_vector_subcore>, window_params = [{transform_indices = #map}, {transform_indices = #map}, {transform_indices = #map}, {transform_indices = #map1}]} {
    %mul3A = arith.constant 2 : i32
    %mul3A_0 = arith.muli %arg1, %mul3A : i32
    %add3A = arith.addi %mul3A_0, %arg0 : i32
    %mul3A_1 = arith.constant 3724 : i32
    %mul3A_2 = arith.muli %add3A, %mul3A_1 : i32
    %jit3A = arith.constant 32 : i32
    %div3A = arith.divsi %mul3A_2, %jit3A : i32
    %sign3A = arith.constant 0 : i32
    %sign3A_3 = arith.cmpi sgt, %mul3A_2, %sign3A : i32
    %sign3A_4 = arith.extui %sign3A_3 : i1 to i32
    %sign3A_5 = arith.constant 0 : i32
    %sign3A_6 = arith.cmpi slt, %mul3A_2, %sign3A_5 : i32
    %sign3A_7 = arith.extui %sign3A_6 : i1 to i32
    %sign3A_8 = arith.subi %sign3A_4, %sign3A_7 : i32
    %sign3A_9 = arith.constant 0 : i32
    %sign3A_10 = arith.cmpi sgt, %jit3A, %sign3A_9 : i32
    %sign3A_11 = arith.extui %sign3A_10 : i1 to i32
    %sign3A_12 = arith.constant 0 : i32
    %sign3A_13 = arith.cmpi slt, %jit3A, %sign3A_12 : i32
    %sign3A_14 = arith.extui %sign3A_13 : i1 to i32
    %sign3A_15 = arith.subi %sign3A_11, %sign3A_14 : i32
    %ne3A = arith.cmpi ne, %sign3A_8, %sign3A_15 : i32
    %rem3A = arith.remsi %mul3A_2, %jit3A : i32
    %ne3A_16 = arith.constant 0 : i32
    %ne3A_17 = arith.cmpi ne, %rem3A, %ne3A_16 : i32
    %and3A = arith.andi %ne3A, %ne3A_17 : i1
    %sub3A = arith.constant 1 : i32
    %sub3A_18 = arith.subi %div3A, %sub3A : i32
    %select_n3A = arith.select %and3A, %sub3A_18, %div3A : i32
    %add3A_19 = arith.constant 1 : i32
    %add3A_20 = arith.addi %add3A, %add3A_19 : i32
    %mul3A_21 = arith.constant 3724 : i32
    %mul3A_22 = arith.muli %add3A_20, %mul3A_21 : i32
    %jit3A_23 = arith.constant 32 : i32
    %div3A_24 = arith.divsi %mul3A_22, %jit3A_23 : i32
    %sign3A_25 = arith.constant 0 : i32
    %sign3A_26 = arith.cmpi sgt, %mul3A_22, %sign3A_25 : i32
    %sign3A_27 = arith.extui %sign3A_26 : i1 to i32
    %sign3A_28 = arith.constant 0 : i32
    %sign3A_29 = arith.cmpi slt, %mul3A_22, %sign3A_28 : i32
    %sign3A_30 = arith.extui %sign3A_29 : i1 to i32
    %sign3A_31 = arith.subi %sign3A_27, %sign3A_30 : i32
    %sign3A_32 = arith.constant 0 : i32
    %sign3A_33 = arith.cmpi sgt, %jit3A_23, %sign3A_32 : i32
    %sign3A_34 = arith.extui %sign3A_33 : i1 to i32
    %sign3A_35 = arith.constant 0 : i32
    %sign3A_36 = arith.cmpi slt, %jit3A_23, %sign3A_35 : i32
    %sign3A_37 = arith.extui %sign3A_36 : i1 to i32
    %sign3A_38 = arith.subi %sign3A_34, %sign3A_37 : i32
    %ne3A_39 = arith.cmpi ne, %sign3A_31, %sign3A_38 : i32
    %rem3A_40 = arith.remsi %mul3A_22, %jit3A_23 : i32
    %ne3A_41 = arith.constant 0 : i32
    %ne3A_42 = arith.cmpi ne, %rem3A_40, %ne3A_41 : i32
    %and3A_43 = arith.andi %ne3A_39, %ne3A_42 : i1
    %sub3A_44 = arith.constant 1 : i32
    %sub3A_45 = arith.subi %div3A_24, %sub3A_44 : i32
    %select_n3A_46 = arith.select %and3A_43, %sub3A_45, %div3A_24 : i32
    %iota3A = tpu.iota {dimensions = array<i32: 0>} : vector<16xi32>
    %broadcast_in_dim3A = arith.constant 0 : i32
    %broadcast_in_dim3A_47 = vector.broadcast %broadcast_in_dim3A : i32 to vector<16xi32>
    %broadcast_in_dim3A_48 = arith.constant 1 : i32
    %broadcast_in_dim3A_49 = vector.broadcast %broadcast_in_dim3A_48 : i32 to vector<16xi32>
    %broadcast_in_dim3A_50 = arith.constant 2 : i32
    %broadcast_in_dim3A_51 = vector.broadcast %broadcast_in_dim3A_50 : i32 to vector<16xi32>
    %broadcast_in_dim3A_52 = arith.constant 3 : i32
    %broadcast_in_dim3A_53 = vector.broadcast %broadcast_in_dim3A_52 : i32 to vector<16xi32>
    %broadcast_in_dim3A_54 = arith.constant 4 : i32
    %broadcast_in_dim3A_55 = vector.broadcast %broadcast_in_dim3A_54 : i32 to vector<16xi32>
    %broadcast_in_dim3A_56 = arith.constant 5 : i32
    %broadcast_in_dim3A_57 = vector.broadcast %broadcast_in_dim3A_56 : i32 to vector<16xi32>
    %broadcast_in_dim3A_58 = arith.constant 6 : i32
    %broadcast_in_dim3A_59 = vector.broadcast %broadcast_in_dim3A_58 : i32 to vector<16xi32>
    %broadcast_in_dim3A_60 = arith.constant 7 : i32
    %broadcast_in_dim3A_61 = vector.broadcast %broadcast_in_dim3A_60 : i32 to vector<16xi32>
    %broadcast_in_dim3A_62 = arith.constant 8 : i32
    %broadcast_in_dim3A_63 = vector.broadcast %broadcast_in_dim3A_62 : i32 to vector<16xi32>
    %broadcast_in_dim3A_64 = arith.constant 9 : i32
    %broadcast_in_dim3A_65 = vector.broadcast %broadcast_in_dim3A_64 : i32 to vector<16xi32>
    %broadcast_in_dim3A_66 = arith.constant 10 : i32
    %broadcast_in_dim3A_67 = vector.broadcast %broadcast_in_dim3A_66 : i32 to vector<16xi32>
    %broadcast_in_dim3A_68 = arith.constant 11 : i32
    %broadcast_in_dim3A_69 = vector.broadcast %broadcast_in_dim3A_68 : i32 to vector<16xi32>
    %broadcast_in_dim3A_70 = arith.constant 12 : i32
    %broadcast_in_dim3A_71 = vector.broadcast %broadcast_in_dim3A_70 : i32 to vector<16xi32>
    %broadcast_in_dim3A_72 = arith.constant 13 : i32
    %broadcast_in_dim3A_73 = vector.broadcast %broadcast_in_dim3A_72 : i32 to vector<16xi32>
    %broadcast_in_dim3A_74 = arith.constant 14 : i32
    %broadcast_in_dim3A_75 = vector.broadcast %broadcast_in_dim3A_74 : i32 to vector<16xi32>
    %broadcast_in_dim3A_76 = arith.constant 15 : i32
    %broadcast_in_dim3A_77 = vector.broadcast %broadcast_in_dim3A_76 : i32 to vector<16xi32>
    %rem3A_78 = arith.constant 98 : i32
    %rem3A_79 = arith.remsi %select_n3A, %rem3A_78 : i32
    %mul3A_80 = arith.constant 512 : i32
    %mul3A_81 = arith.muli %rem3A_79, %mul3A_80 : i32
    %dma_start3A = arith.constant 0 : i32
    %dma_start3A_82 = arith.constant 0 : i32
    %dma_start3A_83 = tpu.memref_slice %arg9[%dma_start3A, %dma_start3A_82] : memref<2x512xi32, #tpu.memory_space<vmem>> -> memref<1x512xi32, #tpu.memory_space<vmem>>
    %dma_start3A_84 = tpu.memref_squeeze %dma_start3A_83 : memref<1x512xi32, #tpu.memory_space<vmem>> -> memref<512xi32, #tpu.memory_space<vmem>>
    %dma_start3A_85 = tpu.memref_slice %arg4[%mul3A_81] : memref<50176xi32, #tpu.memory_space<hbm>> -> memref<512xi32, #tpu.memory_space<hbm>>
    %dma_start3A_86 = arith.constant 0 : i32
    %dma_start3A_87 = tpu.memref_slice %arg9[%dma_start3A, %dma_start3A_86] : memref<2x512xi32, #tpu.memory_space<vmem>> -> memref<1x512xi32, #tpu.memory_space<vmem>>
    %dma_start3A_88 = tpu.memref_squeeze %dma_start3A_87 : memref<1x512xi32, #tpu.memory_space<vmem>> -> memref<512xi32, #tpu.memory_space<vmem>>
    %dma_start3A_89 = tpu.memref_slice %arg4[%mul3A_81] : memref<50176xi32, #tpu.memory_space<hbm>> -> memref<512xi32, #tpu.memory_space<hbm>>
    tpu.enqueue_dma source(%dma_start3A_89 : memref<512xi32, #tpu.memory_space<hbm>>) target(%dma_start3A_88 : memref<512xi32, #tpu.memory_space<vmem>>) target_semaphore(%arg11 : memref<!tpu.dma_semaphore, #tpu.memory_space<semaphore_mem>>)
    %scan3A = arith.constant -1 : i32
    %scan3A_90 = arith.constant 0 : i32
    %scan3A_91 = arith.constant 59 : i32
    %scan3A_92 = arith.addi %scan3A_90, %scan3A_91 : i32
    %scan3A_93 = arith.constant 1 : i32
    %scan3A_94 = scf.for %scan3A_119 = %scan3A_90 to %scan3A_92 step %scan3A_93 iter_args(%scan3A_120 = %scan3A) -> (i32)  : i32 {
      %mul3A_121 = arith.constant 2 : i32
      %mul3A_122 = arith.muli %mul3A_121, %scan3A_119 : i32
      %add3A_123 = arith.addi %select_n3A, %mul3A_122 : i32
      %add3A_124 = arith.constant 0 : i32
      %add3A_125 = arith.addi %add3A_123, %add3A_124 : i32
      %sub3A_126 = arith.constant 2 : i32
      %sub3A_127 = arith.subi %add3A_125, %sub3A_126 : i32
      %ge3A = arith.constant 1 : i32
      %ge3A_128 = arith.cmpi sge, %scan3A_119, %ge3A : i32
      %lt3A_129 = arith.cmpi slt, %sub3A_127, %select_n3A_46 : i32
      %and3A_130 = arith.andi %ge3A_128, %lt3A_129 : i1
      %rem3A_131 = arith.constant 98 : i32
      %rem3A_132 = arith.remsi %sub3A_127, %rem3A_131 : i32
      %ne3A_133 = arith.constant 97 : i32
      %ne3A_134 = arith.cmpi ne, %rem3A_132, %ne3A_133 : i32
      %and3A_135 = arith.andi %and3A_130, %ne3A_134 : i1
      %convert_element_type3A_136 = arith.extui %and3A_135 : i1 to i32
      %cond3A_137 = arith.constant 0 : i32
      %cond3A_138 = arith.cmpi ne, %convert_element_type3A_136, %cond3A_137 : i32
      scf.if %cond3A_138 {
        %dma_wait3A = arith.constant 0 : i32
        %dma_wait3A_270 = arith.constant 0 : i32
        %dma_wait3A_271 = arith.constant 0 : i32
        %dma_wait3A_272 = arith.constant 0 : i32
        %dma_wait3A_273 = tpu.memref_slice %arg10[%dma_wait3A, %dma_wait3A_271, %dma_wait3A_272] : memref<2x32x512xf32, #tpu.memory_space<vmem>> -> memref<1x32x512xf32, #tpu.memory_space<vmem>>
        %dma_wait3A_274 = tpu.memref_squeeze %dma_wait3A_273 : memref<1x32x512xf32, #tpu.memory_space<vmem>> -> memref<32x512xf32, #tpu.memory_space<vmem>>
        %dma_wait3A_275 = arith.constant 0 : i32
        %dma_wait3A_276 = arith.constant 0 : i32
        %dma_wait3A_277 = tpu.memref_slice %arg5[%dma_wait3A_270, %dma_wait3A_275, %dma_wait3A_276] : memref<19x64x50000xf32, #tpu.memory_space<hbm>> -> memref<1x32x512xf32, #tpu.memory_space<hbm>>
        %dma_wait3A_278 = tpu.memref_squeeze %dma_wait3A_277 : memref<1x32x512xf32, #tpu.memory_space<hbm>> -> memref<32x512xf32, #tpu.memory_space<hbm>>
        %dma_wait3A_279 = arith.constant 0 : i32
        %dma_wait3A_280 = arith.constant 0 : i32
        %dma_wait3A_281 = tpu.memref_slice %arg5[%dma_wait3A_270, %dma_wait3A_279, %dma_wait3A_280] : memref<19x64x50000xf32, #tpu.memory_space<hbm>> -> memref<1x32x512xf32, #tpu.memory_space<hbm>>
        %dma_wait3A_282 = tpu.memref_squeeze %dma_wait3A_281 : memref<1x32x512xf32, #tpu.memory_space<hbm>> -> memref<32x512xf32, #tpu.memory_space<hbm>>
        %dma_wait3A_283 = arith.constant 0 : i32
        %dma_wait3A_284 = arith.constant 0 : i32
        %dma_wait3A_285 = tpu.memref_slice %arg10[%dma_wait3A, %dma_wait3A_283, %dma_wait3A_284] : memref<2x32x512xf32, #tpu.memory_space<vmem>> -> memref<1x32x512xf32, #tpu.memory_space<vmem>>
        %dma_wait3A_286 = tpu.memref_squeeze %dma_wait3A_285 : memref<1x32x512xf32, #tpu.memory_space<vmem>> -> memref<32x512xf32, #tpu.memory_space<vmem>>
        tpu.wait_dma2 semaphore(%arg13 : memref<!tpu.dma_semaphore, #tpu.memory_space<semaphore_mem>>) src(%dma_wait3A_286 : memref<32x512xf32, #tpu.memory_space<vmem>>) dst(%dma_wait3A_282 : memref<32x512xf32, #tpu.memory_space<hbm>>)
      } else {
      }
      %jit3A_139 = arith.constant 98 : i32
      %div3A_140 = arith.divsi %add3A_125, %jit3A_139 : i32
      %sign3A_141 = arith.constant 0 : i32
      %sign3A_142 = arith.cmpi sgt, %add3A_125, %sign3A_141 : i32
      %sign3A_143 = arith.extui %sign3A_142 : i1 to i32
      %sign3A_144 = arith.constant 0 : i32
      %sign3A_145 = arith.cmpi slt, %add3A_125, %sign3A_144 : i32
      %sign3A_146 = arith.extui %sign3A_145 : i1 to i32
      %sign3A_147 = arith.subi %sign3A_143, %sign3A_146 : i32
      %sign3A_148 = arith.constant 0 : i32
      %sign3A_149 = arith.cmpi sgt, %jit3A_139, %sign3A_148 : i32
      %sign3A_150 = arith.extui %sign3A_149 : i1 to i32
      %sign3A_151 = arith.constant 0 : i32
      %sign3A_152 = arith.cmpi slt, %jit3A_139, %sign3A_151 : i32
      %sign3A_153 = arith.extui %sign3A_152 : i1 to i32
      %sign3A_154 = arith.subi %sign3A_150, %sign3A_153 : i32
      %ne3A_155 = arith.cmpi ne, %sign3A_147, %sign3A_154 : i32
      %rem3A_156 = arith.remsi %add3A_125, %jit3A_139 : i32
      %ne3A_157 = arith.constant 0 : i32
      %ne3A_158 = arith.cmpi ne, %rem3A_156, %ne3A_157 : i32
      %and3A_159 = arith.andi %ne3A_155, %ne3A_158 : i1
      %sub3A_160 = arith.constant 1 : i32
      %sub3A_161 = arith.subi %div3A_140, %sub3A_160 : i32
      %select_n3A_162 = arith.select %and3A_159, %sub3A_161, %div3A_140 : i32
      %jit3A_163 = arith.constant 2 : i32
      %div3A_164 = arith.divsi %select_n3A_162, %jit3A_163 : i32
      %sign3A_165 = arith.constant 0 : i32
      %sign3A_166 = arith.cmpi sgt, %select_n3A_162, %sign3A_165 : i32
      %sign3A_167 = arith.extui %sign3A_166 : i1 to i32
      %sign3A_168 = arith.constant 0 : i32
      %sign3A_169 = arith.cmpi slt, %select_n3A_162, %sign3A_168 : i32
      %sign3A_170 = arith.extui %sign3A_169 : i1 to i32
      %sign3A_171 = arith.subi %sign3A_167, %sign3A_170 : i32
      %sign3A_172 = arith.constant 0 : i32
      %sign3A_173 = arith.cmpi sgt, %jit3A_163, %sign3A_172 : i32
      %sign3A_174 = arith.extui %sign3A_173 : i1 to i32
      %sign3A_175 = arith.constant 0 : i32
      %sign3A_176 = arith.cmpi slt, %jit3A_163, %sign3A_175 : i32
      %sign3A_177 = arith.extui %sign3A_176 : i1 to i32
      %sign3A_178 = arith.subi %sign3A_174, %sign3A_177 : i32
      %ne3A_179 = arith.cmpi ne, %sign3A_171, %sign3A_178 : i32
      %rem3A_180 = arith.remsi %select_n3A_162, %jit3A_163 : i32
      %ne3A_181 = arith.constant 0 : i32
      %ne3A_182 = arith.cmpi ne, %rem3A_180, %ne3A_181 : i32
      %and3A_183 = arith.andi %ne3A_179, %ne3A_182 : i1
      %sub3A_184 = arith.constant 1 : i32
      %sub3A_185 = arith.subi %div3A_164, %sub3A_184 : i32
      %select_n3A_186 = arith.select %and3A_183, %sub3A_185, %div3A_164 : i32
      %mul3A_187 = arith.constant 2 : i32
      %mul3A_188 = arith.muli %select_n3A_186, %mul3A_187 : i32
      %sub3A_189 = arith.subi %select_n3A_162, %mul3A_188 : i32
      %lt3A_190 = arith.cmpi slt, %add3A_125, %select_n3A_46 : i32
      %convert_element_type3A_191 = arith.extui %lt3A_190 : i1 to i32
      %cond3A_192 = arith.constant 0 : i32
      %cond3A_193 = arith.cmpi ne, %convert_element_type3A_191, %cond3A_192 : i32
      scf.if %cond3A_193 {
        %ne3A_270 = arith.cmpi ne, %select_n3A_162, %scan3A_120 : i32
        %convert_element_type3A_271 = arith.extui %ne3A_270 : i1 to i32
        %cond3A_272 = arith.constant 0 : i32
        %cond3A_273 = arith.cmpi ne, %convert_element_type3A_271, %cond3A_272 : i32
        scf.if %cond3A_273 {
          %mul3A_309 = arith.constant 96 : i32
          %mul3A_310 = arith.muli %select_n3A_186, %mul3A_309 : i32
          "tpu.region"() ({
            %run_scoped3A = tpu.sem_alloc : memref<!tpu.dma_semaphore, #tpu.memory_space<semaphore_mem>>
            %dma_start3A_321 = tpu.memref_slice %arg2[%mul3A_310] : memref<1824xi32, #tpu.memory_space<hbm>> -> memref<96xi32, #tpu.memory_space<hbm>>
            %dma_start3A_322 = tpu.memref_slice %arg2[%mul3A_310] : memref<1824xi32, #tpu.memory_space<hbm>> -> memref<96xi32, #tpu.memory_space<hbm>>
            tpu.enqueue_dma source(%dma_start3A_322 : memref<96xi32, #tpu.memory_space<hbm>>) target(%arg7 : memref<96xi32, #tpu.memory_space<vmem>>) target_semaphore(%run_scoped3A : memref<!tpu.dma_semaphore, #tpu.memory_space<semaphore_mem>>)
            %dma_wait3A_323 = tpu.memref_slice %arg2[%mul3A_310] : memref<1824xi32, #tpu.memory_space<hbm>> -> memref<96xi32, #tpu.memory_space<hbm>>
            %dma_wait3A_324 = tpu.memref_slice %arg2[%mul3A_310] : memref<1824xi32, #tpu.memory_space<hbm>> -> memref<96xi32, #tpu.memory_space<hbm>>
            tpu.wait_dma2 semaphore(%run_scoped3A : memref<!tpu.dma_semaphore, #tpu.memory_space<semaphore_mem>>) src(%dma_wait3A_324 : memref<96xi32, #tpu.memory_space<hbm>>) dst(%arg7 : memref<96xi32, #tpu.memory_space<vmem>>)
            tpu.yield
          }) : () -> ()
          %mul3A_311 = arith.constant 960 : i32
          %mul3A_312 = arith.muli %select_n3A_186, %mul3A_311 : i32
          "tpu.region"() ({
            %run_scoped3A = tpu.sem_alloc : memref<!tpu.dma_semaphore, #tpu.memory_space<semaphore_mem>>
            %dma_start3A_321 = tpu.memref_slice %arg3[%mul3A_312] : memref<18240xf32, #tpu.memory_space<hbm>> -> memref<960xf32, #tpu.memory_space<hbm>>
            %dma_start3A_322 = tpu.memref_slice %arg3[%mul3A_312] : memref<18240xf32, #tpu.memory_space<hbm>> -> memref<960xf32, #tpu.memory_space<hbm>>
            tpu.enqueue_dma source(%dma_start3A_322 : memref<960xf32, #tpu.memory_space<hbm>>) target(%arg6 : memref<960xf32, #tpu.memory_space<vmem>>) target_semaphore(%run_scoped3A : memref<!tpu.dma_semaphore, #tpu.memory_space<semaphore_mem>>)
            %dma_wait3A_323 = tpu.memref_slice %arg3[%mul3A_312] : memref<18240xf32, #tpu.memory_space<hbm>> -> memref<960xf32, #tpu.memory_space<hbm>>
            %dma_wait3A_324 = tpu.memref_slice %arg3[%mul3A_312] : memref<18240xf32, #tpu.memory_space<hbm>> -> memref<960xf32, #tpu.memory_space<hbm>>
            tpu.wait_dma2 semaphore(%run_scoped3A : memref<!tpu.dma_semaphore, #tpu.memory_space<semaphore_mem>>) src(%dma_wait3A_324 : memref<960xf32, #tpu.memory_space<hbm>>) dst(%arg6 : memref<960xf32, #tpu.memory_space<vmem>>)
            tpu.yield
          }) : () -> ()
          %mul3A_313 = arith.constant 32 : i32
          %mul3A_314 = arith.muli %sub3A_189, %mul3A_313 : i32
          %scan3A_315 = arith.constant 0 : i32
          %scan3A_316 = arith.constant 0 : i32
          %scan3A_317 = arith.constant 32 : i32
          %scan3A_318 = arith.addi %scan3A_316, %scan3A_317 : i32
          %scan3A_319 = arith.constant 1 : i32
          scf.for %scan3A_321 = %scan3A_316 to %scan3A_318 step %scan3A_319  : i32 {
            %add3A_322 = arith.addi %mul3A_314, %scan3A_321 : i32
            %get3A = arith.constant 0 : index
            %get3A_323 = tpu.vector_load %arg7[%get3A] {strides = array<i32>} : memref<96xi32, #tpu.memory_space<vmem>>, vector<16xi32>,
            %mul3A_324 = arith.constant 64 : i32
            %mul3A_325 = vector.broadcast %mul3A_324 : i32 to vector<16xi32>
            %mul3A_326 = arith.muli %get3A_323, %mul3A_325 : vector<16xi32>
            %add3A_327 = vector.broadcast %add3A_322 : i32 to vector<16xi32>
            %add3A_328 = arith.addi %mul3A_326, %add3A_327 : vector<16xi32>
            %gather3A = tpu.vector_load_idx %arg6[%add3A_328] : memref<960xf32, #tpu.memory_space<vmem>>[vector<16xi32>], vector<16xf32>,
            %mul3A_329 = arith.constant 96 : i32
            %mul3A_330 = arith.muli %scan3A_321, %mul3A_329 : i32
            %mul3A_331 = arith.constant 16 : i32
            %mul3A_332 = arith.muli %mul3A_330, %mul3A_331 : i32
            %add3A_333 = arith.constant 0 : i32
            %add3A_334 = arith.addi %mul3A_332, %add3A_333 : i32
            %lt3A_335 = arith.constant 0 : i32
            %lt3A_336 = vector.broadcast %lt3A_335 : i32 to vector<16xi32>
            %lt3A_337 = arith.cmpi slt, %broadcast_in_dim3A_47, %lt3A_336 : vector<16xi32>
            %add3A_338 = arith.constant 16 : i32
            %add3A_339 = vector.broadcast %add3A_338 : i32 to vector<16xi32>
            %add3A_340 = arith.addi %broadcast_in_dim3A_47, %add3A_339 : vector<16xi32>
            %select_n3A_341 = arith.select %lt3A_337, %add3A_340, %broadcast_in_dim3A_47 : vector<16xi1>, vector<16xi32>
            %broadcast_in_dim3A_342 = vector.shape_cast %select_n3A_341 : vector<16xi32> to vector<16x1xi32>
            %gather3A_343 = vector.shape_cast %broadcast_in_dim3A_342 : vector<16x1xi32> to vector<16xi32>
            %gather3A_344 = tpu.dynamic_gather %gather3A[%gather3A_343] in [0] : vector<16xf32>, vector<16xi32> -> vector<16xf32>
            %add3A_345 = arith.constant 0 : i32
            %add3A_346 = arith.addi %add3A_334, %add3A_345 : i32
            %swap3A = arith.index_cast %add3A_346 : i32 to index
            %swap3A_347 = tpu.vector_load %arg8[%swap3A] {strides = array<i32>} : memref<49152xf32, #tpu.memory_space<vmem>>, vector<16xf32>,
            tpu.vector_store %arg8[%swap3A], %gather3A_344 {strides = array<i32>} : memref<49152xf32, #tpu.memory_space<vmem>>, vector<16xf32>,
            %lt3A_348 = arith.constant 0 : i32
            %lt3A_349 = vector.broadcast %lt3A_348 : i32 to vector<16xi32>
            %lt3A_350 = arith.cmpi slt, %broadcast_in_dim3A_49, %lt3A_349 : vector<16xi32>
            %add3A_351 = arith.constant 16 : i32
            %add3A_352 = vector.broadcast %add3A_351 : i32 to vector<16xi32>
            %add3A_353 = arith.addi %broadcast_in_dim3A_49, %add3A_352 : vector<16xi32>
            %select_n3A_354 = arith.select %lt3A_350, %add3A_353, %broadcast_in_dim3A_49 : vector<16xi1>, vector<16xi32>
            %broadcast_in_dim3A_355 = vector.shape_cast %select_n3A_354 : vector<16xi32> to vector<16x1xi32>
            %gather3A_356 = vector.shape_cast %broadcast_in_dim3A_355 : vector<16x1xi32> to vector<16xi32>
            %gather3A_357 = tpu.dynamic_gather %gather3A[%gather3A_356] in [0] : vector<16xf32>, vector<16xi32> -> vector<16xf32>
            %add3A_358 = arith.constant 16 : i32
            %add3A_359 = arith.addi %add3A_334, %add3A_358 : i32
            %swap3A_360 = arith.index_cast %add3A_359 : i32 to index
            %swap3A_361 = tpu.vector_load %arg8[%swap3A_360] {strides = array<i32>} : memref<49152xf32, #tpu.memory_space<vmem>>, vector<16xf32>,
            tpu.vector_store %arg8[%swap3A_360], %gather3A_357 {strides = array<i32>} : memref<49152xf32, #tpu.memory_space<vmem>>, vector<16xf32>,
            %lt3A_362 = arith.constant 0 : i32
            %lt3A_363 = vector.broadcast %lt3A_362 : i32 to vector<16xi32>
            %lt3A_364 = arith.cmpi slt, %broadcast_in_dim3A_51, %lt3A_363 : vector<16xi32>
            %add3A_365 = arith.constant 16 : i32
            %add3A_366 = vector.broadcast %add3A_365 : i32 to vector<16xi32>
            %add3A_367 = arith.addi %broadcast_in_dim3A_51, %add3A_366 : vector<16xi32>
            %select_n3A_368 = arith.select %lt3A_364, %add3A_367, %broadcast_in_dim3A_51 : vector<16xi1>, vector<16xi32>
            %broadcast_in_dim3A_369 = vector.shape_cast %select_n3A_368 : vector<16xi32> to vector<16x1xi32>
            %gather3A_370 = vector.shape_cast %broadcast_in_dim3A_369 : vector<16x1xi32> to vector<16xi32>
            %gather3A_371 = tpu.dynamic_gather %gather3A[%gather3A_370] in [0] : vector<16xf32>, vector<16xi32> -> vector<16xf32>
            %add3A_372 = arith.constant 32 : i32
            %add3A_373 = arith.addi %add3A_334, %add3A_372 : i32
            %swap3A_374 = arith.index_cast %add3A_373 : i32 to index
            %swap3A_375 = tpu.vector_load %arg8[%swap3A_374] {strides = array<i32>} : memref<49152xf32, #tpu.memory_space<vmem>>, vector<16xf32>,
            tpu.vector_store %arg8[%swap3A_374], %gather3A_371 {strides = array<i32>} : memref<49152xf32, #tpu.memory_space<vmem>>, vector<16xf32>,
            %lt3A_376 = arith.constant 0 : i32
            %lt3A_377 = vector.broadcast %lt3A_376 : i32 to vector<16xi32>
            %lt3A_378 = arith.cmpi slt, %broadcast_in_dim3A_53, %lt3A_377 : vector<16xi32>
            %add3A_379 = arith.constant 16 : i32
            %add3A_380 = vector.broadcast %add3A_379 : i32 to vector<16xi32>
            %add3A_381 = arith.addi %broadcast_in_dim3A_53, %add3A_380 : vector<16xi32>
            %select_n3A_382 = arith.select %lt3A_378, %add3A_381, %broadcast_in_dim3A_53 : vector<16xi1>, vector<16xi32>
            %broadcast_in_dim3A_383 = vector.shape_cast %select_n3A_382 : vector<16xi32> to vector<16x1xi32>
            %gather3A_384 = vector.shape_cast %broadcast_in_dim3A_383 : vector<16x1xi32> to vector<16xi32>
            %gather3A_385 = tpu.dynamic_gather %gather3A[%gather3A_384] in [0] : vector<16xf32>, vector<16xi32> -> vector<16xf32>
            %add3A_386 = arith.constant 48 : i32
            %add3A_387 = arith.addi %add3A_334, %add3A_386 : i32
            %swap3A_388 = arith.index_cast %add3A_387 : i32 to index
            %swap3A_389 = tpu.vector_load %arg8[%swap3A_388] {strides = array<i32>} : memref<49152xf32, #tpu.memory_space<vmem>>, vector<16xf32>,
            tpu.vector_store %arg8[%swap3A_388], %gather3A_385 {strides = array<i32>} : memref<49152xf32, #tpu.memory_space<vmem>>, vector<16xf32>,
            %lt3A_390 = arith.constant 0 : i32
            %lt3A_391 = vector.broadcast %lt3A_390 : i32 to vector<16xi32>
            %lt3A_392 = arith.cmpi slt, %broadcast_in_dim3A_55, %lt3A_391 : vector<16xi32>
            %add3A_393 = arith.constant 16 : i32
            %add3A_394 = vector.broadcast %add3A_393 : i32 to vector<16xi32>
            %add3A_395 = arith.addi %broadcast_in_dim3A_55, %add3A_394 : vector<16xi32>
            %select_n3A_396 = arith.select %lt3A_392, %add3A_395, %broadcast_in_dim3A_55 : vector<16xi1>, vector<16xi32>
            %broadcast_in_dim3A_397 = vector.shape_cast %select_n3A_396 : vector<16xi32> to vector<16x1xi32>
            %gather3A_398 = vector.shape_cast %broadcast_in_dim3A_397 : vector<16x1xi32> to vector<16xi32>
            %gather3A_399 = tpu.dynamic_gather %gather3A[%gather3A_398] in [0] : vector<16xf32>, vector<16xi32> -> vector<16xf32>
            %add3A_400 = arith.constant 64 : i32
            %add3A_401 = arith.addi %add3A_334, %add3A_400 : i32
            %swap3A_402 = arith.index_cast %add3A_401 : i32 to index
            %swap3A_403 = tpu.vector_load %arg8[%swap3A_402] {strides = array<i32>} : memref<49152xf32, #tpu.memory_space<vmem>>, vector<16xf32>,
            tpu.vector_store %arg8[%swap3A_402], %gather3A_399 {strides = array<i32>} : memref<49152xf32, #tpu.memory_space<vmem>>, vector<16xf32>,
            %lt3A_404 = arith.constant 0 : i32
            %lt3A_405 = vector.broadcast %lt3A_404 : i32 to vector<16xi32>
            %lt3A_406 = arith.cmpi slt, %broadcast_in_dim3A_57, %lt3A_405 : vector<16xi32>
            %add3A_407 = arith.constant 16 : i32
            %add3A_408 = vector.broadcast %add3A_407 : i32 to vector<16xi32>
            %add3A_409 = arith.addi %broadcast_in_dim3A_57, %add3A_408 : vector<16xi32>
            %select_n3A_410 = arith.select %lt3A_406, %add3A_409, %broadcast_in_dim3A_57 : vector<16xi1>, vector<16xi32>
            %broadcast_in_dim3A_411 = vector.shape_cast %select_n3A_410 : vector<16xi32> to vector<16x1xi32>
            %gather3A_412 = vector.shape_cast %broadcast_in_dim3A_411 : vector<16x1xi32> to vector<16xi32>
            %gather3A_413 = tpu.dynamic_gather %gather3A[%gather3A_412] in [0] : vector<16xf32>, vector<16xi32> -> vector<16xf32>
            %add3A_414 = arith.constant 80 : i32
            %add3A_415 = arith.addi %add3A_334, %add3A_414 : i32
            %swap3A_416 = arith.index_cast %add3A_415 : i32 to index
            %swap3A_417 = tpu.vector_load %arg8[%swap3A_416] {strides = array<i32>} : memref<49152xf32, #tpu.memory_space<vmem>>, vector<16xf32>,
            tpu.vector_store %arg8[%swap3A_416], %gather3A_413 {strides = array<i32>} : memref<49152xf32, #tpu.memory_space<vmem>>, vector<16xf32>,
            %lt3A_418 = arith.constant 0 : i32
            %lt3A_419 = vector.broadcast %lt3A_418 : i32 to vector<16xi32>
            %lt3A_420 = arith.cmpi slt, %broadcast_in_dim3A_59, %lt3A_419 : vector<16xi32>
            %add3A_421 = arith.constant 16 : i32
            %add3A_422 = vector.broadcast %add3A_421 : i32 to vector<16xi32>
            %add3A_423 = arith.addi %broadcast_in_dim3A_59, %add3A_422 : vector<16xi32>
            %select_n3A_424 = arith.select %lt3A_420, %add3A_423, %broadcast_in_dim3A_59 : vector<16xi1>, vector<16xi32>
            %broadcast_in_dim3A_425 = vector.shape_cast %select_n3A_424 : vector<16xi32> to vector<16x1xi32>
            %gather3A_426 = vector.shape_cast %broadcast_in_dim3A_425 : vector<16x1xi32> to vector<16xi32>
            %gather3A_427 = tpu.dynamic_gather %gather3A[%gather3A_426] in [0] : vector<16xf32>, vector<16xi32> -> vector<16xf32>
            %add3A_428 = arith.constant 96 : i32
            %add3A_429 = arith.addi %add3A_334, %add3A_428 : i32
            %swap3A_430 = arith.index_cast %add3A_429 : i32 to index
            %swap3A_431 = tpu.vector_load %arg8[%swap3A_430] {strides = array<i32>} : memref<49152xf32, #tpu.memory_space<vmem>>, vector<16xf32>,
            tpu.vector_store %arg8[%swap3A_430], %gather3A_427 {strides = array<i32>} : memref<49152xf32, #tpu.memory_space<vmem>>, vector<16xf32>,
            %lt3A_432 = arith.constant 0 : i32
            %lt3A_433 = vector.broadcast %lt3A_432 : i32 to vector<16xi32>
            %lt3A_434 = arith.cmpi slt, %broadcast_in_dim3A_61, %lt3A_433 : vector<16xi32>
            %add3A_435 = arith.constant 16 : i32
            %add3A_436 = vector.broadcast %add3A_435 : i32 to vector<16xi32>
            %add3A_437 = arith.addi %broadcast_in_dim3A_61, %add3A_436 : vector<16xi32>
            %select_n3A_438 = arith.select %lt3A_434, %add3A_437, %broadcast_in_dim3A_61 : vector<16xi1>, vector<16xi32>
            %broadcast_in_dim3A_439 = vector.shape_cast %select_n3A_438 : vector<16xi32> to vector<16x1xi32>
            %gather3A_440 = vector.shape_cast %broadcast_in_dim3A_439 : vector<16x1xi32> to vector<16xi32>
            %gather3A_441 = tpu.dynamic_gather %gather3A[%gather3A_440] in [0] : vector<16xf32>, vector<16xi32> -> vector<16xf32>
            %add3A_442 = arith.constant 112 : i32
            %add3A_443 = arith.addi %add3A_334, %add3A_442 : i32
            %swap3A_444 = arith.index_cast %add3A_443 : i32 to index
            %swap3A_445 = tpu.vector_load %arg8[%swap3A_444] {strides = array<i32>} : memref<49152xf32, #tpu.memory_space<vmem>>, vector<16xf32>,
            tpu.vector_store %arg8[%swap3A_444], %gather3A_441 {strides = array<i32>} : memref<49152xf32, #tpu.memory_space<vmem>>, vector<16xf32>,
            %lt3A_446 = arith.constant 0 : i32
            %lt3A_447 = vector.broadcast %lt3A_446 : i32 to vector<16xi32>
            %lt3A_448 = arith.cmpi slt, %broadcast_in_dim3A_63, %lt3A_447 : vector<16xi32>
            %add3A_449 = arith.constant 16 : i32
            %add3A_450 = vector.broadcast %add3A_449 : i32 to vector<16xi32>
            %add3A_451 = arith.addi %broadcast_in_dim3A_63, %add3A_450 : vector<16xi32>
            %select_n3A_452 = arith.select %lt3A_448, %add3A_451, %broadcast_in_dim3A_63 : vector<16xi1>, vector<16xi32>
            %broadcast_in_dim3A_453 = vector.shape_cast %select_n3A_452 : vector<16xi32> to vector<16x1xi32>
            %gather3A_454 = vector.shape_cast %broadcast_in_dim3A_453 : vector<16x1xi32> to vector<16xi32>
            %gather3A_455 = tpu.dynamic_gather %gather3A[%gather3A_454] in [0] : vector<16xf32>, vector<16xi32> -> vector<16xf32>
            %add3A_456 = arith.constant 128 : i32
            %add3A_457 = arith.addi %add3A_334, %add3A_456 : i32
            %swap3A_458 = arith.index_cast %add3A_457 : i32 to index
            %swap3A_459 = tpu.vector_load %arg8[%swap3A_458] {strides = array<i32>} : memref<49152xf32, #tpu.memory_space<vmem>>, vector<16xf32>,
            tpu.vector_store %arg8[%swap3A_458], %gather3A_455 {strides = array<i32>} : memref<49152xf32, #tpu.memory_space<vmem>>, vector<16xf32>,
            %lt3A_460 = arith.constant 0 : i32
            %lt3A_461 = vector.broadcast %lt3A_460 : i32 to vector<16xi32>
            %lt3A_462 = arith.cmpi slt, %broadcast_in_dim3A_65, %lt3A_461 : vector<16xi32>
            %add3A_463 = arith.constant 16 : i32
            %add3A_464 = vector.broadcast %add3A_463 : i32 to vector<16xi32>
            %add3A_465 = arith.addi %broadcast_in_dim3A_65, %add3A_464 : vector<16xi32>
            %select_n3A_466 = arith.select %lt3A_462, %add3A_465, %broadcast_in_dim3A_65 : vector<16xi1>, vector<16xi32>
            %broadcast_in_dim3A_467 = vector.shape_cast %select_n3A_466 : vector<16xi32> to vector<16x1xi32>
            %gather3A_468 = vector.shape_cast %broadcast_in_dim3A_467 : vector<16x1xi32> to vector<16xi32>
            %gather3A_469 = tpu.dynamic_gather %gather3A[%gather3A_468] in [0] : vector<16xf32>, vector<16xi32> -> vector<16xf32>
            %add3A_470 = arith.constant 144 : i32
            %add3A_471 = arith.addi %add3A_334, %add3A_470 : i32
            %swap3A_472 = arith.index_cast %add3A_471 : i32 to index
            %swap3A_473 = tpu.vector_load %arg8[%swap3A_472] {strides = array<i32>} : memref<49152xf32, #tpu.memory_space<vmem>>, vector<16xf32>,
            tpu.vector_store %arg8[%swap3A_472], %gather3A_469 {strides = array<i32>} : memref<49152xf32, #tpu.memory_space<vmem>>, vector<16xf32>,
            %lt3A_474 = arith.constant 0 : i32
            %lt3A_475 = vector.broadcast %lt3A_474 : i32 to vector<16xi32>
            %lt3A_476 = arith.cmpi slt, %broadcast_in_dim3A_67, %lt3A_475 : vector<16xi32>
            %add3A_477 = arith.constant 16 : i32
            %add3A_478 = vector.broadcast %add3A_477 : i32 to vector<16xi32>
            %add3A_479 = arith.addi %broadcast_in_dim3A_67, %add3A_478 : vector<16xi32>
            %select_n3A_480 = arith.select %lt3A_476, %add3A_479, %broadcast_in_dim3A_67 : vector<16xi1>, vector<16xi32>
            %broadcast_in_dim3A_481 = vector.shape_cast %select_n3A_480 : vector<16xi32> to vector<16x1xi32>
            %gather3A_482 = vector.shape_cast %broadcast_in_dim3A_481 : vector<16x1xi32> to vector<16xi32>
            %gather3A_483 = tpu.dynamic_gather %gather3A[%gather3A_482] in [0] : vector<16xf32>, vector<16xi32> -> vector<16xf32>
            %add3A_484 = arith.constant 160 : i32
            %add3A_485 = arith.addi %add3A_334, %add3A_484 : i32
            %swap3A_486 = arith.index_cast %add3A_485 : i32 to index
            %swap3A_487 = tpu.vector_load %arg8[%swap3A_486] {strides = array<i32>} : memref<49152xf32, #tpu.memory_space<vmem>>, vector<16xf32>,
            tpu.vector_store %arg8[%swap3A_486], %gather3A_483 {strides = array<i32>} : memref<49152xf32, #tpu.memory_space<vmem>>, vector<16xf32>,
            %lt3A_488 = arith.constant 0 : i32
            %lt3A_489 = vector.broadcast %lt3A_488 : i32 to vector<16xi32>
            %lt3A_490 = arith.cmpi slt, %broadcast_in_dim3A_69, %lt3A_489 : vector<16xi32>
            %add3A_491 = arith.constant 16 : i32
            %add3A_492 = vector.broadcast %add3A_491 : i32 to vector<16xi32>
            %add3A_493 = arith.addi %broadcast_in_dim3A_69, %add3A_492 : vector<16xi32>
            %select_n3A_494 = arith.select %lt3A_490, %add3A_493, %broadcast_in_dim3A_69 : vector<16xi1>, vector<16xi32>
            %broadcast_in_dim3A_495 = vector.shape_cast %select_n3A_494 : vector<16xi32> to vector<16x1xi32>
            %gather3A_496 = vector.shape_cast %broadcast_in_dim3A_495 : vector<16x1xi32> to vector<16xi32>
            %gather3A_497 = tpu.dynamic_gather %gather3A[%gather3A_496] in [0] : vector<16xf32>, vector<16xi32> -> vector<16xf32>
            %add3A_498 = arith.constant 176 : i32
            %add3A_499 = arith.addi %add3A_334, %add3A_498 : i32
            %swap3A_500 = arith.index_cast %add3A_499 : i32 to index
            %swap3A_501 = tpu.vector_load %arg8[%swap3A_500] {strides = array<i32>} : memref<49152xf32, #tpu.memory_space<vmem>>, vector<16xf32>,
            tpu.vector_store %arg8[%swap3A_500], %gather3A_497 {strides = array<i32>} : memref<49152xf32, #tpu.memory_space<vmem>>, vector<16xf32>,
            %lt3A_502 = arith.constant 0 : i32
            %lt3A_503 = vector.broadcast %lt3A_502 : i32 to vector<16xi32>
            %lt3A_504 = arith.cmpi slt, %broadcast_in_dim3A_71, %lt3A_503 : vector<16xi32>
            %add3A_505 = arith.constant 16 : i32
            %add3A_506 = vector.broadcast %add3A_505 : i32 to vector<16xi32>
            %add3A_507 = arith.addi %broadcast_in_dim3A_71, %add3A_506 : vector<16xi32>
            %select_n3A_508 = arith.select %lt3A_504, %add3A_507, %broadcast_in_dim3A_71 : vector<16xi1>, vector<16xi32>
            %broadcast_in_dim3A_509 = vector.shape_cast %select_n3A_508 : vector<16xi32> to vector<16x1xi32>
            %gather3A_510 = vector.shape_cast %broadcast_in_dim3A_509 : vector<16x1xi32> to vector<16xi32>
            %gather3A_511 = tpu.dynamic_gather %gather3A[%gather3A_510] in [0] : vector<16xf32>, vector<16xi32> -> vector<16xf32>
            %add3A_512 = arith.constant 192 : i32
            %add3A_513 = arith.addi %add3A_334, %add3A_512 : i32
            %swap3A_514 = arith.index_cast %add3A_513 : i32 to index
            %swap3A_515 = tpu.vector_load %arg8[%swap3A_514] {strides = array<i32>} : memref<49152xf32, #tpu.memory_space<vmem>>, vector<16xf32>,
            tpu.vector_store %arg8[%swap3A_514], %gather3A_511 {strides = array<i32>} : memref<49152xf32, #tpu.memory_space<vmem>>, vector<16xf32>,
            %lt3A_516 = arith.constant 0 : i32
            %lt3A_517 = vector.broadcast %lt3A_516 : i32 to vector<16xi32>
            %lt3A_518 = arith.cmpi slt, %broadcast_in_dim3A_73, %lt3A_517 : vector<16xi32>
            %add3A_519 = arith.constant 16 : i32
            %add3A_520 = vector.broadcast %add3A_519 : i32 to vector<16xi32>
            %add3A_521 = arith.addi %broadcast_in_dim3A_73, %add3A_520 : vector<16xi32>
            %select_n3A_522 = arith.select %lt3A_518, %add3A_521, %broadcast_in_dim3A_73 : vector<16xi1>, vector<16xi32>
            %broadcast_in_dim3A_523 = vector.shape_cast %select_n3A_522 : vector<16xi32> to vector<16x1xi32>
            %gather3A_524 = vector.shape_cast %broadcast_in_dim3A_523 : vector<16x1xi32> to vector<16xi32>
            %gather3A_525 = tpu.dynamic_gather %gather3A[%gather3A_524] in [0] : vector<16xf32>, vector<16xi32> -> vector<16xf32>
            %add3A_526 = arith.constant 208 : i32
            %add3A_527 = arith.addi %add3A_334, %add3A_526 : i32
            %swap3A_528 = arith.index_cast %add3A_527 : i32 to index
            %swap3A_529 = tpu.vector_load %arg8[%swap3A_528] {strides = array<i32>} : memref<49152xf32, #tpu.memory_space<vmem>>, vector<16xf32>,
            tpu.vector_store %arg8[%swap3A_528], %gather3A_525 {strides = array<i32>} : memref<49152xf32, #tpu.memory_space<vmem>>, vector<16xf32>,
            %lt3A_530 = arith.constant 0 : i32
            %lt3A_531 = vector.broadcast %lt3A_530 : i32 to vector<16xi32>
            %lt3A_532 = arith.cmpi slt, %broadcast_in_dim3A_75, %lt3A_531 : vector<16xi32>
            %add3A_533 = arith.constant 16 : i32
            %add3A_534 = vector.broadcast %add3A_533 : i32 to vector<16xi32>
            %add3A_535 = arith.addi %broadcast_in_dim3A_75, %add3A_534 : vector<16xi32>
            %select_n3A_536 = arith.select %lt3A_532, %add3A_535, %broadcast_in_dim3A_75 : vector<16xi1>, vector<16xi32>
            %broadcast_in_dim3A_537 = vector.shape_cast %select_n3A_536 : vector<16xi32> to vector<16x1xi32>
            %gather3A_538 = vector.shape_cast %broadcast_in_dim3A_537 : vector<16x1xi32> to vector<16xi32>
            %gather3A_539 = tpu.dynamic_gather %gather3A[%gather3A_538] in [0] : vector<16xf32>, vector<16xi32> -> vector<16xf32>
            %add3A_540 = arith.constant 224 : i32
            %add3A_541 = arith.addi %add3A_334, %add3A_540 : i32
            %swap3A_542 = arith.index_cast %add3A_541 : i32 to index
            %swap3A_543 = tpu.vector_load %arg8[%swap3A_542] {strides = array<i32>} : memref<49152xf32, #tpu.memory_space<vmem>>, vector<16xf32>,
            tpu.vector_store %arg8[%swap3A_542], %gather3A_539 {strides = array<i32>} : memref<49152xf32, #tpu.memory_space<vmem>>, vector<16xf32>,
            %lt3A_544 = arith.constant 0 : i32
            %lt3A_545 = vector.broadcast %lt3A_544 : i32 to vector<16xi32>
            %lt3A_546 = arith.cmpi slt, %broadcast_in_dim3A_77, %lt3A_545 : vector<16xi32>
            %add3A_547 = arith.constant 16 : i32
            %add3A_548 = vector.broadcast %add3A_547 : i32 to vector<16xi32>
            %add3A_549 = arith.addi %broadcast_in_dim3A_77, %add3A_548 : vector<16xi32>
            %select_n3A_550 = arith.select %lt3A_546, %add3A_549, %broadcast_in_dim3A_77 : vector<16xi1>, vector<16xi32>
            %broadcast_in_dim3A_551 = vector.shape_cast %select_n3A_550 : vector<16xi32> to vector<16x1xi32>
            %gather3A_552 = vector.shape_cast %broadcast_in_dim3A_551 : vector<16x1xi32> to vector<16xi32>
            %gather3A_553 = tpu.dynamic_gather %gather3A[%gather3A_552] in [0] : vector<16xf32>, vector<16xi32> -> vector<16xf32>
            %add3A_554 = arith.constant 240 : i32
            %add3A_555 = arith.addi %add3A_334, %add3A_554 : i32
            %swap3A_556 = arith.index_cast %add3A_555 : i32 to index
            %swap3A_557 = tpu.vector_load %arg8[%swap3A_556] {strides = array<i32>} : memref<49152xf32, #tpu.memory_space<vmem>>, vector<16xf32>,
            tpu.vector_store %arg8[%swap3A_556], %gather3A_553 {strides = array<i32>} : memref<49152xf32, #tpu.memory_space<vmem>>, vector<16xf32>,
            %get3A_558 = arith.constant 16 : index
            %get3A_559 = tpu.vector_load %arg7[%get3A_558] {strides = array<i32>} : memref<96xi32, #tpu.memory_space<vmem>>, vector<16xi32>,
            %mul3A_560 = arith.constant 64 : i32
            %mul3A_561 = vector.broadcast %mul3A_560 : i32 to vector<16xi32>
            %mul3A_562 = arith.muli %get3A_559, %mul3A_561 : vector<16xi32>
            %add3A_563 = vector.broadcast %add3A_322 : i32 to vector<16xi32>
            %add3A_564 = arith.addi %mul3A_562, %add3A_563 : vector<16xi32>
            %gather3A_565 = tpu.vector_load_idx %arg6[%add3A_564] : memref<960xf32, #tpu.memory_space<vmem>>[vector<16xi32>], vector<16xf32>,
            %mul3A_566 = arith.constant 96 : i32
            %mul3A_567 = arith.muli %scan3A_321, %mul3A_566 : i32
            %mul3A_568 = arith.constant 16 : i32
            %mul3A_569 = arith.muli %mul3A_567, %mul3A_568 : i32
            %add3A_570 = arith.constant 256 : i32
            %add3A_571 = arith.addi %mul3A_569, %add3A_570 : i32
            %lt3A_572 = arith.constant 0 : i32
            %lt3A_573 = vector.broadcast %lt3A_572 : i32 to vector<16xi32>
            %lt3A_574 = arith.cmpi slt, %broadcast_in_dim3A_47, %lt3A_573 : vector<16xi32>
            %add3A_575 = arith.constant 16 : i32
            %add3A_576 = vector.broadcast %add3A_575 : i32 to vector<16xi32>
            %add3A_577 = arith.addi %broadcast_in_dim3A_47, %add3A_576 : vector<16xi32>
            %select_n3A_578 = arith.select %lt3A_574, %add3A_577, %broadcast_in_dim3A_47 : vector<16xi1>, vector<16xi32>
            %broadcast_in_dim3A_579 = vector.shape_cast %select_n3A_578 : vector<16xi32> to vector<16x1xi32>
            %gather3A_580 = vector.shape_cast %broadcast_in_dim3A_579 : vector<16x1xi32> to vector<16xi32>
            %gather3A_581 = tpu.dynamic_gather %gather3A_565[%gather3A_580] in [0] : vector<16xf32>, vector<16xi32> -> vector<16xf32>
            %add3A_582 = arith.constant 0 : i32
            %add3A_583 = arith.addi %add3A_571, %add3A_582 : i32
            %swap3A_584 = arith.index_cast %add3A_583 : i32 to index
            %swap3A_585 = tpu.vector_load %arg8[%swap3A_584] {strides = array<i32>} : memref<49152xf32, #tpu.memory_space<vmem>>, vector<16xf32>,
            tpu.vector_store %arg8[%swap3A_584], %gather3A_581 {strides = array<i32>} : memref<49152xf32, #tpu.memory_space<vmem>>, vector<16xf32>,
            %lt3A_586 = arith.constant 0 : i32
            %lt3A_587 = vector.broadcast %lt3A_586 : i32 to vector<16xi32>
            %lt3A_588 = arith.cmpi slt, %broadcast_in_dim3A_49, %lt3A_587 : vector<16xi32>
            %add3A_589 = arith.constant 16 : i32
            %add3A_590 = vector.broadcast %add3A_589 : i32 to vector<16xi32>
            %add3A_591 = arith.addi %broadcast_in_dim3A_49, %add3A_590 : vector<16xi32>
            %select_n3A_592 = arith.select %lt3A_588, %add3A_591, %broadcast_in_dim3A_49 : vector<16xi1>, vector<16xi32>
            %broadcast_in_dim3A_593 = vector.shape_cast %select_n3A_592 : vector<16xi32> to vector<16x1xi32>
            %gather3A_594 = vector.shape_cast %broadcast_in_dim3A_593 : vector<16x1xi32> to vector<16xi32>
            %gather3A_595 = tpu.dynamic_gather %gather3A_565[%gather3A_594] in [0] : vector<16xf32>, vector<16xi32> -> vector<16xf32>
            %add3A_596 = arith.constant 16 : i32
            %add3A_597 = arith.addi %add3A_571, %add3A_596 : i32
            %swap3A_598 = arith.index_cast %add3A_597 : i32 to index
            %swap3A_599 = tpu.vector_load %arg8[%swap3A_598] {strides = array<i32>} : memref<49152xf32, #tpu.memory_space<vmem>>, vector<16xf32>,
            tpu.vector_store %arg8[%swap3A_598], %gather3A_595 {strides = array<i32>} : memref<49152xf32, #tpu.memory_space<vmem>>, vector<16xf32>,
            %lt3A_600 = arith.constant 0 : i32
            %lt3A_601 = vector.broadcast %lt3A_600 : i32 to vector<16xi32>
            %lt3A_602 = arith.cmpi slt, %broadcast_in_dim3A_51, %lt3A_601 : vector<16xi32>
            %add3A_603 = arith.constant 16 : i32
            %add3A_604 = vector.broadcast %add3A_603 : i32 to vector<16xi32>
            %add3A_605 = arith.addi %broadcast_in_dim3A_51, %add3A_604 : vector<16xi32>
            %select_n3A_606 = arith.select %lt3A_602, %add3A_605, %broadcast_in_dim3A_51 : vector<16xi1>, vector<16xi32>
            %broadcast_in_dim3A_607 = vector.shape_cast %select_n3A_606 : vector<16xi32> to vector<16x1xi32>
            %gather3A_608 = vector.shape_cast %broadcast_in_dim3A_607 : vector<16x1xi32> to vector<16xi32>
            %gather3A_609 = tpu.dynamic_gather %gather3A_565[%gather3A_608] in [0] : vector<16xf32>, vector<16xi32> -> vector<16xf32>
            %add3A_610 = arith.constant 32 : i32
            %add3A_611 = arith.addi %add3A_571, %add3A_610 : i32
            %swap3A_612 = arith.index_cast %add3A_611 : i32 to index
            %swap3A_613 = tpu.vector_load %arg8[%swap3A_612] {strides = array<i32>} : memref<49152xf32, #tpu.memory_space<vmem>>, vector<16xf32>,
            tpu.vector_store %arg8[%swap3A_612], %gather3A_609 {strides = array<i32>} : memref<49152xf32, #tpu.memory_space<vmem>>, vector<16xf32>,
            %lt3A_614 = arith.constant 0 : i32
            %lt3A_615 = vector.broadcast %lt3A_614 : i32 to vector<16xi32>
            %lt3A_616 = arith.cmpi slt, %broadcast_in_dim3A_53, %lt3A_615 : vector<16xi32>
            %add3A_617 = arith.constant 16 : i32
            %add3A_618 = vector.broadcast %add3A_617 : i32 to vector<16xi32>
            %add3A_619 = arith.addi %broadcast_in_dim3A_53, %add3A_618 : vector<16xi32>
            %select_n3A_620 = arith.select %lt3A_616, %add3A_619, %broadcast_in_dim3A_53 : vector<16xi1>, vector<16xi32>
            %broadcast_in_dim3A_621 = vector.shape_cast %select_n3A_620 : vector<16xi32> to vector<16x1xi32>
            %gather3A_622 = vector.shape_cast %broadcast_in_dim3A_621 : vector<16x1xi32> to vector<16xi32>
            %gather3A_623 = tpu.dynamic_gather %gather3A_565[%gather3A_622] in [0] : vector<16xf32>, vector<16xi32> -> vector<16xf32>
            %add3A_624 = arith.constant 48 : i32
            %add3A_625 = arith.addi %add3A_571, %add3A_624 : i32
            %swap3A_626 = arith.index_cast %add3A_625 : i32 to index
            %swap3A_627 = tpu.vector_load %arg8[%swap3A_626] {strides = array<i32>} : memref<49152xf32, #tpu.memory_space<vmem>>, vector<16xf32>,
            tpu.vector_store %arg8[%swap3A_626], %gather3A_623 {strides = array<i32>} : memref<49152xf32, #tpu.memory_space<vmem>>, vector<16xf32>,
            %lt3A_628 = arith.constant 0 : i32
            %lt3A_629 = vector.broadcast %lt3A_628 : i32 to vector<16xi32>
            %lt3A_630 = arith.cmpi slt, %broadcast_in_dim3A_55, %lt3A_629 : vector<16xi32>
            %add3A_631 = arith.constant 16 : i32
            %add3A_632 = vector.broadcast %add3A_631 : i32 to vector<16xi32>
            %add3A_633 = arith.addi %broadcast_in_dim3A_55, %add3A_632 : vector<16xi32>
            %select_n3A_634 = arith.select %lt3A_630, %add3A_633, %broadcast_in_dim3A_55 : vector<16xi1>, vector<16xi32>
            %broadcast_in_dim3A_635 = vector.shape_cast %select_n3A_634 : vector<16xi32> to vector<16x1xi32>
            %gather3A_636 = vector.shape_cast %broadcast_in_dim3A_635 : vector<16x1xi32> to vector<16xi32>
            %gather3A_637 = tpu.dynamic_gather %gather3A_565[%gather3A_636] in [0] : vector<16xf32>, vector<16xi32> -> vector<16xf32>
            %add3A_638 = arith.constant 64 : i32
            %add3A_639 = arith.addi %add3A_571, %add3A_638 : i32
            %swap3A_640 = arith.index_cast %add3A_639 : i32 to index
            %swap3A_641 = tpu.vector_load %arg8[%swap3A_640] {strides = array<i32>} : memref<49152xf32, #tpu.memory_space<vmem>>, vector<16xf32>,
            tpu.vector_store %arg8[%swap3A_640], %gather3A_637 {strides = array<i32>} : memref<49152xf32, #tpu.memory_space<vmem>>, vector<16xf32>,
            %lt3A_642 = arith.constant 0 : i32
            %lt3A_643 = vector.broadcast %lt3A_642 : i32 to vector<16xi32>
            %lt3A_644 = arith.cmpi slt, %broadcast_in_dim3A_57, %lt3A_643 : vector<16xi32>
            %add3A_645 = arith.constant 16 : i32
            %add3A_646 = vector.broadcast %add3A_645 : i32 to vector<16xi32>
            %add3A_647 = arith.addi %broadcast_in_dim3A_57, %add3A_646 : vector<16xi32>
            %select_n3A_648 = arith.select %lt3A_644, %add3A_647, %broadcast_in_dim3A_57 : vector<16xi1>, vector<16xi32>
            %broadcast_in_dim3A_649 = vector.shape_cast %select_n3A_648 : vector<16xi32> to vector<16x1xi32>
            %gather3A_650 = vector.shape_cast %broadcast_in_dim3A_649 : vector<16x1xi32> to vector<16xi32>
            %gather3A_651 = tpu.dynamic_gather %gather3A_565[%gather3A_650] in [0] : vector<16xf32>, vector<16xi32> -> vector<16xf32>
            %add3A_652 = arith.constant 80 : i32
            %add3A_653 = arith.addi %add3A_571, %add3A_652 : i32
            %swap3A_654 = arith.index_cast %add3A_653 : i32 to index
            %swap3A_655 = tpu.vector_load %arg8[%swap3A_654] {strides = array<i32>} : memref<49152xf32, #tpu.memory_space<vmem>>, vector<16xf32>,
            tpu.vector_store %arg8[%swap3A_654], %gather3A_651 {strides = array<i32>} : memref<49152xf32, #tpu.memory_space<vmem>>, vector<16xf32>,
            %lt3A_656 = arith.constant 0 : i32
            %lt3A_657 = vector.broadcast %lt3A_656 : i32 to vector<16xi32>
            %lt3A_658 = arith.cmpi slt, %broadcast_in_dim3A_59, %lt3A_657 : vector<16xi32>
            %add3A_659 = arith.constant 16 : i32
            %add3A_660 = vector.broadcast %add3A_659 : i32 to vector<16xi32>
            %add3A_661 = arith.addi %broadcast_in_dim3A_59, %add3A_660 : vector<16xi32>
            %select_n3A_662 = arith.select %lt3A_658, %add3A_661, %broadcast_in_dim3A_59 : vector<16xi1>, vector<16xi32>
            %broadcast_in_dim3A_663 = vector.shape_cast %select_n3A_662 : vector<16xi32> to vector<16x1xi32>
            %gather3A_664 = vector.shape_cast %broadcast_in_dim3A_663 : vector<16x1xi32> to vector<16xi32>
            %gather3A_665 = tpu.dynamic_gather %gather3A_565[%gather3A_664] in [0] : vector<16xf32>, vector<16xi32> -> vector<16xf32>
            %add3A_666 = arith.constant 96 : i32
            %add3A_667 = arith.addi %add3A_571, %add3A_666 : i32
            %swap3A_668 = arith.index_cast %add3A_667 : i32 to index
            %swap3A_669 = tpu.vector_load %arg8[%swap3A_668] {strides = array<i32>} : memref<49152xf32, #tpu.memory_space<vmem>>, vector<16xf32>,
            tpu.vector_store %arg8[%swap3A_668], %gather3A_665 {strides = array<i32>} : memref<49152xf32, #tpu.memory_space<vmem>>, vector<16xf32>,
            %lt3A_670 = arith.constant 0 : i32
            %lt3A_671 = vector.broadcast %lt3A_670 : i32 to vector<16xi32>
            %lt3A_672 = arith.cmpi slt, %broadcast_in_dim3A_61, %lt3A_671 : vector<16xi32>
            %add3A_673 = arith.constant 16 : i32
            %add3A_674 = vector.broadcast %add3A_673 : i32 to vector<16xi32>
            %add3A_675 = arith.addi %broadcast_in_dim3A_61, %add3A_674 : vector<16xi32>
            %select_n3A_676 = arith.select %lt3A_672, %add3A_675, %broadcast_in_dim3A_61 : vector<16xi1>, vector<16xi32>
            %broadcast_in_dim3A_677 = vector.shape_cast %select_n3A_676 : vector<16xi32> to vector<16x1xi32>
            %gather3A_678 = vector.shape_cast %broadcast_in_dim3A_677 : vector<16x1xi32> to vector<16xi32>
            %gather3A_679 = tpu.dynamic_gather %gather3A_565[%gather3A_678] in [0] : vector<16xf32>, vector<16xi32> -> vector<16xf32>
            %add3A_680 = arith.constant 112 : i32
            %add3A_681 = arith.addi %add3A_571, %add3A_680 : i32
            %swap3A_682 = arith.index_cast %add3A_681 : i32 to index
            %swap3A_683 = tpu.vector_load %arg8[%swap3A_682] {strides = array<i32>} : memref<49152xf32, #tpu.memory_space<vmem>>, vector<16xf32>,
            tpu.vector_store %arg8[%swap3A_682], %gather3A_679 {strides = array<i32>} : memref<49152xf32, #tpu.memory_space<vmem>>, vector<16xf32>,
            %lt3A_684 = arith.constant 0 : i32
            %lt3A_685 = vector.broadcast %lt3A_684 : i32 to vector<16xi32>
            %lt3A_686 = arith.cmpi slt, %broadcast_in_dim3A_63, %lt3A_685 : vector<16xi32>
            %add3A_687 = arith.constant 16 : i32
            %add3A_688 = vector.broadcast %add3A_687 : i32 to vector<16xi32>
            %add3A_689 = arith.addi %broadcast_in_dim3A_63, %add3A_688 : vector<16xi32>
            %select_n3A_690 = arith.select %lt3A_686, %add3A_689, %broadcast_in_dim3A_63 : vector<16xi1>, vector<16xi32>
            %broadcast_in_dim3A_691 = vector.shape_cast %select_n3A_690 : vector<16xi32> to vector<16x1xi32>
            %gather3A_692 = vector.shape_cast %broadcast_in_dim3A_691 : vector<16x1xi32> to vector<16xi32>
            %gather3A_693 = tpu.dynamic_gather %gather3A_565[%gather3A_692] in [0] : vector<16xf32>, vector<16xi32> -> vector<16xf32>
            %add3A_694 = arith.constant 128 : i32
            %add3A_695 = arith.addi %add3A_571, %add3A_694 : i32
            %swap3A_696 = arith.index_cast %add3A_695 : i32 to index
            %swap3A_697 = tpu.vector_load %arg8[%swap3A_696] {strides = array<i32>} : memref<49152xf32, #tpu.memory_space<vmem>>, vector<16xf32>,
            tpu.vector_store %arg8[%swap3A_696], %gather3A_693 {strides = array<i32>} : memref<49152xf32, #tpu.memory_space<vmem>>, vector<16xf32>,
            %lt3A_698 = arith.constant 0 : i32
            %lt3A_699 = vector.broadcast %lt3A_698 : i32 to vector<16xi32>
            %lt3A_700 = arith.cmpi slt, %broadcast_in_dim3A_65, %lt3A_699 : vector<16xi32>
            %add3A_701 = arith.constant 16 : i32
            %add3A_702 = vector.broadcast %add3A_701 : i32 to vector<16xi32>
            %add3A_703 = arith.addi %broadcast_in_dim3A_65, %add3A_702 : vector<16xi32>
            %select_n3A_704 = arith.select %lt3A_700, %add3A_703, %broadcast_in_dim3A_65 : vector<16xi1>, vector<16xi32>
            %broadcast_in_dim3A_705 = vector.shape_cast %select_n3A_704 : vector<16xi32> to vector<16x1xi32>
            %gather3A_706 = vector.shape_cast %broadcast_in_dim3A_705 : vector<16x1xi32> to vector<16xi32>
            %gather3A_707 = tpu.dynamic_gather %gather3A_565[%gather3A_706] in [0] : vector<16xf32>, vector<16xi32> -> vector<16xf32>
            %add3A_708 = arith.constant 144 : i32
            %add3A_709 = arith.addi %add3A_571, %add3A_708 : i32
            %swap3A_710 = arith.index_cast %add3A_709 : i32 to index
            %swap3A_711 = tpu.vector_load %arg8[%swap3A_710] {strides = array<i32>} : memref<49152xf32, #tpu.memory_space<vmem>>, vector<16xf32>,
            tpu.vector_store %arg8[%swap3A_710], %gather3A_707 {strides = array<i32>} : memref<49152xf32, #tpu.memory_space<vmem>>, vector<16xf32>,
            %lt3A_712 = arith.constant 0 : i32
            %lt3A_713 = vector.broadcast %lt3A_712 : i32 to vector<16xi32>
            %lt3A_714 = arith.cmpi slt, %broadcast_in_dim3A_67, %lt3A_713 : vector<16xi32>
            %add3A_715 = arith.constant 16 : i32
            %add3A_716 = vector.broadcast %add3A_715 : i32 to vector<16xi32>
            %add3A_717 = arith.addi %broadcast_in_dim3A_67, %add3A_716 : vector<16xi32>
            %select_n3A_718 = arith.select %lt3A_714, %add3A_717, %broadcast_in_dim3A_67 : vector<16xi1>, vector<16xi32>
            %broadcast_in_dim3A_719 = vector.shape_cast %select_n3A_718 : vector<16xi32> to vector<16x1xi32>
            %gather3A_720 = vector.shape_cast %broadcast_in_dim3A_719 : vector<16x1xi32> to vector<16xi32>
            %gather3A_721 = tpu.dynamic_gather %gather3A_565[%gather3A_720] in [0] : vector<16xf32>, vector<16xi32> -> vector<16xf32>
            %add3A_722 = arith.constant 160 : i32
            %add3A_723 = arith.addi %add3A_571, %add3A_722 : i32
            %swap3A_724 = arith.index_cast %add3A_723 : i32 to index
            %swap3A_725 = tpu.vector_load %arg8[%swap3A_724] {strides = array<i32>} : memref<49152xf32, #tpu.memory_space<vmem>>, vector<16xf32>,
            tpu.vector_store %arg8[%swap3A_724], %gather3A_721 {strides = array<i32>} : memref<49152xf32, #tpu.memory_space<vmem>>, vector<16xf32>,
            %lt3A_726 = arith.constant 0 : i32
            %lt3A_727 = vector.broadcast %lt3A_726 : i32 to vector<16xi32>
            %lt3A_728 = arith.cmpi slt, %broadcast_in_dim3A_69, %lt3A_727 : vector<16xi32>
            %add3A_729 = arith.constant 16 : i32
            %add3A_730 = vector.broadcast %add3A_729 : i32 to vector<16xi32>
            %add3A_731 = arith.addi %broadcast_in_dim3A_69, %add3A_730 : vector<16xi32>
            %select_n3A_732 = arith.select %lt3A_728, %add3A_731, %broadcast_in_dim3A_69 : vector<16xi1>, vector<16xi32>
            %broadcast_in_dim3A_733 = vector.shape_cast %select_n3A_732 : vector<16xi32> to vector<16x1xi32>
            %gather3A_734 = vector.shape_cast %broadcast_in_dim3A_733 : vector<16x1xi32> to vector<16xi32>
            %gather3A_735 = tpu.dynamic_gather %gather3A_565[%gather3A_734] in [0] : vector<16xf32>, vector<16xi32> -> vector<16xf32>
            %add3A_736 = arith.constant 176 : i32
            %add3A_737 = arith.addi %add3A_571, %add3A_736 : i32
            %swap3A_738 = arith.index_cast %add3A_737 : i32 to index
            %swap3A_739 = tpu.vector_load %arg8[%swap3A_738] {strides = array<i32>} : memref<49152xf32, #tpu.memory_space<vmem>>, vector<16xf32>,
            tpu.vector_store %arg8[%swap3A_738], %gather3A_735 {strides = array<i32>} : memref<49152xf32, #tpu.memory_space<vmem>>, vector<16xf32>,
            %lt3A_740 = arith.constant 0 : i32
            %lt3A_741 = vector.broadcast %lt3A_740 : i32 to vector<16xi32>
            %lt3A_742 = arith.cmpi slt, %broadcast_in_dim3A_71, %lt3A_741 : vector<16xi32>
            %add3A_743 = arith.constant 16 : i32
            %add3A_744 = vector.broadcast %add3A_743 : i32 to vector<16xi32>
            %add3A_745 = arith.addi %broadcast_in_dim3A_71, %add3A_744 : vector<16xi32>
            %select_n3A_746 = arith.select %lt3A_742, %add3A_745, %broadcast_in_dim3A_71 : vector<16xi1>, vector<16xi32>
            %broadcast_in_dim3A_747 = vector.shape_cast %select_n3A_746 : vector<16xi32> to vector<16x1xi32>
            %gather3A_748 = vector.shape_cast %broadcast_in_dim3A_747 : vector<16x1xi32> to vector<16xi32>
            %gather3A_749 = tpu.dynamic_gather %gather3A_565[%gather3A_748] in [0] : vector<16xf32>, vector<16xi32> -> vector<16xf32>
            %add3A_750 = arith.constant 192 : i32
            %add3A_751 = arith.addi %add3A_571, %add3A_750 : i32
            %swap3A_752 = arith.index_cast %add3A_751 : i32 to index
            %swap3A_753 = tpu.vector_load %arg8[%swap3A_752] {strides = array<i32>} : memref<49152xf32, #tpu.memory_space<vmem>>, vector<16xf32>,
            tpu.vector_store %arg8[%swap3A_752], %gather3A_749 {strides = array<i32>} : memref<49152xf32, #tpu.memory_space<vmem>>, vector<16xf32>,
            %lt3A_754 = arith.constant 0 : i32
            %lt3A_755 = vector.broadcast %lt3A_754 : i32 to vector<16xi32>
            %lt3A_756 = arith.cmpi slt, %broadcast_in_dim3A_73, %lt3A_755 : vector<16xi32>
            %add3A_757 = arith.constant 16 : i32
            %add3A_758 = vector.broadcast %add3A_757 : i32 to vector<16xi32>
            %add3A_759 = arith.addi %broadcast_in_dim3A_73, %add3A_758 : vector<16xi32>
            %select_n3A_760 = arith.select %lt3A_756, %add3A_759, %broadcast_in_dim3A_73 : vector<16xi1>, vector<16xi32>
            %broadcast_in_dim3A_761 = vector.shape_cast %select_n3A_760 : vector<16xi32> to vector<16x1xi32>
            %gather3A_762 = vector.shape_cast %broadcast_in_dim3A_761 : vector<16x1xi32> to vector<16xi32>
            %gather3A_763 = tpu.dynamic_gather %gather3A_565[%gather3A_762] in [0] : vector<16xf32>, vector<16xi32> -> vector<16xf32>
            %add3A_764 = arith.constant 208 : i32
            %add3A_765 = arith.addi %add3A_571, %add3A_764 : i32
            %swap3A_766 = arith.index_cast %add3A_765 : i32 to index
            %swap3A_767 = tpu.vector_load %arg8[%swap3A_766] {strides = array<i32>} : memref<49152xf32, #tpu.memory_space<vmem>>, vector<16xf32>,
            tpu.vector_store %arg8[%swap3A_766], %gather3A_763 {strides = array<i32>} : memref<49152xf32, #tpu.memory_space<vmem>>, vector<16xf32>,
            %lt3A_768 = arith.constant 0 : i32
            %lt3A_769 = vector.broadcast %lt3A_768 : i32 to vector<16xi32>
            %lt3A_770 = arith.cmpi slt, %broadcast_in_dim3A_75, %lt3A_769 : vector<16xi32>
            %add3A_771 = arith.constant 16 : i32
            %add3A_772 = vector.broadcast %add3A_771 : i32 to vector<16xi32>
            %add3A_773 = arith.addi %broadcast_in_dim3A_75, %add3A_772 : vector<16xi32>
            %select_n3A_774 = arith.select %lt3A_770, %add3A_773, %broadcast_in_dim3A_75 : vector<16xi1>, vector<16xi32>
            %broadcast_in_dim3A_775 = vector.shape_cast %select_n3A_774 : vector<16xi32> to vector<16x1xi32>
            %gather3A_776 = vector.shape_cast %broadcast_in_dim3A_775 : vector<16x1xi32> to vector<16xi32>
            %gather3A_777 = tpu.dynamic_gather %gather3A_565[%gather3A_776] in [0] : vector<16xf32>, vector<16xi32> -> vector<16xf32>
            %add3A_778 = arith.constant 224 : i32
            %add3A_779 = arith.addi %add3A_571, %add3A_778 : i32
            %swap3A_780 = arith.index_cast %add3A_779 : i32 to index
            %swap3A_781 = tpu.vector_load %arg8[%swap3A_780] {strides = array<i32>} : memref<49152xf32, #tpu.memory_space<vmem>>, vector<16xf32>,
            tpu.vector_store %arg8[%swap3A_780], %gather3A_777 {strides = array<i32>} : memref<49152xf32, #tpu.memory_space<vmem>>, vector<16xf32>,
            %lt3A_782 = arith.constant 0 : i32
            %lt3A_783 = vector.broadcast %lt3A_782 : i32 to vector<16xi32>
            %lt3A_784 = arith.cmpi slt, %broadcast_in_dim3A_77, %lt3A_783 : vector<16xi32>
            %add3A_785 = arith.constant 16 : i32
            %add3A_786 = vector.broadcast %add3A_785 : i32 to vector<16xi32>
            %add3A_787 = arith.addi %broadcast_in_dim3A_77, %add3A_786 : vector<16xi32>
            %select_n3A_788 = arith.select %lt3A_784, %add3A_787, %broadcast_in_dim3A_77 : vector<16xi1>, vector<16xi32>
            %broadcast_in_dim3A_789 = vector.shape_cast %select_n3A_788 : vector<16xi32> to vector<16x1xi32>
            %gather3A_790 = vector.shape_cast %broadcast_in_dim3A_789 : vector<16x1xi32> to vector<16xi32>
            %gather3A_791 = tpu.dynamic_gather %gather3A_565[%gather3A_790] in [0] : vector<16xf32>, vector<16xi32> -> vector<16xf32>
            %add3A_792 = arith.constant 240 : i32
            %add3A_793 = arith.addi %add3A_571, %add3A_792 : i32
            %swap3A_794 = arith.index_cast %add3A_793 : i32 to index
            %swap3A_795 = tpu.vector_load %arg8[%swap3A_794] {strides = array<i32>} : memref<49152xf32, #tpu.memory_space<vmem>>, vector<16xf32>,
            tpu.vector_store %arg8[%swap3A_794], %gather3A_791 {strides = array<i32>} : memref<49152xf32, #tpu.memory_space<vmem>>, vector<16xf32>,
            %get3A_796 = arith.constant 32 : index
            %get3A_797 = tpu.vector_load %arg7[%get3A_796] {strides = array<i32>} : memref<96xi32, #tpu.memory_space<vmem>>, vector<16xi32>,
            %mul3A_798 = arith.constant 64 : i32
            %mul3A_799 = vector.broadcast %mul3A_798 : i32 to vector<16xi32>
            %mul3A_800 = arith.muli %get3A_797, %mul3A_799 : vector<16xi32>
            %add3A_801 = vector.broadcast %add3A_322 : i32 to vector<16xi32>
            %add3A_802 = arith.addi %mul3A_800, %add3A_801 : vector<16xi32>
            %gather3A_803 = tpu.vector_load_idx %arg6[%add3A_802] : memref<960xf32, #tpu.memory_space<vmem>>[vector<16xi32>], vector<16xf32>,
            %mul3A_804 = arith.constant 96 : i32
            %mul3A_805 = arith.muli %scan3A_321, %mul3A_804 : i32
            %mul3A_806 = arith.constant 16 : i32
            %mul3A_807 = arith.muli %mul3A_805, %mul3A_806 : i32
            %add3A_808 = arith.constant 512 : i32
            %add3A_809 = arith.addi %mul3A_807, %add3A_808 : i32
            %lt3A_810 = arith.constant 0 : i32
            %lt3A_811 = vector.broadcast %lt3A_810 : i32 to vector<16xi32>
            %lt3A_812 = arith.cmpi slt, %broadcast_in_dim3A_47, %lt3A_811 : vector<16xi32>
            %add3A_813 = arith.constant 16 : i32
            %add3A_814 = vector.broadcast %add3A_813 : i32 to vector<16xi32>
            %add3A_815 = arith.addi %broadcast_in_dim3A_47, %add3A_814 : vector<16xi32>
            %select_n3A_816 = arith.select %lt3A_812, %add3A_815, %broadcast_in_dim3A_47 : vector<16xi1>, vector<16xi32>
            %broadcast_in_dim3A_817 = vector.shape_cast %select_n3A_816 : vector<16xi32> to vector<16x1xi32>
            %gather3A_818 = vector.shape_cast %broadcast_in_dim3A_817 : vector<16x1xi32> to vector<16xi32>
            %gather3A_819 = tpu.dynamic_gather %gather3A_803[%gather3A_818] in [0] : vector<16xf32>, vector<16xi32> -> vector<16xf32>
            %add3A_820 = arith.constant 0 : i32
            %add3A_821 = arith.addi %add3A_809, %add3A_820 : i32
            %swap3A_822 = arith.index_cast %add3A_821 : i32 to index
            %swap3A_823 = tpu.vector_load %arg8[%swap3A_822] {strides = array<i32>} : memref<49152xf32, #tpu.memory_space<vmem>>, vector<16xf32>,
            tpu.vector_store %arg8[%swap3A_822], %gather3A_819 {strides = array<i32>} : memref<49152xf32, #tpu.memory_space<vmem>>, vector<16xf32>,
            %lt3A_824 = arith.constant 0 : i32
            %lt3A_825 = vector.broadcast %lt3A_824 : i32 to vector<16xi32>
            %lt3A_826 = arith.cmpi slt, %broadcast_in_dim3A_49, %lt3A_825 : vector<16xi32>
            %add3A_827 = arith.constant 16 : i32
            %add3A_828 = vector.broadcast %add3A_827 : i32 to vector<16xi32>
            %add3A_829 = arith.addi %broadcast_in_dim3A_49, %add3A_828 : vector<16xi32>
            %select_n3A_830 = arith.select %lt3A_826, %add3A_829, %broadcast_in_dim3A_49 : vector<16xi1>, vector<16xi32>
            %broadcast_in_dim3A_831 = vector.shape_cast %select_n3A_830 : vector<16xi32> to vector<16x1xi32>
            %gather3A_832 = vector.shape_cast %broadcast_in_dim3A_831 : vector<16x1xi32> to vector<16xi32>
            %gather3A_833 = tpu.dynamic_gather %gather3A_803[%gather3A_832] in [0] : vector<16xf32>, vector<16xi32> -> vector<16xf32>
            %add3A_834 = arith.constant 16 : i32
            %add3A_835 = arith.addi %add3A_809, %add3A_834 : i32
            %swap3A_836 = arith.index_cast %add3A_835 : i32 to index
            %swap3A_837 = tpu.vector_load %arg8[%swap3A_836] {strides = array<i32>} : memref<49152xf32, #tpu.memory_space<vmem>>, vector<16xf32>,
            tpu.vector_store %arg8[%swap3A_836], %gather3A_833 {strides = array<i32>} : memref<49152xf32, #tpu.memory_space<vmem>>, vector<16xf32>,
            %lt3A_838 = arith.constant 0 : i32
            %lt3A_839 = vector.broadcast %lt3A_838 : i32 to vector<16xi32>
            %lt3A_840 = arith.cmpi slt, %broadcast_in_dim3A_51, %lt3A_839 : vector<16xi32>
            %add3A_841 = arith.constant 16 : i32
            %add3A_842 = vector.broadcast %add3A_841 : i32 to vector<16xi32>
            %add3A_843 = arith.addi %broadcast_in_dim3A_51, %add3A_842 : vector<16xi32>
            %select_n3A_844 = arith.select %lt3A_840, %add3A_843, %broadcast_in_dim3A_51 : vector<16xi1>, vector<16xi32>
            %broadcast_in_dim3A_845 = vector.shape_cast %select_n3A_844 : vector<16xi32> to vector<16x1xi32>
            %gather3A_846 = vector.shape_cast %broadcast_in_dim3A_845 : vector<16x1xi32> to vector<16xi32>
            %gather3A_847 = tpu.dynamic_gather %gather3A_803[%gather3A_846] in [0] : vector<16xf32>, vector<16xi32> -> vector<16xf32>
            %add3A_848 = arith.constant 32 : i32
            %add3A_849 = arith.addi %add3A_809, %add3A_848 : i32
            %swap3A_850 = arith.index_cast %add3A_849 : i32 to index
            %swap3A_851 = tpu.vector_load %arg8[%swap3A_850] {strides = array<i32>} : memref<49152xf32, #tpu.memory_space<vmem>>, vector<16xf32>,
            tpu.vector_store %arg8[%swap3A_850], %gather3A_847 {strides = array<i32>} : memref<49152xf32, #tpu.memory_space<vmem>>, vector<16xf32>,
            %lt3A_852 = arith.constant 0 : i32
            %lt3A_853 = vector.broadcast %lt3A_852 : i32 to vector<16xi32>
            %lt3A_854 = arith.cmpi slt, %broadcast_in_dim3A_53, %lt3A_853 : vector<16xi32>
            %add3A_855 = arith.constant 16 : i32
            %add3A_856 = vector.broadcast %add3A_855 : i32 to vector<16xi32>
            %add3A_857 = arith.addi %broadcast_in_dim3A_53, %add3A_856 : vector<16xi32>
            %select_n3A_858 = arith.select %lt3A_854, %add3A_857, %broadcast_in_dim3A_53 : vector<16xi1>, vector<16xi32>
            %broadcast_in_dim3A_859 = vector.shape_cast %select_n3A_858 : vector<16xi32> to vector<16x1xi32>
            %gather3A_860 = vector.shape_cast %broadcast_in_dim3A_859 : vector<16x1xi32> to vector<16xi32>
            %gather3A_861 = tpu.dynamic_gather %gather3A_803[%gather3A_860] in [0] : vector<16xf32>, vector<16xi32> -> vector<16xf32>
            %add3A_862 = arith.constant 48 : i32
            %add3A_863 = arith.addi %add3A_809, %add3A_862 : i32
            %swap3A_864 = arith.index_cast %add3A_863 : i32 to index
            %swap3A_865 = tpu.vector_load %arg8[%swap3A_864] {strides = array<i32>} : memref<49152xf32, #tpu.memory_space<vmem>>, vector<16xf32>,
            tpu.vector_store %arg8[%swap3A_864], %gather3A_861 {strides = array<i32>} : memref<49152xf32, #tpu.memory_space<vmem>>, vector<16xf32>,
            %lt3A_866 = arith.constant 0 : i32
            %lt3A_867 = vector.broadcast %lt3A_866 : i32 to vector<16xi32>
            %lt3A_868 = arith.cmpi slt, %broadcast_in_dim3A_55, %lt3A_867 : vector<16xi32>
            %add3A_869 = arith.constant 16 : i32
            %add3A_870 = vector.broadcast %add3A_869 : i32 to vector<16xi32>
            %add3A_871 = arith.addi %broadcast_in_dim3A_55, %add3A_870 : vector<16xi32>
            %select_n3A_872 = arith.select %lt3A_868, %add3A_871, %broadcast_in_dim3A_55 : vector<16xi1>, vector<16xi32>
            %broadcast_in_dim3A_873 = vector.shape_cast %select_n3A_872 : vector<16xi32> to vector<16x1xi32>
            %gather3A_874 = vector.shape_cast %broadcast_in_dim3A_873 : vector<16x1xi32> to vector<16xi32>
            %gather3A_875 = tpu.dynamic_gather %gather3A_803[%gather3A_874] in [0] : vector<16xf32>, vector<16xi32> -> vector<16xf32>
            %add3A_876 = arith.constant 64 : i32
            %add3A_877 = arith.addi %add3A_809, %add3A_876 : i32
            %swap3A_878 = arith.index_cast %add3A_877 : i32 to index
            %swap3A_879 = tpu.vector_load %arg8[%swap3A_878] {strides = array<i32>} : memref<49152xf32, #tpu.memory_space<vmem>>, vector<16xf32>,
            tpu.vector_store %arg8[%swap3A_878], %gather3A_875 {strides = array<i32>} : memref<49152xf32, #tpu.memory_space<vmem>>, vector<16xf32>,
            %lt3A_880 = arith.constant 0 : i32
            %lt3A_881 = vector.broadcast %lt3A_880 : i32 to vector<16xi32>
            %lt3A_882 = arith.cmpi slt, %broadcast_in_dim3A_57, %lt3A_881 : vector<16xi32>
            %add3A_883 = arith.constant 16 : i32
            %add3A_884 = vector.broadcast %add3A_883 : i32 to vector<16xi32>
            %add3A_885 = arith.addi %broadcast_in_dim3A_57, %add3A_884 : vector<16xi32>
            %select_n3A_886 = arith.select %lt3A_882, %add3A_885, %broadcast_in_dim3A_57 : vector<16xi1>, vector<16xi32>
            %broadcast_in_dim3A_887 = vector.shape_cast %select_n3A_886 : vector<16xi32> to vector<16x1xi32>
            %gather3A_888 = vector.shape_cast %broadcast_in_dim3A_887 : vector<16x1xi32> to vector<16xi32>
            %gather3A_889 = tpu.dynamic_gather %gather3A_803[%gather3A_888] in [0] : vector<16xf32>, vector<16xi32> -> vector<16xf32>
            %add3A_890 = arith.constant 80 : i32
            %add3A_891 = arith.addi %add3A_809, %add3A_890 : i32
            %swap3A_892 = arith.index_cast %add3A_891 : i32 to index
            %swap3A_893 = tpu.vector_load %arg8[%swap3A_892] {strides = array<i32>} : memref<49152xf32, #tpu.memory_space<vmem>>, vector<16xf32>,
            tpu.vector_store %arg8[%swap3A_892], %gather3A_889 {strides = array<i32>} : memref<49152xf32, #tpu.memory_space<vmem>>, vector<16xf32>,
            %lt3A_894 = arith.constant 0 : i32
            %lt3A_895 = vector.broadcast %lt3A_894 : i32 to vector<16xi32>
            %lt3A_896 = arith.cmpi slt, %broadcast_in_dim3A_59, %lt3A_895 : vector<16xi32>
            %add3A_897 = arith.constant 16 : i32
            %add3A_898 = vector.broadcast %add3A_897 : i32 to vector<16xi32>
            %add3A_899 = arith.addi %broadcast_in_dim3A_59, %add3A_898 : vector<16xi32>
            %select_n3A_900 = arith.select %lt3A_896, %add3A_899, %broadcast_in_dim3A_59 : vector<16xi1>, vector<16xi32>
            %broadcast_in_dim3A_901 = vector.shape_cast %select_n3A_900 : vector<16xi32> to vector<16x1xi32>
            %gather3A_902 = vector.shape_cast %broadcast_in_dim3A_901 : vector<16x1xi32> to vector<16xi32>
            %gather3A_903 = tpu.dynamic_gather %gather3A_803[%gather3A_902] in [0] : vector<16xf32>, vector<16xi32> -> vector<16xf32>
            %add3A_904 = arith.constant 96 : i32
            %add3A_905 = arith.addi %add3A_809, %add3A_904 : i32
            %swap3A_906 = arith.index_cast %add3A_905 : i32 to index
            %swap3A_907 = tpu.vector_load %arg8[%swap3A_906] {strides = array<i32>} : memref<49152xf32, #tpu.memory_space<vmem>>, vector<16xf32>,
            tpu.vector_store %arg8[%swap3A_906], %gather3A_903 {strides = array<i32>} : memref<49152xf32, #tpu.memory_space<vmem>>, vector<16xf32>,
            %lt3A_908 = arith.constant 0 : i32
            %lt3A_909 = vector.broadcast %lt3A_908 : i32 to vector<16xi32>
            %lt3A_910 = arith.cmpi slt, %broadcast_in_dim3A_61, %lt3A_909 : vector<16xi32>
            %add3A_911 = arith.constant 16 : i32
            %add3A_912 = vector.broadcast %add3A_911 : i32 to vector<16xi32>
            %add3A_913 = arith.addi %broadcast_in_dim3A_61, %add3A_912 : vector<16xi32>
            %select_n3A_914 = arith.select %lt3A_910, %add3A_913, %broadcast_in_dim3A_61 : vector<16xi1>, vector<16xi32>
            %broadcast_in_dim3A_915 = vector.shape_cast %select_n3A_914 : vector<16xi32> to vector<16x1xi32>
            %gather3A_916 = vector.shape_cast %broadcast_in_dim3A_915 : vector<16x1xi32> to vector<16xi32>
            %gather3A_917 = tpu.dynamic_gather %gather3A_803[%gather3A_916] in [0] : vector<16xf32>, vector<16xi32> -> vector<16xf32>
            %add3A_918 = arith.constant 112 : i32
            %add3A_919 = arith.addi %add3A_809, %add3A_918 : i32
            %swap3A_920 = arith.index_cast %add3A_919 : i32 to index
            %swap3A_921 = tpu.vector_load %arg8[%swap3A_920] {strides = array<i32>} : memref<49152xf32, #tpu.memory_space<vmem>>, vector<16xf32>,
            tpu.vector_store %arg8[%swap3A_920], %gather3A_917 {strides = array<i32>} : memref<49152xf32, #tpu.memory_space<vmem>>, vector<16xf32>,
            %lt3A_922 = arith.constant 0 : i32
            %lt3A_923 = vector.broadcast %lt3A_922 : i32 to vector<16xi32>
            %lt3A_924 = arith.cmpi slt, %broadcast_in_dim3A_63, %lt3A_923 : vector<16xi32>
            %add3A_925 = arith.constant 16 : i32
            %add3A_926 = vector.broadcast %add3A_925 : i32 to vector<16xi32>
            %add3A_927 = arith.addi %broadcast_in_dim3A_63, %add3A_926 : vector<16xi32>
            %select_n3A_928 = arith.select %lt3A_924, %add3A_927, %broadcast_in_dim3A_63 : vector<16xi1>, vector<16xi32>
            %broadcast_in_dim3A_929 = vector.shape_cast %select_n3A_928 : vector<16xi32> to vector<16x1xi32>
            %gather3A_930 = vector.shape_cast %broadcast_in_dim3A_929 : vector<16x1xi32> to vector<16xi32>
            %gather3A_931 = tpu.dynamic_gather %gather3A_803[%gather3A_930] in [0] : vector<16xf32>, vector<16xi32> -> vector<16xf32>
            %add3A_932 = arith.constant 128 : i32
            %add3A_933 = arith.addi %add3A_809, %add3A_932 : i32
            %swap3A_934 = arith.index_cast %add3A_933 : i32 to index
            %swap3A_935 = tpu.vector_load %arg8[%swap3A_934] {strides = array<i32>} : memref<49152xf32, #tpu.memory_space<vmem>>, vector<16xf32>,
            tpu.vector_store %arg8[%swap3A_934], %gather3A_931 {strides = array<i32>} : memref<49152xf32, #tpu.memory_space<vmem>>, vector<16xf32>,
            %lt3A_936 = arith.constant 0 : i32
            %lt3A_937 = vector.broadcast %lt3A_936 : i32 to vector<16xi32>
            %lt3A_938 = arith.cmpi slt, %broadcast_in_dim3A_65, %lt3A_937 : vector<16xi32>
            %add3A_939 = arith.constant 16 : i32
            %add3A_940 = vector.broadcast %add3A_939 : i32 to vector<16xi32>
            %add3A_941 = arith.addi %broadcast_in_dim3A_65, %add3A_940 : vector<16xi32>
            %select_n3A_942 = arith.select %lt3A_938, %add3A_941, %broadcast_in_dim3A_65 : vector<16xi1>, vector<16xi32>
            %broadcast_in_dim3A_943 = vector.shape_cast %select_n3A_942 : vector<16xi32> to vector<16x1xi32>
            %gather3A_944 = vector.shape_cast %broadcast_in_dim3A_943 : vector<16x1xi32> to vector<16xi32>
            %gather3A_945 = tpu.dynamic_gather %gather3A_803[%gather3A_944] in [0] : vector<16xf32>, vector<16xi32> -> vector<16xf32>
            %add3A_946 = arith.constant 144 : i32
            %add3A_947 = arith.addi %add3A_809, %add3A_946 : i32
            %swap3A_948 = arith.index_cast %add3A_947 : i32 to index
            %swap3A_949 = tpu.vector_load %arg8[%swap3A_948] {strides = array<i32>} : memref<49152xf32, #tpu.memory_space<vmem>>, vector<16xf32>,
            tpu.vector_store %arg8[%swap3A_948], %gather3A_945 {strides = array<i32>} : memref<49152xf32, #tpu.memory_space<vmem>>, vector<16xf32>,
            %lt3A_950 = arith.constant 0 : i32
            %lt3A_951 = vector.broadcast %lt3A_950 : i32 to vector<16xi32>
            %lt3A_952 = arith.cmpi slt, %broadcast_in_dim3A_67, %lt3A_951 : vector<16xi32>
            %add3A_953 = arith.constant 16 : i32
            %add3A_954 = vector.broadcast %add3A_953 : i32 to vector<16xi32>
            %add3A_955 = arith.addi %broadcast_in_dim3A_67, %add3A_954 : vector<16xi32>
            %select_n3A_956 = arith.select %lt3A_952, %add3A_955, %broadcast_in_dim3A_67 : vector<16xi1>, vector<16xi32>
            %broadcast_in_dim3A_957 = vector.shape_cast %select_n3A_956 : vector<16xi32> to vector<16x1xi32>
            %gather3A_958 = vector.shape_cast %broadcast_in_dim3A_957 : vector<16x1xi32> to vector<16xi32>
            %gather3A_959 = tpu.dynamic_gather %gather3A_803[%gather3A_958] in [0] : vector<16xf32>, vector<16xi32> -> vector<16xf32>
            %add3A_960 = arith.constant 160 : i32
            %add3A_961 = arith.addi %add3A_809, %add3A_960 : i32
            %swap3A_962 = arith.index_cast %add3A_961 : i32 to index
            %swap3A_963 = tpu.vector_load %arg8[%swap3A_962] {strides = array<i32>} : memref<49152xf32, #tpu.memory_space<vmem>>, vector<16xf32>,
            tpu.vector_store %arg8[%swap3A_962], %gather3A_959 {strides = array<i32>} : memref<49152xf32, #tpu.memory_space<vmem>>, vector<16xf32>,
            %lt3A_964 = arith.constant 0 : i32
            %lt3A_965 = vector.broadcast %lt3A_964 : i32 to vector<16xi32>
            %lt3A_966 = arith.cmpi slt, %broadcast_in_dim3A_69, %lt3A_965 : vector<16xi32>
            %add3A_967 = arith.constant 16 : i32
            %add3A_968 = vector.broadcast %add3A_967 : i32 to vector<16xi32>
            %add3A_969 = arith.addi %broadcast_in_dim3A_69, %add3A_968 : vector<16xi32>
            %select_n3A_970 = arith.select %lt3A_966, %add3A_969, %broadcast_in_dim3A_69 : vector<16xi1>, vector<16xi32>
            %broadcast_in_dim3A_971 = vector.shape_cast %select_n3A_970 : vector<16xi32> to vector<16x1xi32>
            %gather3A_972 = vector.shape_cast %broadcast_in_dim3A_971 : vector<16x1xi32> to vector<16xi32>
            %gather3A_973 = tpu.dynamic_gather %gather3A_803[%gather3A_972] in [0] : vector<16xf32>, vector<16xi32> -> vector<16xf32>
            %add3A_974 = arith.constant 176 : i32
            %add3A_975 = arith.addi %add3A_809, %add3A_974 : i32
            %swap3A_976 = arith.index_cast %add3A_975 : i32 to index
            %swap3A_977 = tpu.vector_load %arg8[%swap3A_976] {strides = array<i32>} : memref<49152xf32, #tpu.memory_space<vmem>>, vector<16xf32>,
            tpu.vector_store %arg8[%swap3A_976], %gather3A_973 {strides = array<i32>} : memref<49152xf32, #tpu.memory_space<vmem>>, vector<16xf32>,
            %lt3A_978 = arith.constant 0 : i32
            %lt3A_979 = vector.broadcast %lt3A_978 : i32 to vector<16xi32>
            %lt3A_980 = arith.cmpi slt, %broadcast_in_dim3A_71, %lt3A_979 : vector<16xi32>
            %add3A_981 = arith.constant 16 : i32
            %add3A_982 = vector.broadcast %add3A_981 : i32 to vector<16xi32>
            %add3A_983 = arith.addi %broadcast_in_dim3A_71, %add3A_982 : vector<16xi32>
            %select_n3A_984 = arith.select %lt3A_980, %add3A_983, %broadcast_in_dim3A_71 : vector<16xi1>, vector<16xi32>
            %broadcast_in_dim3A_985 = vector.shape_cast %select_n3A_984 : vector<16xi32> to vector<16x1xi32>
            %gather3A_986 = vector.shape_cast %broadcast_in_dim3A_985 : vector<16x1xi32> to vector<16xi32>
            %gather3A_987 = tpu.dynamic_gather %gather3A_803[%gather3A_986] in [0] : vector<16xf32>, vector<16xi32> -> vector<16xf32>
            %add3A_988 = arith.constant 192 : i32
            %add3A_989 = arith.addi %add3A_809, %add3A_988 : i32
            %swap3A_990 = arith.index_cast %add3A_989 : i32 to index
            %swap3A_991 = tpu.vector_load %arg8[%swap3A_990] {strides = array<i32>} : memref<49152xf32, #tpu.memory_space<vmem>>, vector<16xf32>,
            tpu.vector_store %arg8[%swap3A_990], %gather3A_987 {strides = array<i32>} : memref<49152xf32, #tpu.memory_space<vmem>>, vector<16xf32>,
            %lt3A_992 = arith.constant 0 : i32
            %lt3A_993 = vector.broadcast %lt3A_992 : i32 to vector<16xi32>
            %lt3A_994 = arith.cmpi slt, %broadcast_in_dim3A_73, %lt3A_993 : vector<16xi32>
            %add3A_995 = arith.constant 16 : i32
            %add3A_996 = vector.broadcast %add3A_995 : i32 to vector<16xi32>
            %add3A_997 = arith.addi %broadcast_in_dim3A_73, %add3A_996 : vector<16xi32>
            %select_n3A_998 = arith.select %lt3A_994, %add3A_997, %broadcast_in_dim3A_73 : vector<16xi1>, vector<16xi32>
            %broadcast_in_dim3A_999 = vector.shape_cast %select_n3A_998 : vector<16xi32> to vector<16x1xi32>
            %gather3A_1000 = vector.shape_cast %broadcast_in_dim3A_999 : vector<16x1xi32> to vector<16xi32>
            %gather3A_1001 = tpu.dynamic_gather %gather3A_803[%gather3A_1000] in [0] : vector<16xf32>, vector<16xi32> -> vector<16xf32>
            %add3A_1002 = arith.constant 208 : i32
            %add3A_1003 = arith.addi %add3A_809, %add3A_1002 : i32
            %swap3A_1004 = arith.index_cast %add3A_1003 : i32 to index
            %swap3A_1005 = tpu.vector_load %arg8[%swap3A_1004] {strides = array<i32>} : memref<49152xf32, #tpu.memory_space<vmem>>, vector<16xf32>,
            tpu.vector_store %arg8[%swap3A_1004], %gather3A_1001 {strides = array<i32>} : memref<49152xf32, #tpu.memory_space<vmem>>, vector<16xf32>,
            %lt3A_1006 = arith.constant 0 : i32
            %lt3A_1007 = vector.broadcast %lt3A_1006 : i32 to vector<16xi32>
            %lt3A_1008 = arith.cmpi slt, %broadcast_in_dim3A_75, %lt3A_1007 : vector<16xi32>
            %add3A_1009 = arith.constant 16 : i32
            %add3A_1010 = vector.broadcast %add3A_1009 : i32 to vector<16xi32>
            %add3A_1011 = arith.addi %broadcast_in_dim3A_75, %add3A_1010 : vector<16xi32>
            %select_n3A_1012 = arith.select %lt3A_1008, %add3A_1011, %broadcast_in_dim3A_75 : vector<16xi1>, vector<16xi32>
            %broadcast_in_dim3A_1013 = vector.shape_cast %select_n3A_1012 : vector<16xi32> to vector<16x1xi32>
            %gather3A_1014 = vector.shape_cast %broadcast_in_dim3A_1013 : vector<16x1xi32> to vector<16xi32>
            %gather3A_1015 = tpu.dynamic_gather %gather3A_803[%gather3A_1014] in [0] : vector<16xf32>, vector<16xi32> -> vector<16xf32>
            %add3A_1016 = arith.constant 224 : i32
            %add3A_1017 = arith.addi %add3A_809, %add3A_1016 : i32
            %swap3A_1018 = arith.index_cast %add3A_1017 : i32 to index
            %swap3A_1019 = tpu.vector_load %arg8[%swap3A_1018] {strides = array<i32>} : memref<49152xf32, #tpu.memory_space<vmem>>, vector<16xf32>,
            tpu.vector_store %arg8[%swap3A_1018], %gather3A_1015 {strides = array<i32>} : memref<49152xf32, #tpu.memory_space<vmem>>, vector<16xf32>,
            %lt3A_1020 = arith.constant 0 : i32
            %lt3A_1021 = vector.broadcast %lt3A_1020 : i32 to vector<16xi32>
            %lt3A_1022 = arith.cmpi slt, %broadcast_in_dim3A_77, %lt3A_1021 : vector<16xi32>
            %add3A_1023 = arith.constant 16 : i32
            %add3A_1024 = vector.broadcast %add3A_1023 : i32 to vector<16xi32>
            %add3A_1025 = arith.addi %broadcast_in_dim3A_77, %add3A_1024 : vector<16xi32>
            %select_n3A_1026 = arith.select %lt3A_1022, %add3A_1025, %broadcast_in_dim3A_77 : vector<16xi1>, vector<16xi32>
            %broadcast_in_dim3A_1027 = vector.shape_cast %select_n3A_1026 : vector<16xi32> to vector<16x1xi32>
            %gather3A_1028 = vector.shape_cast %broadcast_in_dim3A_1027 : vector<16x1xi32> to vector<16xi32>
            %gather3A_1029 = tpu.dynamic_gather %gather3A_803[%gather3A_1028] in [0] : vector<16xf32>, vector<16xi32> -> vector<16xf32>
            %add3A_1030 = arith.constant 240 : i32
            %add3A_1031 = arith.addi %add3A_809, %add3A_1030 : i32
            %swap3A_1032 = arith.index_cast %add3A_1031 : i32 to index
            %swap3A_1033 = tpu.vector_load %arg8[%swap3A_1032] {strides = array<i32>} : memref<49152xf32, #tpu.memory_space<vmem>>, vector<16xf32>,
            tpu.vector_store %arg8[%swap3A_1032], %gather3A_1029 {strides = array<i32>} : memref<49152xf32, #tpu.memory_space<vmem>>, vector<16xf32>,
            %get3A_1034 = arith.constant 48 : index
            %get3A_1035 = tpu.vector_load %arg7[%get3A_1034] {strides = array<i32>} : memref<96xi32, #tpu.memory_space<vmem>>, vector<16xi32>,
            %mul3A_1036 = arith.constant 64 : i32
            %mul3A_1037 = vector.broadcast %mul3A_1036 : i32 to vector<16xi32>
            %mul3A_1038 = arith.muli %get3A_1035, %mul3A_1037 : vector<16xi32>
            %add3A_1039 = vector.broadcast %add3A_322 : i32 to vector<16xi32>
            %add3A_1040 = arith.addi %mul3A_1038, %add3A_1039 : vector<16xi32>
            %gather3A_1041 = tpu.vector_load_idx %arg6[%add3A_1040] : memref<960xf32, #tpu.memory_space<vmem>>[vector<16xi32>], vector<16xf32>,
            %mul3A_1042 = arith.constant 96 : i32
            %mul3A_1043 = arith.muli %scan3A_321, %mul3A_1042 : i32
            %mul3A_1044 = arith.constant 16 : i32
            %mul3A_1045 = arith.muli %mul3A_1043, %mul3A_1044 : i32
            %add3A_1046 = arith.constant 768 : i32
            %add3A_1047 = arith.addi %mul3A_1045, %add3A_1046 : i32
            %lt3A_1048 = arith.constant 0 : i32
            %lt3A_1049 = vector.broadcast %lt3A_1048 : i32 to vector<16xi32>
            %lt3A_1050 = arith.cmpi slt, %broadcast_in_dim3A_47, %lt3A_1049 : vector<16xi32>
            %add3A_1051 = arith.constant 16 : i32
            %add3A_1052 = vector.broadcast %add3A_1051 : i32 to vector<16xi32>
            %add3A_1053 = arith.addi %broadcast_in_dim3A_47, %add3A_1052 : vector<16xi32>
            %select_n3A_1054 = arith.select %lt3A_1050, %add3A_1053, %broadcast_in_dim3A_47 : vector<16xi1>, vector<16xi32>
            %broadcast_in_dim3A_1055 = vector.shape_cast %select_n3A_1054 : vector<16xi32> to vector<16x1xi32>
            %gather3A_1056 = vector.shape_cast %broadcast_in_dim3A_1055 : vector<16x1xi32> to vector<16xi32>
            %gather3A_1057 = tpu.dynamic_gather %gather3A_1041[%gather3A_1056] in [0] : vector<16xf32>, vector<16xi32> -> vector<16xf32>
            %add3A_1058 = arith.constant 0 : i32
            %add3A_1059 = arith.addi %add3A_1047, %add3A_1058 : i32
            %swap3A_1060 = arith.index_cast %add3A_1059 : i32 to index
            %swap3A_1061 = tpu.vector_load %arg8[%swap3A_1060] {strides = array<i32>} : memref<49152xf32, #tpu.memory_space<vmem>>, vector<16xf32>,
            tpu.vector_store %arg8[%swap3A_1060], %gather3A_1057 {strides = array<i32>} : memref<49152xf32, #tpu.memory_space<vmem>>, vector<16xf32>,
            %lt3A_1062 = arith.constant 0 : i32
            %lt3A_1063 = vector.broadcast %lt3A_1062 : i32 to vector<16xi32>
            %lt3A_1064 = arith.cmpi slt, %broadcast_in_dim3A_49, %lt3A_1063 : vector<16xi32>
            %add3A_1065 = arith.constant 16 : i32
            %add3A_1066 = vector.broadcast %add3A_1065 : i32 to vector<16xi32>
            %add3A_1067 = arith.addi %broadcast_in_dim3A_49, %add3A_1066 : vector<16xi32>
            %select_n3A_1068 = arith.select %lt3A_1064, %add3A_1067, %broadcast_in_dim3A_49 : vector<16xi1>, vector<16xi32>
            %broadcast_in_dim3A_1069 = vector.shape_cast %select_n3A_1068 : vector<16xi32> to vector<16x1xi32>
            %gather3A_1070 = vector.shape_cast %broadcast_in_dim3A_1069 : vector<16x1xi32> to vector<16xi32>
            %gather3A_1071 = tpu.dynamic_gather %gather3A_1041[%gather3A_1070] in [0] : vector<16xf32>, vector<16xi32> -> vector<16xf32>
            %add3A_1072 = arith.constant 16 : i32
            %add3A_1073 = arith.addi %add3A_1047, %add3A_1072 : i32
            %swap3A_1074 = arith.index_cast %add3A_1073 : i32 to index
            %swap3A_1075 = tpu.vector_load %arg8[%swap3A_1074] {strides = array<i32>} : memref<49152xf32, #tpu.memory_space<vmem>>, vector<16xf32>,
            tpu.vector_store %arg8[%swap3A_1074], %gather3A_1071 {strides = array<i32>} : memref<49152xf32, #tpu.memory_space<vmem>>, vector<16xf32>,
            %lt3A_1076 = arith.constant 0 : i32
            %lt3A_1077 = vector.broadcast %lt3A_1076 : i32 to vector<16xi32>
            %lt3A_1078 = arith.cmpi slt, %broadcast_in_dim3A_51, %lt3A_1077 : vector<16xi32>
            %add3A_1079 = arith.constant 16 : i32
            %add3A_1080 = vector.broadcast %add3A_1079 : i32 to vector<16xi32>
            %add3A_1081 = arith.addi %broadcast_in_dim3A_51, %add3A_1080 : vector<16xi32>
            %select_n3A_1082 = arith.select %lt3A_1078, %add3A_1081, %broadcast_in_dim3A_51 : vector<16xi1>, vector<16xi32>
            %broadcast_in_dim3A_1083 = vector.shape_cast %select_n3A_1082 : vector<16xi32> to vector<16x1xi32>
            %gather3A_1084 = vector.shape_cast %broadcast_in_dim3A_1083 : vector<16x1xi32> to vector<16xi32>
            %gather3A_1085 = tpu.dynamic_gather %gather3A_1041[%gather3A_1084] in [0] : vector<16xf32>, vector<16xi32> -> vector<16xf32>
            %add3A_1086 = arith.constant 32 : i32
            %add3A_1087 = arith.addi %add3A_1047, %add3A_1086 : i32
            %swap3A_1088 = arith.index_cast %add3A_1087 : i32 to index
            %swap3A_1089 = tpu.vector_load %arg8[%swap3A_1088] {strides = array<i32>} : memref<49152xf32, #tpu.memory_space<vmem>>, vector<16xf32>,
            tpu.vector_store %arg8[%swap3A_1088], %gather3A_1085 {strides = array<i32>} : memref<49152xf32, #tpu.memory_space<vmem>>, vector<16xf32>,
            %lt3A_1090 = arith.constant 0 : i32
            %lt3A_1091 = vector.broadcast %lt3A_1090 : i32 to vector<16xi32>
            %lt3A_1092 = arith.cmpi slt, %broadcast_in_dim3A_53, %lt3A_1091 : vector<16xi32>
            %add3A_1093 = arith.constant 16 : i32
            %add3A_1094 = vector.broadcast %add3A_1093 : i32 to vector<16xi32>
            %add3A_1095 = arith.addi %broadcast_in_dim3A_53, %add3A_1094 : vector<16xi32>
            %select_n3A_1096 = arith.select %lt3A_1092, %add3A_1095, %broadcast_in_dim3A_53 : vector<16xi1>, vector<16xi32>
            %broadcast_in_dim3A_1097 = vector.shape_cast %select_n3A_1096 : vector<16xi32> to vector<16x1xi32>
            %gather3A_1098 = vector.shape_cast %broadcast_in_dim3A_1097 : vector<16x1xi32> to vector<16xi32>
            %gather3A_1099 = tpu.dynamic_gather %gather3A_1041[%gather3A_1098] in [0] : vector<16xf32>, vector<16xi32> -> vector<16xf32>
            %add3A_1100 = arith.constant 48 : i32
            %add3A_1101 = arith.addi %add3A_1047, %add3A_1100 : i32
            %swap3A_1102 = arith.index_cast %add3A_1101 : i32 to index
            %swap3A_1103 = tpu.vector_load %arg8[%swap3A_1102] {strides = array<i32>} : memref<49152xf32, #tpu.memory_space<vmem>>, vector<16xf32>,
            tpu.vector_store %arg8[%swap3A_1102], %gather3A_1099 {strides = array<i32>} : memref<49152xf32, #tpu.memory_space<vmem>>, vector<16xf32>,
            %lt3A_1104 = arith.constant 0 : i32
            %lt3A_1105 = vector.broadcast %lt3A_1104 : i32 to vector<16xi32>
            %lt3A_1106 = arith.cmpi slt, %broadcast_in_dim3A_55, %lt3A_1105 : vector<16xi32>
            %add3A_1107 = arith.constant 16 : i32
            %add3A_1108 = vector.broadcast %add3A_1107 : i32 to vector<16xi32>
            %add3A_1109 = arith.addi %broadcast_in_dim3A_55, %add3A_1108 : vector<16xi32>
            %select_n3A_1110 = arith.select %lt3A_1106, %add3A_1109, %broadcast_in_dim3A_55 : vector<16xi1>, vector<16xi32>
            %broadcast_in_dim3A_1111 = vector.shape_cast %select_n3A_1110 : vector<16xi32> to vector<16x1xi32>
            %gather3A_1112 = vector.shape_cast %broadcast_in_dim3A_1111 : vector<16x1xi32> to vector<16xi32>
            %gather3A_1113 = tpu.dynamic_gather %gather3A_1041[%gather3A_1112] in [0] : vector<16xf32>, vector<16xi32> -> vector<16xf32>
            %add3A_1114 = arith.constant 64 : i32
            %add3A_1115 = arith.addi %add3A_1047, %add3A_1114 : i32
            %swap3A_1116 = arith.index_cast %add3A_1115 : i32 to index
            %swap3A_1117 = tpu.vector_load %arg8[%swap3A_1116] {strides = array<i32>} : memref<49152xf32, #tpu.memory_space<vmem>>, vector<16xf32>,
            tpu.vector_store %arg8[%swap3A_1116], %gather3A_1113 {strides = array<i32>} : memref<49152xf32, #tpu.memory_space<vmem>>, vector<16xf32>,
            %lt3A_1118 = arith.constant 0 : i32
            %lt3A_1119 = vector.broadcast %lt3A_1118 : i32 to vector<16xi32>
            %lt3A_1120 = arith.cmpi slt, %broadcast_in_dim3A_57, %lt3A_1119 : vector<16xi32>
            %add3A_1121 = arith.constant 16 : i32
            %add3A_1122 = vector.broadcast %add3A_1121 : i32 to vector<16xi32>
            %add3A_1123 = arith.addi %broadcast_in_dim3A_57, %add3A_1122 : vector<16xi32>
            %select_n3A_1124 = arith.select %lt3A_1120, %add3A_1123, %broadcast_in_dim3A_57 : vector<16xi1>, vector<16xi32>
            %broadcast_in_dim3A_1125 = vector.shape_cast %select_n3A_1124 : vector<16xi32> to vector<16x1xi32>
            %gather3A_1126 = vector.shape_cast %broadcast_in_dim3A_1125 : vector<16x1xi32> to vector<16xi32>
            %gather3A_1127 = tpu.dynamic_gather %gather3A_1041[%gather3A_1126] in [0] : vector<16xf32>, vector<16xi32> -> vector<16xf32>
            %add3A_1128 = arith.constant 80 : i32
            %add3A_1129 = arith.addi %add3A_1047, %add3A_1128 : i32
            %swap3A_1130 = arith.index_cast %add3A_1129 : i32 to index
            %swap3A_1131 = tpu.vector_load %arg8[%swap3A_1130] {strides = array<i32>} : memref<49152xf32, #tpu.memory_space<vmem>>, vector<16xf32>,
            tpu.vector_store %arg8[%swap3A_1130], %gather3A_1127 {strides = array<i32>} : memref<49152xf32, #tpu.memory_space<vmem>>, vector<16xf32>,
            %lt3A_1132 = arith.constant 0 : i32
            %lt3A_1133 = vector.broadcast %lt3A_1132 : i32 to vector<16xi32>
            %lt3A_1134 = arith.cmpi slt, %broadcast_in_dim3A_59, %lt3A_1133 : vector<16xi32>
            %add3A_1135 = arith.constant 16 : i32
            %add3A_1136 = vector.broadcast %add3A_1135 : i32 to vector<16xi32>
            %add3A_1137 = arith.addi %broadcast_in_dim3A_59, %add3A_1136 : vector<16xi32>
            %select_n3A_1138 = arith.select %lt3A_1134, %add3A_1137, %broadcast_in_dim3A_59 : vector<16xi1>, vector<16xi32>
            %broadcast_in_dim3A_1139 = vector.shape_cast %select_n3A_1138 : vector<16xi32> to vector<16x1xi32>
            %gather3A_1140 = vector.shape_cast %broadcast_in_dim3A_1139 : vector<16x1xi32> to vector<16xi32>
            %gather3A_1141 = tpu.dynamic_gather %gather3A_1041[%gather3A_1140] in [0] : vector<16xf32>, vector<16xi32> -> vector<16xf32>
            %add3A_1142 = arith.constant 96 : i32
            %add3A_1143 = arith.addi %add3A_1047, %add3A_1142 : i32
            %swap3A_1144 = arith.index_cast %add3A_1143 : i32 to index
            %swap3A_1145 = tpu.vector_load %arg8[%swap3A_1144] {strides = array<i32>} : memref<49152xf32, #tpu.memory_space<vmem>>, vector<16xf32>,
            tpu.vector_store %arg8[%swap3A_1144], %gather3A_1141 {strides = array<i32>} : memref<49152xf32, #tpu.memory_space<vmem>>, vector<16xf32>,
            %lt3A_1146 = arith.constant 0 : i32
            %lt3A_1147 = vector.broadcast %lt3A_1146 : i32 to vector<16xi32>
            %lt3A_1148 = arith.cmpi slt, %broadcast_in_dim3A_61, %lt3A_1147 : vector<16xi32>
            %add3A_1149 = arith.constant 16 : i32
            %add3A_1150 = vector.broadcast %add3A_1149 : i32 to vector<16xi32>
            %add3A_1151 = arith.addi %broadcast_in_dim3A_61, %add3A_1150 : vector<16xi32>
            %select_n3A_1152 = arith.select %lt3A_1148, %add3A_1151, %broadcast_in_dim3A_61 : vector<16xi1>, vector<16xi32>
            %broadcast_in_dim3A_1153 = vector.shape_cast %select_n3A_1152 : vector<16xi32> to vector<16x1xi32>
            %gather3A_1154 = vector.shape_cast %broadcast_in_dim3A_1153 : vector<16x1xi32> to vector<16xi32>
            %gather3A_1155 = tpu.dynamic_gather %gather3A_1041[%gather3A_1154] in [0] : vector<16xf32>, vector<16xi32> -> vector<16xf32>
            %add3A_1156 = arith.constant 112 : i32
            %add3A_1157 = arith.addi %add3A_1047, %add3A_1156 : i32
            %swap3A_1158 = arith.index_cast %add3A_1157 : i32 to index
            %swap3A_1159 = tpu.vector_load %arg8[%swap3A_1158] {strides = array<i32>} : memref<49152xf32, #tpu.memory_space<vmem>>, vector<16xf32>,
            tpu.vector_store %arg8[%swap3A_1158], %gather3A_1155 {strides = array<i32>} : memref<49152xf32, #tpu.memory_space<vmem>>, vector<16xf32>,
            %lt3A_1160 = arith.constant 0 : i32
            %lt3A_1161 = vector.broadcast %lt3A_1160 : i32 to vector<16xi32>
            %lt3A_1162 = arith.cmpi slt, %broadcast_in_dim3A_63, %lt3A_1161 : vector<16xi32>
            %add3A_1163 = arith.constant 16 : i32
            %add3A_1164 = vector.broadcast %add3A_1163 : i32 to vector<16xi32>
            %add3A_1165 = arith.addi %broadcast_in_dim3A_63, %add3A_1164 : vector<16xi32>
            %select_n3A_1166 = arith.select %lt3A_1162, %add3A_1165, %broadcast_in_dim3A_63 : vector<16xi1>, vector<16xi32>
            %broadcast_in_dim3A_1167 = vector.shape_cast %select_n3A_1166 : vector<16xi32> to vector<16x1xi32>
            %gather3A_1168 = vector.shape_cast %broadcast_in_dim3A_1167 : vector<16x1xi32> to vector<16xi32>
            %gather3A_1169 = tpu.dynamic_gather %gather3A_1041[%gather3A_1168] in [0] : vector<16xf32>, vector<16xi32> -> vector<16xf32>
            %add3A_1170 = arith.constant 128 : i32
            %add3A_1171 = arith.addi %add3A_1047, %add3A_1170 : i32
            %swap3A_1172 = arith.index_cast %add3A_1171 : i32 to index
            %swap3A_1173 = tpu.vector_load %arg8[%swap3A_1172] {strides = array<i32>} : memref<49152xf32, #tpu.memory_space<vmem>>, vector<16xf32>,
            tpu.vector_store %arg8[%swap3A_1172], %gather3A_1169 {strides = array<i32>} : memref<49152xf32, #tpu.memory_space<vmem>>, vector<16xf32>,
            %lt3A_1174 = arith.constant 0 : i32
            %lt3A_1175 = vector.broadcast %lt3A_1174 : i32 to vector<16xi32>
            %lt3A_1176 = arith.cmpi slt, %broadcast_in_dim3A_65, %lt3A_1175 : vector<16xi32>
            %add3A_1177 = arith.constant 16 : i32
            %add3A_1178 = vector.broadcast %add3A_1177 : i32 to vector<16xi32>
            %add3A_1179 = arith.addi %broadcast_in_dim3A_65, %add3A_1178 : vector<16xi32>
            %select_n3A_1180 = arith.select %lt3A_1176, %add3A_1179, %broadcast_in_dim3A_65 : vector<16xi1>, vector<16xi32>
            %broadcast_in_dim3A_1181 = vector.shape_cast %select_n3A_1180 : vector<16xi32> to vector<16x1xi32>
            %gather3A_1182 = vector.shape_cast %broadcast_in_dim3A_1181 : vector<16x1xi32> to vector<16xi32>
            %gather3A_1183 = tpu.dynamic_gather %gather3A_1041[%gather3A_1182] in [0] : vector<16xf32>, vector<16xi32> -> vector<16xf32>
            %add3A_1184 = arith.constant 144 : i32
            %add3A_1185 = arith.addi %add3A_1047, %add3A_1184 : i32
            %swap3A_1186 = arith.index_cast %add3A_1185 : i32 to index
            %swap3A_1187 = tpu.vector_load %arg8[%swap3A_1186] {strides = array<i32>} : memref<49152xf32, #tpu.memory_space<vmem>>, vector<16xf32>,
            tpu.vector_store %arg8[%swap3A_1186], %gather3A_1183 {strides = array<i32>} : memref<49152xf32, #tpu.memory_space<vmem>>, vector<16xf32>,
            %lt3A_1188 = arith.constant 0 : i32
            %lt3A_1189 = vector.broadcast %lt3A_1188 : i32 to vector<16xi32>
            %lt3A_1190 = arith.cmpi slt, %broadcast_in_dim3A_67, %lt3A_1189 : vector<16xi32>
            %add3A_1191 = arith.constant 16 : i32
            %add3A_1192 = vector.broadcast %add3A_1191 : i32 to vector<16xi32>
            %add3A_1193 = arith.addi %broadcast_in_dim3A_67, %add3A_1192 : vector<16xi32>
            %select_n3A_1194 = arith.select %lt3A_1190, %add3A_1193, %broadcast_in_dim3A_67 : vector<16xi1>, vector<16xi32>
            %broadcast_in_dim3A_1195 = vector.shape_cast %select_n3A_1194 : vector<16xi32> to vector<16x1xi32>
            %gather3A_1196 = vector.shape_cast %broadcast_in_dim3A_1195 : vector<16x1xi32> to vector<16xi32>
            %gather3A_1197 = tpu.dynamic_gather %gather3A_1041[%gather3A_1196] in [0] : vector<16xf32>, vector<16xi32> -> vector<16xf32>
            %add3A_1198 = arith.constant 160 : i32
            %add3A_1199 = arith.addi %add3A_1047, %add3A_1198 : i32
            %swap3A_1200 = arith.index_cast %add3A_1199 : i32 to index
            %swap3A_1201 = tpu.vector_load %arg8[%swap3A_1200] {strides = array<i32>} : memref<49152xf32, #tpu.memory_space<vmem>>, vector<16xf32>,
            tpu.vector_store %arg8[%swap3A_1200], %gather3A_1197 {strides = array<i32>} : memref<49152xf32, #tpu.memory_space<vmem>>, vector<16xf32>,
            %lt3A_1202 = arith.constant 0 : i32
            %lt3A_1203 = vector.broadcast %lt3A_1202 : i32 to vector<16xi32>
            %lt3A_1204 = arith.cmpi slt, %broadcast_in_dim3A_69, %lt3A_1203 : vector<16xi32>
            %add3A_1205 = arith.constant 16 : i32
            %add3A_1206 = vector.broadcast %add3A_1205 : i32 to vector<16xi32>
            %add3A_1207 = arith.addi %broadcast_in_dim3A_69, %add3A_1206 : vector<16xi32>
            %select_n3A_1208 = arith.select %lt3A_1204, %add3A_1207, %broadcast_in_dim3A_69 : vector<16xi1>, vector<16xi32>
            %broadcast_in_dim3A_1209 = vector.shape_cast %select_n3A_1208 : vector<16xi32> to vector<16x1xi32>
            %gather3A_1210 = vector.shape_cast %broadcast_in_dim3A_1209 : vector<16x1xi32> to vector<16xi32>
            %gather3A_1211 = tpu.dynamic_gather %gather3A_1041[%gather3A_1210] in [0] : vector<16xf32>, vector<16xi32> -> vector<16xf32>
            %add3A_1212 = arith.constant 176 : i32
            %add3A_1213 = arith.addi %add3A_1047, %add3A_1212 : i32
            %swap3A_1214 = arith.index_cast %add3A_1213 : i32 to index
            %swap3A_1215 = tpu.vector_load %arg8[%swap3A_1214] {strides = array<i32>} : memref<49152xf32, #tpu.memory_space<vmem>>, vector<16xf32>,
            tpu.vector_store %arg8[%swap3A_1214], %gather3A_1211 {strides = array<i32>} : memref<49152xf32, #tpu.memory_space<vmem>>, vector<16xf32>,
            %lt3A_1216 = arith.constant 0 : i32
            %lt3A_1217 = vector.broadcast %lt3A_1216 : i32 to vector<16xi32>
            %lt3A_1218 = arith.cmpi slt, %broadcast_in_dim3A_71, %lt3A_1217 : vector<16xi32>
            %add3A_1219 = arith.constant 16 : i32
            %add3A_1220 = vector.broadcast %add3A_1219 : i32 to vector<16xi32>
            %add3A_1221 = arith.addi %broadcast_in_dim3A_71, %add3A_1220 : vector<16xi32>
            %select_n3A_1222 = arith.select %lt3A_1218, %add3A_1221, %broadcast_in_dim3A_71 : vector<16xi1>, vector<16xi32>
            %broadcast_in_dim3A_1223 = vector.shape_cast %select_n3A_1222 : vector<16xi32> to vector<16x1xi32>
            %gather3A_1224 = vector.shape_cast %broadcast_in_dim3A_1223 : vector<16x1xi32> to vector<16xi32>
            %gather3A_1225 = tpu.dynamic_gather %gather3A_1041[%gather3A_1224] in [0] : vector<16xf32>, vector<16xi32> -> vector<16xf32>
            %add3A_1226 = arith.constant 192 : i32
            %add3A_1227 = arith.addi %add3A_1047, %add3A_1226 : i32
            %swap3A_1228 = arith.index_cast %add3A_1227 : i32 to index
            %swap3A_1229 = tpu.vector_load %arg8[%swap3A_1228] {strides = array<i32>} : memref<49152xf32, #tpu.memory_space<vmem>>, vector<16xf32>,
            tpu.vector_store %arg8[%swap3A_1228], %gather3A_1225 {strides = array<i32>} : memref<49152xf32, #tpu.memory_space<vmem>>, vector<16xf32>,
            %lt3A_1230 = arith.constant 0 : i32
            %lt3A_1231 = vector.broadcast %lt3A_1230 : i32 to vector<16xi32>
            %lt3A_1232 = arith.cmpi slt, %broadcast_in_dim3A_73, %lt3A_1231 : vector<16xi32>
            %add3A_1233 = arith.constant 16 : i32
            %add3A_1234 = vector.broadcast %add3A_1233 : i32 to vector<16xi32>
            %add3A_1235 = arith.addi %broadcast_in_dim3A_73, %add3A_1234 : vector<16xi32>
            %select_n3A_1236 = arith.select %lt3A_1232, %add3A_1235, %broadcast_in_dim3A_73 : vector<16xi1>, vector<16xi32>
            %broadcast_in_dim3A_1237 = vector.shape_cast %select_n3A_1236 : vector<16xi32> to vector<16x1xi32>
            %gather3A_1238 = vector.shape_cast %broadcast_in_dim3A_1237 : vector<16x1xi32> to vector<16xi32>
            %gather3A_1239 = tpu.dynamic_gather %gather3A_1041[%gather3A_1238] in [0] : vector<16xf32>, vector<16xi32> -> vector<16xf32>
            %add3A_1240 = arith.constant 208 : i32
            %add3A_1241 = arith.addi %add3A_1047, %add3A_1240 : i32
            %swap3A_1242 = arith.index_cast %add3A_1241 : i32 to index
            %swap3A_1243 = tpu.vector_load %arg8[%swap3A_1242] {strides = array<i32>} : memref<49152xf32, #tpu.memory_space<vmem>>, vector<16xf32>,
            tpu.vector_store %arg8[%swap3A_1242], %gather3A_1239 {strides = array<i32>} : memref<49152xf32, #tpu.memory_space<vmem>>, vector<16xf32>,
            %lt3A_1244 = arith.constant 0 : i32
            %lt3A_1245 = vector.broadcast %lt3A_1244 : i32 to vector<16xi32>
            %lt3A_1246 = arith.cmpi slt, %broadcast_in_dim3A_75, %lt3A_1245 : vector<16xi32>
            %add3A_1247 = arith.constant 16 : i32
            %add3A_1248 = vector.broadcast %add3A_1247 : i32 to vector<16xi32>
            %add3A_1249 = arith.addi %broadcast_in_dim3A_75, %add3A_1248 : vector<16xi32>
            %select_n3A_1250 = arith.select %lt3A_1246, %add3A_1249, %broadcast_in_dim3A_75 : vector<16xi1>, vector<16xi32>
            %broadcast_in_dim3A_1251 = vector.shape_cast %select_n3A_1250 : vector<16xi32> to vector<16x1xi32>
            %gather3A_1252 = vector.shape_cast %broadcast_in_dim3A_1251 : vector<16x1xi32> to vector<16xi32>
            %gather3A_1253 = tpu.dynamic_gather %gather3A_1041[%gather3A_1252] in [0] : vector<16xf32>, vector<16xi32> -> vector<16xf32>
            %add3A_1254 = arith.constant 224 : i32
            %add3A_1255 = arith.addi %add3A_1047, %add3A_1254 : i32
            %swap3A_1256 = arith.index_cast %add3A_1255 : i32 to index
            %swap3A_1257 = tpu.vector_load %arg8[%swap3A_1256] {strides = array<i32>} : memref<49152xf32, #tpu.memory_space<vmem>>, vector<16xf32>,
            tpu.vector_store %arg8[%swap3A_1256], %gather3A_1253 {strides = array<i32>} : memref<49152xf32, #tpu.memory_space<vmem>>, vector<16xf32>,
            %lt3A_1258 = arith.constant 0 : i32
            %lt3A_1259 = vector.broadcast %lt3A_1258 : i32 to vector<16xi32>
            %lt3A_1260 = arith.cmpi slt, %broadcast_in_dim3A_77, %lt3A_1259 : vector<16xi32>
            %add3A_1261 = arith.constant 16 : i32
            %add3A_1262 = vector.broadcast %add3A_1261 : i32 to vector<16xi32>
            %add3A_1263 = arith.addi %broadcast_in_dim3A_77, %add3A_1262 : vector<16xi32>
            %select_n3A_1264 = arith.select %lt3A_1260, %add3A_1263, %broadcast_in_dim3A_77 : vector<16xi1>, vector<16xi32>
            %broadcast_in_dim3A_1265 = vector.shape_cast %select_n3A_1264 : vector<16xi32> to vector<16x1xi32>
            %gather3A_1266 = vector.shape_cast %broadcast_in_dim3A_1265 : vector<16x1xi32> to vector<16xi32>
            %gather3A_1267 = tpu.dynamic_gather %gather3A_1041[%gather3A_1266] in [0] : vector<16xf32>, vector<16xi32> -> vector<16xf32>
            %add3A_1268 = arith.constant 240 : i32
            %add3A_1269 = arith.addi %add3A_1047, %add3A_1268 : i32
            %swap3A_1270 = arith.index_cast %add3A_1269 : i32 to index
            %swap3A_1271 = tpu.vector_load %arg8[%swap3A_1270] {strides = array<i32>} : memref<49152xf32, #tpu.memory_space<vmem>>, vector<16xf32>,
            tpu.vector_store %arg8[%swap3A_1270], %gather3A_1267 {strides = array<i32>} : memref<49152xf32, #tpu.memory_space<vmem>>, vector<16xf32>,
            %get3A_1272 = arith.constant 64 : index
            %get3A_1273 = tpu.vector_load %arg7[%get3A_1272] {strides = array<i32>} : memref<96xi32, #tpu.memory_space<vmem>>, vector<16xi32>,
            %mul3A_1274 = arith.constant 64 : i32
            %mul3A_1275 = vector.broadcast %mul3A_1274 : i32 to vector<16xi32>
            %mul3A_1276 = arith.muli %get3A_1273, %mul3A_1275 : vector<16xi32>
            %add3A_1277 = vector.broadcast %add3A_322 : i32 to vector<16xi32>
            %add3A_1278 = arith.addi %mul3A_1276, %add3A_1277 : vector<16xi32>
            %gather3A_1279 = tpu.vector_load_idx %arg6[%add3A_1278] : memref<960xf32, #tpu.memory_space<vmem>>[vector<16xi32>], vector<16xf32>,
            %mul3A_1280 = arith.constant 96 : i32
            %mul3A_1281 = arith.muli %scan3A_321, %mul3A_1280 : i32
            %mul3A_1282 = arith.constant 16 : i32
            %mul3A_1283 = arith.muli %mul3A_1281, %mul3A_1282 : i32
            %add3A_1284 = arith.constant 1024 : i32
            %add3A_1285 = arith.addi %mul3A_1283, %add3A_1284 : i32
            %lt3A_1286 = arith.constant 0 : i32
            %lt3A_1287 = vector.broadcast %lt3A_1286 : i32 to vector<16xi32>
            %lt3A_1288 = arith.cmpi slt, %broadcast_in_dim3A_47, %lt3A_1287 : vector<16xi32>
            %add3A_1289 = arith.constant 16 : i32
            %add3A_1290 = vector.broadcast %add3A_1289 : i32 to vector<16xi32>
            %add3A_1291 = arith.addi %broadcast_in_dim3A_47, %add3A_1290 : vector<16xi32>
            %select_n3A_1292 = arith.select %lt3A_1288, %add3A_1291, %broadcast_in_dim3A_47 : vector<16xi1>, vector<16xi32>
            %broadcast_in_dim3A_1293 = vector.shape_cast %select_n3A_1292 : vector<16xi32> to vector<16x1xi32>
            %gather3A_1294 = vector.shape_cast %broadcast_in_dim3A_1293 : vector<16x1xi32> to vector<16xi32>
            %gather3A_1295 = tpu.dynamic_gather %gather3A_1279[%gather3A_1294] in [0] : vector<16xf32>, vector<16xi32> -> vector<16xf32>
            %add3A_1296 = arith.constant 0 : i32
            %add3A_1297 = arith.addi %add3A_1285, %add3A_1296 : i32
            %swap3A_1298 = arith.index_cast %add3A_1297 : i32 to index
            %swap3A_1299 = tpu.vector_load %arg8[%swap3A_1298] {strides = array<i32>} : memref<49152xf32, #tpu.memory_space<vmem>>, vector<16xf32>,
            tpu.vector_store %arg8[%swap3A_1298], %gather3A_1295 {strides = array<i32>} : memref<49152xf32, #tpu.memory_space<vmem>>, vector<16xf32>,
            %lt3A_1300 = arith.constant 0 : i32
            %lt3A_1301 = vector.broadcast %lt3A_1300 : i32 to vector<16xi32>
            %lt3A_1302 = arith.cmpi slt, %broadcast_in_dim3A_49, %lt3A_1301 : vector<16xi32>
            %add3A_1303 = arith.constant 16 : i32
            %add3A_1304 = vector.broadcast %add3A_1303 : i32 to vector<16xi32>
            %add3A_1305 = arith.addi %broadcast_in_dim3A_49, %add3A_1304 : vector<16xi32>
            %select_n3A_1306 = arith.select %lt3A_1302, %add3A_1305, %broadcast_in_dim3A_49 : vector<16xi1>, vector<16xi32>
            %broadcast_in_dim3A_1307 = vector.shape_cast %select_n3A_1306 : vector<16xi32> to vector<16x1xi32>
            %gather3A_1308 = vector.shape_cast %broadcast_in_dim3A_1307 : vector<16x1xi32> to vector<16xi32>
            %gather3A_1309 = tpu.dynamic_gather %gather3A_1279[%gather3A_1308] in [0] : vector<16xf32>, vector<16xi32> -> vector<16xf32>
            %add3A_1310 = arith.constant 16 : i32
            %add3A_1311 = arith.addi %add3A_1285, %add3A_1310 : i32
            %swap3A_1312 = arith.index_cast %add3A_1311 : i32 to index
            %swap3A_1313 = tpu.vector_load %arg8[%swap3A_1312] {strides = array<i32>} : memref<49152xf32, #tpu.memory_space<vmem>>, vector<16xf32>,
            tpu.vector_store %arg8[%swap3A_1312], %gather3A_1309 {strides = array<i32>} : memref<49152xf32, #tpu.memory_space<vmem>>, vector<16xf32>,
            %lt3A_1314 = arith.constant 0 : i32
            %lt3A_1315 = vector.broadcast %lt3A_1314 : i32 to vector<16xi32>
            %lt3A_1316 = arith.cmpi slt, %broadcast_in_dim3A_51, %lt3A_1315 : vector<16xi32>
            %add3A_1317 = arith.constant 16 : i32
            %add3A_1318 = vector.broadcast %add3A_1317 : i32 to vector<16xi32>
            %add3A_1319 = arith.addi %broadcast_in_dim3A_51, %add3A_1318 : vector<16xi32>
            %select_n3A_1320 = arith.select %lt3A_1316, %add3A_1319, %broadcast_in_dim3A_51 : vector<16xi1>, vector<16xi32>
            %broadcast_in_dim3A_1321 = vector.shape_cast %select_n3A_1320 : vector<16xi32> to vector<16x1xi32>
            %gather3A_1322 = vector.shape_cast %broadcast_in_dim3A_1321 : vector<16x1xi32> to vector<16xi32>
            %gather3A_1323 = tpu.dynamic_gather %gather3A_1279[%gather3A_1322] in [0] : vector<16xf32>, vector<16xi32> -> vector<16xf32>
            %add3A_1324 = arith.constant 32 : i32
            %add3A_1325 = arith.addi %add3A_1285, %add3A_1324 : i32
            %swap3A_1326 = arith.index_cast %add3A_1325 : i32 to index
            %swap3A_1327 = tpu.vector_load %arg8[%swap3A_1326] {strides = array<i32>} : memref<49152xf32, #tpu.memory_space<vmem>>, vector<16xf32>,
            tpu.vector_store %arg8[%swap3A_1326], %gather3A_1323 {strides = array<i32>} : memref<49152xf32, #tpu.memory_space<vmem>>, vector<16xf32>,
            %lt3A_1328 = arith.constant 0 : i32
            %lt3A_1329 = vector.broadcast %lt3A_1328 : i32 to vector<16xi32>
            %lt3A_1330 = arith.cmpi slt, %broadcast_in_dim3A_53, %lt3A_1329 : vector<16xi32>
            %add3A_1331 = arith.constant 16 : i32
            %add3A_1332 = vector.broadcast %add3A_1331 : i32 to vector<16xi32>
            %add3A_1333 = arith.addi %broadcast_in_dim3A_53, %add3A_1332 : vector<16xi32>
            %select_n3A_1334 = arith.select %lt3A_1330, %add3A_1333, %broadcast_in_dim3A_53 : vector<16xi1>, vector<16xi32>
            %broadcast_in_dim3A_1335 = vector.shape_cast %select_n3A_1334 : vector<16xi32> to vector<16x1xi32>
            %gather3A_1336 = vector.shape_cast %broadcast_in_dim3A_1335 : vector<16x1xi32> to vector<16xi32>
            %gather3A_1337 = tpu.dynamic_gather %gather3A_1279[%gather3A_1336] in [0] : vector<16xf32>, vector<16xi32> -> vector<16xf32>
            %add3A_1338 = arith.constant 48 : i32
            %add3A_1339 = arith.addi %add3A_1285, %add3A_1338 : i32
            %swap3A_1340 = arith.index_cast %add3A_1339 : i32 to index
            %swap3A_1341 = tpu.vector_load %arg8[%swap3A_1340] {strides = array<i32>} : memref<49152xf32, #tpu.memory_space<vmem>>, vector<16xf32>,
            tpu.vector_store %arg8[%swap3A_1340], %gather3A_1337 {strides = array<i32>} : memref<49152xf32, #tpu.memory_space<vmem>>, vector<16xf32>,
            %lt3A_1342 = arith.constant 0 : i32
            %lt3A_1343 = vector.broadcast %lt3A_1342 : i32 to vector<16xi32>
            %lt3A_1344 = arith.cmpi slt, %broadcast_in_dim3A_55, %lt3A_1343 : vector<16xi32>
            %add3A_1345 = arith.constant 16 : i32
            %add3A_1346 = vector.broadcast %add3A_1345 : i32 to vector<16xi32>
            %add3A_1347 = arith.addi %broadcast_in_dim3A_55, %add3A_1346 : vector<16xi32>
            %select_n3A_1348 = arith.select %lt3A_1344, %add3A_1347, %broadcast_in_dim3A_55 : vector<16xi1>, vector<16xi32>
            %broadcast_in_dim3A_1349 = vector.shape_cast %select_n3A_1348 : vector<16xi32> to vector<16x1xi32>
            %gather3A_1350 = vector.shape_cast %broadcast_in_dim3A_1349 : vector<16x1xi32> to vector<16xi32>
            %gather3A_1351 = tpu.dynamic_gather %gather3A_1279[%gather3A_1350] in [0] : vector<16xf32>, vector<16xi32> -> vector<16xf32>
            %add3A_1352 = arith.constant 64 : i32
            %add3A_1353 = arith.addi %add3A_1285, %add3A_1352 : i32
            %swap3A_1354 = arith.index_cast %add3A_1353 : i32 to index
            %swap3A_1355 = tpu.vector_load %arg8[%swap3A_1354] {strides = array<i32>} : memref<49152xf32, #tpu.memory_space<vmem>>, vector<16xf32>,
            tpu.vector_store %arg8[%swap3A_1354], %gather3A_1351 {strides = array<i32>} : memref<49152xf32, #tpu.memory_space<vmem>>, vector<16xf32>,
            %lt3A_1356 = arith.constant 0 : i32
            %lt3A_1357 = vector.broadcast %lt3A_1356 : i32 to vector<16xi32>
            %lt3A_1358 = arith.cmpi slt, %broadcast_in_dim3A_57, %lt3A_1357 : vector<16xi32>
            %add3A_1359 = arith.constant 16 : i32
            %add3A_1360 = vector.broadcast %add3A_1359 : i32 to vector<16xi32>
            %add3A_1361 = arith.addi %broadcast_in_dim3A_57, %add3A_1360 : vector<16xi32>
            %select_n3A_1362 = arith.select %lt3A_1358, %add3A_1361, %broadcast_in_dim3A_57 : vector<16xi1>, vector<16xi32>
            %broadcast_in_dim3A_1363 = vector.shape_cast %select_n3A_1362 : vector<16xi32> to vector<16x1xi32>
            %gather3A_1364 = vector.shape_cast %broadcast_in_dim3A_1363 : vector<16x1xi32> to vector<16xi32>
            %gather3A_1365 = tpu.dynamic_gather %gather3A_1279[%gather3A_1364] in [0] : vector<16xf32>, vector<16xi32> -> vector<16xf32>
            %add3A_1366 = arith.constant 80 : i32
            %add3A_1367 = arith.addi %add3A_1285, %add3A_1366 : i32
            %swap3A_1368 = arith.index_cast %add3A_1367 : i32 to index
            %swap3A_1369 = tpu.vector_load %arg8[%swap3A_1368] {strides = array<i32>} : memref<49152xf32, #tpu.memory_space<vmem>>, vector<16xf32>,
            tpu.vector_store %arg8[%swap3A_1368], %gather3A_1365 {strides = array<i32>} : memref<49152xf32, #tpu.memory_space<vmem>>, vector<16xf32>,
            %lt3A_1370 = arith.constant 0 : i32
            %lt3A_1371 = vector.broadcast %lt3A_1370 : i32 to vector<16xi32>
            %lt3A_1372 = arith.cmpi slt, %broadcast_in_dim3A_59, %lt3A_1371 : vector<16xi32>
            %add3A_1373 = arith.constant 16 : i32
            %add3A_1374 = vector.broadcast %add3A_1373 : i32 to vector<16xi32>
            %add3A_1375 = arith.addi %broadcast_in_dim3A_59, %add3A_1374 : vector<16xi32>
            %select_n3A_1376 = arith.select %lt3A_1372, %add3A_1375, %broadcast_in_dim3A_59 : vector<16xi1>, vector<16xi32>
            %broadcast_in_dim3A_1377 = vector.shape_cast %select_n3A_1376 : vector<16xi32> to vector<16x1xi32>
            %gather3A_1378 = vector.shape_cast %broadcast_in_dim3A_1377 : vector<16x1xi32> to vector<16xi32>
            %gather3A_1379 = tpu.dynamic_gather %gather3A_1279[%gather3A_1378] in [0] : vector<16xf32>, vector<16xi32> -> vector<16xf32>
            %add3A_1380 = arith.constant 96 : i32
            %add3A_1381 = arith.addi %add3A_1285, %add3A_1380 : i32
            %swap3A_1382 = arith.index_cast %add3A_1381 : i32 to index
            %swap3A_1383 = tpu.vector_load %arg8[%swap3A_1382] {strides = array<i32>} : memref<49152xf32, #tpu.memory_space<vmem>>, vector<16xf32>,
            tpu.vector_store %arg8[%swap3A_1382], %gather3A_1379 {strides = array<i32>} : memref<49152xf32, #tpu.memory_space<vmem>>, vector<16xf32>,
            %lt3A_1384 = arith.constant 0 : i32
            %lt3A_1385 = vector.broadcast %lt3A_1384 : i32 to vector<16xi32>
            %lt3A_1386 = arith.cmpi slt, %broadcast_in_dim3A_61, %lt3A_1385 : vector<16xi32>
            %add3A_1387 = arith.constant 16 : i32
            %add3A_1388 = vector.broadcast %add3A_1387 : i32 to vector<16xi32>
            %add3A_1389 = arith.addi %broadcast_in_dim3A_61, %add3A_1388 : vector<16xi32>
            %select_n3A_1390 = arith.select %lt3A_1386, %add3A_1389, %broadcast_in_dim3A_61 : vector<16xi1>, vector<16xi32>
            %broadcast_in_dim3A_1391 = vector.shape_cast %select_n3A_1390 : vector<16xi32> to vector<16x1xi32>
            %gather3A_1392 = vector.shape_cast %broadcast_in_dim3A_1391 : vector<16x1xi32> to vector<16xi32>
            %gather3A_1393 = tpu.dynamic_gather %gather3A_1279[%gather3A_1392] in [0] : vector<16xf32>, vector<16xi32> -> vector<16xf32>
            %add3A_1394 = arith.constant 112 : i32
            %add3A_1395 = arith.addi %add3A_1285, %add3A_1394 : i32
            %swap3A_1396 = arith.index_cast %add3A_1395 : i32 to index
            %swap3A_1397 = tpu.vector_load %arg8[%swap3A_1396] {strides = array<i32>} : memref<49152xf32, #tpu.memory_space<vmem>>, vector<16xf32>,
            tpu.vector_store %arg8[%swap3A_1396], %gather3A_1393 {strides = array<i32>} : memref<49152xf32, #tpu.memory_space<vmem>>, vector<16xf32>,
            %lt3A_1398 = arith.constant 0 : i32
            %lt3A_1399 = vector.broadcast %lt3A_1398 : i32 to vector<16xi32>
            %lt3A_1400 = arith.cmpi slt, %broadcast_in_dim3A_63, %lt3A_1399 : vector<16xi32>
            %add3A_1401 = arith.constant 16 : i32
            %add3A_1402 = vector.broadcast %add3A_1401 : i32 to vector<16xi32>
            %add3A_1403 = arith.addi %broadcast_in_dim3A_63, %add3A_1402 : vector<16xi32>
            %select_n3A_1404 = arith.select %lt3A_1400, %add3A_1403, %broadcast_in_dim3A_63 : vector<16xi1>, vector<16xi32>
            %broadcast_in_dim3A_1405 = vector.shape_cast %select_n3A_1404 : vector<16xi32> to vector<16x1xi32>
            %gather3A_1406 = vector.shape_cast %broadcast_in_dim3A_1405 : vector<16x1xi32> to vector<16xi32>
            %gather3A_1407 = tpu.dynamic_gather %gather3A_1279[%gather3A_1406] in [0] : vector<16xf32>, vector<16xi32> -> vector<16xf32>
            %add3A_1408 = arith.constant 128 : i32
            %add3A_1409 = arith.addi %add3A_1285, %add3A_1408 : i32
            %swap3A_1410 = arith.index_cast %add3A_1409 : i32 to index
            %swap3A_1411 = tpu.vector_load %arg8[%swap3A_1410] {strides = array<i32>} : memref<49152xf32, #tpu.memory_space<vmem>>, vector<16xf32>,
            tpu.vector_store %arg8[%swap3A_1410], %gather3A_1407 {strides = array<i32>} : memref<49152xf32, #tpu.memory_space<vmem>>, vector<16xf32>,
            %lt3A_1412 = arith.constant 0 : i32
            %lt3A_1413 = vector.broadcast %lt3A_1412 : i32 to vector<16xi32>
            %lt3A_1414 = arith.cmpi slt, %broadcast_in_dim3A_65, %lt3A_1413 : vector<16xi32>
            %add3A_1415 = arith.constant 16 : i32
            %add3A_1416 = vector.broadcast %add3A_1415 : i32 to vector<16xi32>
            %add3A_1417 = arith.addi %broadcast_in_dim3A_65, %add3A_1416 : vector<16xi32>
            %select_n3A_1418 = arith.select %lt3A_1414, %add3A_1417, %broadcast_in_dim3A_65 : vector<16xi1>, vector<16xi32>
            %broadcast_in_dim3A_1419 = vector.shape_cast %select_n3A_1418 : vector<16xi32> to vector<16x1xi32>
            %gather3A_1420 = vector.shape_cast %broadcast_in_dim3A_1419 : vector<16x1xi32> to vector<16xi32>
            %gather3A_1421 = tpu.dynamic_gather %gather3A_1279[%gather3A_1420] in [0] : vector<16xf32>, vector<16xi32> -> vector<16xf32>
            %add3A_1422 = arith.constant 144 : i32
            %add3A_1423 = arith.addi %add3A_1285, %add3A_1422 : i32
            %swap3A_1424 = arith.index_cast %add3A_1423 : i32 to index
            %swap3A_1425 = tpu.vector_load %arg8[%swap3A_1424] {strides = array<i32>} : memref<49152xf32, #tpu.memory_space<vmem>>, vector<16xf32>,
            tpu.vector_store %arg8[%swap3A_1424], %gather3A_1421 {strides = array<i32>} : memref<49152xf32, #tpu.memory_space<vmem>>, vector<16xf32>,
            %lt3A_1426 = arith.constant 0 : i32
            %lt3A_1427 = vector.broadcast %lt3A_1426 : i32 to vector<16xi32>
            %lt3A_1428 = arith.cmpi slt, %broadcast_in_dim3A_67, %lt3A_1427 : vector<16xi32>
            %add3A_1429 = arith.constant 16 : i32
            %add3A_1430 = vector.broadcast %add3A_1429 : i32 to vector<16xi32>
            %add3A_1431 = arith.addi %broadcast_in_dim3A_67, %add3A_1430 : vector<16xi32>
            %select_n3A_1432 = arith.select %lt3A_1428, %add3A_1431, %broadcast_in_dim3A_67 : vector<16xi1>, vector<16xi32>
            %broadcast_in_dim3A_1433 = vector.shape_cast %select_n3A_1432 : vector<16xi32> to vector<16x1xi32>
            %gather3A_1434 = vector.shape_cast %broadcast_in_dim3A_1433 : vector<16x1xi32> to vector<16xi32>
            %gather3A_1435 = tpu.dynamic_gather %gather3A_1279[%gather3A_1434] in [0] : vector<16xf32>, vector<16xi32> -> vector<16xf32>
            %add3A_1436 = arith.constant 160 : i32
            %add3A_1437 = arith.addi %add3A_1285, %add3A_1436 : i32
            %swap3A_1438 = arith.index_cast %add3A_1437 : i32 to index
            %swap3A_1439 = tpu.vector_load %arg8[%swap3A_1438] {strides = array<i32>} : memref<49152xf32, #tpu.memory_space<vmem>>, vector<16xf32>,
            tpu.vector_store %arg8[%swap3A_1438], %gather3A_1435 {strides = array<i32>} : memref<49152xf32, #tpu.memory_space<vmem>>, vector<16xf32>,
            %lt3A_1440 = arith.constant 0 : i32
            %lt3A_1441 = vector.broadcast %lt3A_1440 : i32 to vector<16xi32>
            %lt3A_1442 = arith.cmpi slt, %broadcast_in_dim3A_69, %lt3A_1441 : vector<16xi32>
            %add3A_1443 = arith.constant 16 : i32
            %add3A_1444 = vector.broadcast %add3A_1443 : i32 to vector<16xi32>
            %add3A_1445 = arith.addi %broadcast_in_dim3A_69, %add3A_1444 : vector<16xi32>
            %select_n3A_1446 = arith.select %lt3A_1442, %add3A_1445, %broadcast_in_dim3A_69 : vector<16xi1>, vector<16xi32>
            %broadcast_in_dim3A_1447 = vector.shape_cast %select_n3A_1446 : vector<16xi32> to vector<16x1xi32>
            %gather3A_1448 = vector.shape_cast %broadcast_in_dim3A_1447 : vector<16x1xi32> to vector<16xi32>
            %gather3A_1449 = tpu.dynamic_gather %gather3A_1279[%gather3A_1448] in [0] : vector<16xf32>, vector<16xi32> -> vector<16xf32>
            %add3A_1450 = arith.constant 176 : i32
            %add3A_1451 = arith.addi %add3A_1285, %add3A_1450 : i32
            %swap3A_1452 = arith.index_cast %add3A_1451 : i32 to index
            %swap3A_1453 = tpu.vector_load %arg8[%swap3A_1452] {strides = array<i32>} : memref<49152xf32, #tpu.memory_space<vmem>>, vector<16xf32>,
            tpu.vector_store %arg8[%swap3A_1452], %gather3A_1449 {strides = array<i32>} : memref<49152xf32, #tpu.memory_space<vmem>>, vector<16xf32>,
            %lt3A_1454 = arith.constant 0 : i32
            %lt3A_1455 = vector.broadcast %lt3A_1454 : i32 to vector<16xi32>
            %lt3A_1456 = arith.cmpi slt, %broadcast_in_dim3A_71, %lt3A_1455 : vector<16xi32>
            %add3A_1457 = arith.constant 16 : i32
            %add3A_1458 = vector.broadcast %add3A_1457 : i32 to vector<16xi32>
            %add3A_1459 = arith.addi %broadcast_in_dim3A_71, %add3A_1458 : vector<16xi32>
            %select_n3A_1460 = arith.select %lt3A_1456, %add3A_1459, %broadcast_in_dim3A_71 : vector<16xi1>, vector<16xi32>
            %broadcast_in_dim3A_1461 = vector.shape_cast %select_n3A_1460 : vector<16xi32> to vector<16x1xi32>
            %gather3A_1462 = vector.shape_cast %broadcast_in_dim3A_1461 : vector<16x1xi32> to vector<16xi32>
            %gather3A_1463 = tpu.dynamic_gather %gather3A_1279[%gather3A_1462] in [0] : vector<16xf32>, vector<16xi32> -> vector<16xf32>
            %add3A_1464 = arith.constant 192 : i32
            %add3A_1465 = arith.addi %add3A_1285, %add3A_1464 : i32
            %swap3A_1466 = arith.index_cast %add3A_1465 : i32 to index
            %swap3A_1467 = tpu.vector_load %arg8[%swap3A_1466] {strides = array<i32>} : memref<49152xf32, #tpu.memory_space<vmem>>, vector<16xf32>,
            tpu.vector_store %arg8[%swap3A_1466], %gather3A_1463 {strides = array<i32>} : memref<49152xf32, #tpu.memory_space<vmem>>, vector<16xf32>,
            %lt3A_1468 = arith.constant 0 : i32
            %lt3A_1469 = vector.broadcast %lt3A_1468 : i32 to vector<16xi32>
            %lt3A_1470 = arith.cmpi slt, %broadcast_in_dim3A_73, %lt3A_1469 : vector<16xi32>
            %add3A_1471 = arith.constant 16 : i32
            %add3A_1472 = vector.broadcast %add3A_1471 : i32 to vector<16xi32>
            %add3A_1473 = arith.addi %broadcast_in_dim3A_73, %add3A_1472 : vector<16xi32>
            %select_n3A_1474 = arith.select %lt3A_1470, %add3A_1473, %broadcast_in_dim3A_73 : vector<16xi1>, vector<16xi32>
            %broadcast_in_dim3A_1475 = vector.shape_cast %select_n3A_1474 : vector<16xi32> to vector<16x1xi32>
            %gather3A_1476 = vector.shape_cast %broadcast_in_dim3A_1475 : vector<16x1xi32> to vector<16xi32>
            %gather3A_1477 = tpu.dynamic_gather %gather3A_1279[%gather3A_1476] in [0] : vector<16xf32>, vector<16xi32> -> vector<16xf32>
            %add3A_1478 = arith.constant 208 : i32
            %add3A_1479 = arith.addi %add3A_1285, %add3A_1478 : i32
            %swap3A_1480 = arith.index_cast %add3A_1479 : i32 to index
            %swap3A_1481 = tpu.vector_load %arg8[%swap3A_1480] {strides = array<i32>} : memref<49152xf32, #tpu.memory_space<vmem>>, vector<16xf32>,
            tpu.vector_store %arg8[%swap3A_1480], %gather3A_1477 {strides = array<i32>} : memref<49152xf32, #tpu.memory_space<vmem>>, vector<16xf32>,
            %lt3A_1482 = arith.constant 0 : i32
            %lt3A_1483 = vector.broadcast %lt3A_1482 : i32 to vector<16xi32>
            %lt3A_1484 = arith.cmpi slt, %broadcast_in_dim3A_75, %lt3A_1483 : vector<16xi32>
            %add3A_1485 = arith.constant 16 : i32
            %add3A_1486 = vector.broadcast %add3A_1485 : i32 to vector<16xi32>
            %add3A_1487 = arith.addi %broadcast_in_dim3A_75, %add3A_1486 : vector<16xi32>
            %select_n3A_1488 = arith.select %lt3A_1484, %add3A_1487, %broadcast_in_dim3A_75 : vector<16xi1>, vector<16xi32>
            %broadcast_in_dim3A_1489 = vector.shape_cast %select_n3A_1488 : vector<16xi32> to vector<16x1xi32>
            %gather3A_1490 = vector.shape_cast %broadcast_in_dim3A_1489 : vector<16x1xi32> to vector<16xi32>
            %gather3A_1491 = tpu.dynamic_gather %gather3A_1279[%gather3A_1490] in [0] : vector<16xf32>, vector<16xi32> -> vector<16xf32>
            %add3A_1492 = arith.constant 224 : i32
            %add3A_1493 = arith.addi %add3A_1285, %add3A_1492 : i32
            %swap3A_1494 = arith.index_cast %add3A_1493 : i32 to index
            %swap3A_1495 = tpu.vector_load %arg8[%swap3A_1494] {strides = array<i32>} : memref<49152xf32, #tpu.memory_space<vmem>>, vector<16xf32>,
            tpu.vector_store %arg8[%swap3A_1494], %gather3A_1491 {strides = array<i32>} : memref<49152xf32, #tpu.memory_space<vmem>>, vector<16xf32>,
            %lt3A_1496 = arith.constant 0 : i32
            %lt3A_1497 = vector.broadcast %lt3A_1496 : i32 to vector<16xi32>
            %lt3A_1498 = arith.cmpi slt, %broadcast_in_dim3A_77, %lt3A_1497 : vector<16xi32>
            %add3A_1499 = arith.constant 16 : i32
            %add3A_1500 = vector.broadcast %add3A_1499 : i32 to vector<16xi32>
            %add3A_1501 = arith.addi %broadcast_in_dim3A_77, %add3A_1500 : vector<16xi32>
            %select_n3A_1502 = arith.select %lt3A_1498, %add3A_1501, %broadcast_in_dim3A_77 : vector<16xi1>, vector<16xi32>
            %broadcast_in_dim3A_1503 = vector.shape_cast %select_n3A_1502 : vector<16xi32> to vector<16x1xi32>
            %gather3A_1504 = vector.shape_cast %broadcast_in_dim3A_1503 : vector<16x1xi32> to vector<16xi32>
            %gather3A_1505 = tpu.dynamic_gather %gather3A_1279[%gather3A_1504] in [0] : vector<16xf32>, vector<16xi32> -> vector<16xf32>
            %add3A_1506 = arith.constant 240 : i32
            %add3A_1507 = arith.addi %add3A_1285, %add3A_1506 : i32
            %swap3A_1508 = arith.index_cast %add3A_1507 : i32 to index
            %swap3A_1509 = tpu.vector_load %arg8[%swap3A_1508] {strides = array<i32>} : memref<49152xf32, #tpu.memory_space<vmem>>, vector<16xf32>,
            tpu.vector_store %arg8[%swap3A_1508], %gather3A_1505 {strides = array<i32>} : memref<49152xf32, #tpu.memory_space<vmem>>, vector<16xf32>,
            %get3A_1510 = arith.constant 80 : index
            %get3A_1511 = tpu.vector_load %arg7[%get3A_1510] {strides = array<i32>} : memref<96xi32, #tpu.memory_space<vmem>>, vector<16xi32>,
            %mul3A_1512 = arith.constant 64 : i32
            %mul3A_1513 = vector.broadcast %mul3A_1512 : i32 to vector<16xi32>
            %mul3A_1514 = arith.muli %get3A_1511, %mul3A_1513 : vector<16xi32>
            %add3A_1515 = vector.broadcast %add3A_322 : i32 to vector<16xi32>
            %add3A_1516 = arith.addi %mul3A_1514, %add3A_1515 : vector<16xi32>
            %gather3A_1517 = tpu.vector_load_idx %arg6[%add3A_1516] : memref<960xf32, #tpu.memory_space<vmem>>[vector<16xi32>], vector<16xf32>,
            %mul3A_1518 = arith.constant 96 : i32
            %mul3A_1519 = arith.muli %scan3A_321, %mul3A_1518 : i32
            %mul3A_1520 = arith.constant 16 : i32
            %mul3A_1521 = arith.muli %mul3A_1519, %mul3A_1520 : i32
            %add3A_1522 = arith.constant 1280 : i32
            %add3A_1523 = arith.addi %mul3A_1521, %add3A_1522 : i32
            %lt3A_1524 = arith.constant 0 : i32
            %lt3A_1525 = vector.broadcast %lt3A_1524 : i32 to vector<16xi32>
            %lt3A_1526 = arith.cmpi slt, %broadcast_in_dim3A_47, %lt3A_1525 : vector<16xi32>
            %add3A_1527 = arith.constant 16 : i32
            %add3A_1528 = vector.broadcast %add3A_1527 : i32 to vector<16xi32>
            %add3A_1529 = arith.addi %broadcast_in_dim3A_47, %add3A_1528 : vector<16xi32>
            %select_n3A_1530 = arith.select %lt3A_1526, %add3A_1529, %broadcast_in_dim3A_47 : vector<16xi1>, vector<16xi32>
            %broadcast_in_dim3A_1531 = vector.shape_cast %select_n3A_1530 : vector<16xi32> to vector<16x1xi32>
            %gather3A_1532 = vector.shape_cast %broadcast_in_dim3A_1531 : vector<16x1xi32> to vector<16xi32>
            %gather3A_1533 = tpu.dynamic_gather %gather3A_1517[%gather3A_1532] in [0] : vector<16xf32>, vector<16xi32> -> vector<16xf32>
            %add3A_1534 = arith.constant 0 : i32
            %add3A_1535 = arith.addi %add3A_1523, %add3A_1534 : i32
            %swap3A_1536 = arith.index_cast %add3A_1535 : i32 to index
            %swap3A_1537 = tpu.vector_load %arg8[%swap3A_1536] {strides = array<i32>} : memref<49152xf32, #tpu.memory_space<vmem>>, vector<16xf32>,
            tpu.vector_store %arg8[%swap3A_1536], %gather3A_1533 {strides = array<i32>} : memref<49152xf32, #tpu.memory_space<vmem>>, vector<16xf32>,
            %lt3A_1538 = arith.constant 0 : i32
            %lt3A_1539 = vector.broadcast %lt3A_1538 : i32 to vector<16xi32>
            %lt3A_1540 = arith.cmpi slt, %broadcast_in_dim3A_49, %lt3A_1539 : vector<16xi32>
            %add3A_1541 = arith.constant 16 : i32
            %add3A_1542 = vector.broadcast %add3A_1541 : i32 to vector<16xi32>
            %add3A_1543 = arith.addi %broadcast_in_dim3A_49, %add3A_1542 : vector<16xi32>
            %select_n3A_1544 = arith.select %lt3A_1540, %add3A_1543, %broadcast_in_dim3A_49 : vector<16xi1>, vector<16xi32>
            %broadcast_in_dim3A_1545 = vector.shape_cast %select_n3A_1544 : vector<16xi32> to vector<16x1xi32>
            %gather3A_1546 = vector.shape_cast %broadcast_in_dim3A_1545 : vector<16x1xi32> to vector<16xi32>
            %gather3A_1547 = tpu.dynamic_gather %gather3A_1517[%gather3A_1546] in [0] : vector<16xf32>, vector<16xi32> -> vector<16xf32>
            %add3A_1548 = arith.constant 16 : i32
            %add3A_1549 = arith.addi %add3A_1523, %add3A_1548 : i32
            %swap3A_1550 = arith.index_cast %add3A_1549 : i32 to index
            %swap3A_1551 = tpu.vector_load %arg8[%swap3A_1550] {strides = array<i32>} : memref<49152xf32, #tpu.memory_space<vmem>>, vector<16xf32>,
            tpu.vector_store %arg8[%swap3A_1550], %gather3A_1547 {strides = array<i32>} : memref<49152xf32, #tpu.memory_space<vmem>>, vector<16xf32>,
            %lt3A_1552 = arith.constant 0 : i32
            %lt3A_1553 = vector.broadcast %lt3A_1552 : i32 to vector<16xi32>
            %lt3A_1554 = arith.cmpi slt, %broadcast_in_dim3A_51, %lt3A_1553 : vector<16xi32>
            %add3A_1555 = arith.constant 16 : i32
            %add3A_1556 = vector.broadcast %add3A_1555 : i32 to vector<16xi32>
            %add3A_1557 = arith.addi %broadcast_in_dim3A_51, %add3A_1556 : vector<16xi32>
            %select_n3A_1558 = arith.select %lt3A_1554, %add3A_1557, %broadcast_in_dim3A_51 : vector<16xi1>, vector<16xi32>
            %broadcast_in_dim3A_1559 = vector.shape_cast %select_n3A_1558 : vector<16xi32> to vector<16x1xi32>
            %gather3A_1560 = vector.shape_cast %broadcast_in_dim3A_1559 : vector<16x1xi32> to vector<16xi32>
            %gather3A_1561 = tpu.dynamic_gather %gather3A_1517[%gather3A_1560] in [0] : vector<16xf32>, vector<16xi32> -> vector<16xf32>
            %add3A_1562 = arith.constant 32 : i32
            %add3A_1563 = arith.addi %add3A_1523, %add3A_1562 : i32
            %swap3A_1564 = arith.index_cast %add3A_1563 : i32 to index
            %swap3A_1565 = tpu.vector_load %arg8[%swap3A_1564] {strides = array<i32>} : memref<49152xf32, #tpu.memory_space<vmem>>, vector<16xf32>,
            tpu.vector_store %arg8[%swap3A_1564], %gather3A_1561 {strides = array<i32>} : memref<49152xf32, #tpu.memory_space<vmem>>, vector<16xf32>,
            %lt3A_1566 = arith.constant 0 : i32
            %lt3A_1567 = vector.broadcast %lt3A_1566 : i32 to vector<16xi32>
            %lt3A_1568 = arith.cmpi slt, %broadcast_in_dim3A_53, %lt3A_1567 : vector<16xi32>
            %add3A_1569 = arith.constant 16 : i32
            %add3A_1570 = vector.broadcast %add3A_1569 : i32 to vector<16xi32>
            %add3A_1571 = arith.addi %broadcast_in_dim3A_53, %add3A_1570 : vector<16xi32>
            %select_n3A_1572 = arith.select %lt3A_1568, %add3A_1571, %broadcast_in_dim3A_53 : vector<16xi1>, vector<16xi32>
            %broadcast_in_dim3A_1573 = vector.shape_cast %select_n3A_1572 : vector<16xi32> to vector<16x1xi32>
            %gather3A_1574 = vector.shape_cast %broadcast_in_dim3A_1573 : vector<16x1xi32> to vector<16xi32>
            %gather3A_1575 = tpu.dynamic_gather %gather3A_1517[%gather3A_1574] in [0] : vector<16xf32>, vector<16xi32> -> vector<16xf32>
            %add3A_1576 = arith.constant 48 : i32
            %add3A_1577 = arith.addi %add3A_1523, %add3A_1576 : i32
            %swap3A_1578 = arith.index_cast %add3A_1577 : i32 to index
            %swap3A_1579 = tpu.vector_load %arg8[%swap3A_1578] {strides = array<i32>} : memref<49152xf32, #tpu.memory_space<vmem>>, vector<16xf32>,
            tpu.vector_store %arg8[%swap3A_1578], %gather3A_1575 {strides = array<i32>} : memref<49152xf32, #tpu.memory_space<vmem>>, vector<16xf32>,
            %lt3A_1580 = arith.constant 0 : i32
            %lt3A_1581 = vector.broadcast %lt3A_1580 : i32 to vector<16xi32>
            %lt3A_1582 = arith.cmpi slt, %broadcast_in_dim3A_55, %lt3A_1581 : vector<16xi32>
            %add3A_1583 = arith.constant 16 : i32
            %add3A_1584 = vector.broadcast %add3A_1583 : i32 to vector<16xi32>
            %add3A_1585 = arith.addi %broadcast_in_dim3A_55, %add3A_1584 : vector<16xi32>
            %select_n3A_1586 = arith.select %lt3A_1582, %add3A_1585, %broadcast_in_dim3A_55 : vector<16xi1>, vector<16xi32>
            %broadcast_in_dim3A_1587 = vector.shape_cast %select_n3A_1586 : vector<16xi32> to vector<16x1xi32>
            %gather3A_1588 = vector.shape_cast %broadcast_in_dim3A_1587 : vector<16x1xi32> to vector<16xi32>
            %gather3A_1589 = tpu.dynamic_gather %gather3A_1517[%gather3A_1588] in [0] : vector<16xf32>, vector<16xi32> -> vector<16xf32>
            %add3A_1590 = arith.constant 64 : i32
            %add3A_1591 = arith.addi %add3A_1523, %add3A_1590 : i32
            %swap3A_1592 = arith.index_cast %add3A_1591 : i32 to index
            %swap3A_1593 = tpu.vector_load %arg8[%swap3A_1592] {strides = array<i32>} : memref<49152xf32, #tpu.memory_space<vmem>>, vector<16xf32>,
            tpu.vector_store %arg8[%swap3A_1592], %gather3A_1589 {strides = array<i32>} : memref<49152xf32, #tpu.memory_space<vmem>>, vector<16xf32>,
            %lt3A_1594 = arith.constant 0 : i32
            %lt3A_1595 = vector.broadcast %lt3A_1594 : i32 to vector<16xi32>
            %lt3A_1596 = arith.cmpi slt, %broadcast_in_dim3A_57, %lt3A_1595 : vector<16xi32>
            %add3A_1597 = arith.constant 16 : i32
            %add3A_1598 = vector.broadcast %add3A_1597 : i32 to vector<16xi32>
            %add3A_1599 = arith.addi %broadcast_in_dim3A_57, %add3A_1598 : vector<16xi32>
            %select_n3A_1600 = arith.select %lt3A_1596, %add3A_1599, %broadcast_in_dim3A_57 : vector<16xi1>, vector<16xi32>
            %broadcast_in_dim3A_1601 = vector.shape_cast %select_n3A_1600 : vector<16xi32> to vector<16x1xi32>
            %gather3A_1602 = vector.shape_cast %broadcast_in_dim3A_1601 : vector<16x1xi32> to vector<16xi32>
            %gather3A_1603 = tpu.dynamic_gather %gather3A_1517[%gather3A_1602] in [0] : vector<16xf32>, vector<16xi32> -> vector<16xf32>
            %add3A_1604 = arith.constant 80 : i32
            %add3A_1605 = arith.addi %add3A_1523, %add3A_1604 : i32
            %swap3A_1606 = arith.index_cast %add3A_1605 : i32 to index
            %swap3A_1607 = tpu.vector_load %arg8[%swap3A_1606] {strides = array<i32>} : memref<49152xf32, #tpu.memory_space<vmem>>, vector<16xf32>,
            tpu.vector_store %arg8[%swap3A_1606], %gather3A_1603 {strides = array<i32>} : memref<49152xf32, #tpu.memory_space<vmem>>, vector<16xf32>,
            %lt3A_1608 = arith.constant 0 : i32
            %lt3A_1609 = vector.broadcast %lt3A_1608 : i32 to vector<16xi32>
            %lt3A_1610 = arith.cmpi slt, %broadcast_in_dim3A_59, %lt3A_1609 : vector<16xi32>
            %add3A_1611 = arith.constant 16 : i32
            %add3A_1612 = vector.broadcast %add3A_1611 : i32 to vector<16xi32>
            %add3A_1613 = arith.addi %broadcast_in_dim3A_59, %add3A_1612 : vector<16xi32>
            %select_n3A_1614 = arith.select %lt3A_1610, %add3A_1613, %broadcast_in_dim3A_59 : vector<16xi1>, vector<16xi32>
            %broadcast_in_dim3A_1615 = vector.shape_cast %select_n3A_1614 : vector<16xi32> to vector<16x1xi32>
            %gather3A_1616 = vector.shape_cast %broadcast_in_dim3A_1615 : vector<16x1xi32> to vector<16xi32>
            %gather3A_1617 = tpu.dynamic_gather %gather3A_1517[%gather3A_1616] in [0] : vector<16xf32>, vector<16xi32> -> vector<16xf32>
            %add3A_1618 = arith.constant 96 : i32
            %add3A_1619 = arith.addi %add3A_1523, %add3A_1618 : i32
            %swap3A_1620 = arith.index_cast %add3A_1619 : i32 to index
            %swap3A_1621 = tpu.vector_load %arg8[%swap3A_1620] {strides = array<i32>} : memref<49152xf32, #tpu.memory_space<vmem>>, vector<16xf32>,
            tpu.vector_store %arg8[%swap3A_1620], %gather3A_1617 {strides = array<i32>} : memref<49152xf32, #tpu.memory_space<vmem>>, vector<16xf32>,
            %lt3A_1622 = arith.constant 0 : i32
            %lt3A_1623 = vector.broadcast %lt3A_1622 : i32 to vector<16xi32>
            %lt3A_1624 = arith.cmpi slt, %broadcast_in_dim3A_61, %lt3A_1623 : vector<16xi32>
            %add3A_1625 = arith.constant 16 : i32
            %add3A_1626 = vector.broadcast %add3A_1625 : i32 to vector<16xi32>
            %add3A_1627 = arith.addi %broadcast_in_dim3A_61, %add3A_1626 : vector<16xi32>
            %select_n3A_1628 = arith.select %lt3A_1624, %add3A_1627, %broadcast_in_dim3A_61 : vector<16xi1>, vector<16xi32>
            %broadcast_in_dim3A_1629 = vector.shape_cast %select_n3A_1628 : vector<16xi32> to vector<16x1xi32>
            %gather3A_1630 = vector.shape_cast %broadcast_in_dim3A_1629 : vector<16x1xi32> to vector<16xi32>
            %gather3A_1631 = tpu.dynamic_gather %gather3A_1517[%gather3A_1630] in [0] : vector<16xf32>, vector<16xi32> -> vector<16xf32>
            %add3A_1632 = arith.constant 112 : i32
            %add3A_1633 = arith.addi %add3A_1523, %add3A_1632 : i32
            %swap3A_1634 = arith.index_cast %add3A_1633 : i32 to index
            %swap3A_1635 = tpu.vector_load %arg8[%swap3A_1634] {strides = array<i32>} : memref<49152xf32, #tpu.memory_space<vmem>>, vector<16xf32>,
            tpu.vector_store %arg8[%swap3A_1634], %gather3A_1631 {strides = array<i32>} : memref<49152xf32, #tpu.memory_space<vmem>>, vector<16xf32>,
            %lt3A_1636 = arith.constant 0 : i32
            %lt3A_1637 = vector.broadcast %lt3A_1636 : i32 to vector<16xi32>
            %lt3A_1638 = arith.cmpi slt, %broadcast_in_dim3A_63, %lt3A_1637 : vector<16xi32>
            %add3A_1639 = arith.constant 16 : i32
            %add3A_1640 = vector.broadcast %add3A_1639 : i32 to vector<16xi32>
            %add3A_1641 = arith.addi %broadcast_in_dim3A_63, %add3A_1640 : vector<16xi32>
            %select_n3A_1642 = arith.select %lt3A_1638, %add3A_1641, %broadcast_in_dim3A_63 : vector<16xi1>, vector<16xi32>
            %broadcast_in_dim3A_1643 = vector.shape_cast %select_n3A_1642 : vector<16xi32> to vector<16x1xi32>
            %gather3A_1644 = vector.shape_cast %broadcast_in_dim3A_1643 : vector<16x1xi32> to vector<16xi32>
            %gather3A_1645 = tpu.dynamic_gather %gather3A_1517[%gather3A_1644] in [0] : vector<16xf32>, vector<16xi32> -> vector<16xf32>
            %add3A_1646 = arith.constant 128 : i32
            %add3A_1647 = arith.addi %add3A_1523, %add3A_1646 : i32
            %swap3A_1648 = arith.index_cast %add3A_1647 : i32 to index
            %swap3A_1649 = tpu.vector_load %arg8[%swap3A_1648] {strides = array<i32>} : memref<49152xf32, #tpu.memory_space<vmem>>, vector<16xf32>,
            tpu.vector_store %arg8[%swap3A_1648], %gather3A_1645 {strides = array<i32>} : memref<49152xf32, #tpu.memory_space<vmem>>, vector<16xf32>,
            %lt3A_1650 = arith.constant 0 : i32
            %lt3A_1651 = vector.broadcast %lt3A_1650 : i32 to vector<16xi32>
            %lt3A_1652 = arith.cmpi slt, %broadcast_in_dim3A_65, %lt3A_1651 : vector<16xi32>
            %add3A_1653 = arith.constant 16 : i32
            %add3A_1654 = vector.broadcast %add3A_1653 : i32 to vector<16xi32>
            %add3A_1655 = arith.addi %broadcast_in_dim3A_65, %add3A_1654 : vector<16xi32>
            %select_n3A_1656 = arith.select %lt3A_1652, %add3A_1655, %broadcast_in_dim3A_65 : vector<16xi1>, vector<16xi32>
            %broadcast_in_dim3A_1657 = vector.shape_cast %select_n3A_1656 : vector<16xi32> to vector<16x1xi32>
            %gather3A_1658 = vector.shape_cast %broadcast_in_dim3A_1657 : vector<16x1xi32> to vector<16xi32>
            %gather3A_1659 = tpu.dynamic_gather %gather3A_1517[%gather3A_1658] in [0] : vector<16xf32>, vector<16xi32> -> vector<16xf32>
            %add3A_1660 = arith.constant 144 : i32
            %add3A_1661 = arith.addi %add3A_1523, %add3A_1660 : i32
            %swap3A_1662 = arith.index_cast %add3A_1661 : i32 to index
            %swap3A_1663 = tpu.vector_load %arg8[%swap3A_1662] {strides = array<i32>} : memref<49152xf32, #tpu.memory_space<vmem>>, vector<16xf32>,
            tpu.vector_store %arg8[%swap3A_1662], %gather3A_1659 {strides = array<i32>} : memref<49152xf32, #tpu.memory_space<vmem>>, vector<16xf32>,
            %lt3A_1664 = arith.constant 0 : i32
            %lt3A_1665 = vector.broadcast %lt3A_1664 : i32 to vector<16xi32>
            %lt3A_1666 = arith.cmpi slt, %broadcast_in_dim3A_67, %lt3A_1665 : vector<16xi32>
            %add3A_1667 = arith.constant 16 : i32
            %add3A_1668 = vector.broadcast %add3A_1667 : i32 to vector<16xi32>
            %add3A_1669 = arith.addi %broadcast_in_dim3A_67, %add3A_1668 : vector<16xi32>
            %select_n3A_1670 = arith.select %lt3A_1666, %add3A_1669, %broadcast_in_dim3A_67 : vector<16xi1>, vector<16xi32>
            %broadcast_in_dim3A_1671 = vector.shape_cast %select_n3A_1670 : vector<16xi32> to vector<16x1xi32>
            %gather3A_1672 = vector.shape_cast %broadcast_in_dim3A_1671 : vector<16x1xi32> to vector<16xi32>
            %gather3A_1673 = tpu.dynamic_gather %gather3A_1517[%gather3A_1672] in [0] : vector<16xf32>, vector<16xi32> -> vector<16xf32>
            %add3A_1674 = arith.constant 160 : i32
            %add3A_1675 = arith.addi %add3A_1523, %add3A_1674 : i32
            %swap3A_1676 = arith.index_cast %add3A_1675 : i32 to index
            %swap3A_1677 = tpu.vector_load %arg8[%swap3A_1676] {strides = array<i32>} : memref<49152xf32, #tpu.memory_space<vmem>>, vector<16xf32>,
            tpu.vector_store %arg8[%swap3A_1676], %gather3A_1673 {strides = array<i32>} : memref<49152xf32, #tpu.memory_space<vmem>>, vector<16xf32>,
            %lt3A_1678 = arith.constant 0 : i32
            %lt3A_1679 = vector.broadcast %lt3A_1678 : i32 to vector<16xi32>
            %lt3A_1680 = arith.cmpi slt, %broadcast_in_dim3A_69, %lt3A_1679 : vector<16xi32>
            %add3A_1681 = arith.constant 16 : i32
            %add3A_1682 = vector.broadcast %add3A_1681 : i32 to vector<16xi32>
            %add3A_1683 = arith.addi %broadcast_in_dim3A_69, %add3A_1682 : vector<16xi32>
            %select_n3A_1684 = arith.select %lt3A_1680, %add3A_1683, %broadcast_in_dim3A_69 : vector<16xi1>, vector<16xi32>
            %broadcast_in_dim3A_1685 = vector.shape_cast %select_n3A_1684 : vector<16xi32> to vector<16x1xi32>
            %gather3A_1686 = vector.shape_cast %broadcast_in_dim3A_1685 : vector<16x1xi32> to vector<16xi32>
            %gather3A_1687 = tpu.dynamic_gather %gather3A_1517[%gather3A_1686] in [0] : vector<16xf32>, vector<16xi32> -> vector<16xf32>
            %add3A_1688 = arith.constant 176 : i32
            %add3A_1689 = arith.addi %add3A_1523, %add3A_1688 : i32
            %swap3A_1690 = arith.index_cast %add3A_1689 : i32 to index
            %swap3A_1691 = tpu.vector_load %arg8[%swap3A_1690] {strides = array<i32>} : memref<49152xf32, #tpu.memory_space<vmem>>, vector<16xf32>,
            tpu.vector_store %arg8[%swap3A_1690], %gather3A_1687 {strides = array<i32>} : memref<49152xf32, #tpu.memory_space<vmem>>, vector<16xf32>,
            %lt3A_1692 = arith.constant 0 : i32
            %lt3A_1693 = vector.broadcast %lt3A_1692 : i32 to vector<16xi32>
            %lt3A_1694 = arith.cmpi slt, %broadcast_in_dim3A_71, %lt3A_1693 : vector<16xi32>
            %add3A_1695 = arith.constant 16 : i32
            %add3A_1696 = vector.broadcast %add3A_1695 : i32 to vector<16xi32>
            %add3A_1697 = arith.addi %broadcast_in_dim3A_71, %add3A_1696 : vector<16xi32>
            %select_n3A_1698 = arith.select %lt3A_1694, %add3A_1697, %broadcast_in_dim3A_71 : vector<16xi1>, vector<16xi32>
            %broadcast_in_dim3A_1699 = vector.shape_cast %select_n3A_1698 : vector<16xi32> to vector<16x1xi32>
            %gather3A_1700 = vector.shape_cast %broadcast_in_dim3A_1699 : vector<16x1xi32> to vector<16xi32>
            %gather3A_1701 = tpu.dynamic_gather %gather3A_1517[%gather3A_1700] in [0] : vector<16xf32>, vector<16xi32> -> vector<16xf32>
            %add3A_1702 = arith.constant 192 : i32
            %add3A_1703 = arith.addi %add3A_1523, %add3A_1702 : i32
            %swap3A_1704 = arith.index_cast %add3A_1703 : i32 to index
            %swap3A_1705 = tpu.vector_load %arg8[%swap3A_1704] {strides = array<i32>} : memref<49152xf32, #tpu.memory_space<vmem>>, vector<16xf32>,
            tpu.vector_store %arg8[%swap3A_1704], %gather3A_1701 {strides = array<i32>} : memref<49152xf32, #tpu.memory_space<vmem>>, vector<16xf32>,
            %lt3A_1706 = arith.constant 0 : i32
            %lt3A_1707 = vector.broadcast %lt3A_1706 : i32 to vector<16xi32>
            %lt3A_1708 = arith.cmpi slt, %broadcast_in_dim3A_73, %lt3A_1707 : vector<16xi32>
            %add3A_1709 = arith.constant 16 : i32
            %add3A_1710 = vector.broadcast %add3A_1709 : i32 to vector<16xi32>
            %add3A_1711 = arith.addi %broadcast_in_dim3A_73, %add3A_1710 : vector<16xi32>
            %select_n3A_1712 = arith.select %lt3A_1708, %add3A_1711, %broadcast_in_dim3A_73 : vector<16xi1>, vector<16xi32>
            %broadcast_in_dim3A_1713 = vector.shape_cast %select_n3A_1712 : vector<16xi32> to vector<16x1xi32>
            %gather3A_1714 = vector.shape_cast %broadcast_in_dim3A_1713 : vector<16x1xi32> to vector<16xi32>
            %gather3A_1715 = tpu.dynamic_gather %gather3A_1517[%gather3A_1714] in [0] : vector<16xf32>, vector<16xi32> -> vector<16xf32>
            %add3A_1716 = arith.constant 208 : i32
            %add3A_1717 = arith.addi %add3A_1523, %add3A_1716 : i32
            %swap3A_1718 = arith.index_cast %add3A_1717 : i32 to index
            %swap3A_1719 = tpu.vector_load %arg8[%swap3A_1718] {strides = array<i32>} : memref<49152xf32, #tpu.memory_space<vmem>>, vector<16xf32>,
            tpu.vector_store %arg8[%swap3A_1718], %gather3A_1715 {strides = array<i32>} : memref<49152xf32, #tpu.memory_space<vmem>>, vector<16xf32>,
            %lt3A_1720 = arith.constant 0 : i32
            %lt3A_1721 = vector.broadcast %lt3A_1720 : i32 to vector<16xi32>
            %lt3A_1722 = arith.cmpi slt, %broadcast_in_dim3A_75, %lt3A_1721 : vector<16xi32>
            %add3A_1723 = arith.constant 16 : i32
            %add3A_1724 = vector.broadcast %add3A_1723 : i32 to vector<16xi32>
            %add3A_1725 = arith.addi %broadcast_in_dim3A_75, %add3A_1724 : vector<16xi32>
            %select_n3A_1726 = arith.select %lt3A_1722, %add3A_1725, %broadcast_in_dim3A_75 : vector<16xi1>, vector<16xi32>
            %broadcast_in_dim3A_1727 = vector.shape_cast %select_n3A_1726 : vector<16xi32> to vector<16x1xi32>
            %gather3A_1728 = vector.shape_cast %broadcast_in_dim3A_1727 : vector<16x1xi32> to vector<16xi32>
            %gather3A_1729 = tpu.dynamic_gather %gather3A_1517[%gather3A_1728] in [0] : vector<16xf32>, vector<16xi32> -> vector<16xf32>
            %add3A_1730 = arith.constant 224 : i32
            %add3A_1731 = arith.addi %add3A_1523, %add3A_1730 : i32
            %swap3A_1732 = arith.index_cast %add3A_1731 : i32 to index
            %swap3A_1733 = tpu.vector_load %arg8[%swap3A_1732] {strides = array<i32>} : memref<49152xf32, #tpu.memory_space<vmem>>, vector<16xf32>,
            tpu.vector_store %arg8[%swap3A_1732], %gather3A_1729 {strides = array<i32>} : memref<49152xf32, #tpu.memory_space<vmem>>, vector<16xf32>,
            %lt3A_1734 = arith.constant 0 : i32
            %lt3A_1735 = vector.broadcast %lt3A_1734 : i32 to vector<16xi32>
            %lt3A_1736 = arith.cmpi slt, %broadcast_in_dim3A_77, %lt3A_1735 : vector<16xi32>
            %add3A_1737 = arith.constant 16 : i32
            %add3A_1738 = vector.broadcast %add3A_1737 : i32 to vector<16xi32>
            %add3A_1739 = arith.addi %broadcast_in_dim3A_77, %add3A_1738 : vector<16xi32>
            %select_n3A_1740 = arith.select %lt3A_1736, %add3A_1739, %broadcast_in_dim3A_77 : vector<16xi1>, vector<16xi32>
            %broadcast_in_dim3A_1741 = vector.shape_cast %select_n3A_1740 : vector<16xi32> to vector<16x1xi32>
            %gather3A_1742 = vector.shape_cast %broadcast_in_dim3A_1741 : vector<16x1xi32> to vector<16xi32>
            %gather3A_1743 = tpu.dynamic_gather %gather3A_1517[%gather3A_1742] in [0] : vector<16xf32>, vector<16xi32> -> vector<16xf32>
            %add3A_1744 = arith.constant 240 : i32
            %add3A_1745 = arith.addi %add3A_1523, %add3A_1744 : i32
            %swap3A_1746 = arith.index_cast %add3A_1745 : i32 to index
            %swap3A_1747 = tpu.vector_load %arg8[%swap3A_1746] {strides = array<i32>} : memref<49152xf32, #tpu.memory_space<vmem>>, vector<16xf32>,
            tpu.vector_store %arg8[%swap3A_1746], %gather3A_1743 {strides = array<i32>} : memref<49152xf32, #tpu.memory_space<vmem>>, vector<16xf32>,
          }
          %scan3A_320 = arith.constant 32 : i32
        } else {
        }
        %rem3A_274 = arith.constant 98 : i32
        %rem3A_275 = arith.remsi %add3A_125, %rem3A_274 : i32
        %mul3A_276 = arith.constant 512 : i32
        %mul3A_277 = arith.muli %rem3A_275, %mul3A_276 : i32
        %add3A_278 = arith.constant 1 : i32
        %add3A_279 = arith.addi %add3A_125, %add3A_278 : i32
        %lt3A_280 = arith.cmpi slt, %add3A_279, %select_n3A_46 : i32
        %convert_element_type3A_281 = arith.extui %lt3A_280 : i1 to i32
        %cond3A_282 = arith.constant 0 : i32
        %cond3A_283 = arith.cmpi ne, %convert_element_type3A_281, %cond3A_282 : i32
        scf.if %cond3A_283 {
          %rem3A_309 = arith.constant 98 : i32
          %rem3A_310 = arith.remsi %add3A_279, %rem3A_309 : i32
          %mul3A_311 = arith.constant 512 : i32
          %mul3A_312 = arith.muli %rem3A_310, %mul3A_311 : i32
          %dma_start3A_313 = arith.constant 1 : i32
          %dma_start3A_314 = arith.constant 0 : i32
          %dma_start3A_315 = tpu.memref_slice %arg9[%dma_start3A_313, %dma_start3A_314] : memref<2x512xi32, #tpu.memory_space<vmem>> -> memref<1x512xi32, #tpu.memory_space<vmem>>
          %dma_start3A_316 = tpu.memref_squeeze %dma_start3A_315 : memref<1x512xi32, #tpu.memory_space<vmem>> -> memref<512xi32, #tpu.memory_space<vmem>>
          %dma_start3A_317 = tpu.memref_slice %arg4[%mul3A_312] : memref<50176xi32, #tpu.memory_space<hbm>> -> memref<512xi32, #tpu.memory_space<hbm>>
          %dma_start3A_318 = arith.constant 0 : i32
          %dma_start3A_319 = tpu.memref_slice %arg9[%dma_start3A_313, %dma_start3A_318] : memref<2x512xi32, #tpu.memory_space<vmem>> -> memref<1x512xi32, #tpu.memory_space<vmem>>
          %dma_start3A_320 = tpu.memref_squeeze %dma_start3A_319 : memref<1x512xi32, #tpu.memory_space<vmem>> -> memref<512xi32, #tpu.memory_space<vmem>>
          %dma_start3A_321 = tpu.memref_slice %arg4[%mul3A_312] : memref<50176xi32, #tpu.memory_space<hbm>> -> memref<512xi32, #tpu.memory_space<hbm>>
          tpu.enqueue_dma source(%dma_start3A_321 : memref<512xi32, #tpu.memory_space<hbm>>) target(%dma_start3A_320 : memref<512xi32, #tpu.memory_space<vmem>>) target_semaphore(%arg12 : memref<!tpu.dma_semaphore, #tpu.memory_space<semaphore_mem>>)
        } else {
        }
        %dma_wait3A = arith.constant 0 : i32
        %dma_wait3A_284 = arith.constant 0 : i32
        %dma_wait3A_285 = tpu.memref_slice %arg9[%dma_wait3A, %dma_wait3A_284] : memref<2x512xi32, #tpu.memory_space<vmem>> -> memref<1x512xi32, #tpu.memory_space<vmem>>
        %dma_wait3A_286 = tpu.memref_squeeze %dma_wait3A_285 : memref<1x512xi32, #tpu.memory_space<vmem>> -> memref<512xi32, #tpu.memory_space<vmem>>
        %dma_wait3A_287 = arith.constant 0 : i32
        %dma_wait3A_288 = tpu.memref_slice %arg4[%dma_wait3A_287] : memref<50176xi32, #tpu.memory_space<hbm>> -> memref<512xi32, #tpu.memory_space<hbm>>
        %dma_wait3A_289 = arith.constant 0 : i32
        %dma_wait3A_290 = tpu.memref_slice %arg9[%dma_wait3A, %dma_wait3A_289] : memref<2x512xi32, #tpu.memory_space<vmem>> -> memref<1x512xi32, #tpu.memory_space<vmem>>
        %dma_wait3A_291 = tpu.memref_squeeze %dma_wait3A_290 : memref<1x512xi32, #tpu.memory_space<vmem>> -> memref<512xi32, #tpu.memory_space<vmem>>
        %dma_wait3A_292 = arith.constant 0 : i32
        %dma_wait3A_293 = tpu.memref_slice %arg4[%dma_wait3A_292] : memref<50176xi32, #tpu.memory_space<hbm>> -> memref<512xi32, #tpu.memory_space<hbm>>
        tpu.wait_dma2 semaphore(%arg11 : memref<!tpu.dma_semaphore, #tpu.memory_space<semaphore_mem>>) src(%dma_wait3A_293 : memref<512xi32, #tpu.memory_space<hbm>>) dst(%dma_wait3A_291 : memref<512xi32, #tpu.memory_space<vmem>>)
        %scan3A_294 = arith.constant 0 : i32
        %scan3A_295 = arith.constant 0 : i32
        %scan3A_296 = arith.constant 16 : i32
        %scan3A_297 = arith.addi %scan3A_295, %scan3A_296 : i32
        %scan3A_298 = arith.constant 1 : i32
        scf.for %scan3A_309 = %scan3A_295 to %scan3A_297 step %scan3A_298  : i32 {
          %mul3A_310 = arith.constant 2 : i32
          %mul3A_311 = arith.muli %mul3A_310, %scan3A_309 : i32
          %add3A_312 = arith.constant 0 : i32
          %add3A_313 = arith.addi %mul3A_311, %add3A_312 : i32
          %mul3A_314 = arith.constant 16 : i32
          %mul3A_315 = arith.muli %add3A_313, %mul3A_314 : i32
          %get3A = arith.constant 0 : i32
          %get3A_316 = arith.index_cast %get3A : i32 to index
          %get3A_317 = arith.index_cast %mul3A_315 : i32 to index
          %get3A_318 = tpu.vector_load %arg9[%get3A_316, %get3A_317] {strides = array<i32>} : memref<2x512xi32, #tpu.memory_space<vmem>>, vector<16xi32>,
          %mul3A_319 = arith.constant 16 : i32
          %mul3A_320 = vector.broadcast %mul3A_319 : i32 to vector<16xi32>
          %mul3A_321 = arith.muli %get3A_318, %mul3A_320 : vector<16xi32>
          %add3A_322 = arith.addi %mul3A_321, %iota3A : vector<16xi32>
          %gather3A = arith.constant 0 : i32
          %gather3A_323 = tpu.memref_slice %arg8[%gather3A] : memref<49152xf32, #tpu.memory_space<vmem>> -> memref<1536xf32, #tpu.memory_space<vmem>>
          %gather3A_324 = tpu.vector_load_idx %gather3A_323[%add3A_322] : memref<1536xf32, #tpu.memory_space<vmem>>[vector<16xi32>], vector<16xf32>,
          %gather3A_325 = arith.constant 1536 : i32
          %gather3A_326 = tpu.memref_slice %arg8[%gather3A_325] : memref<49152xf32, #tpu.memory_space<vmem>> -> memref<1536xf32, #tpu.memory_space<vmem>>
          %gather3A_327 = tpu.vector_load_idx %gather3A_326[%add3A_322] : memref<1536xf32, #tpu.memory_space<vmem>>[vector<16xi32>], vector<16xf32>,
          %gather3A_328 = arith.constant 3072 : i32
          %gather3A_329 = tpu.memref_slice %arg8[%gather3A_328] : memref<49152xf32, #tpu.memory_space<vmem>> -> memref<1536xf32, #tpu.memory_space<vmem>>
          %gather3A_330 = tpu.vector_load_idx %gather3A_329[%add3A_322] : memref<1536xf32, #tpu.memory_space<vmem>>[vector<16xi32>], vector<16xf32>,
          %gather3A_331 = arith.constant 4608 : i32
          %gather3A_332 = tpu.memref_slice %arg8[%gather3A_331] : memref<49152xf32, #tpu.memory_space<vmem>> -> memref<1536xf32, #tpu.memory_space<vmem>>
          %gather3A_333 = tpu.vector_load_idx %gather3A_332[%add3A_322] : memref<1536xf32, #tpu.memory_space<vmem>>[vector<16xi32>], vector<16xf32>,
          %gather3A_334 = arith.constant 6144 : i32
          %gather3A_335 = tpu.memref_slice %arg8[%gather3A_334] : memref<49152xf32, #tpu.memory_space<vmem>> -> memref<1536xf32, #tpu.memory_space<vmem>>
          %gather3A_336 = tpu.vector_load_idx %gather3A_335[%add3A_322] : memref<1536xf32, #tpu.memory_space<vmem>>[vector<16xi32>], vector<16xf32>,
          %gather3A_337 = arith.constant 7680 : i32
          %gather3A_338 = tpu.memref_slice %arg8[%gather3A_337] : memref<49152xf32, #tpu.memory_space<vmem>> -> memref<1536xf32, #tpu.memory_space<vmem>>
          %gather3A_339 = tpu.vector_load_idx %gather3A_338[%add3A_322] : memref<1536xf32, #tpu.memory_space<vmem>>[vector<16xi32>], vector<16xf32>,
          %gather3A_340 = arith.constant 9216 : i32
          %gather3A_341 = tpu.memref_slice %arg8[%gather3A_340] : memref<49152xf32, #tpu.memory_space<vmem>> -> memref<1536xf32, #tpu.memory_space<vmem>>
          %gather3A_342 = tpu.vector_load_idx %gather3A_341[%add3A_322] : memref<1536xf32, #tpu.memory_space<vmem>>[vector<16xi32>], vector<16xf32>,
          %gather3A_343 = arith.constant 10752 : i32
          %gather3A_344 = tpu.memref_slice %arg8[%gather3A_343] : memref<49152xf32, #tpu.memory_space<vmem>> -> memref<1536xf32, #tpu.memory_space<vmem>>
          %gather3A_345 = tpu.vector_load_idx %gather3A_344[%add3A_322] : memref<1536xf32, #tpu.memory_space<vmem>>[vector<16xi32>], vector<16xf32>,
          %gather3A_346 = arith.constant 12288 : i32
          %gather3A_347 = tpu.memref_slice %arg8[%gather3A_346] : memref<49152xf32, #tpu.memory_space<vmem>> -> memref<1536xf32, #tpu.memory_space<vmem>>
          %gather3A_348 = tpu.vector_load_idx %gather3A_347[%add3A_322] : memref<1536xf32, #tpu.memory_space<vmem>>[vector<16xi32>], vector<16xf32>,
          %swap3A = arith.constant 0 : i32
          %swap3A_349 = arith.constant 0 : i32
          %swap3A_350 = arith.index_cast %swap3A : i32 to index
          %swap3A_351 = arith.index_cast %swap3A_349 : i32 to index
          %swap3A_352 = arith.index_cast %mul3A_315 : i32 to index
          %swap3A_353 = tpu.vector_load %arg10[%swap3A_350, %swap3A_351, %swap3A_352] {strides = array<i32>} : memref<2x32x512xf32, #tpu.memory_space<vmem>>, vector<16xf32>,
          tpu.vector_store %arg10[%swap3A_350, %swap3A_351, %swap3A_352], %gather3A_324 {strides = array<i32>} : memref<2x32x512xf32, #tpu.memory_space<vmem>>, vector<16xf32>,
          %gather3A_354 = arith.constant 13824 : i32
          %gather3A_355 = tpu.memref_slice %arg8[%gather3A_354] : memref<49152xf32, #tpu.memory_space<vmem>> -> memref<1536xf32, #tpu.memory_space<vmem>>
          %gather3A_356 = tpu.vector_load_idx %gather3A_355[%add3A_322] : memref<1536xf32, #tpu.memory_space<vmem>>[vector<16xi32>], vector<16xf32>,
          %swap3A_357 = arith.constant 0 : i32
          %swap3A_358 = arith.constant 1 : i32
          %swap3A_359 = arith.index_cast %swap3A_357 : i32 to index
          %swap3A_360 = arith.index_cast %swap3A_358 : i32 to index
          %swap3A_361 = arith.index_cast %mul3A_315 : i32 to index
          %swap3A_362 = tpu.vector_load %arg10[%swap3A_359, %swap3A_360, %swap3A_361] {strides = array<i32>} : memref<2x32x512xf32, #tpu.memory_space<vmem>>, vector<16xf32>,
          tpu.vector_store %arg10[%swap3A_359, %swap3A_360, %swap3A_361], %gather3A_327 {strides = array<i32>} : memref<2x32x512xf32, #tpu.memory_space<vmem>>, vector<16xf32>,
          %gather3A_363 = arith.constant 15360 : i32
          %gather3A_364 = tpu.memref_slice %arg8[%gather3A_363] : memref<49152xf32, #tpu.memory_space<vmem>> -> memref<1536xf32, #tpu.memory_space<vmem>>
          %gather3A_365 = tpu.vector_load_idx %gather3A_364[%add3A_322] : memref<1536xf32, #tpu.memory_space<vmem>>[vector<16xi32>], vector<16xf32>,
          %swap3A_366 = arith.constant 0 : i32
          %swap3A_367 = arith.constant 2 : i32
          %swap3A_368 = arith.index_cast %swap3A_366 : i32 to index
          %swap3A_369 = arith.index_cast %swap3A_367 : i32 to index
          %swap3A_370 = arith.index_cast %mul3A_315 : i32 to index
          %swap3A_371 = tpu.vector_load %arg10[%swap3A_368, %swap3A_369, %swap3A_370] {strides = array<i32>} : memref<2x32x512xf32, #tpu.memory_space<vmem>>, vector<16xf32>,
          tpu.vector_store %arg10[%swap3A_368, %swap3A_369, %swap3A_370], %gather3A_330 {strides = array<i32>} : memref<2x32x512xf32, #tpu.memory_space<vmem>>, vector<16xf32>,
          %gather3A_372 = arith.constant 16896 : i32
          %gather3A_373 = tpu.memref_slice %arg8[%gather3A_372] : memref<49152xf32, #tpu.memory_space<vmem>> -> memref<1536xf32, #tpu.memory_space<vmem>>
          %gather3A_374 = tpu.vector_load_idx %gather3A_373[%add3A_322] : memref<1536xf32, #tpu.memory_space<vmem>>[vector<16xi32>], vector<16xf32>,
          %swap3A_375 = arith.constant 0 : i32
          %swap3A_376 = arith.constant 3 : i32
          %swap3A_377 = arith.index_cast %swap3A_375 : i32 to index
          %swap3A_378 = arith.index_cast %swap3A_376 : i32 to index
          %swap3A_379 = arith.index_cast %mul3A_315 : i32 to index
          %swap3A_380 = tpu.vector_load %arg10[%swap3A_377, %swap3A_378, %swap3A_379] {strides = array<i32>} : memref<2x32x512xf32, #tpu.memory_space<vmem>>, vector<16xf32>,
          tpu.vector_store %arg10[%swap3A_377, %swap3A_378, %swap3A_379], %gather3A_333 {strides = array<i32>} : memref<2x32x512xf32, #tpu.memory_space<vmem>>, vector<16xf32>,
          %gather3A_381 = arith.constant 18432 : i32
          %gather3A_382 = tpu.memref_slice %arg8[%gather3A_381] : memref<49152xf32, #tpu.memory_space<vmem>> -> memref<1536xf32, #tpu.memory_space<vmem>>
          %gather3A_383 = tpu.vector_load_idx %gather3A_382[%add3A_322] : memref<1536xf32, #tpu.memory_space<vmem>>[vector<16xi32>], vector<16xf32>,
          %swap3A_384 = arith.constant 0 : i32
          %swap3A_385 = arith.constant 4 : i32
          %swap3A_386 = arith.index_cast %swap3A_384 : i32 to index
          %swap3A_387 = arith.index_cast %swap3A_385 : i32 to index
          %swap3A_388 = arith.index_cast %mul3A_315 : i32 to index
          %swap3A_389 = tpu.vector_load %arg10[%swap3A_386, %swap3A_387, %swap3A_388] {strides = array<i32>} : memref<2x32x512xf32, #tpu.memory_space<vmem>>, vector<16xf32>,
          tpu.vector_store %arg10[%swap3A_386, %swap3A_387, %swap3A_388], %gather3A_336 {strides = array<i32>} : memref<2x32x512xf32, #tpu.memory_space<vmem>>, vector<16xf32>,
          %gather3A_390 = arith.constant 19968 : i32
          %gather3A_391 = tpu.memref_slice %arg8[%gather3A_390] : memref<49152xf32, #tpu.memory_space<vmem>> -> memref<1536xf32, #tpu.memory_space<vmem>>
          %gather3A_392 = tpu.vector_load_idx %gather3A_391[%add3A_322] : memref<1536xf32, #tpu.memory_space<vmem>>[vector<16xi32>], vector<16xf32>,
          %swap3A_393 = arith.constant 0 : i32
          %swap3A_394 = arith.constant 5 : i32
          %swap3A_395 = arith.index_cast %swap3A_393 : i32 to index
          %swap3A_396 = arith.index_cast %swap3A_394 : i32 to index
          %swap3A_397 = arith.index_cast %mul3A_315 : i32 to index
          %swap3A_398 = tpu.vector_load %arg10[%swap3A_395, %swap3A_396, %swap3A_397] {strides = array<i32>} : memref<2x32x512xf32, #tpu.memory_space<vmem>>, vector<16xf32>,
          tpu.vector_store %arg10[%swap3A_395, %swap3A_396, %swap3A_397], %gather3A_339 {strides = array<i32>} : memref<2x32x512xf32, #tpu.memory_space<vmem>>, vector<16xf32>,
          %gather3A_399 = arith.constant 21504 : i32
          %gather3A_400 = tpu.memref_slice %arg8[%gather3A_399] : memref<49152xf32, #tpu.memory_space<vmem>> -> memref<1536xf32, #tpu.memory_space<vmem>>
          %gather3A_401 = tpu.vector_load_idx %gather3A_400[%add3A_322] : memref<1536xf32, #tpu.memory_space<vmem>>[vector<16xi32>], vector<16xf32>,
          %swap3A_402 = arith.constant 0 : i32
          %swap3A_403 = arith.constant 6 : i32
          %swap3A_404 = arith.index_cast %swap3A_402 : i32 to index
          %swap3A_405 = arith.index_cast %swap3A_403 : i32 to index
          %swap3A_406 = arith.index_cast %mul3A_315 : i32 to index
          %swap3A_407 = tpu.vector_load %arg10[%swap3A_404, %swap3A_405, %swap3A_406] {strides = array<i32>} : memref<2x32x512xf32, #tpu.memory_space<vmem>>, vector<16xf32>,
          tpu.vector_store %arg10[%swap3A_404, %swap3A_405, %swap3A_406], %gather3A_342 {strides = array<i32>} : memref<2x32x512xf32, #tpu.memory_space<vmem>>, vector<16xf32>,
          %gather3A_408 = arith.constant 23040 : i32
          %gather3A_409 = tpu.memref_slice %arg8[%gather3A_408] : memref<49152xf32, #tpu.memory_space<vmem>> -> memref<1536xf32, #tpu.memory_space<vmem>>
          %gather3A_410 = tpu.vector_load_idx %gather3A_409[%add3A_322] : memref<1536xf32, #tpu.memory_space<vmem>>[vector<16xi32>], vector<16xf32>,
          %swap3A_411 = arith.constant 0 : i32
          %swap3A_412 = arith.constant 7 : i32
          %swap3A_413 = arith.index_cast %swap3A_411 : i32 to index
          %swap3A_414 = arith.index_cast %swap3A_412 : i32 to index
          %swap3A_415 = arith.index_cast %mul3A_315 : i32 to index
          %swap3A_416 = tpu.vector_load %arg10[%swap3A_413, %swap3A_414, %swap3A_415] {strides = array<i32>} : memref<2x32x512xf32, #tpu.memory_space<vmem>>, vector<16xf32>,
          tpu.vector_store %arg10[%swap3A_413, %swap3A_414, %swap3A_415], %gather3A_345 {strides = array<i32>} : memref<2x32x512xf32, #tpu.memory_space<vmem>>, vector<16xf32>,
          %gather3A_417 = arith.constant 24576 : i32
          %gather3A_418 = tpu.memref_slice %arg8[%gather3A_417] : memref<49152xf32, #tpu.memory_space<vmem>> -> memref<1536xf32, #tpu.memory_space<vmem>>
          %gather3A_419 = tpu.vector_load_idx %gather3A_418[%add3A_322] : memref<1536xf32, #tpu.memory_space<vmem>>[vector<16xi32>], vector<16xf32>,
          %swap3A_420 = arith.constant 0 : i32
          %swap3A_421 = arith.constant 8 : i32
          %swap3A_422 = arith.index_cast %swap3A_420 : i32 to index
          %swap3A_423 = arith.index_cast %swap3A_421 : i32 to index
          %swap3A_424 = arith.index_cast %mul3A_315 : i32 to index
          %swap3A_425 = tpu.vector_load %arg10[%swap3A_422, %swap3A_423, %swap3A_424] {strides = array<i32>} : memref<2x32x512xf32, #tpu.memory_space<vmem>>, vector<16xf32>,
          tpu.vector_store %arg10[%swap3A_422, %swap3A_423, %swap3A_424], %gather3A_348 {strides = array<i32>} : memref<2x32x512xf32, #tpu.memory_space<vmem>>, vector<16xf32>,
          %gather3A_426 = arith.constant 26112 : i32
          %gather3A_427 = tpu.memref_slice %arg8[%gather3A_426] : memref<49152xf32, #tpu.memory_space<vmem>> -> memref<1536xf32, #tpu.memory_space<vmem>>
          %gather3A_428 = tpu.vector_load_idx %gather3A_427[%add3A_322] : memref<1536xf32, #tpu.memory_space<vmem>>[vector<16xi32>], vector<16xf32>,
          %swap3A_429 = arith.constant 0 : i32
          %swap3A_430 = arith.constant 9 : i32
          %swap3A_431 = arith.index_cast %swap3A_429 : i32 to index
          %swap3A_432 = arith.index_cast %swap3A_430 : i32 to index
          %swap3A_433 = arith.index_cast %mul3A_315 : i32 to index
          %swap3A_434 = tpu.vector_load %arg10[%swap3A_431, %swap3A_432, %swap3A_433] {strides = array<i32>} : memref<2x32x512xf32, #tpu.memory_space<vmem>>, vector<16xf32>,
          tpu.vector_store %arg10[%swap3A_431, %swap3A_432, %swap3A_433], %gather3A_356 {strides = array<i32>} : memref<2x32x512xf32, #tpu.memory_space<vmem>>, vector<16xf32>,
          %gather3A_435 = arith.constant 27648 : i32
          %gather3A_436 = tpu.memref_slice %arg8[%gather3A_435] : memref<49152xf32, #tpu.memory_space<vmem>> -> memref<1536xf32, #tpu.memory_space<vmem>>
          %gather3A_437 = tpu.vector_load_idx %gather3A_436[%add3A_322] : memref<1536xf32, #tpu.memory_space<vmem>>[vector<16xi32>], vector<16xf32>,
          %swap3A_438 = arith.constant 0 : i32
          %swap3A_439 = arith.constant 10 : i32
          %swap3A_440 = arith.index_cast %swap3A_438 : i32 to index
          %swap3A_441 = arith.index_cast %swap3A_439 : i32 to index
          %swap3A_442 = arith.index_cast %mul3A_315 : i32 to index
          %swap3A_443 = tpu.vector_load %arg10[%swap3A_440, %swap3A_441, %swap3A_442] {strides = array<i32>} : memref<2x32x512xf32, #tpu.memory_space<vmem>>, vector<16xf32>,
          tpu.vector_store %arg10[%swap3A_440, %swap3A_441, %swap3A_442], %gather3A_365 {strides = array<i32>} : memref<2x32x512xf32, #tpu.memory_space<vmem>>, vector<16xf32>,
          %gather3A_444 = arith.constant 29184 : i32
          %gather3A_445 = tpu.memref_slice %arg8[%gather3A_444] : memref<49152xf32, #tpu.memory_space<vmem>> -> memref<1536xf32, #tpu.memory_space<vmem>>
          %gather3A_446 = tpu.vector_load_idx %gather3A_445[%add3A_322] : memref<1536xf32, #tpu.memory_space<vmem>>[vector<16xi32>], vector<16xf32>,
          %swap3A_447 = arith.constant 0 : i32
          %swap3A_448 = arith.constant 11 : i32
          %swap3A_449 = arith.index_cast %swap3A_447 : i32 to index
          %swap3A_450 = arith.index_cast %swap3A_448 : i32 to index
          %swap3A_451 = arith.index_cast %mul3A_315 : i32 to index
          %swap3A_452 = tpu.vector_load %arg10[%swap3A_449, %swap3A_450, %swap3A_451] {strides = array<i32>} : memref<2x32x512xf32, #tpu.memory_space<vmem>>, vector<16xf32>,
          tpu.vector_store %arg10[%swap3A_449, %swap3A_450, %swap3A_451], %gather3A_374 {strides = array<i32>} : memref<2x32x512xf32, #tpu.memory_space<vmem>>, vector<16xf32>,
          %gather3A_453 = arith.constant 30720 : i32
          %gather3A_454 = tpu.memref_slice %arg8[%gather3A_453] : memref<49152xf32, #tpu.memory_space<vmem>> -> memref<1536xf32, #tpu.memory_space<vmem>>
          %gather3A_455 = tpu.vector_load_idx %gather3A_454[%add3A_322] : memref<1536xf32, #tpu.memory_space<vmem>>[vector<16xi32>], vector<16xf32>,
          %swap3A_456 = arith.constant 0 : i32
          %swap3A_457 = arith.constant 12 : i32
          %swap3A_458 = arith.index_cast %swap3A_456 : i32 to index
          %swap3A_459 = arith.index_cast %swap3A_457 : i32 to index
          %swap3A_460 = arith.index_cast %mul3A_315 : i32 to index
          %swap3A_461 = tpu.vector_load %arg10[%swap3A_458, %swap3A_459, %swap3A_460] {strides = array<i32>} : memref<2x32x512xf32, #tpu.memory_space<vmem>>, vector<16xf32>,
          tpu.vector_store %arg10[%swap3A_458, %swap3A_459, %swap3A_460], %gather3A_383 {strides = array<i32>} : memref<2x32x512xf32, #tpu.memory_space<vmem>>, vector<16xf32>,
          %gather3A_462 = arith.constant 32256 : i32
          %gather3A_463 = tpu.memref_slice %arg8[%gather3A_462] : memref<49152xf32, #tpu.memory_space<vmem>> -> memref<1536xf32, #tpu.memory_space<vmem>>
          %gather3A_464 = tpu.vector_load_idx %gather3A_463[%add3A_322] : memref<1536xf32, #tpu.memory_space<vmem>>[vector<16xi32>], vector<16xf32>,
          %swap3A_465 = arith.constant 0 : i32
          %swap3A_466 = arith.constant 13 : i32
          %swap3A_467 = arith.index_cast %swap3A_465 : i32 to index
          %swap3A_468 = arith.index_cast %swap3A_466 : i32 to index
          %swap3A_469 = arith.index_cast %mul3A_315 : i32 to index
          %swap3A_470 = tpu.vector_load %arg10[%swap3A_467, %swap3A_468, %swap3A_469] {strides = array<i32>} : memref<2x32x512xf32, #tpu.memory_space<vmem>>, vector<16xf32>,
          tpu.vector_store %arg10[%swap3A_467, %swap3A_468, %swap3A_469], %gather3A_392 {strides = array<i32>} : memref<2x32x512xf32, #tpu.memory_space<vmem>>, vector<16xf32>,
          %gather3A_471 = arith.constant 33792 : i32
          %gather3A_472 = tpu.memref_slice %arg8[%gather3A_471] : memref<49152xf32, #tpu.memory_space<vmem>> -> memref<1536xf32, #tpu.memory_space<vmem>>
          %gather3A_473 = tpu.vector_load_idx %gather3A_472[%add3A_322] : memref<1536xf32, #tpu.memory_space<vmem>>[vector<16xi32>], vector<16xf32>,
          %swap3A_474 = arith.constant 0 : i32
          %swap3A_475 = arith.constant 14 : i32
          %swap3A_476 = arith.index_cast %swap3A_474 : i32 to index
          %swap3A_477 = arith.index_cast %swap3A_475 : i32 to index
          %swap3A_478 = arith.index_cast %mul3A_315 : i32 to index
          %swap3A_479 = tpu.vector_load %arg10[%swap3A_476, %swap3A_477, %swap3A_478] {strides = array<i32>} : memref<2x32x512xf32, #tpu.memory_space<vmem>>, vector<16xf32>,
          tpu.vector_store %arg10[%swap3A_476, %swap3A_477, %swap3A_478], %gather3A_401 {strides = array<i32>} : memref<2x32x512xf32, #tpu.memory_space<vmem>>, vector<16xf32>,
          %gather3A_480 = arith.constant 35328 : i32
          %gather3A_481 = tpu.memref_slice %arg8[%gather3A_480] : memref<49152xf32, #tpu.memory_space<vmem>> -> memref<1536xf32, #tpu.memory_space<vmem>>
          %gather3A_482 = tpu.vector_load_idx %gather3A_481[%add3A_322] : memref<1536xf32, #tpu.memory_space<vmem>>[vector<16xi32>], vector<16xf32>,
          %swap3A_483 = arith.constant 0 : i32
          %swap3A_484 = arith.constant 15 : i32
          %swap3A_485 = arith.index_cast %swap3A_483 : i32 to index
          %swap3A_486 = arith.index_cast %swap3A_484 : i32 to index
          %swap3A_487 = arith.index_cast %mul3A_315 : i32 to index
          %swap3A_488 = tpu.vector_load %arg10[%swap3A_485, %swap3A_486, %swap3A_487] {strides = array<i32>} : memref<2x32x512xf32, #tpu.memory_space<vmem>>, vector<16xf32>,
          tpu.vector_store %arg10[%swap3A_485, %swap3A_486, %swap3A_487], %gather3A_410 {strides = array<i32>} : memref<2x32x512xf32, #tpu.memory_space<vmem>>, vector<16xf32>,
          %gather3A_489 = arith.constant 36864 : i32
          %gather3A_490 = tpu.memref_slice %arg8[%gather3A_489] : memref<49152xf32, #tpu.memory_space<vmem>> -> memref<1536xf32, #tpu.memory_space<vmem>>
          %gather3A_491 = tpu.vector_load_idx %gather3A_490[%add3A_322] : memref<1536xf32, #tpu.memory_space<vmem>>[vector<16xi32>], vector<16xf32>,
          %swap3A_492 = arith.constant 0 : i32
          %swap3A_493 = arith.constant 16 : i32
          %swap3A_494 = arith.index_cast %swap3A_492 : i32 to index
          %swap3A_495 = arith.index_cast %swap3A_493 : i32 to index
          %swap3A_496 = arith.index_cast %mul3A_315 : i32 to index
          %swap3A_497 = tpu.vector_load %arg10[%swap3A_494, %swap3A_495, %swap3A_496] {strides = array<i32>} : memref<2x32x512xf32, #tpu.memory_space<vmem>>, vector<16xf32>,
          tpu.vector_store %arg10[%swap3A_494, %swap3A_495, %swap3A_496], %gather3A_419 {strides = array<i32>} : memref<2x32x512xf32, #tpu.memory_space<vmem>>, vector<16xf32>,
          %gather3A_498 = arith.constant 38400 : i32
          %gather3A_499 = tpu.memref_slice %arg8[%gather3A_498] : memref<49152xf32, #tpu.memory_space<vmem>> -> memref<1536xf32, #tpu.memory_space<vmem>>
          %gather3A_500 = tpu.vector_load_idx %gather3A_499[%add3A_322] : memref<1536xf32, #tpu.memory_space<vmem>>[vector<16xi32>], vector<16xf32>,
          %swap3A_501 = arith.constant 0 : i32
          %swap3A_502 = arith.constant 17 : i32
          %swap3A_503 = arith.index_cast %swap3A_501 : i32 to index
          %swap3A_504 = arith.index_cast %swap3A_502 : i32 to index
          %swap3A_505 = arith.index_cast %mul3A_315 : i32 to index
          %swap3A_506 = tpu.vector_load %arg10[%swap3A_503, %swap3A_504, %swap3A_505] {strides = array<i32>} : memref<2x32x512xf32, #tpu.memory_space<vmem>>, vector<16xf32>,
          tpu.vector_store %arg10[%swap3A_503, %swap3A_504, %swap3A_505], %gather3A_428 {strides = array<i32>} : memref<2x32x512xf32, #tpu.memory_space<vmem>>, vector<16xf32>,
          %gather3A_507 = arith.constant 39936 : i32
          %gather3A_508 = tpu.memref_slice %arg8[%gather3A_507] : memref<49152xf32, #tpu.memory_space<vmem>> -> memref<1536xf32, #tpu.memory_space<vmem>>
          %gather3A_509 = tpu.vector_load_idx %gather3A_508[%add3A_322] : memref<1536xf32, #tpu.memory_space<vmem>>[vector<16xi32>], vector<16xf32>,
          %swap3A_510 = arith.constant 0 : i32
          %swap3A_511 = arith.constant 18 : i32
          %swap3A_512 = arith.index_cast %swap3A_510 : i32 to index
          %swap3A_513 = arith.index_cast %swap3A_511 : i32 to index
          %swap3A_514 = arith.index_cast %mul3A_315 : i32 to index
          %swap3A_515 = tpu.vector_load %arg10[%swap3A_512, %swap3A_513, %swap3A_514] {strides = array<i32>} : memref<2x32x512xf32, #tpu.memory_space<vmem>>, vector<16xf32>,
          tpu.vector_store %arg10[%swap3A_512, %swap3A_513, %swap3A_514], %gather3A_437 {strides = array<i32>} : memref<2x32x512xf32, #tpu.memory_space<vmem>>, vector<16xf32>,
          %gather3A_516 = arith.constant 41472 : i32
          %gather3A_517 = tpu.memref_slice %arg8[%gather3A_516] : memref<49152xf32, #tpu.memory_space<vmem>> -> memref<1536xf32, #tpu.memory_space<vmem>>
          %gather3A_518 = tpu.vector_load_idx %gather3A_517[%add3A_322] : memref<1536xf32, #tpu.memory_space<vmem>>[vector<16xi32>], vector<16xf32>,
          %swap3A_519 = arith.constant 0 : i32
          %swap3A_520 = arith.constant 19 : i32
          %swap3A_521 = arith.index_cast %swap3A_519 : i32 to index
          %swap3A_522 = arith.index_cast %swap3A_520 : i32 to index
          %swap3A_523 = arith.index_cast %mul3A_315 : i32 to index
          %swap3A_524 = tpu.vector_load %arg10[%swap3A_521, %swap3A_522, %swap3A_523] {strides = array<i32>} : memref<2x32x512xf32, #tpu.memory_space<vmem>>, vector<16xf32>,
          tpu.vector_store %arg10[%swap3A_521, %swap3A_522, %swap3A_523], %gather3A_446 {strides = array<i32>} : memref<2x32x512xf32, #tpu.memory_space<vmem>>, vector<16xf32>,
          %gather3A_525 = arith.constant 43008 : i32
          %gather3A_526 = tpu.memref_slice %arg8[%gather3A_525] : memref<49152xf32, #tpu.memory_space<vmem>> -> memref<1536xf32, #tpu.memory_space<vmem>>
          %gather3A_527 = tpu.vector_load_idx %gather3A_526[%add3A_322] : memref<1536xf32, #tpu.memory_space<vmem>>[vector<16xi32>], vector<16xf32>,
          %swap3A_528 = arith.constant 0 : i32
          %swap3A_529 = arith.constant 20 : i32
          %swap3A_530 = arith.index_cast %swap3A_528 : i32 to index
          %swap3A_531 = arith.index_cast %swap3A_529 : i32 to index
          %swap3A_532 = arith.index_cast %mul3A_315 : i32 to index
          %swap3A_533 = tpu.vector_load %arg10[%swap3A_530, %swap3A_531, %swap3A_532] {strides = array<i32>} : memref<2x32x512xf32, #tpu.memory_space<vmem>>, vector<16xf32>,
          tpu.vector_store %arg10[%swap3A_530, %swap3A_531, %swap3A_532], %gather3A_455 {strides = array<i32>} : memref<2x32x512xf32, #tpu.memory_space<vmem>>, vector<16xf32>,
          %gather3A_534 = arith.constant 44544 : i32
          %gather3A_535 = tpu.memref_slice %arg8[%gather3A_534] : memref<49152xf32, #tpu.memory_space<vmem>> -> memref<1536xf32, #tpu.memory_space<vmem>>
          %gather3A_536 = tpu.vector_load_idx %gather3A_535[%add3A_322] : memref<1536xf32, #tpu.memory_space<vmem>>[vector<16xi32>], vector<16xf32>,
          %swap3A_537 = arith.constant 0 : i32
          %swap3A_538 = arith.constant 21 : i32
          %swap3A_539 = arith.index_cast %swap3A_537 : i32 to index
          %swap3A_540 = arith.index_cast %swap3A_538 : i32 to index
          %swap3A_541 = arith.index_cast %mul3A_315 : i32 to index
          %swap3A_542 = tpu.vector_load %arg10[%swap3A_539, %swap3A_540, %swap3A_541] {strides = array<i32>} : memref<2x32x512xf32, #tpu.memory_space<vmem>>, vector<16xf32>,
          tpu.vector_store %arg10[%swap3A_539, %swap3A_540, %swap3A_541], %gather3A_464 {strides = array<i32>} : memref<2x32x512xf32, #tpu.memory_space<vmem>>, vector<16xf32>,
          %gather3A_543 = arith.constant 46080 : i32
          %gather3A_544 = tpu.memref_slice %arg8[%gather3A_543] : memref<49152xf32, #tpu.memory_space<vmem>> -> memref<1536xf32, #tpu.memory_space<vmem>>
          %gather3A_545 = tpu.vector_load_idx %gather3A_544[%add3A_322] : memref<1536xf32, #tpu.memory_space<vmem>>[vector<16xi32>], vector<16xf32>,
          %swap3A_546 = arith.constant 0 : i32
          %swap3A_547 = arith.constant 22 : i32
          %swap3A_548 = arith.index_cast %swap3A_546 : i32 to index
          %swap3A_549 = arith.index_cast %swap3A_547 : i32 to index
          %swap3A_550 = arith.index_cast %mul3A_315 : i32 to index
          %swap3A_551 = tpu.vector_load %arg10[%swap3A_548, %swap3A_549, %swap3A_550] {strides = array<i32>} : memref<2x32x512xf32, #tpu.memory_space<vmem>>, vector<16xf32>,
          tpu.vector_store %arg10[%swap3A_548, %swap3A_549, %swap3A_550], %gather3A_473 {strides = array<i32>} : memref<2x32x512xf32, #tpu.memory_space<vmem>>, vector<16xf32>,
          %gather3A_552 = arith.constant 47616 : i32
          %gather3A_553 = tpu.memref_slice %arg8[%gather3A_552] : memref<49152xf32, #tpu.memory_space<vmem>> -> memref<1536xf32, #tpu.memory_space<vmem>>
          %gather3A_554 = tpu.vector_load_idx %gather3A_553[%add3A_322] : memref<1536xf32, #tpu.memory_space<vmem>>[vector<16xi32>], vector<16xf32>,
          %swap3A_555 = arith.constant 0 : i32
          %swap3A_556 = arith.constant 23 : i32
          %swap3A_557 = arith.index_cast %swap3A_555 : i32 to index
          %swap3A_558 = arith.index_cast %swap3A_556 : i32 to index
          %swap3A_559 = arith.index_cast %mul3A_315 : i32 to index
          %swap3A_560 = tpu.vector_load %arg10[%swap3A_557, %swap3A_558, %swap3A_559] {strides = array<i32>} : memref<2x32x512xf32, #tpu.memory_space<vmem>>, vector<16xf32>,
          tpu.vector_store %arg10[%swap3A_557, %swap3A_558, %swap3A_559], %gather3A_482 {strides = array<i32>} : memref<2x32x512xf32, #tpu.memory_space<vmem>>, vector<16xf32>,
          %swap3A_561 = arith.constant 0 : i32
          %swap3A_562 = arith.constant 24 : i32
          %swap3A_563 = arith.index_cast %swap3A_561 : i32 to index
          %swap3A_564 = arith.index_cast %swap3A_562 : i32 to index
          %swap3A_565 = arith.index_cast %mul3A_315 : i32 to index
          %swap3A_566 = tpu.vector_load %arg10[%swap3A_563, %swap3A_564, %swap3A_565] {strides = array<i32>} : memref<2x32x512xf32, #tpu.memory_space<vmem>>, vector<16xf32>,
          tpu.vector_store %arg10[%swap3A_563, %swap3A_564, %swap3A_565], %gather3A_491 {strides = array<i32>} : memref<2x32x512xf32, #tpu.memory_space<vmem>>, vector<16xf32>,
          %swap3A_567 = arith.constant 0 : i32
          %swap3A_568 = arith.constant 25 : i32
          %swap3A_569 = arith.index_cast %swap3A_567 : i32 to index
          %swap3A_570 = arith.index_cast %swap3A_568 : i32 to index
          %swap3A_571 = arith.index_cast %mul3A_315 : i32 to index
          %swap3A_572 = tpu.vector_load %arg10[%swap3A_569, %swap3A_570, %swap3A_571] {strides = array<i32>} : memref<2x32x512xf32, #tpu.memory_space<vmem>>, vector<16xf32>,
          tpu.vector_store %arg10[%swap3A_569, %swap3A_570, %swap3A_571], %gather3A_500 {strides = array<i32>} : memref<2x32x512xf32, #tpu.memory_space<vmem>>, vector<16xf32>,
          %swap3A_573 = arith.constant 0 : i32
          %swap3A_574 = arith.constant 26 : i32
          %swap3A_575 = arith.index_cast %swap3A_573 : i32 to index
          %swap3A_576 = arith.index_cast %swap3A_574 : i32 to index
          %swap3A_577 = arith.index_cast %mul3A_315 : i32 to index
          %swap3A_578 = tpu.vector_load %arg10[%swap3A_575, %swap3A_576, %swap3A_577] {strides = array<i32>} : memref<2x32x512xf32, #tpu.memory_space<vmem>>, vector<16xf32>,
          tpu.vector_store %arg10[%swap3A_575, %swap3A_576, %swap3A_577], %gather3A_509 {strides = array<i32>} : memref<2x32x512xf32, #tpu.memory_space<vmem>>, vector<16xf32>,
          %swap3A_579 = arith.constant 0 : i32
          %swap3A_580 = arith.constant 27 : i32
          %swap3A_581 = arith.index_cast %swap3A_579 : i32 to index
          %swap3A_582 = arith.index_cast %swap3A_580 : i32 to index
          %swap3A_583 = arith.index_cast %mul3A_315 : i32 to index
          %swap3A_584 = tpu.vector_load %arg10[%swap3A_581, %swap3A_582, %swap3A_583] {strides = array<i32>} : memref<2x32x512xf32, #tpu.memory_space<vmem>>, vector<16xf32>,
          tpu.vector_store %arg10[%swap3A_581, %swap3A_582, %swap3A_583], %gather3A_518 {strides = array<i32>} : memref<2x32x512xf32, #tpu.memory_space<vmem>>, vector<16xf32>,
          %swap3A_585 = arith.constant 0 : i32
          %swap3A_586 = arith.constant 28 : i32
          %swap3A_587 = arith.index_cast %swap3A_585 : i32 to index
          %swap3A_588 = arith.index_cast %swap3A_586 : i32 to index
          %swap3A_589 = arith.index_cast %mul3A_315 : i32 to index
          %swap3A_590 = tpu.vector_load %arg10[%swap3A_587, %swap3A_588, %swap3A_589] {strides = array<i32>} : memref<2x32x512xf32, #tpu.memory_space<vmem>>, vector<16xf32>,
          tpu.vector_store %arg10[%swap3A_587, %swap3A_588, %swap3A_589], %gather3A_527 {strides = array<i32>} : memref<2x32x512xf32, #tpu.memory_space<vmem>>, vector<16xf32>,
          %swap3A_591 = arith.constant 0 : i32
          %swap3A_592 = arith.constant 29 : i32
          %swap3A_593 = arith.index_cast %swap3A_591 : i32 to index
          %swap3A_594 = arith.index_cast %swap3A_592 : i32 to index
          %swap3A_595 = arith.index_cast %mul3A_315 : i32 to index
          %swap3A_596 = tpu.vector_load %arg10[%swap3A_593, %swap3A_594, %swap3A_595] {strides = array<i32>} : memref<2x32x512xf32, #tpu.memory_space<vmem>>, vector<16xf32>,
          tpu.vector_store %arg10[%swap3A_593, %swap3A_594, %swap3A_595], %gather3A_536 {strides = array<i32>} : memref<2x32x512xf32, #tpu.memory_space<vmem>>, vector<16xf32>,
          %swap3A_597 = arith.constant 0 : i32
          %swap3A_598 = arith.constant 30 : i32
          %swap3A_599 = arith.index_cast %swap3A_597 : i32 to index
          %swap3A_600 = arith.index_cast %swap3A_598 : i32 to index
          %swap3A_601 = arith.index_cast %mul3A_315 : i32 to index
          %swap3A_602 = tpu.vector_load %arg10[%swap3A_599, %swap3A_600, %swap3A_601] {strides = array<i32>} : memref<2x32x512xf32, #tpu.memory_space<vmem>>, vector<16xf32>,
          tpu.vector_store %arg10[%swap3A_599, %swap3A_600, %swap3A_601], %gather3A_545 {strides = array<i32>} : memref<2x32x512xf32, #tpu.memory_space<vmem>>, vector<16xf32>,
          %swap3A_603 = arith.constant 0 : i32
          %swap3A_604 = arith.constant 31 : i32
          %swap3A_605 = arith.index_cast %swap3A_603 : i32 to index
          %swap3A_606 = arith.index_cast %swap3A_604 : i32 to index
          %swap3A_607 = arith.index_cast %mul3A_315 : i32 to index
          %swap3A_608 = tpu.vector_load %arg10[%swap3A_605, %swap3A_606, %swap3A_607] {strides = array<i32>} : memref<2x32x512xf32, #tpu.memory_space<vmem>>, vector<16xf32>,
          tpu.vector_store %arg10[%swap3A_605, %swap3A_606, %swap3A_607], %gather3A_554 {strides = array<i32>} : memref<2x32x512xf32, #tpu.memory_space<vmem>>, vector<16xf32>,
          %mul3A_609 = arith.constant 2 : i32
          %mul3A_610 = arith.muli %mul3A_609, %scan3A_309 : i32
          %add3A_611 = arith.constant 1 : i32
          %add3A_612 = arith.addi %mul3A_610, %add3A_611 : i32
          %mul3A_613 = arith.constant 16 : i32
          %mul3A_614 = arith.muli %add3A_612, %mul3A_613 : i32
          %get3A_615 = arith.constant 0 : i32
          %get3A_616 = arith.index_cast %get3A_615 : i32 to index
          %get3A_617 = arith.index_cast %mul3A_614 : i32 to index
          %get3A_618 = tpu.vector_load %arg9[%get3A_616, %get3A_617] {strides = array<i32>} : memref<2x512xi32, #tpu.memory_space<vmem>>, vector<16xi32>,
          %mul3A_619 = arith.constant 16 : i32
          %mul3A_620 = vector.broadcast %mul3A_619 : i32 to vector<16xi32>
          %mul3A_621 = arith.muli %get3A_618, %mul3A_620 : vector<16xi32>
          %add3A_622 = arith.addi %mul3A_621, %iota3A : vector<16xi32>
          %gather3A_623 = arith.constant 0 : i32
          %gather3A_624 = tpu.memref_slice %arg8[%gather3A_623] : memref<49152xf32, #tpu.memory_space<vmem>> -> memref<1536xf32, #tpu.memory_space<vmem>>
          %gather3A_625 = tpu.vector_load_idx %gather3A_624[%add3A_622] : memref<1536xf32, #tpu.memory_space<vmem>>[vector<16xi32>], vector<16xf32>,
          %gather3A_626 = arith.constant 1536 : i32
          %gather3A_627 = tpu.memref_slice %arg8[%gather3A_626] : memref<49152xf32, #tpu.memory_space<vmem>> -> memref<1536xf32, #tpu.memory_space<vmem>>
          %gather3A_628 = tpu.vector_load_idx %gather3A_627[%add3A_622] : memref<1536xf32, #tpu.memory_space<vmem>>[vector<16xi32>], vector<16xf32>,
          %gather3A_629 = arith.constant 3072 : i32
          %gather3A_630 = tpu.memref_slice %arg8[%gather3A_629] : memref<49152xf32, #tpu.memory_space<vmem>> -> memref<1536xf32, #tpu.memory_space<vmem>>
          %gather3A_631 = tpu.vector_load_idx %gather3A_630[%add3A_622] : memref<1536xf32, #tpu.memory_space<vmem>>[vector<16xi32>], vector<16xf32>,
          %gather3A_632 = arith.constant 4608 : i32
          %gather3A_633 = tpu.memref_slice %arg8[%gather3A_632] : memref<49152xf32, #tpu.memory_space<vmem>> -> memref<1536xf32, #tpu.memory_space<vmem>>
          %gather3A_634 = tpu.vector_load_idx %gather3A_633[%add3A_622] : memref<1536xf32, #tpu.memory_space<vmem>>[vector<16xi32>], vector<16xf32>,
          %gather3A_635 = arith.constant 6144 : i32
          %gather3A_636 = tpu.memref_slice %arg8[%gather3A_635] : memref<49152xf32, #tpu.memory_space<vmem>> -> memref<1536xf32, #tpu.memory_space<vmem>>
          %gather3A_637 = tpu.vector_load_idx %gather3A_636[%add3A_622] : memref<1536xf32, #tpu.memory_space<vmem>>[vector<16xi32>], vector<16xf32>,
          %gather3A_638 = arith.constant 7680 : i32
          %gather3A_639 = tpu.memref_slice %arg8[%gather3A_638] : memref<49152xf32, #tpu.memory_space<vmem>> -> memref<1536xf32, #tpu.memory_space<vmem>>
          %gather3A_640 = tpu.vector_load_idx %gather3A_639[%add3A_622] : memref<1536xf32, #tpu.memory_space<vmem>>[vector<16xi32>], vector<16xf32>,
          %gather3A_641 = arith.constant 9216 : i32
          %gather3A_642 = tpu.memref_slice %arg8[%gather3A_641] : memref<49152xf32, #tpu.memory_space<vmem>> -> memref<1536xf32, #tpu.memory_space<vmem>>
          %gather3A_643 = tpu.vector_load_idx %gather3A_642[%add3A_622] : memref<1536xf32, #tpu.memory_space<vmem>>[vector<16xi32>], vector<16xf32>,
          %gather3A_644 = arith.constant 10752 : i32
          %gather3A_645 = tpu.memref_slice %arg8[%gather3A_644] : memref<49152xf32, #tpu.memory_space<vmem>> -> memref<1536xf32, #tpu.memory_space<vmem>>
          %gather3A_646 = tpu.vector_load_idx %gather3A_645[%add3A_622] : memref<1536xf32, #tpu.memory_space<vmem>>[vector<16xi32>], vector<16xf32>,
          %gather3A_647 = arith.constant 12288 : i32
          %gather3A_648 = tpu.memref_slice %arg8[%gather3A_647] : memref<49152xf32, #tpu.memory_space<vmem>> -> memref<1536xf32, #tpu.memory_space<vmem>>
          %gather3A_649 = tpu.vector_load_idx %gather3A_648[%add3A_622] : memref<1536xf32, #tpu.memory_space<vmem>>[vector<16xi32>], vector<16xf32>,
          %swap3A_650 = arith.constant 0 : i32
          %swap3A_651 = arith.constant 0 : i32
          %swap3A_652 = arith.index_cast %swap3A_650 : i32 to index
          %swap3A_653 = arith.index_cast %swap3A_651 : i32 to index
          %swap3A_654 = arith.index_cast %mul3A_614 : i32 to index
          %swap3A_655 = tpu.vector_load %arg10[%swap3A_652, %swap3A_653, %swap3A_654] {strides = array<i32>} : memref<2x32x512xf32, #tpu.memory_space<vmem>>, vector<16xf32>,
          tpu.vector_store %arg10[%swap3A_652, %swap3A_653, %swap3A_654], %gather3A_625 {strides = array<i32>} : memref<2x32x512xf32, #tpu.memory_space<vmem>>, vector<16xf32>,
          %gather3A_656 = arith.constant 13824 : i32
          %gather3A_657 = tpu.memref_slice %arg8[%gather3A_656] : memref<49152xf32, #tpu.memory_space<vmem>> -> memref<1536xf32, #tpu.memory_space<vmem>>
          %gather3A_658 = tpu.vector_load_idx %gather3A_657[%add3A_622] : memref<1536xf32, #tpu.memory_space<vmem>>[vector<16xi32>], vector<16xf32>,
          %swap3A_659 = arith.constant 0 : i32
          %swap3A_660 = arith.constant 1 : i32
          %swap3A_661 = arith.index_cast %swap3A_659 : i32 to index
          %swap3A_662 = arith.index_cast %swap3A_660 : i32 to index
          %swap3A_663 = arith.index_cast %mul3A_614 : i32 to index
          %swap3A_664 = tpu.vector_load %arg10[%swap3A_661, %swap3A_662, %swap3A_663] {strides = array<i32>} : memref<2x32x512xf32, #tpu.memory_space<vmem>>, vector<16xf32>,
          tpu.vector_store %arg10[%swap3A_661, %swap3A_662, %swap3A_663], %gather3A_628 {strides = array<i32>} : memref<2x32x512xf32, #tpu.memory_space<vmem>>, vector<16xf32>,
          %gather3A_665 = arith.constant 15360 : i32
          %gather3A_666 = tpu.memref_slice %arg8[%gather3A_665] : memref<49152xf32, #tpu.memory_space<vmem>> -> memref<1536xf32, #tpu.memory_space<vmem>>
          %gather3A_667 = tpu.vector_load_idx %gather3A_666[%add3A_622] : memref<1536xf32, #tpu.memory_space<vmem>>[vector<16xi32>], vector<16xf32>,
          %swap3A_668 = arith.constant 0 : i32
          %swap3A_669 = arith.constant 2 : i32
          %swap3A_670 = arith.index_cast %swap3A_668 : i32 to index
          %swap3A_671 = arith.index_cast %swap3A_669 : i32 to index
          %swap3A_672 = arith.index_cast %mul3A_614 : i32 to index
          %swap3A_673 = tpu.vector_load %arg10[%swap3A_670, %swap3A_671, %swap3A_672] {strides = array<i32>} : memref<2x32x512xf32, #tpu.memory_space<vmem>>, vector<16xf32>,
          tpu.vector_store %arg10[%swap3A_670, %swap3A_671, %swap3A_672], %gather3A_631 {strides = array<i32>} : memref<2x32x512xf32, #tpu.memory_space<vmem>>, vector<16xf32>,
          %gather3A_674 = arith.constant 16896 : i32
          %gather3A_675 = tpu.memref_slice %arg8[%gather3A_674] : memref<49152xf32, #tpu.memory_space<vmem>> -> memref<1536xf32, #tpu.memory_space<vmem>>
          %gather3A_676 = tpu.vector_load_idx %gather3A_675[%add3A_622] : memref<1536xf32, #tpu.memory_space<vmem>>[vector<16xi32>], vector<16xf32>,
          %swap3A_677 = arith.constant 0 : i32
          %swap3A_678 = arith.constant 3 : i32
          %swap3A_679 = arith.index_cast %swap3A_677 : i32 to index
          %swap3A_680 = arith.index_cast %swap3A_678 : i32 to index
          %swap3A_681 = arith.index_cast %mul3A_614 : i32 to index
          %swap3A_682 = tpu.vector_load %arg10[%swap3A_679, %swap3A_680, %swap3A_681] {strides = array<i32>} : memref<2x32x512xf32, #tpu.memory_space<vmem>>, vector<16xf32>,
          tpu.vector_store %arg10[%swap3A_679, %swap3A_680, %swap3A_681], %gather3A_634 {strides = array<i32>} : memref<2x32x512xf32, #tpu.memory_space<vmem>>, vector<16xf32>,
          %gather3A_683 = arith.constant 18432 : i32
          %gather3A_684 = tpu.memref_slice %arg8[%gather3A_683] : memref<49152xf32, #tpu.memory_space<vmem>> -> memref<1536xf32, #tpu.memory_space<vmem>>
          %gather3A_685 = tpu.vector_load_idx %gather3A_684[%add3A_622] : memref<1536xf32, #tpu.memory_space<vmem>>[vector<16xi32>], vector<16xf32>,
          %swap3A_686 = arith.constant 0 : i32
          %swap3A_687 = arith.constant 4 : i32
          %swap3A_688 = arith.index_cast %swap3A_686 : i32 to index
          %swap3A_689 = arith.index_cast %swap3A_687 : i32 to index
          %swap3A_690 = arith.index_cast %mul3A_614 : i32 to index
          %swap3A_691 = tpu.vector_load %arg10[%swap3A_688, %swap3A_689, %swap3A_690] {strides = array<i32>} : memref<2x32x512xf32, #tpu.memory_space<vmem>>, vector<16xf32>,
          tpu.vector_store %arg10[%swap3A_688, %swap3A_689, %swap3A_690], %gather3A_637 {strides = array<i32>} : memref<2x32x512xf32, #tpu.memory_space<vmem>>, vector<16xf32>,
          %gather3A_692 = arith.constant 19968 : i32
          %gather3A_693 = tpu.memref_slice %arg8[%gather3A_692] : memref<49152xf32, #tpu.memory_space<vmem>> -> memref<1536xf32, #tpu.memory_space<vmem>>
          %gather3A_694 = tpu.vector_load_idx %gather3A_693[%add3A_622] : memref<1536xf32, #tpu.memory_space<vmem>>[vector<16xi32>], vector<16xf32>,
          %swap3A_695 = arith.constant 0 : i32
          %swap3A_696 = arith.constant 5 : i32
          %swap3A_697 = arith.index_cast %swap3A_695 : i32 to index
          %swap3A_698 = arith.index_cast %swap3A_696 : i32 to index
          %swap3A_699 = arith.index_cast %mul3A_614 : i32 to index
          %swap3A_700 = tpu.vector_load %arg10[%swap3A_697, %swap3A_698, %swap3A_699] {strides = array<i32>} : memref<2x32x512xf32, #tpu.memory_space<vmem>>, vector<16xf32>,
          tpu.vector_store %arg10[%swap3A_697, %swap3A_698, %swap3A_699], %gather3A_640 {strides = array<i32>} : memref<2x32x512xf32, #tpu.memory_space<vmem>>, vector<16xf32>,
          %gather3A_701 = arith.constant 21504 : i32
          %gather3A_702 = tpu.memref_slice %arg8[%gather3A_701] : memref<49152xf32, #tpu.memory_space<vmem>> -> memref<1536xf32, #tpu.memory_space<vmem>>
          %gather3A_703 = tpu.vector_load_idx %gather3A_702[%add3A_622] : memref<1536xf32, #tpu.memory_space<vmem>>[vector<16xi32>], vector<16xf32>,
          %swap3A_704 = arith.constant 0 : i32
          %swap3A_705 = arith.constant 6 : i32
          %swap3A_706 = arith.index_cast %swap3A_704 : i32 to index
          %swap3A_707 = arith.index_cast %swap3A_705 : i32 to index
          %swap3A_708 = arith.index_cast %mul3A_614 : i32 to index
          %swap3A_709 = tpu.vector_load %arg10[%swap3A_706, %swap3A_707, %swap3A_708] {strides = array<i32>} : memref<2x32x512xf32, #tpu.memory_space<vmem>>, vector<16xf32>,
          tpu.vector_store %arg10[%swap3A_706, %swap3A_707, %swap3A_708], %gather3A_643 {strides = array<i32>} : memref<2x32x512xf32, #tpu.memory_space<vmem>>, vector<16xf32>,
          %gather3A_710 = arith.constant 23040 : i32
          %gather3A_711 = tpu.memref_slice %arg8[%gather3A_710] : memref<49152xf32, #tpu.memory_space<vmem>> -> memref<1536xf32, #tpu.memory_space<vmem>>
          %gather3A_712 = tpu.vector_load_idx %gather3A_711[%add3A_622] : memref<1536xf32, #tpu.memory_space<vmem>>[vector<16xi32>], vector<16xf32>,
          %swap3A_713 = arith.constant 0 : i32
          %swap3A_714 = arith.constant 7 : i32
          %swap3A_715 = arith.index_cast %swap3A_713 : i32 to index
          %swap3A_716 = arith.index_cast %swap3A_714 : i32 to index
          %swap3A_717 = arith.index_cast %mul3A_614 : i32 to index
          %swap3A_718 = tpu.vector_load %arg10[%swap3A_715, %swap3A_716, %swap3A_717] {strides = array<i32>} : memref<2x32x512xf32, #tpu.memory_space<vmem>>, vector<16xf32>,
          tpu.vector_store %arg10[%swap3A_715, %swap3A_716, %swap3A_717], %gather3A_646 {strides = array<i32>} : memref<2x32x512xf32, #tpu.memory_space<vmem>>, vector<16xf32>,
          %gather3A_719 = arith.constant 24576 : i32
          %gather3A_720 = tpu.memref_slice %arg8[%gather3A_719] : memref<49152xf32, #tpu.memory_space<vmem>> -> memref<1536xf32, #tpu.memory_space<vmem>>
          %gather3A_721 = tpu.vector_load_idx %gather3A_720[%add3A_622] : memref<1536xf32, #tpu.memory_space<vmem>>[vector<16xi32>], vector<16xf32>,
          %swap3A_722 = arith.constant 0 : i32
          %swap3A_723 = arith.constant 8 : i32
          %swap3A_724 = arith.index_cast %swap3A_722 : i32 to index
          %swap3A_725 = arith.index_cast %swap3A_723 : i32 to index
          %swap3A_726 = arith.index_cast %mul3A_614 : i32 to index
          %swap3A_727 = tpu.vector_load %arg10[%swap3A_724, %swap3A_725, %swap3A_726] {strides = array<i32>} : memref<2x32x512xf32, #tpu.memory_space<vmem>>, vector<16xf32>,
          tpu.vector_store %arg10[%swap3A_724, %swap3A_725, %swap3A_726], %gather3A_649 {strides = array<i32>} : memref<2x32x512xf32, #tpu.memory_space<vmem>>, vector<16xf32>,
          %gather3A_728 = arith.constant 26112 : i32
          %gather3A_729 = tpu.memref_slice %arg8[%gather3A_728] : memref<49152xf32, #tpu.memory_space<vmem>> -> memref<1536xf32, #tpu.memory_space<vmem>>
          %gather3A_730 = tpu.vector_load_idx %gather3A_729[%add3A_622] : memref<1536xf32, #tpu.memory_space<vmem>>[vector<16xi32>], vector<16xf32>,
          %swap3A_731 = arith.constant 0 : i32
          %swap3A_732 = arith.constant 9 : i32
          %swap3A_733 = arith.index_cast %swap3A_731 : i32 to index
          %swap3A_734 = arith.index_cast %swap3A_732 : i32 to index
          %swap3A_735 = arith.index_cast %mul3A_614 : i32 to index
          %swap3A_736 = tpu.vector_load %arg10[%swap3A_733, %swap3A_734, %swap3A_735] {strides = array<i32>} : memref<2x32x512xf32, #tpu.memory_space<vmem>>, vector<16xf32>,
          tpu.vector_store %arg10[%swap3A_733, %swap3A_734, %swap3A_735], %gather3A_658 {strides = array<i32>} : memref<2x32x512xf32, #tpu.memory_space<vmem>>, vector<16xf32>,
          %gather3A_737 = arith.constant 27648 : i32
          %gather3A_738 = tpu.memref_slice %arg8[%gather3A_737] : memref<49152xf32, #tpu.memory_space<vmem>> -> memref<1536xf32, #tpu.memory_space<vmem>>
          %gather3A_739 = tpu.vector_load_idx %gather3A_738[%add3A_622] : memref<1536xf32, #tpu.memory_space<vmem>>[vector<16xi32>], vector<16xf32>,
          %swap3A_740 = arith.constant 0 : i32
          %swap3A_741 = arith.constant 10 : i32
          %swap3A_742 = arith.index_cast %swap3A_740 : i32 to index
          %swap3A_743 = arith.index_cast %swap3A_741 : i32 to index
          %swap3A_744 = arith.index_cast %mul3A_614 : i32 to index
          %swap3A_745 = tpu.vector_load %arg10[%swap3A_742, %swap3A_743, %swap3A_744] {strides = array<i32>} : memref<2x32x512xf32, #tpu.memory_space<vmem>>, vector<16xf32>,
          tpu.vector_store %arg10[%swap3A_742, %swap3A_743, %swap3A_744], %gather3A_667 {strides = array<i32>} : memref<2x32x512xf32, #tpu.memory_space<vmem>>, vector<16xf32>,
          %gather3A_746 = arith.constant 29184 : i32
          %gather3A_747 = tpu.memref_slice %arg8[%gather3A_746] : memref<49152xf32, #tpu.memory_space<vmem>> -> memref<1536xf32, #tpu.memory_space<vmem>>
          %gather3A_748 = tpu.vector_load_idx %gather3A_747[%add3A_622] : memref<1536xf32, #tpu.memory_space<vmem>>[vector<16xi32>], vector<16xf32>,
          %swap3A_749 = arith.constant 0 : i32
          %swap3A_750 = arith.constant 11 : i32
          %swap3A_751 = arith.index_cast %swap3A_749 : i32 to index
          %swap3A_752 = arith.index_cast %swap3A_750 : i32 to index
          %swap3A_753 = arith.index_cast %mul3A_614 : i32 to index
          %swap3A_754 = tpu.vector_load %arg10[%swap3A_751, %swap3A_752, %swap3A_753] {strides = array<i32>} : memref<2x32x512xf32, #tpu.memory_space<vmem>>, vector<16xf32>,
          tpu.vector_store %arg10[%swap3A_751, %swap3A_752, %swap3A_753], %gather3A_676 {strides = array<i32>} : memref<2x32x512xf32, #tpu.memory_space<vmem>>, vector<16xf32>,
          %gather3A_755 = arith.constant 30720 : i32
          %gather3A_756 = tpu.memref_slice %arg8[%gather3A_755] : memref<49152xf32, #tpu.memory_space<vmem>> -> memref<1536xf32, #tpu.memory_space<vmem>>
          %gather3A_757 = tpu.vector_load_idx %gather3A_756[%add3A_622] : memref<1536xf32, #tpu.memory_space<vmem>>[vector<16xi32>], vector<16xf32>,
          %swap3A_758 = arith.constant 0 : i32
          %swap3A_759 = arith.constant 12 : i32
          %swap3A_760 = arith.index_cast %swap3A_758 : i32 to index
          %swap3A_761 = arith.index_cast %swap3A_759 : i32 to index
          %swap3A_762 = arith.index_cast %mul3A_614 : i32 to index
          %swap3A_763 = tpu.vector_load %arg10[%swap3A_760, %swap3A_761, %swap3A_762] {strides = array<i32>} : memref<2x32x512xf32, #tpu.memory_space<vmem>>, vector<16xf32>,
          tpu.vector_store %arg10[%swap3A_760, %swap3A_761, %swap3A_762], %gather3A_685 {strides = array<i32>} : memref<2x32x512xf32, #tpu.memory_space<vmem>>, vector<16xf32>,
          %gather3A_764 = arith.constant 32256 : i32
          %gather3A_765 = tpu.memref_slice %arg8[%gather3A_764] : memref<49152xf32, #tpu.memory_space<vmem>> -> memref<1536xf32, #tpu.memory_space<vmem>>
          %gather3A_766 = tpu.vector_load_idx %gather3A_765[%add3A_622] : memref<1536xf32, #tpu.memory_space<vmem>>[vector<16xi32>], vector<16xf32>,
          %swap3A_767 = arith.constant 0 : i32
          %swap3A_768 = arith.constant 13 : i32
          %swap3A_769 = arith.index_cast %swap3A_767 : i32 to index
          %swap3A_770 = arith.index_cast %swap3A_768 : i32 to index
          %swap3A_771 = arith.index_cast %mul3A_614 : i32 to index
          %swap3A_772 = tpu.vector_load %arg10[%swap3A_769, %swap3A_770, %swap3A_771] {strides = array<i32>} : memref<2x32x512xf32, #tpu.memory_space<vmem>>, vector<16xf32>,
          tpu.vector_store %arg10[%swap3A_769, %swap3A_770, %swap3A_771], %gather3A_694 {strides = array<i32>} : memref<2x32x512xf32, #tpu.memory_space<vmem>>, vector<16xf32>,
          %gather3A_773 = arith.constant 33792 : i32
          %gather3A_774 = tpu.memref_slice %arg8[%gather3A_773] : memref<49152xf32, #tpu.memory_space<vmem>> -> memref<1536xf32, #tpu.memory_space<vmem>>
          %gather3A_775 = tpu.vector_load_idx %gather3A_774[%add3A_622] : memref<1536xf32, #tpu.memory_space<vmem>>[vector<16xi32>], vector<16xf32>,
          %swap3A_776 = arith.constant 0 : i32
          %swap3A_777 = arith.constant 14 : i32
          %swap3A_778 = arith.index_cast %swap3A_776 : i32 to index
          %swap3A_779 = arith.index_cast %swap3A_777 : i32 to index
          %swap3A_780 = arith.index_cast %mul3A_614 : i32 to index
          %swap3A_781 = tpu.vector_load %arg10[%swap3A_778, %swap3A_779, %swap3A_780] {strides = array<i32>} : memref<2x32x512xf32, #tpu.memory_space<vmem>>, vector<16xf32>,
          tpu.vector_store %arg10[%swap3A_778, %swap3A_779, %swap3A_780], %gather3A_703 {strides = array<i32>} : memref<2x32x512xf32, #tpu.memory_space<vmem>>, vector<16xf32>,
          %gather3A_782 = arith.constant 35328 : i32
          %gather3A_783 = tpu.memref_slice %arg8[%gather3A_782] : memref<49152xf32, #tpu.memory_space<vmem>> -> memref<1536xf32, #tpu.memory_space<vmem>>
          %gather3A_784 = tpu.vector_load_idx %gather3A_783[%add3A_622] : memref<1536xf32, #tpu.memory_space<vmem>>[vector<16xi32>], vector<16xf32>,
          %swap3A_785 = arith.constant 0 : i32
          %swap3A_786 = arith.constant 15 : i32
          %swap3A_787 = arith.index_cast %swap3A_785 : i32 to index
          %swap3A_788 = arith.index_cast %swap3A_786 : i32 to index
          %swap3A_789 = arith.index_cast %mul3A_614 : i32 to index
          %swap3A_790 = tpu.vector_load %arg10[%swap3A_787, %swap3A_788, %swap3A_789] {strides = array<i32>} : memref<2x32x512xf32, #tpu.memory_space<vmem>>, vector<16xf32>,
          tpu.vector_store %arg10[%swap3A_787, %swap3A_788, %swap3A_789], %gather3A_712 {strides = array<i32>} : memref<2x32x512xf32, #tpu.memory_space<vmem>>, vector<16xf32>,
          %gather3A_791 = arith.constant 36864 : i32
          %gather3A_792 = tpu.memref_slice %arg8[%gather3A_791] : memref<49152xf32, #tpu.memory_space<vmem>> -> memref<1536xf32, #tpu.memory_space<vmem>>
          %gather3A_793 = tpu.vector_load_idx %gather3A_792[%add3A_622] : memref<1536xf32, #tpu.memory_space<vmem>>[vector<16xi32>], vector<16xf32>,
          %swap3A_794 = arith.constant 0 : i32
          %swap3A_795 = arith.constant 16 : i32
          %swap3A_796 = arith.index_cast %swap3A_794 : i32 to index
          %swap3A_797 = arith.index_cast %swap3A_795 : i32 to index
          %swap3A_798 = arith.index_cast %mul3A_614 : i32 to index
          %swap3A_799 = tpu.vector_load %arg10[%swap3A_796, %swap3A_797, %swap3A_798] {strides = array<i32>} : memref<2x32x512xf32, #tpu.memory_space<vmem>>, vector<16xf32>,
          tpu.vector_store %arg10[%swap3A_796, %swap3A_797, %swap3A_798], %gather3A_721 {strides = array<i32>} : memref<2x32x512xf32, #tpu.memory_space<vmem>>, vector<16xf32>,
          %gather3A_800 = arith.constant 38400 : i32
          %gather3A_801 = tpu.memref_slice %arg8[%gather3A_800] : memref<49152xf32, #tpu.memory_space<vmem>> -> memref<1536xf32, #tpu.memory_space<vmem>>
          %gather3A_802 = tpu.vector_load_idx %gather3A_801[%add3A_622] : memref<1536xf32, #tpu.memory_space<vmem>>[vector<16xi32>], vector<16xf32>,
          %swap3A_803 = arith.constant 0 : i32
          %swap3A_804 = arith.constant 17 : i32
          %swap3A_805 = arith.index_cast %swap3A_803 : i32 to index
          %swap3A_806 = arith.index_cast %swap3A_804 : i32 to index
          %swap3A_807 = arith.index_cast %mul3A_614 : i32 to index
          %swap3A_808 = tpu.vector_load %arg10[%swap3A_805, %swap3A_806, %swap3A_807] {strides = array<i32>} : memref<2x32x512xf32, #tpu.memory_space<vmem>>, vector<16xf32>,
          tpu.vector_store %arg10[%swap3A_805, %swap3A_806, %swap3A_807], %gather3A_730 {strides = array<i32>} : memref<2x32x512xf32, #tpu.memory_space<vmem>>, vector<16xf32>,
          %gather3A_809 = arith.constant 39936 : i32
          %gather3A_810 = tpu.memref_slice %arg8[%gather3A_809] : memref<49152xf32, #tpu.memory_space<vmem>> -> memref<1536xf32, #tpu.memory_space<vmem>>
          %gather3A_811 = tpu.vector_load_idx %gather3A_810[%add3A_622] : memref<1536xf32, #tpu.memory_space<vmem>>[vector<16xi32>], vector<16xf32>,
          %swap3A_812 = arith.constant 0 : i32
          %swap3A_813 = arith.constant 18 : i32
          %swap3A_814 = arith.index_cast %swap3A_812 : i32 to index
          %swap3A_815 = arith.index_cast %swap3A_813 : i32 to index
          %swap3A_816 = arith.index_cast %mul3A_614 : i32 to index
          %swap3A_817 = tpu.vector_load %arg10[%swap3A_814, %swap3A_815, %swap3A_816] {strides = array<i32>} : memref<2x32x512xf32, #tpu.memory_space<vmem>>, vector<16xf32>,
          tpu.vector_store %arg10[%swap3A_814, %swap3A_815, %swap3A_816], %gather3A_739 {strides = array<i32>} : memref<2x32x512xf32, #tpu.memory_space<vmem>>, vector<16xf32>,
          %gather3A_818 = arith.constant 41472 : i32
          %gather3A_819 = tpu.memref_slice %arg8[%gather3A_818] : memref<49152xf32, #tpu.memory_space<vmem>> -> memref<1536xf32, #tpu.memory_space<vmem>>
          %gather3A_820 = tpu.vector_load_idx %gather3A_819[%add3A_622] : memref<1536xf32, #tpu.memory_space<vmem>>[vector<16xi32>], vector<16xf32>,
          %swap3A_821 = arith.constant 0 : i32
          %swap3A_822 = arith.constant 19 : i32
          %swap3A_823 = arith.index_cast %swap3A_821 : i32 to index
          %swap3A_824 = arith.index_cast %swap3A_822 : i32 to index
          %swap3A_825 = arith.index_cast %mul3A_614 : i32 to index
          %swap3A_826 = tpu.vector_load %arg10[%swap3A_823, %swap3A_824, %swap3A_825] {strides = array<i32>} : memref<2x32x512xf32, #tpu.memory_space<vmem>>, vector<16xf32>,
          tpu.vector_store %arg10[%swap3A_823, %swap3A_824, %swap3A_825], %gather3A_748 {strides = array<i32>} : memref<2x32x512xf32, #tpu.memory_space<vmem>>, vector<16xf32>,
          %gather3A_827 = arith.constant 43008 : i32
          %gather3A_828 = tpu.memref_slice %arg8[%gather3A_827] : memref<49152xf32, #tpu.memory_space<vmem>> -> memref<1536xf32, #tpu.memory_space<vmem>>
          %gather3A_829 = tpu.vector_load_idx %gather3A_828[%add3A_622] : memref<1536xf32, #tpu.memory_space<vmem>>[vector<16xi32>], vector<16xf32>,
          %swap3A_830 = arith.constant 0 : i32
          %swap3A_831 = arith.constant 20 : i32
          %swap3A_832 = arith.index_cast %swap3A_830 : i32 to index
          %swap3A_833 = arith.index_cast %swap3A_831 : i32 to index
          %swap3A_834 = arith.index_cast %mul3A_614 : i32 to index
          %swap3A_835 = tpu.vector_load %arg10[%swap3A_832, %swap3A_833, %swap3A_834] {strides = array<i32>} : memref<2x32x512xf32, #tpu.memory_space<vmem>>, vector<16xf32>,
          tpu.vector_store %arg10[%swap3A_832, %swap3A_833, %swap3A_834], %gather3A_757 {strides = array<i32>} : memref<2x32x512xf32, #tpu.memory_space<vmem>>, vector<16xf32>,
          %gather3A_836 = arith.constant 44544 : i32
          %gather3A_837 = tpu.memref_slice %arg8[%gather3A_836] : memref<49152xf32, #tpu.memory_space<vmem>> -> memref<1536xf32, #tpu.memory_space<vmem>>
          %gather3A_838 = tpu.vector_load_idx %gather3A_837[%add3A_622] : memref<1536xf32, #tpu.memory_space<vmem>>[vector<16xi32>], vector<16xf32>,
          %swap3A_839 = arith.constant 0 : i32
          %swap3A_840 = arith.constant 21 : i32
          %swap3A_841 = arith.index_cast %swap3A_839 : i32 to index
          %swap3A_842 = arith.index_cast %swap3A_840 : i32 to index
          %swap3A_843 = arith.index_cast %mul3A_614 : i32 to index
          %swap3A_844 = tpu.vector_load %arg10[%swap3A_841, %swap3A_842, %swap3A_843] {strides = array<i32>} : memref<2x32x512xf32, #tpu.memory_space<vmem>>, vector<16xf32>,
          tpu.vector_store %arg10[%swap3A_841, %swap3A_842, %swap3A_843], %gather3A_766 {strides = array<i32>} : memref<2x32x512xf32, #tpu.memory_space<vmem>>, vector<16xf32>,
          %gather3A_845 = arith.constant 46080 : i32
          %gather3A_846 = tpu.memref_slice %arg8[%gather3A_845] : memref<49152xf32, #tpu.memory_space<vmem>> -> memref<1536xf32, #tpu.memory_space<vmem>>
          %gather3A_847 = tpu.vector_load_idx %gather3A_846[%add3A_622] : memref<1536xf32, #tpu.memory_space<vmem>>[vector<16xi32>], vector<16xf32>,
          %swap3A_848 = arith.constant 0 : i32
          %swap3A_849 = arith.constant 22 : i32
          %swap3A_850 = arith.index_cast %swap3A_848 : i32 to index
          %swap3A_851 = arith.index_cast %swap3A_849 : i32 to index
          %swap3A_852 = arith.index_cast %mul3A_614 : i32 to index
          %swap3A_853 = tpu.vector_load %arg10[%swap3A_850, %swap3A_851, %swap3A_852] {strides = array<i32>} : memref<2x32x512xf32, #tpu.memory_space<vmem>>, vector<16xf32>,
          tpu.vector_store %arg10[%swap3A_850, %swap3A_851, %swap3A_852], %gather3A_775 {strides = array<i32>} : memref<2x32x512xf32, #tpu.memory_space<vmem>>, vector<16xf32>,
          %gather3A_854 = arith.constant 47616 : i32
          %gather3A_855 = tpu.memref_slice %arg8[%gather3A_854] : memref<49152xf32, #tpu.memory_space<vmem>> -> memref<1536xf32, #tpu.memory_space<vmem>>
          %gather3A_856 = tpu.vector_load_idx %gather3A_855[%add3A_622] : memref<1536xf32, #tpu.memory_space<vmem>>[vector<16xi32>], vector<16xf32>,
          %swap3A_857 = arith.constant 0 : i32
          %swap3A_858 = arith.constant 23 : i32
          %swap3A_859 = arith.index_cast %swap3A_857 : i32 to index
          %swap3A_860 = arith.index_cast %swap3A_858 : i32 to index
          %swap3A_861 = arith.index_cast %mul3A_614 : i32 to index
          %swap3A_862 = tpu.vector_load %arg10[%swap3A_859, %swap3A_860, %swap3A_861] {strides = array<i32>} : memref<2x32x512xf32, #tpu.memory_space<vmem>>, vector<16xf32>,
          tpu.vector_store %arg10[%swap3A_859, %swap3A_860, %swap3A_861], %gather3A_784 {strides = array<i32>} : memref<2x32x512xf32, #tpu.memory_space<vmem>>, vector<16xf32>,
          %swap3A_863 = arith.constant 0 : i32
          %swap3A_864 = arith.constant 24 : i32
          %swap3A_865 = arith.index_cast %swap3A_863 : i32 to index
          %swap3A_866 = arith.index_cast %swap3A_864 : i32 to index
          %swap3A_867 = arith.index_cast %mul3A_614 : i32 to index
          %swap3A_868 = tpu.vector_load %arg10[%swap3A_865, %swap3A_866, %swap3A_867] {strides = array<i32>} : memref<2x32x512xf32, #tpu.memory_space<vmem>>, vector<16xf32>,
          tpu.vector_store %arg10[%swap3A_865, %swap3A_866, %swap3A_867], %gather3A_793 {strides = array<i32>} : memref<2x32x512xf32, #tpu.memory_space<vmem>>, vector<16xf32>,
          %swap3A_869 = arith.constant 0 : i32
          %swap3A_870 = arith.constant 25 : i32
          %swap3A_871 = arith.index_cast %swap3A_869 : i32 to index
          %swap3A_872 = arith.index_cast %swap3A_870 : i32 to index
          %swap3A_873 = arith.index_cast %mul3A_614 : i32 to index
          %swap3A_874 = tpu.vector_load %arg10[%swap3A_871, %swap3A_872, %swap3A_873] {strides = array<i32>} : memref<2x32x512xf32, #tpu.memory_space<vmem>>, vector<16xf32>,
          tpu.vector_store %arg10[%swap3A_871, %swap3A_872, %swap3A_873], %gather3A_802 {strides = array<i32>} : memref<2x32x512xf32, #tpu.memory_space<vmem>>, vector<16xf32>,
          %swap3A_875 = arith.constant 0 : i32
          %swap3A_876 = arith.constant 26 : i32
          %swap3A_877 = arith.index_cast %swap3A_875 : i32 to index
          %swap3A_878 = arith.index_cast %swap3A_876 : i32 to index
          %swap3A_879 = arith.index_cast %mul3A_614 : i32 to index
          %swap3A_880 = tpu.vector_load %arg10[%swap3A_877, %swap3A_878, %swap3A_879] {strides = array<i32>} : memref<2x32x512xf32, #tpu.memory_space<vmem>>, vector<16xf32>,
          tpu.vector_store %arg10[%swap3A_877, %swap3A_878, %swap3A_879], %gather3A_811 {strides = array<i32>} : memref<2x32x512xf32, #tpu.memory_space<vmem>>, vector<16xf32>,
          %swap3A_881 = arith.constant 0 : i32
          %swap3A_882 = arith.constant 27 : i32
          %swap3A_883 = arith.index_cast %swap3A_881 : i32 to index
          %swap3A_884 = arith.index_cast %swap3A_882 : i32 to index
          %swap3A_885 = arith.index_cast %mul3A_614 : i32 to index
          %swap3A_886 = tpu.vector_load %arg10[%swap3A_883, %swap3A_884, %swap3A_885] {strides = array<i32>} : memref<2x32x512xf32, #tpu.memory_space<vmem>>, vector<16xf32>,
          tpu.vector_store %arg10[%swap3A_883, %swap3A_884, %swap3A_885], %gather3A_820 {strides = array<i32>} : memref<2x32x512xf32, #tpu.memory_space<vmem>>, vector<16xf32>,
          %swap3A_887 = arith.constant 0 : i32
          %swap3A_888 = arith.constant 28 : i32
          %swap3A_889 = arith.index_cast %swap3A_887 : i32 to index
          %swap3A_890 = arith.index_cast %swap3A_888 : i32 to index
          %swap3A_891 = arith.index_cast %mul3A_614 : i32 to index
          %swap3A_892 = tpu.vector_load %arg10[%swap3A_889, %swap3A_890, %swap3A_891] {strides = array<i32>} : memref<2x32x512xf32, #tpu.memory_space<vmem>>, vector<16xf32>,
          tpu.vector_store %arg10[%swap3A_889, %swap3A_890, %swap3A_891], %gather3A_829 {strides = array<i32>} : memref<2x32x512xf32, #tpu.memory_space<vmem>>, vector<16xf32>,
          %swap3A_893 = arith.constant 0 : i32
          %swap3A_894 = arith.constant 29 : i32
          %swap3A_895 = arith.index_cast %swap3A_893 : i32 to index
          %swap3A_896 = arith.index_cast %swap3A_894 : i32 to index
          %swap3A_897 = arith.index_cast %mul3A_614 : i32 to index
          %swap3A_898 = tpu.vector_load %arg10[%swap3A_895, %swap3A_896, %swap3A_897] {strides = array<i32>} : memref<2x32x512xf32, #tpu.memory_space<vmem>>, vector<16xf32>,
          tpu.vector_store %arg10[%swap3A_895, %swap3A_896, %swap3A_897], %gather3A_838 {strides = array<i32>} : memref<2x32x512xf32, #tpu.memory_space<vmem>>, vector<16xf32>,
          %swap3A_899 = arith.constant 0 : i32
          %swap3A_900 = arith.constant 30 : i32
          %swap3A_901 = arith.index_cast %swap3A_899 : i32 to index
          %swap3A_902 = arith.index_cast %swap3A_900 : i32 to index
          %swap3A_903 = arith.index_cast %mul3A_614 : i32 to index
          %swap3A_904 = tpu.vector_load %arg10[%swap3A_901, %swap3A_902, %swap3A_903] {strides = array<i32>} : memref<2x32x512xf32, #tpu.memory_space<vmem>>, vector<16xf32>,
          tpu.vector_store %arg10[%swap3A_901, %swap3A_902, %swap3A_903], %gather3A_847 {strides = array<i32>} : memref<2x32x512xf32, #tpu.memory_space<vmem>>, vector<16xf32>,
          %swap3A_905 = arith.constant 0 : i32
          %swap3A_906 = arith.constant 31 : i32
          %swap3A_907 = arith.index_cast %swap3A_905 : i32 to index
          %swap3A_908 = arith.index_cast %swap3A_906 : i32 to index
          %swap3A_909 = arith.index_cast %mul3A_614 : i32 to index
          %swap3A_910 = tpu.vector_load %arg10[%swap3A_907, %swap3A_908, %swap3A_909] {strides = array<i32>} : memref<2x32x512xf32, #tpu.memory_space<vmem>>, vector<16xf32>,
          tpu.vector_store %arg10[%swap3A_907, %swap3A_908, %swap3A_909], %gather3A_856 {strides = array<i32>} : memref<2x32x512xf32, #tpu.memory_space<vmem>>, vector<16xf32>,
        }
        %scan3A_299 = arith.constant 16 : i32
        %lt3A_300 = arith.constant 97 : i32
        %lt3A_301 = arith.cmpi slt, %rem3A_275, %lt3A_300 : i32
        %convert_element_type3A_302 = arith.extui %lt3A_301 : i1 to i32
        %cond3A_303 = arith.constant 0 : i32
        %cond3A_304 = arith.cmpi ne, %convert_element_type3A_302, %cond3A_303 : i32
        scf.if %cond3A_304 {
          %mul3A_309 = arith.constant 32 : i32
          %mul3A_310 = arith.muli %sub3A_189, %mul3A_309 : i32
          %dma_start3A_311 = arith.constant 0 : i32
          %dma_start3A_312 = arith.constant 0 : i32
          %dma_start3A_313 = arith.constant 0 : i32
          %dma_start3A_314 = tpu.memref_slice %arg10[%dma_start3A_311, %dma_start3A_312, %dma_start3A_313] : memref<2x32x512xf32, #tpu.memory_space<vmem>> -> memref<1x32x512xf32, #tpu.memory_space<vmem>>
          %dma_start3A_315 = tpu.memref_squeeze %dma_start3A_314 : memref<1x32x512xf32, #tpu.memory_space<vmem>> -> memref<32x512xf32, #tpu.memory_space<vmem>>
          %dma_start3A_316 = tpu.memref_slice %arg5[%select_n3A_186, %mul3A_310, %mul3A_277] : memref<19x64x50000xf32, #tpu.memory_space<hbm>> -> memref<1x32x512xf32, #tpu.memory_space<hbm>>
          %dma_start3A_317 = tpu.memref_squeeze %dma_start3A_316 : memref<1x32x512xf32, #tpu.memory_space<hbm>> -> memref<32x512xf32, #tpu.memory_space<hbm>>
          %dma_start3A_318 = tpu.memref_slice %arg5[%select_n3A_186, %mul3A_310, %mul3A_277] : memref<19x64x50000xf32, #tpu.memory_space<hbm>> -> memref<1x32x512xf32, #tpu.memory_space<hbm>>
          %dma_start3A_319 = tpu.memref_squeeze %dma_start3A_318 : memref<1x32x512xf32, #tpu.memory_space<hbm>> -> memref<32x512xf32, #tpu.memory_space<hbm>>
          %dma_start3A_320 = arith.constant 0 : i32
          %dma_start3A_321 = arith.constant 0 : i32
          %dma_start3A_322 = tpu.memref_slice %arg10[%dma_start3A_311, %dma_start3A_320, %dma_start3A_321] : memref<2x32x512xf32, #tpu.memory_space<vmem>> -> memref<1x32x512xf32, #tpu.memory_space<vmem>>
          %dma_start3A_323 = tpu.memref_squeeze %dma_start3A_322 : memref<1x32x512xf32, #tpu.memory_space<vmem>> -> memref<32x512xf32, #tpu.memory_space<vmem>>
          tpu.enqueue_dma source(%dma_start3A_323 : memref<32x512xf32, #tpu.memory_space<vmem>>) target(%dma_start3A_319 : memref<32x512xf32, #tpu.memory_space<hbm>>) target_semaphore(%arg13 : memref<!tpu.dma_semaphore, #tpu.memory_space<semaphore_mem>>)
        } else {
        }
        %eq3A = arith.constant 97 : i32
        %eq3A_305 = arith.cmpi eq, %rem3A_275, %eq3A : i32
        %convert_element_type3A_306 = arith.extui %eq3A_305 : i1 to i32
        %cond3A_307 = arith.constant 0 : i32
        %cond3A_308 = arith.cmpi ne, %convert_element_type3A_306, %cond3A_307 : i32
        scf.if %cond3A_308 {
          %mul3A_309 = arith.constant 32 : i32
          %mul3A_310 = arith.muli %sub3A_189, %mul3A_309 : i32
          %dma_start3A_311 = arith.constant 0 : i32
          %dma_start3A_312 = arith.constant 0 : i32
          %dma_start3A_313 = arith.constant 0 : i32
          %dma_start3A_314 = tpu.memref_slice %arg10[%dma_start3A_311, %dma_start3A_312, %dma_start3A_313] : memref<2x32x512xf32, #tpu.memory_space<vmem>> -> memref<1x32x384xf32, #tpu.memory_space<vmem>>
          %dma_start3A_315 = tpu.memref_squeeze %dma_start3A_314 : memref<1x32x384xf32, #tpu.memory_space<vmem>> -> memref<32x384xf32, #tpu.memory_space<vmem>>
          %dma_start3A_316 = tpu.memref_slice %arg5[%select_n3A_186, %mul3A_310, %mul3A_277] : memref<19x64x50000xf32, #tpu.memory_space<hbm>> -> memref<1x32x384xf32, #tpu.memory_space<hbm>>
          %dma_start3A_317 = tpu.memref_squeeze %dma_start3A_316 : memref<1x32x384xf32, #tpu.memory_space<hbm>> -> memref<32x384xf32, #tpu.memory_space<hbm>>
          %dma_start3A_318 = tpu.memref_slice %arg5[%select_n3A_186, %mul3A_310, %mul3A_277] : memref<19x64x50000xf32, #tpu.memory_space<hbm>> -> memref<1x32x384xf32, #tpu.memory_space<hbm>>
          %dma_start3A_319 = tpu.memref_squeeze %dma_start3A_318 : memref<1x32x384xf32, #tpu.memory_space<hbm>> -> memref<32x384xf32, #tpu.memory_space<hbm>>
          %dma_start3A_320 = arith.constant 0 : i32
          %dma_start3A_321 = arith.constant 0 : i32
          %dma_start3A_322 = tpu.memref_slice %arg10[%dma_start3A_311, %dma_start3A_320, %dma_start3A_321] : memref<2x32x512xf32, #tpu.memory_space<vmem>> -> memref<1x32x384xf32, #tpu.memory_space<vmem>>
          %dma_start3A_323 = tpu.memref_squeeze %dma_start3A_322 : memref<1x32x384xf32, #tpu.memory_space<vmem>> -> memref<32x384xf32, #tpu.memory_space<vmem>>
          tpu.enqueue_dma source(%dma_start3A_323 : memref<32x384xf32, #tpu.memory_space<vmem>>) target(%dma_start3A_319 : memref<32x384xf32, #tpu.memory_space<hbm>>) target_semaphore(%arg15 : memref<!tpu.dma_semaphore, #tpu.memory_space<semaphore_mem>>)
          %dma_wait3A_324 = arith.constant 0 : i32
          %dma_wait3A_325 = arith.constant 0 : i32
          %dma_wait3A_326 = arith.constant 0 : i32
          %dma_wait3A_327 = tpu.memref_slice %arg10[%dma_wait3A_324, %dma_wait3A_325, %dma_wait3A_326] : memref<2x32x512xf32, #tpu.memory_space<vmem>> -> memref<1x32x384xf32, #tpu.memory_space<vmem>>
          %dma_wait3A_328 = tpu.memref_squeeze %dma_wait3A_327 : memref<1x32x384xf32, #tpu.memory_space<vmem>> -> memref<32x384xf32, #tpu.memory_space<vmem>>
          %dma_wait3A_329 = tpu.memref_slice %arg5[%select_n3A_186, %mul3A_310, %mul3A_277] : memref<19x64x50000xf32, #tpu.memory_space<hbm>> -> memref<1x32x384xf32, #tpu.memory_space<hbm>>
          %dma_wait3A_330 = tpu.memref_squeeze %dma_wait3A_329 : memref<1x32x384xf32, #tpu.memory_space<hbm>> -> memref<32x384xf32, #tpu.memory_space<hbm>>
          %dma_wait3A_331 = tpu.memref_slice %arg5[%select_n3A_186, %mul3A_310, %mul3A_277] : memref<19x64x50000xf32, #tpu.memory_space<hbm>> -> memref<1x32x384xf32, #tpu.memory_space<hbm>>
          %dma_wait3A_332 = tpu.memref_squeeze %dma_wait3A_331 : memref<1x32x384xf32, #tpu.memory_space<hbm>> -> memref<32x384xf32, #tpu.memory_space<hbm>>
          %dma_wait3A_333 = arith.constant 0 : i32
          %dma_wait3A_334 = arith.constant 0 : i32
          %dma_wait3A_335 = tpu.memref_slice %arg10[%dma_wait3A_324, %dma_wait3A_333, %dma_wait3A_334] : memref<2x32x512xf32, #tpu.memory_space<vmem>> -> memref<1x32x384xf32, #tpu.memory_space<vmem>>
          %dma_wait3A_336 = tpu.memref_squeeze %dma_wait3A_335 : memref<1x32x384xf32, #tpu.memory_space<vmem>> -> memref<32x384xf32, #tpu.memory_space<vmem>>
          tpu.wait_dma2 semaphore(%arg15 : memref<!tpu.dma_semaphore, #tpu.memory_space<semaphore_mem>>) src(%dma_wait3A_336 : memref<32x384xf32, #tpu.memory_space<vmem>>) dst(%dma_wait3A_332 : memref<32x384xf32, #tpu.memory_space<hbm>>)
        } else {
        }
      } else {
      }
      %select_n3A_194 = arith.select %lt3A_190, %select_n3A_162, %scan3A_120 : i32
      %mul3A_195 = arith.constant 2 : i32
      %mul3A_196 = arith.muli %mul3A_195, %scan3A_119 : i32
      %add3A_197 = arith.addi %select_n3A, %mul3A_196 : i32
      %add3A_198 = arith.constant 1 : i32
      %add3A_199 = arith.addi %add3A_197, %add3A_198 : i32
      %sub3A_200 = arith.constant 2 : i32
      %sub3A_201 = arith.subi %add3A_199, %sub3A_200 : i32
      %ge3A_202 = arith.constant 1 : i32
      %ge3A_203 = arith.cmpi sge, %scan3A_119, %ge3A_202 : i32
      %lt3A_204 = arith.cmpi slt, %sub3A_201, %select_n3A_46 : i32
      %and3A_205 = arith.andi %ge3A_203, %lt3A_204 : i1
      %rem3A_206 = arith.constant 98 : i32
      %rem3A_207 = arith.remsi %sub3A_201, %rem3A_206 : i32
      %ne3A_208 = arith.constant 97 : i32
      %ne3A_209 = arith.cmpi ne, %rem3A_207, %ne3A_208 : i32
      %and3A_210 = arith.andi %and3A_205, %ne3A_209 : i1
      %convert_element_type3A_211 = arith.extui %and3A_210 : i1 to i32
      %cond3A_212 = arith.constant 0 : i32
      %cond3A_213 = arith.cmpi ne, %convert_element_type3A_211, %cond3A_212 : i32
      scf.if %cond3A_213 {
        %dma_wait3A = arith.constant 1 : i32
        %dma_wait3A_270 = arith.constant 0 : i32
        %dma_wait3A_271 = arith.constant 0 : i32
        %dma_wait3A_272 = arith.constant 0 : i32
        %dma_wait3A_273 = tpu.memref_slice %arg10[%dma_wait3A, %dma_wait3A_271, %dma_wait3A_272] : memref<2x32x512xf32, #tpu.memory_space<vmem>> -> memref<1x32x512xf32, #tpu.memory_space<vmem>>
        %dma_wait3A_274 = tpu.memref_squeeze %dma_wait3A_273 : memref<1x32x512xf32, #tpu.memory_space<vmem>> -> memref<32x512xf32, #tpu.memory_space<vmem>>
        %dma_wait3A_275 = arith.constant 0 : i32
        %dma_wait3A_276 = arith.constant 0 : i32
        %dma_wait3A_277 = tpu.memref_slice %arg5[%dma_wait3A_270, %dma_wait3A_275, %dma_wait3A_276] : memref<19x64x50000xf32, #tpu.memory_space<hbm>> -> memref<1x32x512xf32, #tpu.memory_space<hbm>>
        %dma_wait3A_278 = tpu.memref_squeeze %dma_wait3A_277 : memref<1x32x512xf32, #tpu.memory_space<hbm>> -> memref<32x512xf32, #tpu.memory_space<hbm>>
        %dma_wait3A_279 = arith.constant 0 : i32
        %dma_wait3A_280 = arith.constant 0 : i32
        %dma_wait3A_281 = tpu.memref_slice %arg5[%dma_wait3A_270, %dma_wait3A_279, %dma_wait3A_280] : memref<19x64x50000xf32, #tpu.memory_space<hbm>> -> memref<1x32x512xf32, #tpu.memory_space<hbm>>
        %dma_wait3A_282 = tpu.memref_squeeze %dma_wait3A_281 : memref<1x32x512xf32, #tpu.memory_space<hbm>> -> memref<32x512xf32, #tpu.memory_space<hbm>>
        %dma_wait3A_283 = arith.constant 0 : i32
        %dma_wait3A_284 = arith.constant 0 : i32
        %dma_wait3A_285 = tpu.memref_slice %arg10[%dma_wait3A, %dma_wait3A_283, %dma_wait3A_284] : memref<2x32x512xf32, #tpu.memory_space<vmem>> -> memref<1x32x512xf32, #tpu.memory_space<vmem>>
        %dma_wait3A_286 = tpu.memref_squeeze %dma_wait3A_285 : memref<1x32x512xf32, #tpu.memory_space<vmem>> -> memref<32x512xf32, #tpu.memory_space<vmem>>
        tpu.wait_dma2 semaphore(%arg14 : memref<!tpu.dma_semaphore, #tpu.memory_space<semaphore_mem>>) src(%dma_wait3A_286 : memref<32x512xf32, #tpu.memory_space<vmem>>) dst(%dma_wait3A_282 : memref<32x512xf32, #tpu.memory_space<hbm>>)
      } else {
      }
      %jit3A_214 = arith.constant 98 : i32
      %div3A_215 = arith.divsi %add3A_199, %jit3A_214 : i32
      %sign3A_216 = arith.constant 0 : i32
      %sign3A_217 = arith.cmpi sgt, %add3A_199, %sign3A_216 : i32
      %sign3A_218 = arith.extui %sign3A_217 : i1 to i32
      %sign3A_219 = arith.constant 0 : i32
      %sign3A_220 = arith.cmpi slt, %add3A_199, %sign3A_219 : i32
      %sign3A_221 = arith.extui %sign3A_220 : i1 to i32
      %sign3A_222 = arith.subi %sign3A_218, %sign3A_221 : i32
      %sign3A_223 = arith.constant 0 : i32
      %sign3A_224 = arith.cmpi sgt, %jit3A_214, %sign3A_223 : i32
      %sign3A_225 = arith.extui %sign3A_224 : i1 to i32
      %sign3A_226 = arith.constant 0 : i32
      %sign3A_227 = arith.cmpi slt, %jit3A_214, %sign3A_226 : i32
      %sign3A_228 = arith.extui %sign3A_227 : i1 to i32
      %sign3A_229 = arith.subi %sign3A_225, %sign3A_228 : i32
      %ne3A_230 = arith.cmpi ne, %sign3A_222, %sign3A_229 : i32
      %rem3A_231 = arith.remsi %add3A_199, %jit3A_214 : i32
      %ne3A_232 = arith.constant 0 : i32
      %ne3A_233 = arith.cmpi ne, %rem3A_231, %ne3A_232 : i32
      %and3A_234 = arith.andi %ne3A_230, %ne3A_233 : i1
      %sub3A_235 = arith.constant 1 : i32
      %sub3A_236 = arith.subi %div3A_215, %sub3A_235 : i32
      %select_n3A_237 = arith.select %and3A_234, %sub3A_236, %div3A_215 : i32
      %jit3A_238 = arith.constant 2 : i32
      %div3A_239 = arith.divsi %select_n3A_237, %jit3A_238 : i32
      %sign3A_240 = arith.constant 0 : i32
      %sign3A_241 = arith.cmpi sgt, %select_n3A_237, %sign3A_240 : i32
      %sign3A_242 = arith.extui %sign3A_241 : i1 to i32
      %sign3A_243 = arith.constant 0 : i32
      %sign3A_244 = arith.cmpi slt, %select_n3A_237, %sign3A_243 : i32
      %sign3A_245 = arith.extui %sign3A_244 : i1 to i32
      %sign3A_246 = arith.subi %sign3A_242, %sign3A_245 : i32
      %sign3A_247 = arith.constant 0 : i32
      %sign3A_248 = arith.cmpi sgt, %jit3A_238, %sign3A_247 : i32
      %sign3A_249 = arith.extui %sign3A_248 : i1 to i32
      %sign3A_250 = arith.constant 0 : i32
      %sign3A_251 = arith.cmpi slt, %jit3A_238, %sign3A_250 : i32
      %sign3A_252 = arith.extui %sign3A_251 : i1 to i32
      %sign3A_253 = arith.subi %sign3A_249, %sign3A_252 : i32
      %ne3A_254 = arith.cmpi ne, %sign3A_246, %sign3A_253 : i32
      %rem3A_255 = arith.remsi %select_n3A_237, %jit3A_238 : i32
      %ne3A_256 = arith.constant 0 : i32
      %ne3A_257 = arith.cmpi ne, %rem3A_255, %ne3A_256 : i32
      %and3A_258 = arith.andi %ne3A_254, %ne3A_257 : i1
      %sub3A_259 = arith.constant 1 : i32
      %sub3A_260 = arith.subi %div3A_239, %sub3A_259 : i32
      %select_n3A_261 = arith.select %and3A_258, %sub3A_260, %div3A_239 : i32
      %mul3A_262 = arith.constant 2 : i32
      %mul3A_263 = arith.muli %select_n3A_261, %mul3A_262 : i32
      %sub3A_264 = arith.subi %select_n3A_237, %mul3A_263 : i32
      %lt3A_265 = arith.cmpi slt, %add3A_199, %select_n3A_46 : i32
      %convert_element_type3A_266 = arith.extui %lt3A_265 : i1 to i32
      %cond3A_267 = arith.constant 0 : i32
      %cond3A_268 = arith.cmpi ne, %convert_element_type3A_266, %cond3A_267 : i32
      scf.if %cond3A_268 {
        %ne3A_270 = arith.cmpi ne, %select_n3A_237, %select_n3A_194 : i32
        %convert_element_type3A_271 = arith.extui %ne3A_270 : i1 to i32
        %cond3A_272 = arith.constant 0 : i32
        %cond3A_273 = arith.cmpi ne, %convert_element_type3A_271, %cond3A_272 : i32
        scf.if %cond3A_273 {
          %mul3A_309 = arith.constant 96 : i32
          %mul3A_310 = arith.muli %select_n3A_261, %mul3A_309 : i32
          "tpu.region"() ({
            %run_scoped3A = tpu.sem_alloc : memref<!tpu.dma_semaphore, #tpu.memory_space<semaphore_mem>>
            %dma_start3A_321 = tpu.memref_slice %arg2[%mul3A_310] : memref<1824xi32, #tpu.memory_space<hbm>> -> memref<96xi32, #tpu.memory_space<hbm>>
            %dma_start3A_322 = tpu.memref_slice %arg2[%mul3A_310] : memref<1824xi32, #tpu.memory_space<hbm>> -> memref<96xi32, #tpu.memory_space<hbm>>
            tpu.enqueue_dma source(%dma_start3A_322 : memref<96xi32, #tpu.memory_space<hbm>>) target(%arg7 : memref<96xi32, #tpu.memory_space<vmem>>) target_semaphore(%run_scoped3A : memref<!tpu.dma_semaphore, #tpu.memory_space<semaphore_mem>>)
            %dma_wait3A_323 = tpu.memref_slice %arg2[%mul3A_310] : memref<1824xi32, #tpu.memory_space<hbm>> -> memref<96xi32, #tpu.memory_space<hbm>>
            %dma_wait3A_324 = tpu.memref_slice %arg2[%mul3A_310] : memref<1824xi32, #tpu.memory_space<hbm>> -> memref<96xi32, #tpu.memory_space<hbm>>
            tpu.wait_dma2 semaphore(%run_scoped3A : memref<!tpu.dma_semaphore, #tpu.memory_space<semaphore_mem>>) src(%dma_wait3A_324 : memref<96xi32, #tpu.memory_space<hbm>>) dst(%arg7 : memref<96xi32, #tpu.memory_space<vmem>>)
            tpu.yield
          }) : () -> ()
          %mul3A_311 = arith.constant 960 : i32
          %mul3A_312 = arith.muli %select_n3A_261, %mul3A_311 : i32
          "tpu.region"() ({
            %run_scoped3A = tpu.sem_alloc : memref<!tpu.dma_semaphore, #tpu.memory_space<semaphore_mem>>
            %dma_start3A_321 = tpu.memref_slice %arg3[%mul3A_312] : memref<18240xf32, #tpu.memory_space<hbm>> -> memref<960xf32, #tpu.memory_space<hbm>>
            %dma_start3A_322 = tpu.memref_slice %arg3[%mul3A_312] : memref<18240xf32, #tpu.memory_space<hbm>> -> memref<960xf32, #tpu.memory_space<hbm>>
            tpu.enqueue_dma source(%dma_start3A_322 : memref<960xf32, #tpu.memory_space<hbm>>) target(%arg6 : memref<960xf32, #tpu.memory_space<vmem>>) target_semaphore(%run_scoped3A : memref<!tpu.dma_semaphore, #tpu.memory_space<semaphore_mem>>)
            %dma_wait3A_323 = tpu.memref_slice %arg3[%mul3A_312] : memref<18240xf32, #tpu.memory_space<hbm>> -> memref<960xf32, #tpu.memory_space<hbm>>
            %dma_wait3A_324 = tpu.memref_slice %arg3[%mul3A_312] : memref<18240xf32, #tpu.memory_space<hbm>> -> memref<960xf32, #tpu.memory_space<hbm>>
            tpu.wait_dma2 semaphore(%run_scoped3A : memref<!tpu.dma_semaphore, #tpu.memory_space<semaphore_mem>>) src(%dma_wait3A_324 : memref<960xf32, #tpu.memory_space<hbm>>) dst(%arg6 : memref<960xf32, #tpu.memory_space<vmem>>)
            tpu.yield
          }) : () -> ()
          %mul3A_313 = arith.constant 32 : i32
          %mul3A_314 = arith.muli %sub3A_264, %mul3A_313 : i32
          %scan3A_315 = arith.constant 0 : i32
          %scan3A_316 = arith.constant 0 : i32
          %scan3A_317 = arith.constant 32 : i32
          %scan3A_318 = arith.addi %scan3A_316, %scan3A_317 : i32
          %scan3A_319 = arith.constant 1 : i32
          scf.for %scan3A_321 = %scan3A_316 to %scan3A_318 step %scan3A_319  : i32 {
            %add3A_322 = arith.addi %mul3A_314, %scan3A_321 : i32
            %get3A = arith.constant 0 : index
            %get3A_323 = tpu.vector_load %arg7[%get3A] {strides = array<i32>} : memref<96xi32, #tpu.memory_space<vmem>>, vector<16xi32>,
            %mul3A_324 = arith.constant 64 : i32
            %mul3A_325 = vector.broadcast %mul3A_324 : i32 to vector<16xi32>
            %mul3A_326 = arith.muli %get3A_323, %mul3A_325 : vector<16xi32>
            %add3A_327 = vector.broadcast %add3A_322 : i32 to vector<16xi32>
            %add3A_328 = arith.addi %mul3A_326, %add3A_327 : vector<16xi32>
            %gather3A = tpu.vector_load_idx %arg6[%add3A_328] : memref<960xf32, #tpu.memory_space<vmem>>[vector<16xi32>], vector<16xf32>,
            %mul3A_329 = arith.constant 96 : i32
            %mul3A_330 = arith.muli %scan3A_321, %mul3A_329 : i32
            %mul3A_331 = arith.constant 16 : i32
            %mul3A_332 = arith.muli %mul3A_330, %mul3A_331 : i32
            %add3A_333 = arith.constant 0 : i32
            %add3A_334 = arith.addi %mul3A_332, %add3A_333 : i32
            %lt3A_335 = arith.constant 0 : i32
            %lt3A_336 = vector.broadcast %lt3A_335 : i32 to vector<16xi32>
            %lt3A_337 = arith.cmpi slt, %broadcast_in_dim3A_47, %lt3A_336 : vector<16xi32>
            %add3A_338 = arith.constant 16 : i32
            %add3A_339 = vector.broadcast %add3A_338 : i32 to vector<16xi32>
            %add3A_340 = arith.addi %broadcast_in_dim3A_47, %add3A_339 : vector<16xi32>
            %select_n3A_341 = arith.select %lt3A_337, %add3A_340, %broadcast_in_dim3A_47 : vector<16xi1>, vector<16xi32>
            %broadcast_in_dim3A_342 = vector.shape_cast %select_n3A_341 : vector<16xi32> to vector<16x1xi32>
            %gather3A_343 = vector.shape_cast %broadcast_in_dim3A_342 : vector<16x1xi32> to vector<16xi32>
            %gather3A_344 = tpu.dynamic_gather %gather3A[%gather3A_343] in [0] : vector<16xf32>, vector<16xi32> -> vector<16xf32>
            %add3A_345 = arith.constant 0 : i32
            %add3A_346 = arith.addi %add3A_334, %add3A_345 : i32
            %swap3A = arith.index_cast %add3A_346 : i32 to index
            %swap3A_347 = tpu.vector_load %arg8[%swap3A] {strides = array<i32>} : memref<49152xf32, #tpu.memory_space<vmem>>, vector<16xf32>,
            tpu.vector_store %arg8[%swap3A], %gather3A_344 {strides = array<i32>} : memref<49152xf32, #tpu.memory_space<vmem>>, vector<16xf32>,
            %lt3A_348 = arith.constant 0 : i32
            %lt3A_349 = vector.broadcast %lt3A_348 : i32 to vector<16xi32>
            %lt3A_350 = arith.cmpi slt, %broadcast_in_dim3A_49, %lt3A_349 : vector<16xi32>
            %add3A_351 = arith.constant 16 : i32
            %add3A_352 = vector.broadcast %add3A_351 : i32 to vector<16xi32>
            %add3A_353 = arith.addi %broadcast_in_dim3A_49, %add3A_352 : vector<16xi32>
            %select_n3A_354 = arith.select %lt3A_350, %add3A_353, %broadcast_in_dim3A_49 : vector<16xi1>, vector<16xi32>
            %broadcast_in_dim3A_355 = vector.shape_cast %select_n3A_354 : vector<16xi32> to vector<16x1xi32>
            %gather3A_356 = vector.shape_cast %broadcast_in_dim3A_355 : vector<16x1xi32> to vector<16xi32>
            %gather3A_357 = tpu.dynamic_gather %gather3A[%gather3A_356] in [0] : vector<16xf32>, vector<16xi32> -> vector<16xf32>
            %add3A_358 = arith.constant 16 : i32
            %add3A_359 = arith.addi %add3A_334, %add3A_358 : i32
            %swap3A_360 = arith.index_cast %add3A_359 : i32 to index
            %swap3A_361 = tpu.vector_load %arg8[%swap3A_360] {strides = array<i32>} : memref<49152xf32, #tpu.memory_space<vmem>>, vector<16xf32>,
            tpu.vector_store %arg8[%swap3A_360], %gather3A_357 {strides = array<i32>} : memref<49152xf32, #tpu.memory_space<vmem>>, vector<16xf32>,
            %lt3A_362 = arith.constant 0 : i32
            %lt3A_363 = vector.broadcast %lt3A_362 : i32 to vector<16xi32>
            %lt3A_364 = arith.cmpi slt, %broadcast_in_dim3A_51, %lt3A_363 : vector<16xi32>
            %add3A_365 = arith.constant 16 : i32
            %add3A_366 = vector.broadcast %add3A_365 : i32 to vector<16xi32>
            %add3A_367 = arith.addi %broadcast_in_dim3A_51, %add3A_366 : vector<16xi32>
            %select_n3A_368 = arith.select %lt3A_364, %add3A_367, %broadcast_in_dim3A_51 : vector<16xi1>, vector<16xi32>
            %broadcast_in_dim3A_369 = vector.shape_cast %select_n3A_368 : vector<16xi32> to vector<16x1xi32>
            %gather3A_370 = vector.shape_cast %broadcast_in_dim3A_369 : vector<16x1xi32> to vector<16xi32>
            %gather3A_371 = tpu.dynamic_gather %gather3A[%gather3A_370] in [0] : vector<16xf32>, vector<16xi32> -> vector<16xf32>
            %add3A_372 = arith.constant 32 : i32
            %add3A_373 = arith.addi %add3A_334, %add3A_372 : i32
            %swap3A_374 = arith.index_cast %add3A_373 : i32 to index
            %swap3A_375 = tpu.vector_load %arg8[%swap3A_374] {strides = array<i32>} : memref<49152xf32, #tpu.memory_space<vmem>>, vector<16xf32>,
            tpu.vector_store %arg8[%swap3A_374], %gather3A_371 {strides = array<i32>} : memref<49152xf32, #tpu.memory_space<vmem>>, vector<16xf32>,
            %lt3A_376 = arith.constant 0 : i32
            %lt3A_377 = vector.broadcast %lt3A_376 : i32 to vector<16xi32>
            %lt3A_378 = arith.cmpi slt, %broadcast_in_dim3A_53, %lt3A_377 : vector<16xi32>
            %add3A_379 = arith.constant 16 : i32
            %add3A_380 = vector.broadcast %add3A_379 : i32 to vector<16xi32>
            %add3A_381 = arith.addi %broadcast_in_dim3A_53, %add3A_380 : vector<16xi32>
            %select_n3A_382 = arith.select %lt3A_378, %add3A_381, %broadcast_in_dim3A_53 : vector<16xi1>, vector<16xi32>
            %broadcast_in_dim3A_383 = vector.shape_cast %select_n3A_382 : vector<16xi32> to vector<16x1xi32>
            %gather3A_384 = vector.shape_cast %broadcast_in_dim3A_383 : vector<16x1xi32> to vector<16xi32>
            %gather3A_385 = tpu.dynamic_gather %gather3A[%gather3A_384] in [0] : vector<16xf32>, vector<16xi32> -> vector<16xf32>
            %add3A_386 = arith.constant 48 : i32
            %add3A_387 = arith.addi %add3A_334, %add3A_386 : i32
            %swap3A_388 = arith.index_cast %add3A_387 : i32 to index
            %swap3A_389 = tpu.vector_load %arg8[%swap3A_388] {strides = array<i32>} : memref<49152xf32, #tpu.memory_space<vmem>>, vector<16xf32>,
            tpu.vector_store %arg8[%swap3A_388], %gather3A_385 {strides = array<i32>} : memref<49152xf32, #tpu.memory_space<vmem>>, vector<16xf32>,
            %lt3A_390 = arith.constant 0 : i32
            %lt3A_391 = vector.broadcast %lt3A_390 : i32 to vector<16xi32>
            %lt3A_392 = arith.cmpi slt, %broadcast_in_dim3A_55, %lt3A_391 : vector<16xi32>
            %add3A_393 = arith.constant 16 : i32
            %add3A_394 = vector.broadcast %add3A_393 : i32 to vector<16xi32>
            %add3A_395 = arith.addi %broadcast_in_dim3A_55, %add3A_394 : vector<16xi32>
            %select_n3A_396 = arith.select %lt3A_392, %add3A_395, %broadcast_in_dim3A_55 : vector<16xi1>, vector<16xi32>
            %broadcast_in_dim3A_397 = vector.shape_cast %select_n3A_396 : vector<16xi32> to vector<16x1xi32>
            %gather3A_398 = vector.shape_cast %broadcast_in_dim3A_397 : vector<16x1xi32> to vector<16xi32>
            %gather3A_399 = tpu.dynamic_gather %gather3A[%gather3A_398] in [0] : vector<16xf32>, vector<16xi32> -> vector<16xf32>
            %add3A_400 = arith.constant 64 : i32
            %add3A_401 = arith.addi %add3A_334, %add3A_400 : i32
            %swap3A_402 = arith.index_cast %add3A_401 : i32 to index
            %swap3A_403 = tpu.vector_load %arg8[%swap3A_402] {strides = array<i32>} : memref<49152xf32, #tpu.memory_space<vmem>>, vector<16xf32>,
            tpu.vector_store %arg8[%swap3A_402], %gather3A_399 {strides = array<i32>} : memref<49152xf32, #tpu.memory_space<vmem>>, vector<16xf32>,
            %lt3A_404 = arith.constant 0 : i32
            %lt3A_405 = vector.broadcast %lt3A_404 : i32 to vector<16xi32>
            %lt3A_406 = arith.cmpi slt, %broadcast_in_dim3A_57, %lt3A_405 : vector<16xi32>
            %add3A_407 = arith.constant 16 : i32
            %add3A_408 = vector.broadcast %add3A_407 : i32 to vector<16xi32>
            %add3A_409 = arith.addi %broadcast_in_dim3A_57, %add3A_408 : vector<16xi32>
            %select_n3A_410 = arith.select %lt3A_406, %add3A_409, %broadcast_in_dim3A_57 : vector<16xi1>, vector<16xi32>
            %broadcast_in_dim3A_411 = vector.shape_cast %select_n3A_410 : vector<16xi32> to vector<16x1xi32>
            %gather3A_412 = vector.shape_cast %broadcast_in_dim3A_411 : vector<16x1xi32> to vector<16xi32>
            %gather3A_413 = tpu.dynamic_gather %gather3A[%gather3A_412] in [0] : vector<16xf32>, vector<16xi32> -> vector<16xf32>
            %add3A_414 = arith.constant 80 : i32
            %add3A_415 = arith.addi %add3A_334, %add3A_414 : i32
            %swap3A_416 = arith.index_cast %add3A_415 : i32 to index
            %swap3A_417 = tpu.vector_load %arg8[%swap3A_416] {strides = array<i32>} : memref<49152xf32, #tpu.memory_space<vmem>>, vector<16xf32>,
            tpu.vector_store %arg8[%swap3A_416], %gather3A_413 {strides = array<i32>} : memref<49152xf32, #tpu.memory_space<vmem>>, vector<16xf32>,
            %lt3A_418 = arith.constant 0 : i32
            %lt3A_419 = vector.broadcast %lt3A_418 : i32 to vector<16xi32>
            %lt3A_420 = arith.cmpi slt, %broadcast_in_dim3A_59, %lt3A_419 : vector<16xi32>
            %add3A_421 = arith.constant 16 : i32
            %add3A_422 = vector.broadcast %add3A_421 : i32 to vector<16xi32>
            %add3A_423 = arith.addi %broadcast_in_dim3A_59, %add3A_422 : vector<16xi32>
            %select_n3A_424 = arith.select %lt3A_420, %add3A_423, %broadcast_in_dim3A_59 : vector<16xi1>, vector<16xi32>
            %broadcast_in_dim3A_425 = vector.shape_cast %select_n3A_424 : vector<16xi32> to vector<16x1xi32>
            %gather3A_426 = vector.shape_cast %broadcast_in_dim3A_425 : vector<16x1xi32> to vector<16xi32>
            %gather3A_427 = tpu.dynamic_gather %gather3A[%gather3A_426] in [0] : vector<16xf32>, vector<16xi32> -> vector<16xf32>
            %add3A_428 = arith.constant 96 : i32
            %add3A_429 = arith.addi %add3A_334, %add3A_428 : i32
            %swap3A_430 = arith.index_cast %add3A_429 : i32 to index
            %swap3A_431 = tpu.vector_load %arg8[%swap3A_430] {strides = array<i32>} : memref<49152xf32, #tpu.memory_space<vmem>>, vector<16xf32>,
            tpu.vector_store %arg8[%swap3A_430], %gather3A_427 {strides = array<i32>} : memref<49152xf32, #tpu.memory_space<vmem>>, vector<16xf32>,
            %lt3A_432 = arith.constant 0 : i32
            %lt3A_433 = vector.broadcast %lt3A_432 : i32 to vector<16xi32>
            %lt3A_434 = arith.cmpi slt, %broadcast_in_dim3A_61, %lt3A_433 : vector<16xi32>
            %add3A_435 = arith.constant 16 : i32
            %add3A_436 = vector.broadcast %add3A_435 : i32 to vector<16xi32>
            %add3A_437 = arith.addi %broadcast_in_dim3A_61, %add3A_436 : vector<16xi32>
            %select_n3A_438 = arith.select %lt3A_434, %add3A_437, %broadcast_in_dim3A_61 : vector<16xi1>, vector<16xi32>
            %broadcast_in_dim3A_439 = vector.shape_cast %select_n3A_438 : vector<16xi32> to vector<16x1xi32>
            %gather3A_440 = vector.shape_cast %broadcast_in_dim3A_439 : vector<16x1xi32> to vector<16xi32>
            %gather3A_441 = tpu.dynamic_gather %gather3A[%gather3A_440] in [0] : vector<16xf32>, vector<16xi32> -> vector<16xf32>
            %add3A_442 = arith.constant 112 : i32
            %add3A_443 = arith.addi %add3A_334, %add3A_442 : i32
            %swap3A_444 = arith.index_cast %add3A_443 : i32 to index
            %swap3A_445 = tpu.vector_load %arg8[%swap3A_444] {strides = array<i32>} : memref<49152xf32, #tpu.memory_space<vmem>>, vector<16xf32>,
            tpu.vector_store %arg8[%swap3A_444], %gather3A_441 {strides = array<i32>} : memref<49152xf32, #tpu.memory_space<vmem>>, vector<16xf32>,
            %lt3A_446 = arith.constant 0 : i32
            %lt3A_447 = vector.broadcast %lt3A_446 : i32 to vector<16xi32>
            %lt3A_448 = arith.cmpi slt, %broadcast_in_dim3A_63, %lt3A_447 : vector<16xi32>
            %add3A_449 = arith.constant 16 : i32
            %add3A_450 = vector.broadcast %add3A_449 : i32 to vector<16xi32>
            %add3A_451 = arith.addi %broadcast_in_dim3A_63, %add3A_450 : vector<16xi32>
            %select_n3A_452 = arith.select %lt3A_448, %add3A_451, %broadcast_in_dim3A_63 : vector<16xi1>, vector<16xi32>
            %broadcast_in_dim3A_453 = vector.shape_cast %select_n3A_452 : vector<16xi32> to vector<16x1xi32>
            %gather3A_454 = vector.shape_cast %broadcast_in_dim3A_453 : vector<16x1xi32> to vector<16xi32>
            %gather3A_455 = tpu.dynamic_gather %gather3A[%gather3A_454] in [0] : vector<16xf32>, vector<16xi32> -> vector<16xf32>
            %add3A_456 = arith.constant 128 : i32
            %add3A_457 = arith.addi %add3A_334, %add3A_456 : i32
            %swap3A_458 = arith.index_cast %add3A_457 : i32 to index
            %swap3A_459 = tpu.vector_load %arg8[%swap3A_458] {strides = array<i32>} : memref<49152xf32, #tpu.memory_space<vmem>>, vector<16xf32>,
            tpu.vector_store %arg8[%swap3A_458], %gather3A_455 {strides = array<i32>} : memref<49152xf32, #tpu.memory_space<vmem>>, vector<16xf32>,
            %lt3A_460 = arith.constant 0 : i32
            %lt3A_461 = vector.broadcast %lt3A_460 : i32 to vector<16xi32>
            %lt3A_462 = arith.cmpi slt, %broadcast_in_dim3A_65, %lt3A_461 : vector<16xi32>
            %add3A_463 = arith.constant 16 : i32
            %add3A_464 = vector.broadcast %add3A_463 : i32 to vector<16xi32>
            %add3A_465 = arith.addi %broadcast_in_dim3A_65, %add3A_464 : vector<16xi32>
            %select_n3A_466 = arith.select %lt3A_462, %add3A_465, %broadcast_in_dim3A_65 : vector<16xi1>, vector<16xi32>
            %broadcast_in_dim3A_467 = vector.shape_cast %select_n3A_466 : vector<16xi32> to vector<16x1xi32>
            %gather3A_468 = vector.shape_cast %broadcast_in_dim3A_467 : vector<16x1xi32> to vector<16xi32>
            %gather3A_469 = tpu.dynamic_gather %gather3A[%gather3A_468] in [0] : vector<16xf32>, vector<16xi32> -> vector<16xf32>
            %add3A_470 = arith.constant 144 : i32
            %add3A_471 = arith.addi %add3A_334, %add3A_470 : i32
            %swap3A_472 = arith.index_cast %add3A_471 : i32 to index
            %swap3A_473 = tpu.vector_load %arg8[%swap3A_472] {strides = array<i32>} : memref<49152xf32, #tpu.memory_space<vmem>>, vector<16xf32>,
            tpu.vector_store %arg8[%swap3A_472], %gather3A_469 {strides = array<i32>} : memref<49152xf32, #tpu.memory_space<vmem>>, vector<16xf32>,
            %lt3A_474 = arith.constant 0 : i32
            %lt3A_475 = vector.broadcast %lt3A_474 : i32 to vector<16xi32>
            %lt3A_476 = arith.cmpi slt, %broadcast_in_dim3A_67, %lt3A_475 : vector<16xi32>
            %add3A_477 = arith.constant 16 : i32
            %add3A_478 = vector.broadcast %add3A_477 : i32 to vector<16xi32>
            %add3A_479 = arith.addi %broadcast_in_dim3A_67, %add3A_478 : vector<16xi32>
            %select_n3A_480 = arith.select %lt3A_476, %add3A_479, %broadcast_in_dim3A_67 : vector<16xi1>, vector<16xi32>
            %broadcast_in_dim3A_481 = vector.shape_cast %select_n3A_480 : vector<16xi32> to vector<16x1xi32>
            %gather3A_482 = vector.shape_cast %broadcast_in_dim3A_481 : vector<16x1xi32> to vector<16xi32>
            %gather3A_483 = tpu.dynamic_gather %gather3A[%gather3A_482] in [0] : vector<16xf32>, vector<16xi32> -> vector<16xf32>
            %add3A_484 = arith.constant 160 : i32
            %add3A_485 = arith.addi %add3A_334, %add3A_484 : i32
            %swap3A_486 = arith.index_cast %add3A_485 : i32 to index
            %swap3A_487 = tpu.vector_load %arg8[%swap3A_486] {strides = array<i32>} : memref<49152xf32, #tpu.memory_space<vmem>>, vector<16xf32>,
            tpu.vector_store %arg8[%swap3A_486], %gather3A_483 {strides = array<i32>} : memref<49152xf32, #tpu.memory_space<vmem>>, vector<16xf32>,
            %lt3A_488 = arith.constant 0 : i32
            %lt3A_489 = vector.broadcast %lt3A_488 : i32 to vector<16xi32>
            %lt3A_490 = arith.cmpi slt, %broadcast_in_dim3A_69, %lt3A_489 : vector<16xi32>
            %add3A_491 = arith.constant 16 : i32
            %add3A_492 = vector.broadcast %add3A_491 : i32 to vector<16xi32>
            %add3A_493 = arith.addi %broadcast_in_dim3A_69, %add3A_492 : vector<16xi32>
            %select_n3A_494 = arith.select %lt3A_490, %add3A_493, %broadcast_in_dim3A_69 : vector<16xi1>, vector<16xi32>
            %broadcast_in_dim3A_495 = vector.shape_cast %select_n3A_494 : vector<16xi32> to vector<16x1xi32>
            %gather3A_496 = vector.shape_cast %broadcast_in_dim3A_495 : vector<16x1xi32> to vector<16xi32>
            %gather3A_497 = tpu.dynamic_gather %gather3A[%gather3A_496] in [0] : vector<16xf32>, vector<16xi32> -> vector<16xf32>
            %add3A_498 = arith.constant 176 : i32
            %add3A_499 = arith.addi %add3A_334, %add3A_498 : i32
            %swap3A_500 = arith.index_cast %add3A_499 : i32 to index
            %swap3A_501 = tpu.vector_load %arg8[%swap3A_500] {strides = array<i32>} : memref<49152xf32, #tpu.memory_space<vmem>>, vector<16xf32>,
            tpu.vector_store %arg8[%swap3A_500], %gather3A_497 {strides = array<i32>} : memref<49152xf32, #tpu.memory_space<vmem>>, vector<16xf32>,
            %lt3A_502 = arith.constant 0 : i32
            %lt3A_503 = vector.broadcast %lt3A_502 : i32 to vector<16xi32>
            %lt3A_504 = arith.cmpi slt, %broadcast_in_dim3A_71, %lt3A_503 : vector<16xi32>
            %add3A_505 = arith.constant 16 : i32
            %add3A_506 = vector.broadcast %add3A_505 : i32 to vector<16xi32>
            %add3A_507 = arith.addi %broadcast_in_dim3A_71, %add3A_506 : vector<16xi32>
            %select_n3A_508 = arith.select %lt3A_504, %add3A_507, %broadcast_in_dim3A_71 : vector<16xi1>, vector<16xi32>
            %broadcast_in_dim3A_509 = vector.shape_cast %select_n3A_508 : vector<16xi32> to vector<16x1xi32>
            %gather3A_510 = vector.shape_cast %broadcast_in_dim3A_509 : vector<16x1xi32> to vector<16xi32>
            %gather3A_511 = tpu.dynamic_gather %gather3A[%gather3A_510] in [0] : vector<16xf32>, vector<16xi32> -> vector<16xf32>
            %add3A_512 = arith.constant 192 : i32
            %add3A_513 = arith.addi %add3A_334, %add3A_512 : i32
            %swap3A_514 = arith.index_cast %add3A_513 : i32 to index
            %swap3A_515 = tpu.vector_load %arg8[%swap3A_514] {strides = array<i32>} : memref<49152xf32, #tpu.memory_space<vmem>>, vector<16xf32>,
            tpu.vector_store %arg8[%swap3A_514], %gather3A_511 {strides = array<i32>} : memref<49152xf32, #tpu.memory_space<vmem>>, vector<16xf32>,
            %lt3A_516 = arith.constant 0 : i32
            %lt3A_517 = vector.broadcast %lt3A_516 : i32 to vector<16xi32>
            %lt3A_518 = arith.cmpi slt, %broadcast_in_dim3A_73, %lt3A_517 : vector<16xi32>
            %add3A_519 = arith.constant 16 : i32
            %add3A_520 = vector.broadcast %add3A_519 : i32 to vector<16xi32>
            %add3A_521 = arith.addi %broadcast_in_dim3A_73, %add3A_520 : vector<16xi32>
            %select_n3A_522 = arith.select %lt3A_518, %add3A_521, %broadcast_in_dim3A_73 : vector<16xi1>, vector<16xi32>
            %broadcast_in_dim3A_523 = vector.shape_cast %select_n3A_522 : vector<16xi32> to vector<16x1xi32>
            %gather3A_524 = vector.shape_cast %broadcast_in_dim3A_523 : vector<16x1xi32> to vector<16xi32>
            %gather3A_525 = tpu.dynamic_gather %gather3A[%gather3A_524] in [0] : vector<16xf32>, vector<16xi32> -> vector<16xf32>
            %add3A_526 = arith.constant 208 : i32
            %add3A_527 = arith.addi %add3A_334, %add3A_526 : i32
            %swap3A_528 = arith.index_cast %add3A_527 : i32 to index
            %swap3A_529 = tpu.vector_load %arg8[%swap3A_528] {strides = array<i32>} : memref<49152xf32, #tpu.memory_space<vmem>>, vector<16xf32>,
            tpu.vector_store %arg8[%swap3A_528], %gather3A_525 {strides = array<i32>} : memref<49152xf32, #tpu.memory_space<vmem>>, vector<16xf32>,
            %lt3A_530 = arith.constant 0 : i32
            %lt3A_531 = vector.broadcast %lt3A_530 : i32 to vector<16xi32>
            %lt3A_532 = arith.cmpi slt, %broadcast_in_dim3A_75, %lt3A_531 : vector<16xi32>
            %add3A_533 = arith.constant 16 : i32
            %add3A_534 = vector.broadcast %add3A_533 : i32 to vector<16xi32>
            %add3A_535 = arith.addi %broadcast_in_dim3A_75, %add3A_534 : vector<16xi32>
            %select_n3A_536 = arith.select %lt3A_532, %add3A_535, %broadcast_in_dim3A_75 : vector<16xi1>, vector<16xi32>
            %broadcast_in_dim3A_537 = vector.shape_cast %select_n3A_536 : vector<16xi32> to vector<16x1xi32>
            %gather3A_538 = vector.shape_cast %broadcast_in_dim3A_537 : vector<16x1xi32> to vector<16xi32>
            %gather3A_539 = tpu.dynamic_gather %gather3A[%gather3A_538] in [0] : vector<16xf32>, vector<16xi32> -> vector<16xf32>
            %add3A_540 = arith.constant 224 : i32
            %add3A_541 = arith.addi %add3A_334, %add3A_540 : i32
            %swap3A_542 = arith.index_cast %add3A_541 : i32 to index
            %swap3A_543 = tpu.vector_load %arg8[%swap3A_542] {strides = array<i32>} : memref<49152xf32, #tpu.memory_space<vmem>>, vector<16xf32>,
            tpu.vector_store %arg8[%swap3A_542], %gather3A_539 {strides = array<i32>} : memref<49152xf32, #tpu.memory_space<vmem>>, vector<16xf32>,
            %lt3A_544 = arith.constant 0 : i32
            %lt3A_545 = vector.broadcast %lt3A_544 : i32 to vector<16xi32>
            %lt3A_546 = arith.cmpi slt, %broadcast_in_dim3A_77, %lt3A_545 : vector<16xi32>
            %add3A_547 = arith.constant 16 : i32
            %add3A_548 = vector.broadcast %add3A_547 : i32 to vector<16xi32>
            %add3A_549 = arith.addi %broadcast_in_dim3A_77, %add3A_548 : vector<16xi32>
            %select_n3A_550 = arith.select %lt3A_546, %add3A_549, %broadcast_in_dim3A_77 : vector<16xi1>, vector<16xi32>
            %broadcast_in_dim3A_551 = vector.shape_cast %select_n3A_550 : vector<16xi32> to vector<16x1xi32>
            %gather3A_552 = vector.shape_cast %broadcast_in_dim3A_551 : vector<16x1xi32> to vector<16xi32>
            %gather3A_553 = tpu.dynamic_gather %gather3A[%gather3A_552] in [0] : vector<16xf32>, vector<16xi32> -> vector<16xf32>
            %add3A_554 = arith.constant 240 : i32
            %add3A_555 = arith.addi %add3A_334, %add3A_554 : i32
            %swap3A_556 = arith.index_cast %add3A_555 : i32 to index
            %swap3A_557 = tpu.vector_load %arg8[%swap3A_556] {strides = array<i32>} : memref<49152xf32, #tpu.memory_space<vmem>>, vector<16xf32>,
            tpu.vector_store %arg8[%swap3A_556], %gather3A_553 {strides = array<i32>} : memref<49152xf32, #tpu.memory_space<vmem>>, vector<16xf32>,
            %get3A_558 = arith.constant 16 : index
            %get3A_559 = tpu.vector_load %arg7[%get3A_558] {strides = array<i32>} : memref<96xi32, #tpu.memory_space<vmem>>, vector<16xi32>,
            %mul3A_560 = arith.constant 64 : i32
            %mul3A_561 = vector.broadcast %mul3A_560 : i32 to vector<16xi32>
            %mul3A_562 = arith.muli %get3A_559, %mul3A_561 : vector<16xi32>
            %add3A_563 = vector.broadcast %add3A_322 : i32 to vector<16xi32>
            %add3A_564 = arith.addi %mul3A_562, %add3A_563 : vector<16xi32>
            %gather3A_565 = tpu.vector_load_idx %arg6[%add3A_564] : memref<960xf32, #tpu.memory_space<vmem>>[vector<16xi32>], vector<16xf32>,
            %mul3A_566 = arith.constant 96 : i32
            %mul3A_567 = arith.muli %scan3A_321, %mul3A_566 : i32
            %mul3A_568 = arith.constant 16 : i32
            %mul3A_569 = arith.muli %mul3A_567, %mul3A_568 : i32
            %add3A_570 = arith.constant 256 : i32
            %add3A_571 = arith.addi %mul3A_569, %add3A_570 : i32
            %lt3A_572 = arith.constant 0 : i32
            %lt3A_573 = vector.broadcast %lt3A_572 : i32 to vector<16xi32>
            %lt3A_574 = arith.cmpi slt, %broadcast_in_dim3A_47, %lt3A_573 : vector<16xi32>
            %add3A_575 = arith.constant 16 : i32
            %add3A_576 = vector.broadcast %add3A_575 : i32 to vector<16xi32>
            %add3A_577 = arith.addi %broadcast_in_dim3A_47, %add3A_576 : vector<16xi32>
            %select_n3A_578 = arith.select %lt3A_574, %add3A_577, %broadcast_in_dim3A_47 : vector<16xi1>, vector<16xi32>
            %broadcast_in_dim3A_579 = vector.shape_cast %select_n3A_578 : vector<16xi32> to vector<16x1xi32>
            %gather3A_580 = vector.shape_cast %broadcast_in_dim3A_579 : vector<16x1xi32> to vector<16xi32>
            %gather3A_581 = tpu.dynamic_gather %gather3A_565[%gather3A_580] in [0] : vector<16xf32>, vector<16xi32> -> vector<16xf32>
            %add3A_582 = arith.constant 0 : i32
            %add3A_583 = arith.addi %add3A_571, %add3A_582 : i32
            %swap3A_584 = arith.index_cast %add3A_583 : i32 to index
            %swap3A_585 = tpu.vector_load %arg8[%swap3A_584] {strides = array<i32>} : memref<49152xf32, #tpu.memory_space<vmem>>, vector<16xf32>,
            tpu.vector_store %arg8[%swap3A_584], %gather3A_581 {strides = array<i32>} : memref<49152xf32, #tpu.memory_space<vmem>>, vector<16xf32>,
            %lt3A_586 = arith.constant 0 : i32
            %lt3A_587 = vector.broadcast %lt3A_586 : i32 to vector<16xi32>
            %lt3A_588 = arith.cmpi slt, %broadcast_in_dim3A_49, %lt3A_587 : vector<16xi32>
            %add3A_589 = arith.constant 16 : i32
            %add3A_590 = vector.broadcast %add3A_589 : i32 to vector<16xi32>
            %add3A_591 = arith.addi %broadcast_in_dim3A_49, %add3A_590 : vector<16xi32>
            %select_n3A_592 = arith.select %lt3A_588, %add3A_591, %broadcast_in_dim3A_49 : vector<16xi1>, vector<16xi32>
            %broadcast_in_dim3A_593 = vector.shape_cast %select_n3A_592 : vector<16xi32> to vector<16x1xi32>
            %gather3A_594 = vector.shape_cast %broadcast_in_dim3A_593 : vector<16x1xi32> to vector<16xi32>
            %gather3A_595 = tpu.dynamic_gather %gather3A_565[%gather3A_594] in [0] : vector<16xf32>, vector<16xi32> -> vector<16xf32>
            %add3A_596 = arith.constant 16 : i32
            %add3A_597 = arith.addi %add3A_571, %add3A_596 : i32
            %swap3A_598 = arith.index_cast %add3A_597 : i32 to index
            %swap3A_599 = tpu.vector_load %arg8[%swap3A_598] {strides = array<i32>} : memref<49152xf32, #tpu.memory_space<vmem>>, vector<16xf32>,
            tpu.vector_store %arg8[%swap3A_598], %gather3A_595 {strides = array<i32>} : memref<49152xf32, #tpu.memory_space<vmem>>, vector<16xf32>,
            %lt3A_600 = arith.constant 0 : i32
            %lt3A_601 = vector.broadcast %lt3A_600 : i32 to vector<16xi32>
            %lt3A_602 = arith.cmpi slt, %broadcast_in_dim3A_51, %lt3A_601 : vector<16xi32>
            %add3A_603 = arith.constant 16 : i32
            %add3A_604 = vector.broadcast %add3A_603 : i32 to vector<16xi32>
            %add3A_605 = arith.addi %broadcast_in_dim3A_51, %add3A_604 : vector<16xi32>
            %select_n3A_606 = arith.select %lt3A_602, %add3A_605, %broadcast_in_dim3A_51 : vector<16xi1>, vector<16xi32>
            %broadcast_in_dim3A_607 = vector.shape_cast %select_n3A_606 : vector<16xi32> to vector<16x1xi32>
            %gather3A_608 = vector.shape_cast %broadcast_in_dim3A_607 : vector<16x1xi32> to vector<16xi32>
            %gather3A_609 = tpu.dynamic_gather %gather3A_565[%gather3A_608] in [0] : vector<16xf32>, vector<16xi32> -> vector<16xf32>
            %add3A_610 = arith.constant 32 : i32
            %add3A_611 = arith.addi %add3A_571, %add3A_610 : i32
            %swap3A_612 = arith.index_cast %add3A_611 : i32 to index
            %swap3A_613 = tpu.vector_load %arg8[%swap3A_612] {strides = array<i32>} : memref<49152xf32, #tpu.memory_space<vmem>>, vector<16xf32>,
            tpu.vector_store %arg8[%swap3A_612], %gather3A_609 {strides = array<i32>} : memref<49152xf32, #tpu.memory_space<vmem>>, vector<16xf32>,
            %lt3A_614 = arith.constant 0 : i32
            %lt3A_615 = vector.broadcast %lt3A_614 : i32 to vector<16xi32>
            %lt3A_616 = arith.cmpi slt, %broadcast_in_dim3A_53, %lt3A_615 : vector<16xi32>
            %add3A_617 = arith.constant 16 : i32
            %add3A_618 = vector.broadcast %add3A_617 : i32 to vector<16xi32>
            %add3A_619 = arith.addi %broadcast_in_dim3A_53, %add3A_618 : vector<16xi32>
            %select_n3A_620 = arith.select %lt3A_616, %add3A_619, %broadcast_in_dim3A_53 : vector<16xi1>, vector<16xi32>
            %broadcast_in_dim3A_621 = vector.shape_cast %select_n3A_620 : vector<16xi32> to vector<16x1xi32>
            %gather3A_622 = vector.shape_cast %broadcast_in_dim3A_621 : vector<16x1xi32> to vector<16xi32>
            %gather3A_623 = tpu.dynamic_gather %gather3A_565[%gather3A_622] in [0] : vector<16xf32>, vector<16xi32> -> vector<16xf32>
            %add3A_624 = arith.constant 48 : i32
            %add3A_625 = arith.addi %add3A_571, %add3A_624 : i32
            %swap3A_626 = arith.index_cast %add3A_625 : i32 to index
            %swap3A_627 = tpu.vector_load %arg8[%swap3A_626] {strides = array<i32>} : memref<49152xf32, #tpu.memory_space<vmem>>, vector<16xf32>,
            tpu.vector_store %arg8[%swap3A_626], %gather3A_623 {strides = array<i32>} : memref<49152xf32, #tpu.memory_space<vmem>>, vector<16xf32>,
            %lt3A_628 = arith.constant 0 : i32
            %lt3A_629 = vector.broadcast %lt3A_628 : i32 to vector<16xi32>
            %lt3A_630 = arith.cmpi slt, %broadcast_in_dim3A_55, %lt3A_629 : vector<16xi32>
            %add3A_631 = arith.constant 16 : i32
            %add3A_632 = vector.broadcast %add3A_631 : i32 to vector<16xi32>
            %add3A_633 = arith.addi %broadcast_in_dim3A_55, %add3A_632 : vector<16xi32>
            %select_n3A_634 = arith.select %lt3A_630, %add3A_633, %broadcast_in_dim3A_55 : vector<16xi1>, vector<16xi32>
            %broadcast_in_dim3A_635 = vector.shape_cast %select_n3A_634 : vector<16xi32> to vector<16x1xi32>
            %gather3A_636 = vector.shape_cast %broadcast_in_dim3A_635 : vector<16x1xi32> to vector<16xi32>
            %gather3A_637 = tpu.dynamic_gather %gather3A_565[%gather3A_636] in [0] : vector<16xf32>, vector<16xi32> -> vector<16xf32>
            %add3A_638 = arith.constant 64 : i32
            %add3A_639 = arith.addi %add3A_571, %add3A_638 : i32
            %swap3A_640 = arith.index_cast %add3A_639 : i32 to index
            %swap3A_641 = tpu.vector_load %arg8[%swap3A_640] {strides = array<i32>} : memref<49152xf32, #tpu.memory_space<vmem>>, vector<16xf32>,
            tpu.vector_store %arg8[%swap3A_640], %gather3A_637 {strides = array<i32>} : memref<49152xf32, #tpu.memory_space<vmem>>, vector<16xf32>,
            %lt3A_642 = arith.constant 0 : i32
            %lt3A_643 = vector.broadcast %lt3A_642 : i32 to vector<16xi32>
            %lt3A_644 = arith.cmpi slt, %broadcast_in_dim3A_57, %lt3A_643 : vector<16xi32>
            %add3A_645 = arith.constant 16 : i32
            %add3A_646 = vector.broadcast %add3A_645 : i32 to vector<16xi32>
            %add3A_647 = arith.addi %broadcast_in_dim3A_57, %add3A_646 : vector<16xi32>
            %select_n3A_648 = arith.select %lt3A_644, %add3A_647, %broadcast_in_dim3A_57 : vector<16xi1>, vector<16xi32>
            %broadcast_in_dim3A_649 = vector.shape_cast %select_n3A_648 : vector<16xi32> to vector<16x1xi32>
            %gather3A_650 = vector.shape_cast %broadcast_in_dim3A_649 : vector<16x1xi32> to vector<16xi32>
            %gather3A_651 = tpu.dynamic_gather %gather3A_565[%gather3A_650] in [0] : vector<16xf32>, vector<16xi32> -> vector<16xf32>
            %add3A_652 = arith.constant 80 : i32
            %add3A_653 = arith.addi %add3A_571, %add3A_652 : i32
            %swap3A_654 = arith.index_cast %add3A_653 : i32 to index
            %swap3A_655 = tpu.vector_load %arg8[%swap3A_654] {strides = array<i32>} : memref<49152xf32, #tpu.memory_space<vmem>>, vector<16xf32>,
            tpu.vector_store %arg8[%swap3A_654], %gather3A_651 {strides = array<i32>} : memref<49152xf32, #tpu.memory_space<vmem>>, vector<16xf32>,
            %lt3A_656 = arith.constant 0 : i32
            %lt3A_657 = vector.broadcast %lt3A_656 : i32 to vector<16xi32>
            %lt3A_658 = arith.cmpi slt, %broadcast_in_dim3A_59, %lt3A_657 : vector<16xi32>
            %add3A_659 = arith.constant 16 : i32
            %add3A_660 = vector.broadcast %add3A_659 : i32 to vector<16xi32>
            %add3A_661 = arith.addi %broadcast_in_dim3A_59, %add3A_660 : vector<16xi32>
            %select_n3A_662 = arith.select %lt3A_658, %add3A_661, %broadcast_in_dim3A_59 : vector<16xi1>, vector<16xi32>
            %broadcast_in_dim3A_663 = vector.shape_cast %select_n3A_662 : vector<16xi32> to vector<16x1xi32>
            %gather3A_664 = vector.shape_cast %broadcast_in_dim3A_663 : vector<16x1xi32> to vector<16xi32>
            %gather3A_665 = tpu.dynamic_gather %gather3A_565[%gather3A_664] in [0] : vector<16xf32>, vector<16xi32> -> vector<16xf32>
            %add3A_666 = arith.constant 96 : i32
            %add3A_667 = arith.addi %add3A_571, %add3A_666 : i32
            %swap3A_668 = arith.index_cast %add3A_667 : i32 to index
            %swap3A_669 = tpu.vector_load %arg8[%swap3A_668] {strides = array<i32>} : memref<49152xf32, #tpu.memory_space<vmem>>, vector<16xf32>,
            tpu.vector_store %arg8[%swap3A_668], %gather3A_665 {strides = array<i32>} : memref<49152xf32, #tpu.memory_space<vmem>>, vector<16xf32>,
            %lt3A_670 = arith.constant 0 : i32
            %lt3A_671 = vector.broadcast %lt3A_670 : i32 to vector<16xi32>
            %lt3A_672 = arith.cmpi slt, %broadcast_in_dim3A_61, %lt3A_671 : vector<16xi32>
            %add3A_673 = arith.constant 16 : i32
            %add3A_674 = vector.broadcast %add3A_673 : i32 to vector<16xi32>
            %add3A_675 = arith.addi %broadcast_in_dim3A_61, %add3A_674 : vector<16xi32>
            %select_n3A_676 = arith.select %lt3A_672, %add3A_675, %broadcast_in_dim3A_61 : vector<16xi1>, vector<16xi32>
            %broadcast_in_dim3A_677 = vector.shape_cast %select_n3A_676 : vector<16xi32> to vector<16x1xi32>
            %gather3A_678 = vector.shape_cast %broadcast_in_dim3A_677 : vector<16x1xi32> to vector<16xi32>
            %gather3A_679 = tpu.dynamic_gather %gather3A_565[%gather3A_678] in [0] : vector<16xf32>, vector<16xi32> -> vector<16xf32>
            %add3A_680 = arith.constant 112 : i32
            %add3A_681 = arith.addi %add3A_571, %add3A_680 : i32
            %swap3A_682 = arith.index_cast %add3A_681 : i32 to index
            %swap3A_683 = tpu.vector_load %arg8[%swap3A_682] {strides = array<i32>} : memref<49152xf32, #tpu.memory_space<vmem>>, vector<16xf32>,
            tpu.vector_store %arg8[%swap3A_682], %gather3A_679 {strides = array<i32>} : memref<49152xf32, #tpu.memory_space<vmem>>, vector<16xf32>,
            %lt3A_684 = arith.constant 0 : i32
            %lt3A_685 = vector.broadcast %lt3A_684 : i32 to vector<16xi32>
            %lt3A_686 = arith.cmpi slt, %broadcast_in_dim3A_63, %lt3A_685 : vector<16xi32>
            %add3A_687 = arith.constant 16 : i32
            %add3A_688 = vector.broadcast %add3A_687 : i32 to vector<16xi32>
            %add3A_689 = arith.addi %broadcast_in_dim3A_63, %add3A_688 : vector<16xi32>
            %select_n3A_690 = arith.select %lt3A_686, %add3A_689, %broadcast_in_dim3A_63 : vector<16xi1>, vector<16xi32>
            %broadcast_in_dim3A_691 = vector.shape_cast %select_n3A_690 : vector<16xi32> to vector<16x1xi32>
            %gather3A_692 = vector.shape_cast %broadcast_in_dim3A_691 : vector<16x1xi32> to vector<16xi32>
            %gather3A_693 = tpu.dynamic_gather %gather3A_565[%gather3A_692] in [0] : vector<16xf32>, vector<16xi32> -> vector<16xf32>
            %add3A_694 = arith.constant 128 : i32
            %add3A_695 = arith.addi %add3A_571, %add3A_694 : i32
            %swap3A_696 = arith.index_cast %add3A_695 : i32 to index
            %swap3A_697 = tpu.vector_load %arg8[%swap3A_696] {strides = array<i32>} : memref<49152xf32, #tpu.memory_space<vmem>>, vector<16xf32>,
            tpu.vector_store %arg8[%swap3A_696], %gather3A_693 {strides = array<i32>} : memref<49152xf32, #tpu.memory_space<vmem>>, vector<16xf32>,
            %lt3A_698 = arith.constant 0 : i32
            %lt3A_699 = vector.broadcast %lt3A_698 : i32 to vector<16xi32>
            %lt3A_700 = arith.cmpi slt, %broadcast_in_dim3A_65, %lt3A_699 : vector<16xi32>
            %add3A_701 = arith.constant 16 : i32
            %add3A_702 = vector.broadcast %add3A_701 : i32 to vector<16xi32>
            %add3A_703 = arith.addi %broadcast_in_dim3A_65, %add3A_702 : vector<16xi32>
            %select_n3A_704 = arith.select %lt3A_700, %add3A_703, %broadcast_in_dim3A_65 : vector<16xi1>, vector<16xi32>
            %broadcast_in_dim3A_705 = vector.shape_cast %select_n3A_704 : vector<16xi32> to vector<16x1xi32>
            %gather3A_706 = vector.shape_cast %broadcast_in_dim3A_705 : vector<16x1xi32> to vector<16xi32>
            %gather3A_707 = tpu.dynamic_gather %gather3A_565[%gather3A_706] in [0] : vector<16xf32>, vector<16xi32> -> vector<16xf32>
            %add3A_708 = arith.constant 144 : i32
            %add3A_709 = arith.addi %add3A_571, %add3A_708 : i32
            %swap3A_710 = arith.index_cast %add3A_709 : i32 to index
            %swap3A_711 = tpu.vector_load %arg8[%swap3A_710] {strides = array<i32>} : memref<49152xf32, #tpu.memory_space<vmem>>, vector<16xf32>,
            tpu.vector_store %arg8[%swap3A_710], %gather3A_707 {strides = array<i32>} : memref<49152xf32, #tpu.memory_space<vmem>>, vector<16xf32>,
            %lt3A_712 = arith.constant 0 : i32
            %lt3A_713 = vector.broadcast %lt3A_712 : i32 to vector<16xi32>
            %lt3A_714 = arith.cmpi slt, %broadcast_in_dim3A_67, %lt3A_713 : vector<16xi32>
            %add3A_715 = arith.constant 16 : i32
            %add3A_716 = vector.broadcast %add3A_715 : i32 to vector<16xi32>
            %add3A_717 = arith.addi %broadcast_in_dim3A_67, %add3A_716 : vector<16xi32>
            %select_n3A_718 = arith.select %lt3A_714, %add3A_717, %broadcast_in_dim3A_67 : vector<16xi1>, vector<16xi32>
            %broadcast_in_dim3A_719 = vector.shape_cast %select_n3A_718 : vector<16xi32> to vector<16x1xi32>
            %gather3A_720 = vector.shape_cast %broadcast_in_dim3A_719 : vector<16x1xi32> to vector<16xi32>
            %gather3A_721 = tpu.dynamic_gather %gather3A_565[%gather3A_720] in [0] : vector<16xf32>, vector<16xi32> -> vector<16xf32>
            %add3A_722 = arith.constant 160 : i32
            %add3A_723 = arith.addi %add3A_571, %add3A_722 : i32
            %swap3A_724 = arith.index_cast %add3A_723 : i32 to index
            %swap3A_725 = tpu.vector_load %arg8[%swap3A_724] {strides = array<i32>} : memref<49152xf32, #tpu.memory_space<vmem>>, vector<16xf32>,
            tpu.vector_store %arg8[%swap3A_724], %gather3A_721 {strides = array<i32>} : memref<49152xf32, #tpu.memory_space<vmem>>, vector<16xf32>,
            %lt3A_726 = arith.constant 0 : i32
            %lt3A_727 = vector.broadcast %lt3A_726 : i32 to vector<16xi32>
            %lt3A_728 = arith.cmpi slt, %broadcast_in_dim3A_69, %lt3A_727 : vector<16xi32>
            %add3A_729 = arith.constant 16 : i32
            %add3A_730 = vector.broadcast %add3A_729 : i32 to vector<16xi32>
            %add3A_731 = arith.addi %broadcast_in_dim3A_69, %add3A_730 : vector<16xi32>
            %select_n3A_732 = arith.select %lt3A_728, %add3A_731, %broadcast_in_dim3A_69 : vector<16xi1>, vector<16xi32>
            %broadcast_in_dim3A_733 = vector.shape_cast %select_n3A_732 : vector<16xi32> to vector<16x1xi32>
            %gather3A_734 = vector.shape_cast %broadcast_in_dim3A_733 : vector<16x1xi32> to vector<16xi32>
            %gather3A_735 = tpu.dynamic_gather %gather3A_565[%gather3A_734] in [0] : vector<16xf32>, vector<16xi32> -> vector<16xf32>
            %add3A_736 = arith.constant 176 : i32
            %add3A_737 = arith.addi %add3A_571, %add3A_736 : i32
            %swap3A_738 = arith.index_cast %add3A_737 : i32 to index
            %swap3A_739 = tpu.vector_load %arg8[%swap3A_738] {strides = array<i32>} : memref<49152xf32, #tpu.memory_space<vmem>>, vector<16xf32>,
            tpu.vector_store %arg8[%swap3A_738], %gather3A_735 {strides = array<i32>} : memref<49152xf32, #tpu.memory_space<vmem>>, vector<16xf32>,
            %lt3A_740 = arith.constant 0 : i32
            %lt3A_741 = vector.broadcast %lt3A_740 : i32 to vector<16xi32>
            %lt3A_742 = arith.cmpi slt, %broadcast_in_dim3A_71, %lt3A_741 : vector<16xi32>
            %add3A_743 = arith.constant 16 : i32
            %add3A_744 = vector.broadcast %add3A_743 : i32 to vector<16xi32>
            %add3A_745 = arith.addi %broadcast_in_dim3A_71, %add3A_744 : vector<16xi32>
            %select_n3A_746 = arith.select %lt3A_742, %add3A_745, %broadcast_in_dim3A_71 : vector<16xi1>, vector<16xi32>
            %broadcast_in_dim3A_747 = vector.shape_cast %select_n3A_746 : vector<16xi32> to vector<16x1xi32>
            %gather3A_748 = vector.shape_cast %broadcast_in_dim3A_747 : vector<16x1xi32> to vector<16xi32>
            %gather3A_749 = tpu.dynamic_gather %gather3A_565[%gather3A_748] in [0] : vector<16xf32>, vector<16xi32> -> vector<16xf32>
            %add3A_750 = arith.constant 192 : i32
            %add3A_751 = arith.addi %add3A_571, %add3A_750 : i32
            %swap3A_752 = arith.index_cast %add3A_751 : i32 to index
            %swap3A_753 = tpu.vector_load %arg8[%swap3A_752] {strides = array<i32>} : memref<49152xf32, #tpu.memory_space<vmem>>, vector<16xf32>,
            tpu.vector_store %arg8[%swap3A_752], %gather3A_749 {strides = array<i32>} : memref<49152xf32, #tpu.memory_space<vmem>>, vector<16xf32>,
            %lt3A_754 = arith.constant 0 : i32
            %lt3A_755 = vector.broadcast %lt3A_754 : i32 to vector<16xi32>
            %lt3A_756 = arith.cmpi slt, %broadcast_in_dim3A_73, %lt3A_755 : vector<16xi32>
            %add3A_757 = arith.constant 16 : i32
            %add3A_758 = vector.broadcast %add3A_757 : i32 to vector<16xi32>
            %add3A_759 = arith.addi %broadcast_in_dim3A_73, %add3A_758 : vector<16xi32>
            %select_n3A_760 = arith.select %lt3A_756, %add3A_759, %broadcast_in_dim3A_73 : vector<16xi1>, vector<16xi32>
            %broadcast_in_dim3A_761 = vector.shape_cast %select_n3A_760 : vector<16xi32> to vector<16x1xi32>
            %gather3A_762 = vector.shape_cast %broadcast_in_dim3A_761 : vector<16x1xi32> to vector<16xi32>
            %gather3A_763 = tpu.dynamic_gather %gather3A_565[%gather3A_762] in [0] : vector<16xf32>, vector<16xi32> -> vector<16xf32>
            %add3A_764 = arith.constant 208 : i32
            %add3A_765 = arith.addi %add3A_571, %add3A_764 : i32
            %swap3A_766 = arith.index_cast %add3A_765 : i32 to index
            %swap3A_767 = tpu.vector_load %arg8[%swap3A_766] {strides = array<i32>} : memref<49152xf32, #tpu.memory_space<vmem>>, vector<16xf32>,
            tpu.vector_store %arg8[%swap3A_766], %gather3A_763 {strides = array<i32>} : memref<49152xf32, #tpu.memory_space<vmem>>, vector<16xf32>,
            %lt3A_768 = arith.constant 0 : i32
            %lt3A_769 = vector.broadcast %lt3A_768 : i32 to vector<16xi32>
            %lt3A_770 = arith.cmpi slt, %broadcast_in_dim3A_75, %lt3A_769 : vector<16xi32>
            %add3A_771 = arith.constant 16 : i32
            %add3A_772 = vector.broadcast %add3A_771 : i32 to vector<16xi32>
            %add3A_773 = arith.addi %broadcast_in_dim3A_75, %add3A_772 : vector<16xi32>
            %select_n3A_774 = arith.select %lt3A_770, %add3A_773, %broadcast_in_dim3A_75 : vector<16xi1>, vector<16xi32>
            %broadcast_in_dim3A_775 = vector.shape_cast %select_n3A_774 : vector<16xi32> to vector<16x1xi32>
            %gather3A_776 = vector.shape_cast %broadcast_in_dim3A_775 : vector<16x1xi32> to vector<16xi32>
            %gather3A_777 = tpu.dynamic_gather %gather3A_565[%gather3A_776] in [0] : vector<16xf32>, vector<16xi32> -> vector<16xf32>
            %add3A_778 = arith.constant 224 : i32
            %add3A_779 = arith.addi %add3A_571, %add3A_778 : i32
            %swap3A_780 = arith.index_cast %add3A_779 : i32 to index
            %swap3A_781 = tpu.vector_load %arg8[%swap3A_780] {strides = array<i32>} : memref<49152xf32, #tpu.memory_space<vmem>>, vector<16xf32>,
            tpu.vector_store %arg8[%swap3A_780], %gather3A_777 {strides = array<i32>} : memref<49152xf32, #tpu.memory_space<vmem>>, vector<16xf32>,
            %lt3A_782 = arith.constant 0 : i32
            %lt3A_783 = vector.broadcast %lt3A_782 : i32 to vector<16xi32>
            %lt3A_784 = arith.cmpi slt, %broadcast_in_dim3A_77, %lt3A_783 : vector<16xi32>
            %add3A_785 = arith.constant 16 : i32
            %add3A_786 = vector.broadcast %add3A_785 : i32 to vector<16xi32>
            %add3A_787 = arith.addi %broadcast_in_dim3A_77, %add3A_786 : vector<16xi32>
            %select_n3A_788 = arith.select %lt3A_784, %add3A_787, %broadcast_in_dim3A_77 : vector<16xi1>, vector<16xi32>
            %broadcast_in_dim3A_789 = vector.shape_cast %select_n3A_788 : vector<16xi32> to vector<16x1xi32>
            %gather3A_790 = vector.shape_cast %broadcast_in_dim3A_789 : vector<16x1xi32> to vector<16xi32>
            %gather3A_791 = tpu.dynamic_gather %gather3A_565[%gather3A_790] in [0] : vector<16xf32>, vector<16xi32> -> vector<16xf32>
            %add3A_792 = arith.constant 240 : i32
            %add3A_793 = arith.addi %add3A_571, %add3A_792 : i32
            %swap3A_794 = arith.index_cast %add3A_793 : i32 to index
            %swap3A_795 = tpu.vector_load %arg8[%swap3A_794] {strides = array<i32>} : memref<49152xf32, #tpu.memory_space<vmem>>, vector<16xf32>,
            tpu.vector_store %arg8[%swap3A_794], %gather3A_791 {strides = array<i32>} : memref<49152xf32, #tpu.memory_space<vmem>>, vector<16xf32>,
            %get3A_796 = arith.constant 32 : index
            %get3A_797 = tpu.vector_load %arg7[%get3A_796] {strides = array<i32>} : memref<96xi32, #tpu.memory_space<vmem>>, vector<16xi32>,
            %mul3A_798 = arith.constant 64 : i32
            %mul3A_799 = vector.broadcast %mul3A_798 : i32 to vector<16xi32>
            %mul3A_800 = arith.muli %get3A_797, %mul3A_799 : vector<16xi32>
            %add3A_801 = vector.broadcast %add3A_322 : i32 to vector<16xi32>
            %add3A_802 = arith.addi %mul3A_800, %add3A_801 : vector<16xi32>
            %gather3A_803 = tpu.vector_load_idx %arg6[%add3A_802] : memref<960xf32, #tpu.memory_space<vmem>>[vector<16xi32>], vector<16xf32>,
            %mul3A_804 = arith.constant 96 : i32
            %mul3A_805 = arith.muli %scan3A_321, %mul3A_804 : i32
            %mul3A_806 = arith.constant 16 : i32
            %mul3A_807 = arith.muli %mul3A_805, %mul3A_806 : i32
            %add3A_808 = arith.constant 512 : i32
            %add3A_809 = arith.addi %mul3A_807, %add3A_808 : i32
            %lt3A_810 = arith.constant 0 : i32
            %lt3A_811 = vector.broadcast %lt3A_810 : i32 to vector<16xi32>
            %lt3A_812 = arith.cmpi slt, %broadcast_in_dim3A_47, %lt3A_811 : vector<16xi32>
            %add3A_813 = arith.constant 16 : i32
            %add3A_814 = vector.broadcast %add3A_813 : i32 to vector<16xi32>
            %add3A_815 = arith.addi %broadcast_in_dim3A_47, %add3A_814 : vector<16xi32>
            %select_n3A_816 = arith.select %lt3A_812, %add3A_815, %broadcast_in_dim3A_47 : vector<16xi1>, vector<16xi32>
            %broadcast_in_dim3A_817 = vector.shape_cast %select_n3A_816 : vector<16xi32> to vector<16x1xi32>
            %gather3A_818 = vector.shape_cast %broadcast_in_dim3A_817 : vector<16x1xi32> to vector<16xi32>
            %gather3A_819 = tpu.dynamic_gather %gather3A_803[%gather3A_818] in [0] : vector<16xf32>, vector<16xi32> -> vector<16xf32>
            %add3A_820 = arith.constant 0 : i32
            %add3A_821 = arith.addi %add3A_809, %add3A_820 : i32
            %swap3A_822 = arith.index_cast %add3A_821 : i32 to index
            %swap3A_823 = tpu.vector_load %arg8[%swap3A_822] {strides = array<i32>} : memref<49152xf32, #tpu.memory_space<vmem>>, vector<16xf32>,
            tpu.vector_store %arg8[%swap3A_822], %gather3A_819 {strides = array<i32>} : memref<49152xf32, #tpu.memory_space<vmem>>, vector<16xf32>,
            %lt3A_824 = arith.constant 0 : i32
            %lt3A_825 = vector.broadcast %lt3A_824 : i32 to vector<16xi32>
            %lt3A_826 = arith.cmpi slt, %broadcast_in_dim3A_49, %lt3A_825 : vector<16xi32>
            %add3A_827 = arith.constant 16 : i32
            %add3A_828 = vector.broadcast %add3A_827 : i32 to vector<16xi32>
            %add3A_829 = arith.addi %broadcast_in_dim3A_49, %add3A_828 : vector<16xi32>
            %select_n3A_830 = arith.select %lt3A_826, %add3A_829, %broadcast_in_dim3A_49 : vector<16xi1>, vector<16xi32>
            %broadcast_in_dim3A_831 = vector.shape_cast %select_n3A_830 : vector<16xi32> to vector<16x1xi32>
            %gather3A_832 = vector.shape_cast %broadcast_in_dim3A_831 : vector<16x1xi32> to vector<16xi32>
            %gather3A_833 = tpu.dynamic_gather %gather3A_803[%gather3A_832] in [0] : vector<16xf32>, vector<16xi32> -> vector<16xf32>
            %add3A_834 = arith.constant 16 : i32
            %add3A_835 = arith.addi %add3A_809, %add3A_834 : i32
            %swap3A_836 = arith.index_cast %add3A_835 : i32 to index
            %swap3A_837 = tpu.vector_load %arg8[%swap3A_836] {strides = array<i32>} : memref<49152xf32, #tpu.memory_space<vmem>>, vector<16xf32>,
            tpu.vector_store %arg8[%swap3A_836], %gather3A_833 {strides = array<i32>} : memref<49152xf32, #tpu.memory_space<vmem>>, vector<16xf32>,
            %lt3A_838 = arith.constant 0 : i32
            %lt3A_839 = vector.broadcast %lt3A_838 : i32 to vector<16xi32>
            %lt3A_840 = arith.cmpi slt, %broadcast_in_dim3A_51, %lt3A_839 : vector<16xi32>
            %add3A_841 = arith.constant 16 : i32
            %add3A_842 = vector.broadcast %add3A_841 : i32 to vector<16xi32>
            %add3A_843 = arith.addi %broadcast_in_dim3A_51, %add3A_842 : vector<16xi32>
            %select_n3A_844 = arith.select %lt3A_840, %add3A_843, %broadcast_in_dim3A_51 : vector<16xi1>, vector<16xi32>
            %broadcast_in_dim3A_845 = vector.shape_cast %select_n3A_844 : vector<16xi32> to vector<16x1xi32>
            %gather3A_846 = vector.shape_cast %broadcast_in_dim3A_845 : vector<16x1xi32> to vector<16xi32>
            %gather3A_847 = tpu.dynamic_gather %gather3A_803[%gather3A_846] in [0] : vector<16xf32>, vector<16xi32> -> vector<16xf32>
            %add3A_848 = arith.constant 32 : i32
            %add3A_849 = arith.addi %add3A_809, %add3A_848 : i32
            %swap3A_850 = arith.index_cast %add3A_849 : i32 to index
            %swap3A_851 = tpu.vector_load %arg8[%swap3A_850] {strides = array<i32>} : memref<49152xf32, #tpu.memory_space<vmem>>, vector<16xf32>,
            tpu.vector_store %arg8[%swap3A_850], %gather3A_847 {strides = array<i32>} : memref<49152xf32, #tpu.memory_space<vmem>>, vector<16xf32>,
            %lt3A_852 = arith.constant 0 : i32
            %lt3A_853 = vector.broadcast %lt3A_852 : i32 to vector<16xi32>
            %lt3A_854 = arith.cmpi slt, %broadcast_in_dim3A_53, %lt3A_853 : vector<16xi32>
            %add3A_855 = arith.constant 16 : i32
            %add3A_856 = vector.broadcast %add3A_855 : i32 to vector<16xi32>
            %add3A_857 = arith.addi %broadcast_in_dim3A_53, %add3A_856 : vector<16xi32>
            %select_n3A_858 = arith.select %lt3A_854, %add3A_857, %broadcast_in_dim3A_53 : vector<16xi1>, vector<16xi32>
            %broadcast_in_dim3A_859 = vector.shape_cast %select_n3A_858 : vector<16xi32> to vector<16x1xi32>
            %gather3A_860 = vector.shape_cast %broadcast_in_dim3A_859 : vector<16x1xi32> to vector<16xi32>
            %gather3A_861 = tpu.dynamic_gather %gather3A_803[%gather3A_860] in [0] : vector<16xf32>, vector<16xi32> -> vector<16xf32>
            %add3A_862 = arith.constant 48 : i32
            %add3A_863 = arith.addi %add3A_809, %add3A_862 : i32
            %swap3A_864 = arith.index_cast %add3A_863 : i32 to index
            %swap3A_865 = tpu.vector_load %arg8[%swap3A_864] {strides = array<i32>} : memref<49152xf32, #tpu.memory_space<vmem>>, vector<16xf32>,
            tpu.vector_store %arg8[%swap3A_864], %gather3A_861 {strides = array<i32>} : memref<49152xf32, #tpu.memory_space<vmem>>, vector<16xf32>,
            %lt3A_866 = arith.constant 0 : i32
            %lt3A_867 = vector.broadcast %lt3A_866 : i32 to vector<16xi32>
            %lt3A_868 = arith.cmpi slt, %broadcast_in_dim3A_55, %lt3A_867 : vector<16xi32>
            %add3A_869 = arith.constant 16 : i32
            %add3A_870 = vector.broadcast %add3A_869 : i32 to vector<16xi32>
            %add3A_871 = arith.addi %broadcast_in_dim3A_55, %add3A_870 : vector<16xi32>
            %select_n3A_872 = arith.select %lt3A_868, %add3A_871, %broadcast_in_dim3A_55 : vector<16xi1>, vector<16xi32>
            %broadcast_in_dim3A_873 = vector.shape_cast %select_n3A_872 : vector<16xi32> to vector<16x1xi32>
            %gather3A_874 = vector.shape_cast %broadcast_in_dim3A_873 : vector<16x1xi32> to vector<16xi32>
            %gather3A_875 = tpu.dynamic_gather %gather3A_803[%gather3A_874] in [0] : vector<16xf32>, vector<16xi32> -> vector<16xf32>
            %add3A_876 = arith.constant 64 : i32
            %add3A_877 = arith.addi %add3A_809, %add3A_876 : i32
            %swap3A_878 = arith.index_cast %add3A_877 : i32 to index
            %swap3A_879 = tpu.vector_load %arg8[%swap3A_878] {strides = array<i32>} : memref<49152xf32, #tpu.memory_space<vmem>>, vector<16xf32>,
            tpu.vector_store %arg8[%swap3A_878], %gather3A_875 {strides = array<i32>} : memref<49152xf32, #tpu.memory_space<vmem>>, vector<16xf32>,
            %lt3A_880 = arith.constant 0 : i32
            %lt3A_881 = vector.broadcast %lt3A_880 : i32 to vector<16xi32>
            %lt3A_882 = arith.cmpi slt, %broadcast_in_dim3A_57, %lt3A_881 : vector<16xi32>
            %add3A_883 = arith.constant 16 : i32
            %add3A_884 = vector.broadcast %add3A_883 : i32 to vector<16xi32>
            %add3A_885 = arith.addi %broadcast_in_dim3A_57, %add3A_884 : vector<16xi32>
            %select_n3A_886 = arith.select %lt3A_882, %add3A_885, %broadcast_in_dim3A_57 : vector<16xi1>, vector<16xi32>
            %broadcast_in_dim3A_887 = vector.shape_cast %select_n3A_886 : vector<16xi32> to vector<16x1xi32>
            %gather3A_888 = vector.shape_cast %broadcast_in_dim3A_887 : vector<16x1xi32> to vector<16xi32>
            %gather3A_889 = tpu.dynamic_gather %gather3A_803[%gather3A_888] in [0] : vector<16xf32>, vector<16xi32> -> vector<16xf32>
            %add3A_890 = arith.constant 80 : i32
            %add3A_891 = arith.addi %add3A_809, %add3A_890 : i32
            %swap3A_892 = arith.index_cast %add3A_891 : i32 to index
            %swap3A_893 = tpu.vector_load %arg8[%swap3A_892] {strides = array<i32>} : memref<49152xf32, #tpu.memory_space<vmem>>, vector<16xf32>,
            tpu.vector_store %arg8[%swap3A_892], %gather3A_889 {strides = array<i32>} : memref<49152xf32, #tpu.memory_space<vmem>>, vector<16xf32>,
            %lt3A_894 = arith.constant 0 : i32
            %lt3A_895 = vector.broadcast %lt3A_894 : i32 to vector<16xi32>
            %lt3A_896 = arith.cmpi slt, %broadcast_in_dim3A_59, %lt3A_895 : vector<16xi32>
            %add3A_897 = arith.constant 16 : i32
            %add3A_898 = vector.broadcast %add3A_897 : i32 to vector<16xi32>
            %add3A_899 = arith.addi %broadcast_in_dim3A_59, %add3A_898 : vector<16xi32>
            %select_n3A_900 = arith.select %lt3A_896, %add3A_899, %broadcast_in_dim3A_59 : vector<16xi1>, vector<16xi32>
            %broadcast_in_dim3A_901 = vector.shape_cast %select_n3A_900 : vector<16xi32> to vector<16x1xi32>
            %gather3A_902 = vector.shape_cast %broadcast_in_dim3A_901 : vector<16x1xi32> to vector<16xi32>
            %gather3A_903 = tpu.dynamic_gather %gather3A_803[%gather3A_902] in [0] : vector<16xf32>, vector<16xi32> -> vector<16xf32>
            %add3A_904 = arith.constant 96 : i32
            %add3A_905 = arith.addi %add3A_809, %add3A_904 : i32
            %swap3A_906 = arith.index_cast %add3A_905 : i32 to index
            %swap3A_907 = tpu.vector_load %arg8[%swap3A_906] {strides = array<i32>} : memref<49152xf32, #tpu.memory_space<vmem>>, vector<16xf32>,
            tpu.vector_store %arg8[%swap3A_906], %gather3A_903 {strides = array<i32>} : memref<49152xf32, #tpu.memory_space<vmem>>, vector<16xf32>,
            %lt3A_908 = arith.constant 0 : i32
            %lt3A_909 = vector.broadcast %lt3A_908 : i32 to vector<16xi32>
            %lt3A_910 = arith.cmpi slt, %broadcast_in_dim3A_61, %lt3A_909 : vector<16xi32>
            %add3A_911 = arith.constant 16 : i32
            %add3A_912 = vector.broadcast %add3A_911 : i32 to vector<16xi32>
            %add3A_913 = arith.addi %broadcast_in_dim3A_61, %add3A_912 : vector<16xi32>
            %select_n3A_914 = arith.select %lt3A_910, %add3A_913, %broadcast_in_dim3A_61 : vector<16xi1>, vector<16xi32>
            %broadcast_in_dim3A_915 = vector.shape_cast %select_n3A_914 : vector<16xi32> to vector<16x1xi32>
            %gather3A_916 = vector.shape_cast %broadcast_in_dim3A_915 : vector<16x1xi32> to vector<16xi32>
            %gather3A_917 = tpu.dynamic_gather %gather3A_803[%gather3A_916] in [0] : vector<16xf32>, vector<16xi32> -> vector<16xf32>
            %add3A_918 = arith.constant 112 : i32
            %add3A_919 = arith.addi %add3A_809, %add3A_918 : i32
            %swap3A_920 = arith.index_cast %add3A_919 : i32 to index
            %swap3A_921 = tpu.vector_load %arg8[%swap3A_920] {strides = array<i32>} : memref<49152xf32, #tpu.memory_space<vmem>>, vector<16xf32>,
            tpu.vector_store %arg8[%swap3A_920], %gather3A_917 {strides = array<i32>} : memref<49152xf32, #tpu.memory_space<vmem>>, vector<16xf32>,
            %lt3A_922 = arith.constant 0 : i32
            %lt3A_923 = vector.broadcast %lt3A_922 : i32 to vector<16xi32>
            %lt3A_924 = arith.cmpi slt, %broadcast_in_dim3A_63, %lt3A_923 : vector<16xi32>
            %add3A_925 = arith.constant 16 : i32
            %add3A_926 = vector.broadcast %add3A_925 : i32 to vector<16xi32>
            %add3A_927 = arith.addi %broadcast_in_dim3A_63, %add3A_926 : vector<16xi32>
            %select_n3A_928 = arith.select %lt3A_924, %add3A_927, %broadcast_in_dim3A_63 : vector<16xi1>, vector<16xi32>
            %broadcast_in_dim3A_929 = vector.shape_cast %select_n3A_928 : vector<16xi32> to vector<16x1xi32>
            %gather3A_930 = vector.shape_cast %broadcast_in_dim3A_929 : vector<16x1xi32> to vector<16xi32>
            %gather3A_931 = tpu.dynamic_gather %gather3A_803[%gather3A_930] in [0] : vector<16xf32>, vector<16xi32> -> vector<16xf32>
            %add3A_932 = arith.constant 128 : i32
            %add3A_933 = arith.addi %add3A_809, %add3A_932 : i32
            %swap3A_934 = arith.index_cast %add3A_933 : i32 to index
            %swap3A_935 = tpu.vector_load %arg8[%swap3A_934] {strides = array<i32>} : memref<49152xf32, #tpu.memory_space<vmem>>, vector<16xf32>,
            tpu.vector_store %arg8[%swap3A_934], %gather3A_931 {strides = array<i32>} : memref<49152xf32, #tpu.memory_space<vmem>>, vector<16xf32>,
            %lt3A_936 = arith.constant 0 : i32
            %lt3A_937 = vector.broadcast %lt3A_936 : i32 to vector<16xi32>
            %lt3A_938 = arith.cmpi slt, %broadcast_in_dim3A_65, %lt3A_937 : vector<16xi32>
            %add3A_939 = arith.constant 16 : i32
            %add3A_940 = vector.broadcast %add3A_939 : i32 to vector<16xi32>
            %add3A_941 = arith.addi %broadcast_in_dim3A_65, %add3A_940 : vector<16xi32>
            %select_n3A_942 = arith.select %lt3A_938, %add3A_941, %broadcast_in_dim3A_65 : vector<16xi1>, vector<16xi32>
            %broadcast_in_dim3A_943 = vector.shape_cast %select_n3A_942 : vector<16xi32> to vector<16x1xi32>
            %gather3A_944 = vector.shape_cast %broadcast_in_dim3A_943 : vector<16x1xi32> to vector<16xi32>
            %gather3A_945 = tpu.dynamic_gather %gather3A_803[%gather3A_944] in [0] : vector<16xf32>, vector<16xi32> -> vector<16xf32>
            %add3A_946 = arith.constant 144 : i32
            %add3A_947 = arith.addi %add3A_809, %add3A_946 : i32
            %swap3A_948 = arith.index_cast %add3A_947 : i32 to index
            %swap3A_949 = tpu.vector_load %arg8[%swap3A_948] {strides = array<i32>} : memref<49152xf32, #tpu.memory_space<vmem>>, vector<16xf32>,
            tpu.vector_store %arg8[%swap3A_948], %gather3A_945 {strides = array<i32>} : memref<49152xf32, #tpu.memory_space<vmem>>, vector<16xf32>,
            %lt3A_950 = arith.constant 0 : i32
            %lt3A_951 = vector.broadcast %lt3A_950 : i32 to vector<16xi32>
            %lt3A_952 = arith.cmpi slt, %broadcast_in_dim3A_67, %lt3A_951 : vector<16xi32>
            %add3A_953 = arith.constant 16 : i32
            %add3A_954 = vector.broadcast %add3A_953 : i32 to vector<16xi32>
            %add3A_955 = arith.addi %broadcast_in_dim3A_67, %add3A_954 : vector<16xi32>
            %select_n3A_956 = arith.select %lt3A_952, %add3A_955, %broadcast_in_dim3A_67 : vector<16xi1>, vector<16xi32>
            %broadcast_in_dim3A_957 = vector.shape_cast %select_n3A_956 : vector<16xi32> to vector<16x1xi32>
            %gather3A_958 = vector.shape_cast %broadcast_in_dim3A_957 : vector<16x1xi32> to vector<16xi32>
            %gather3A_959 = tpu.dynamic_gather %gather3A_803[%gather3A_958] in [0] : vector<16xf32>, vector<16xi32> -> vector<16xf32>
            %add3A_960 = arith.constant 160 : i32
            %add3A_961 = arith.addi %add3A_809, %add3A_960 : i32
            %swap3A_962 = arith.index_cast %add3A_961 : i32 to index
            %swap3A_963 = tpu.vector_load %arg8[%swap3A_962] {strides = array<i32>} : memref<49152xf32, #tpu.memory_space<vmem>>, vector<16xf32>,
            tpu.vector_store %arg8[%swap3A_962], %gather3A_959 {strides = array<i32>} : memref<49152xf32, #tpu.memory_space<vmem>>, vector<16xf32>,
            %lt3A_964 = arith.constant 0 : i32
            %lt3A_965 = vector.broadcast %lt3A_964 : i32 to vector<16xi32>
            %lt3A_966 = arith.cmpi slt, %broadcast_in_dim3A_69, %lt3A_965 : vector<16xi32>
            %add3A_967 = arith.constant 16 : i32
            %add3A_968 = vector.broadcast %add3A_967 : i32 to vector<16xi32>
            %add3A_969 = arith.addi %broadcast_in_dim3A_69, %add3A_968 : vector<16xi32>
            %select_n3A_970 = arith.select %lt3A_966, %add3A_969, %broadcast_in_dim3A_69 : vector<16xi1>, vector<16xi32>
            %broadcast_in_dim3A_971 = vector.shape_cast %select_n3A_970 : vector<16xi32> to vector<16x1xi32>
            %gather3A_972 = vector.shape_cast %broadcast_in_dim3A_971 : vector<16x1xi32> to vector<16xi32>
            %gather3A_973 = tpu.dynamic_gather %gather3A_803[%gather3A_972] in [0] : vector<16xf32>, vector<16xi32> -> vector<16xf32>
            %add3A_974 = arith.constant 176 : i32
            %add3A_975 = arith.addi %add3A_809, %add3A_974 : i32
            %swap3A_976 = arith.index_cast %add3A_975 : i32 to index
            %swap3A_977 = tpu.vector_load %arg8[%swap3A_976] {strides = array<i32>} : memref<49152xf32, #tpu.memory_space<vmem>>, vector<16xf32>,
            tpu.vector_store %arg8[%swap3A_976], %gather3A_973 {strides = array<i32>} : memref<49152xf32, #tpu.memory_space<vmem>>, vector<16xf32>,
            %lt3A_978 = arith.constant 0 : i32
            %lt3A_979 = vector.broadcast %lt3A_978 : i32 to vector<16xi32>
            %lt3A_980 = arith.cmpi slt, %broadcast_in_dim3A_71, %lt3A_979 : vector<16xi32>
            %add3A_981 = arith.constant 16 : i32
            %add3A_982 = vector.broadcast %add3A_981 : i32 to vector<16xi32>
            %add3A_983 = arith.addi %broadcast_in_dim3A_71, %add3A_982 : vector<16xi32>
            %select_n3A_984 = arith.select %lt3A_980, %add3A_983, %broadcast_in_dim3A_71 : vector<16xi1>, vector<16xi32>
            %broadcast_in_dim3A_985 = vector.shape_cast %select_n3A_984 : vector<16xi32> to vector<16x1xi32>
            %gather3A_986 = vector.shape_cast %broadcast_in_dim3A_985 : vector<16x1xi32> to vector<16xi32>
            %gather3A_987 = tpu.dynamic_gather %gather3A_803[%gather3A_986] in [0] : vector<16xf32>, vector<16xi32> -> vector<16xf32>
            %add3A_988 = arith.constant 192 : i32
            %add3A_989 = arith.addi %add3A_809, %add3A_988 : i32
            %swap3A_990 = arith.index_cast %add3A_989 : i32 to index
            %swap3A_991 = tpu.vector_load %arg8[%swap3A_990] {strides = array<i32>} : memref<49152xf32, #tpu.memory_space<vmem>>, vector<16xf32>,
            tpu.vector_store %arg8[%swap3A_990], %gather3A_987 {strides = array<i32>} : memref<49152xf32, #tpu.memory_space<vmem>>, vector<16xf32>,
            %lt3A_992 = arith.constant 0 : i32
            %lt3A_993 = vector.broadcast %lt3A_992 : i32 to vector<16xi32>
            %lt3A_994 = arith.cmpi slt, %broadcast_in_dim3A_73, %lt3A_993 : vector<16xi32>
            %add3A_995 = arith.constant 16 : i32
            %add3A_996 = vector.broadcast %add3A_995 : i32 to vector<16xi32>
            %add3A_997 = arith.addi %broadcast_in_dim3A_73, %add3A_996 : vector<16xi32>
            %select_n3A_998 = arith.select %lt3A_994, %add3A_997, %broadcast_in_dim3A_73 : vector<16xi1>, vector<16xi32>
            %broadcast_in_dim3A_999 = vector.shape_cast %select_n3A_998 : vector<16xi32> to vector<16x1xi32>
            %gather3A_1000 = vector.shape_cast %broadcast_in_dim3A_999 : vector<16x1xi32> to vector<16xi32>
            %gather3A_1001 = tpu.dynamic_gather %gather3A_803[%gather3A_1000] in [0] : vector<16xf32>, vector<16xi32> -> vector<16xf32>
            %add3A_1002 = arith.constant 208 : i32
            %add3A_1003 = arith.addi %add3A_809, %add3A_1002 : i32
            %swap3A_1004 = arith.index_cast %add3A_1003 : i32 to index
            %swap3A_1005 = tpu.vector_load %arg8[%swap3A_1004] {strides = array<i32>} : memref<49152xf32, #tpu.memory_space<vmem>>, vector<16xf32>,
            tpu.vector_store %arg8[%swap3A_1004], %gather3A_1001 {strides = array<i32>} : memref<49152xf32, #tpu.memory_space<vmem>>, vector<16xf32>,
            %lt3A_1006 = arith.constant 0 : i32
            %lt3A_1007 = vector.broadcast %lt3A_1006 : i32 to vector<16xi32>
            %lt3A_1008 = arith.cmpi slt, %broadcast_in_dim3A_75, %lt3A_1007 : vector<16xi32>
            %add3A_1009 = arith.constant 16 : i32
            %add3A_1010 = vector.broadcast %add3A_1009 : i32 to vector<16xi32>
            %add3A_1011 = arith.addi %broadcast_in_dim3A_75, %add3A_1010 : vector<16xi32>
            %select_n3A_1012 = arith.select %lt3A_1008, %add3A_1011, %broadcast_in_dim3A_75 : vector<16xi1>, vector<16xi32>
            %broadcast_in_dim3A_1013 = vector.shape_cast %select_n3A_1012 : vector<16xi32> to vector<16x1xi32>
            %gather3A_1014 = vector.shape_cast %broadcast_in_dim3A_1013 : vector<16x1xi32> to vector<16xi32>
            %gather3A_1015 = tpu.dynamic_gather %gather3A_803[%gather3A_1014] in [0] : vector<16xf32>, vector<16xi32> -> vector<16xf32>
            %add3A_1016 = arith.constant 224 : i32
            %add3A_1017 = arith.addi %add3A_809, %add3A_1016 : i32
            %swap3A_1018 = arith.index_cast %add3A_1017 : i32 to index
            %swap3A_1019 = tpu.vector_load %arg8[%swap3A_1018] {strides = array<i32>} : memref<49152xf32, #tpu.memory_space<vmem>>, vector<16xf32>,
            tpu.vector_store %arg8[%swap3A_1018], %gather3A_1015 {strides = array<i32>} : memref<49152xf32, #tpu.memory_space<vmem>>, vector<16xf32>,
            %lt3A_1020 = arith.constant 0 : i32
            %lt3A_1021 = vector.broadcast %lt3A_1020 : i32 to vector<16xi32>
            %lt3A_1022 = arith.cmpi slt, %broadcast_in_dim3A_77, %lt3A_1021 : vector<16xi32>
            %add3A_1023 = arith.constant 16 : i32
            %add3A_1024 = vector.broadcast %add3A_1023 : i32 to vector<16xi32>
            %add3A_1025 = arith.addi %broadcast_in_dim3A_77, %add3A_1024 : vector<16xi32>
            %select_n3A_1026 = arith.select %lt3A_1022, %add3A_1025, %broadcast_in_dim3A_77 : vector<16xi1>, vector<16xi32>
            %broadcast_in_dim3A_1027 = vector.shape_cast %select_n3A_1026 : vector<16xi32> to vector<16x1xi32>
            %gather3A_1028 = vector.shape_cast %broadcast_in_dim3A_1027 : vector<16x1xi32> to vector<16xi32>
            %gather3A_1029 = tpu.dynamic_gather %gather3A_803[%gather3A_1028] in [0] : vector<16xf32>, vector<16xi32> -> vector<16xf32>
            %add3A_1030 = arith.constant 240 : i32
            %add3A_1031 = arith.addi %add3A_809, %add3A_1030 : i32
            %swap3A_1032 = arith.index_cast %add3A_1031 : i32 to index
            %swap3A_1033 = tpu.vector_load %arg8[%swap3A_1032] {strides = array<i32>} : memref<49152xf32, #tpu.memory_space<vmem>>, vector<16xf32>,
            tpu.vector_store %arg8[%swap3A_1032], %gather3A_1029 {strides = array<i32>} : memref<49152xf32, #tpu.memory_space<vmem>>, vector<16xf32>,
            %get3A_1034 = arith.constant 48 : index
            %get3A_1035 = tpu.vector_load %arg7[%get3A_1034] {strides = array<i32>} : memref<96xi32, #tpu.memory_space<vmem>>, vector<16xi32>,
            %mul3A_1036 = arith.constant 64 : i32
            %mul3A_1037 = vector.broadcast %mul3A_1036 : i32 to vector<16xi32>
            %mul3A_1038 = arith.muli %get3A_1035, %mul3A_1037 : vector<16xi32>
            %add3A_1039 = vector.broadcast %add3A_322 : i32 to vector<16xi32>
            %add3A_1040 = arith.addi %mul3A_1038, %add3A_1039 : vector<16xi32>
            %gather3A_1041 = tpu.vector_load_idx %arg6[%add3A_1040] : memref<960xf32, #tpu.memory_space<vmem>>[vector<16xi32>], vector<16xf32>,
            %mul3A_1042 = arith.constant 96 : i32
            %mul3A_1043 = arith.muli %scan3A_321, %mul3A_1042 : i32
            %mul3A_1044 = arith.constant 16 : i32
            %mul3A_1045 = arith.muli %mul3A_1043, %mul3A_1044 : i32
            %add3A_1046 = arith.constant 768 : i32
            %add3A_1047 = arith.addi %mul3A_1045, %add3A_1046 : i32
            %lt3A_1048 = arith.constant 0 : i32
            %lt3A_1049 = vector.broadcast %lt3A_1048 : i32 to vector<16xi32>
            %lt3A_1050 = arith.cmpi slt, %broadcast_in_dim3A_47, %lt3A_1049 : vector<16xi32>
            %add3A_1051 = arith.constant 16 : i32
            %add3A_1052 = vector.broadcast %add3A_1051 : i32 to vector<16xi32>
            %add3A_1053 = arith.addi %broadcast_in_dim3A_47, %add3A_1052 : vector<16xi32>
            %select_n3A_1054 = arith.select %lt3A_1050, %add3A_1053, %broadcast_in_dim3A_47 : vector<16xi1>, vector<16xi32>
            %broadcast_in_dim3A_1055 = vector.shape_cast %select_n3A_1054 : vector<16xi32> to vector<16x1xi32>
            %gather3A_1056 = vector.shape_cast %broadcast_in_dim3A_1055 : vector<16x1xi32> to vector<16xi32>
            %gather3A_1057 = tpu.dynamic_gather %gather3A_1041[%gather3A_1056] in [0] : vector<16xf32>, vector<16xi32> -> vector<16xf32>
            %add3A_1058 = arith.constant 0 : i32
            %add3A_1059 = arith.addi %add3A_1047, %add3A_1058 : i32
            %swap3A_1060 = arith.index_cast %add3A_1059 : i32 to index
            %swap3A_1061 = tpu.vector_load %arg8[%swap3A_1060] {strides = array<i32>} : memref<49152xf32, #tpu.memory_space<vmem>>, vector<16xf32>,
            tpu.vector_store %arg8[%swap3A_1060], %gather3A_1057 {strides = array<i32>} : memref<49152xf32, #tpu.memory_space<vmem>>, vector<16xf32>,
            %lt3A_1062 = arith.constant 0 : i32
            %lt3A_1063 = vector.broadcast %lt3A_1062 : i32 to vector<16xi32>
            %lt3A_1064 = arith.cmpi slt, %broadcast_in_dim3A_49, %lt3A_1063 : vector<16xi32>
            %add3A_1065 = arith.constant 16 : i32
            %add3A_1066 = vector.broadcast %add3A_1065 : i32 to vector<16xi32>
            %add3A_1067 = arith.addi %broadcast_in_dim3A_49, %add3A_1066 : vector<16xi32>
            %select_n3A_1068 = arith.select %lt3A_1064, %add3A_1067, %broadcast_in_dim3A_49 : vector<16xi1>, vector<16xi32>
            %broadcast_in_dim3A_1069 = vector.shape_cast %select_n3A_1068 : vector<16xi32> to vector<16x1xi32>
            %gather3A_1070 = vector.shape_cast %broadcast_in_dim3A_1069 : vector<16x1xi32> to vector<16xi32>
            %gather3A_1071 = tpu.dynamic_gather %gather3A_1041[%gather3A_1070] in [0] : vector<16xf32>, vector<16xi32> -> vector<16xf32>
            %add3A_1072 = arith.constant 16 : i32
            %add3A_1073 = arith.addi %add3A_1047, %add3A_1072 : i32
            %swap3A_1074 = arith.index_cast %add3A_1073 : i32 to index
            %swap3A_1075 = tpu.vector_load %arg8[%swap3A_1074] {strides = array<i32>} : memref<49152xf32, #tpu.memory_space<vmem>>, vector<16xf32>,
            tpu.vector_store %arg8[%swap3A_1074], %gather3A_1071 {strides = array<i32>} : memref<49152xf32, #tpu.memory_space<vmem>>, vector<16xf32>,
            %lt3A_1076 = arith.constant 0 : i32
            %lt3A_1077 = vector.broadcast %lt3A_1076 : i32 to vector<16xi32>
            %lt3A_1078 = arith.cmpi slt, %broadcast_in_dim3A_51, %lt3A_1077 : vector<16xi32>
            %add3A_1079 = arith.constant 16 : i32
            %add3A_1080 = vector.broadcast %add3A_1079 : i32 to vector<16xi32>
            %add3A_1081 = arith.addi %broadcast_in_dim3A_51, %add3A_1080 : vector<16xi32>
            %select_n3A_1082 = arith.select %lt3A_1078, %add3A_1081, %broadcast_in_dim3A_51 : vector<16xi1>, vector<16xi32>
            %broadcast_in_dim3A_1083 = vector.shape_cast %select_n3A_1082 : vector<16xi32> to vector<16x1xi32>
            %gather3A_1084 = vector.shape_cast %broadcast_in_dim3A_1083 : vector<16x1xi32> to vector<16xi32>
            %gather3A_1085 = tpu.dynamic_gather %gather3A_1041[%gather3A_1084] in [0] : vector<16xf32>, vector<16xi32> -> vector<16xf32>
            %add3A_1086 = arith.constant 32 : i32
            %add3A_1087 = arith.addi %add3A_1047, %add3A_1086 : i32
            %swap3A_1088 = arith.index_cast %add3A_1087 : i32 to index
            %swap3A_1089 = tpu.vector_load %arg8[%swap3A_1088] {strides = array<i32>} : memref<49152xf32, #tpu.memory_space<vmem>>, vector<16xf32>,
            tpu.vector_store %arg8[%swap3A_1088], %gather3A_1085 {strides = array<i32>} : memref<49152xf32, #tpu.memory_space<vmem>>, vector<16xf32>,
            %lt3A_1090 = arith.constant 0 : i32
            %lt3A_1091 = vector.broadcast %lt3A_1090 : i32 to vector<16xi32>
            %lt3A_1092 = arith.cmpi slt, %broadcast_in_dim3A_53, %lt3A_1091 : vector<16xi32>
            %add3A_1093 = arith.constant 16 : i32
            %add3A_1094 = vector.broadcast %add3A_1093 : i32 to vector<16xi32>
            %add3A_1095 = arith.addi %broadcast_in_dim3A_53, %add3A_1094 : vector<16xi32>
            %select_n3A_1096 = arith.select %lt3A_1092, %add3A_1095, %broadcast_in_dim3A_53 : vector<16xi1>, vector<16xi32>
            %broadcast_in_dim3A_1097 = vector.shape_cast %select_n3A_1096 : vector<16xi32> to vector<16x1xi32>
            %gather3A_1098 = vector.shape_cast %broadcast_in_dim3A_1097 : vector<16x1xi32> to vector<16xi32>
            %gather3A_1099 = tpu.dynamic_gather %gather3A_1041[%gather3A_1098] in [0] : vector<16xf32>, vector<16xi32> -> vector<16xf32>
            %add3A_1100 = arith.constant 48 : i32
            %add3A_1101 = arith.addi %add3A_1047, %add3A_1100 : i32
            %swap3A_1102 = arith.index_cast %add3A_1101 : i32 to index
            %swap3A_1103 = tpu.vector_load %arg8[%swap3A_1102] {strides = array<i32>} : memref<49152xf32, #tpu.memory_space<vmem>>, vector<16xf32>,
            tpu.vector_store %arg8[%swap3A_1102], %gather3A_1099 {strides = array<i32>} : memref<49152xf32, #tpu.memory_space<vmem>>, vector<16xf32>,
            %lt3A_1104 = arith.constant 0 : i32
            %lt3A_1105 = vector.broadcast %lt3A_1104 : i32 to vector<16xi32>
            %lt3A_1106 = arith.cmpi slt, %broadcast_in_dim3A_55, %lt3A_1105 : vector<16xi32>
            %add3A_1107 = arith.constant 16 : i32
            %add3A_1108 = vector.broadcast %add3A_1107 : i32 to vector<16xi32>
            %add3A_1109 = arith.addi %broadcast_in_dim3A_55, %add3A_1108 : vector<16xi32>
            %select_n3A_1110 = arith.select %lt3A_1106, %add3A_1109, %broadcast_in_dim3A_55 : vector<16xi1>, vector<16xi32>
            %broadcast_in_dim3A_1111 = vector.shape_cast %select_n3A_1110 : vector<16xi32> to vector<16x1xi32>
            %gather3A_1112 = vector.shape_cast %broadcast_in_dim3A_1111 : vector<16x1xi32> to vector<16xi32>
            %gather3A_1113 = tpu.dynamic_gather %gather3A_1041[%gather3A_1112] in [0] : vector<16xf32>, vector<16xi32> -> vector<16xf32>
            %add3A_1114 = arith.constant 64 : i32
            %add3A_1115 = arith.addi %add3A_1047, %add3A_1114 : i32
            %swap3A_1116 = arith.index_cast %add3A_1115 : i32 to index
            %swap3A_1117 = tpu.vector_load %arg8[%swap3A_1116] {strides = array<i32>} : memref<49152xf32, #tpu.memory_space<vmem>>, vector<16xf32>,
            tpu.vector_store %arg8[%swap3A_1116], %gather3A_1113 {strides = array<i32>} : memref<49152xf32, #tpu.memory_space<vmem>>, vector<16xf32>,
            %lt3A_1118 = arith.constant 0 : i32
            %lt3A_1119 = vector.broadcast %lt3A_1118 : i32 to vector<16xi32>
            %lt3A_1120 = arith.cmpi slt, %broadcast_in_dim3A_57, %lt3A_1119 : vector<16xi32>
            %add3A_1121 = arith.constant 16 : i32
            %add3A_1122 = vector.broadcast %add3A_1121 : i32 to vector<16xi32>
            %add3A_1123 = arith.addi %broadcast_in_dim3A_57, %add3A_1122 : vector<16xi32>
            %select_n3A_1124 = arith.select %lt3A_1120, %add3A_1123, %broadcast_in_dim3A_57 : vector<16xi1>, vector<16xi32>
            %broadcast_in_dim3A_1125 = vector.shape_cast %select_n3A_1124 : vector<16xi32> to vector<16x1xi32>
            %gather3A_1126 = vector.shape_cast %broadcast_in_dim3A_1125 : vector<16x1xi32> to vector<16xi32>
            %gather3A_1127 = tpu.dynamic_gather %gather3A_1041[%gather3A_1126] in [0] : vector<16xf32>, vector<16xi32> -> vector<16xf32>
            %add3A_1128 = arith.constant 80 : i32
            %add3A_1129 = arith.addi %add3A_1047, %add3A_1128 : i32
            %swap3A_1130 = arith.index_cast %add3A_1129 : i32 to index
            %swap3A_1131 = tpu.vector_load %arg8[%swap3A_1130] {strides = array<i32>} : memref<49152xf32, #tpu.memory_space<vmem>>, vector<16xf32>,
            tpu.vector_store %arg8[%swap3A_1130], %gather3A_1127 {strides = array<i32>} : memref<49152xf32, #tpu.memory_space<vmem>>, vector<16xf32>,
            %lt3A_1132 = arith.constant 0 : i32
            %lt3A_1133 = vector.broadcast %lt3A_1132 : i32 to vector<16xi32>
            %lt3A_1134 = arith.cmpi slt, %broadcast_in_dim3A_59, %lt3A_1133 : vector<16xi32>
            %add3A_1135 = arith.constant 16 : i32
            %add3A_1136 = vector.broadcast %add3A_1135 : i32 to vector<16xi32>
            %add3A_1137 = arith.addi %broadcast_in_dim3A_59, %add3A_1136 : vector<16xi32>
            %select_n3A_1138 = arith.select %lt3A_1134, %add3A_1137, %broadcast_in_dim3A_59 : vector<16xi1>, vector<16xi32>
            %broadcast_in_dim3A_1139 = vector.shape_cast %select_n3A_1138 : vector<16xi32> to vector<16x1xi32>
            %gather3A_1140 = vector.shape_cast %broadcast_in_dim3A_1139 : vector<16x1xi32> to vector<16xi32>
            %gather3A_1141 = tpu.dynamic_gather %gather3A_1041[%gather3A_1140] in [0] : vector<16xf32>, vector<16xi32> -> vector<16xf32>
            %add3A_1142 = arith.constant 96 : i32
            %add3A_1143 = arith.addi %add3A_1047, %add3A_1142 : i32
            %swap3A_1144 = arith.index_cast %add3A_1143 : i32 to index
            %swap3A_1145 = tpu.vector_load %arg8[%swap3A_1144] {strides = array<i32>} : memref<49152xf32, #tpu.memory_space<vmem>>, vector<16xf32>,
            tpu.vector_store %arg8[%swap3A_1144], %gather3A_1141 {strides = array<i32>} : memref<49152xf32, #tpu.memory_space<vmem>>, vector<16xf32>,
            %lt3A_1146 = arith.constant 0 : i32
            %lt3A_1147 = vector.broadcast %lt3A_1146 : i32 to vector<16xi32>
            %lt3A_1148 = arith.cmpi slt, %broadcast_in_dim3A_61, %lt3A_1147 : vector<16xi32>
            %add3A_1149 = arith.constant 16 : i32
            %add3A_1150 = vector.broadcast %add3A_1149 : i32 to vector<16xi32>
            %add3A_1151 = arith.addi %broadcast_in_dim3A_61, %add3A_1150 : vector<16xi32>
            %select_n3A_1152 = arith.select %lt3A_1148, %add3A_1151, %broadcast_in_dim3A_61 : vector<16xi1>, vector<16xi32>
            %broadcast_in_dim3A_1153 = vector.shape_cast %select_n3A_1152 : vector<16xi32> to vector<16x1xi32>
            %gather3A_1154 = vector.shape_cast %broadcast_in_dim3A_1153 : vector<16x1xi32> to vector<16xi32>
            %gather3A_1155 = tpu.dynamic_gather %gather3A_1041[%gather3A_1154] in [0] : vector<16xf32>, vector<16xi32> -> vector<16xf32>
            %add3A_1156 = arith.constant 112 : i32
            %add3A_1157 = arith.addi %add3A_1047, %add3A_1156 : i32
            %swap3A_1158 = arith.index_cast %add3A_1157 : i32 to index
            %swap3A_1159 = tpu.vector_load %arg8[%swap3A_1158] {strides = array<i32>} : memref<49152xf32, #tpu.memory_space<vmem>>, vector<16xf32>,
            tpu.vector_store %arg8[%swap3A_1158], %gather3A_1155 {strides = array<i32>} : memref<49152xf32, #tpu.memory_space<vmem>>, vector<16xf32>,
            %lt3A_1160 = arith.constant 0 : i32
            %lt3A_1161 = vector.broadcast %lt3A_1160 : i32 to vector<16xi32>
            %lt3A_1162 = arith.cmpi slt, %broadcast_in_dim3A_63, %lt3A_1161 : vector<16xi32>
            %add3A_1163 = arith.constant 16 : i32
            %add3A_1164 = vector.broadcast %add3A_1163 : i32 to vector<16xi32>
            %add3A_1165 = arith.addi %broadcast_in_dim3A_63, %add3A_1164 : vector<16xi32>
            %select_n3A_1166 = arith.select %lt3A_1162, %add3A_1165, %broadcast_in_dim3A_63 : vector<16xi1>, vector<16xi32>
            %broadcast_in_dim3A_1167 = vector.shape_cast %select_n3A_1166 : vector<16xi32> to vector<16x1xi32>
            %gather3A_1168 = vector.shape_cast %broadcast_in_dim3A_1167 : vector<16x1xi32> to vector<16xi32>
            %gather3A_1169 = tpu.dynamic_gather %gather3A_1041[%gather3A_1168] in [0] : vector<16xf32>, vector<16xi32> -> vector<16xf32>
            %add3A_1170 = arith.constant 128 : i32
            %add3A_1171 = arith.addi %add3A_1047, %add3A_1170 : i32
            %swap3A_1172 = arith.index_cast %add3A_1171 : i32 to index
            %swap3A_1173 = tpu.vector_load %arg8[%swap3A_1172] {strides = array<i32>} : memref<49152xf32, #tpu.memory_space<vmem>>, vector<16xf32>,
            tpu.vector_store %arg8[%swap3A_1172], %gather3A_1169 {strides = array<i32>} : memref<49152xf32, #tpu.memory_space<vmem>>, vector<16xf32>,
            %lt3A_1174 = arith.constant 0 : i32
            %lt3A_1175 = vector.broadcast %lt3A_1174 : i32 to vector<16xi32>
            %lt3A_1176 = arith.cmpi slt, %broadcast_in_dim3A_65, %lt3A_1175 : vector<16xi32>
            %add3A_1177 = arith.constant 16 : i32
            %add3A_1178 = vector.broadcast %add3A_1177 : i32 to vector<16xi32>
            %add3A_1179 = arith.addi %broadcast_in_dim3A_65, %add3A_1178 : vector<16xi32>
            %select_n3A_1180 = arith.select %lt3A_1176, %add3A_1179, %broadcast_in_dim3A_65 : vector<16xi1>, vector<16xi32>
            %broadcast_in_dim3A_1181 = vector.shape_cast %select_n3A_1180 : vector<16xi32> to vector<16x1xi32>
            %gather3A_1182 = vector.shape_cast %broadcast_in_dim3A_1181 : vector<16x1xi32> to vector<16xi32>
            %gather3A_1183 = tpu.dynamic_gather %gather3A_1041[%gather3A_1182] in [0] : vector<16xf32>, vector<16xi32> -> vector<16xf32>
            %add3A_1184 = arith.constant 144 : i32
            %add3A_1185 = arith.addi %add3A_1047, %add3A_1184 : i32
            %swap3A_1186 = arith.index_cast %add3A_1185 : i32 to index
            %swap3A_1187 = tpu.vector_load %arg8[%swap3A_1186] {strides = array<i32>} : memref<49152xf32, #tpu.memory_space<vmem>>, vector<16xf32>,
            tpu.vector_store %arg8[%swap3A_1186], %gather3A_1183 {strides = array<i32>} : memref<49152xf32, #tpu.memory_space<vmem>>, vector<16xf32>,
            %lt3A_1188 = arith.constant 0 : i32
            %lt3A_1189 = vector.broadcast %lt3A_1188 : i32 to vector<16xi32>
            %lt3A_1190 = arith.cmpi slt, %broadcast_in_dim3A_67, %lt3A_1189 : vector<16xi32>
            %add3A_1191 = arith.constant 16 : i32
            %add3A_1192 = vector.broadcast %add3A_1191 : i32 to vector<16xi32>
            %add3A_1193 = arith.addi %broadcast_in_dim3A_67, %add3A_1192 : vector<16xi32>
            %select_n3A_1194 = arith.select %lt3A_1190, %add3A_1193, %broadcast_in_dim3A_67 : vector<16xi1>, vector<16xi32>
            %broadcast_in_dim3A_1195 = vector.shape_cast %select_n3A_1194 : vector<16xi32> to vector<16x1xi32>
            %gather3A_1196 = vector.shape_cast %broadcast_in_dim3A_1195 : vector<16x1xi32> to vector<16xi32>
            %gather3A_1197 = tpu.dynamic_gather %gather3A_1041[%gather3A_1196] in [0] : vector<16xf32>, vector<16xi32> -> vector<16xf32>
            %add3A_1198 = arith.constant 160 : i32
            %add3A_1199 = arith.addi %add3A_1047, %add3A_1198 : i32
            %swap3A_1200 = arith.index_cast %add3A_1199 : i32 to index
            %swap3A_1201 = tpu.vector_load %arg8[%swap3A_1200] {strides = array<i32>} : memref<49152xf32, #tpu.memory_space<vmem>>, vector<16xf32>,
            tpu.vector_store %arg8[%swap3A_1200], %gather3A_1197 {strides = array<i32>} : memref<49152xf32, #tpu.memory_space<vmem>>, vector<16xf32>,
            %lt3A_1202 = arith.constant 0 : i32
            %lt3A_1203 = vector.broadcast %lt3A_1202 : i32 to vector<16xi32>
            %lt3A_1204 = arith.cmpi slt, %broadcast_in_dim3A_69, %lt3A_1203 : vector<16xi32>
            %add3A_1205 = arith.constant 16 : i32
            %add3A_1206 = vector.broadcast %add3A_1205 : i32 to vector<16xi32>
            %add3A_1207 = arith.addi %broadcast_in_dim3A_69, %add3A_1206 : vector<16xi32>
            %select_n3A_1208 = arith.select %lt3A_1204, %add3A_1207, %broadcast_in_dim3A_69 : vector<16xi1>, vector<16xi32>
            %broadcast_in_dim3A_1209 = vector.shape_cast %select_n3A_1208 : vector<16xi32> to vector<16x1xi32>
            %gather3A_1210 = vector.shape_cast %broadcast_in_dim3A_1209 : vector<16x1xi32> to vector<16xi32>
            %gather3A_1211 = tpu.dynamic_gather %gather3A_1041[%gather3A_1210] in [0] : vector<16xf32>, vector<16xi32> -> vector<16xf32>
            %add3A_1212 = arith.constant 176 : i32
            %add3A_1213 = arith.addi %add3A_1047, %add3A_1212 : i32
            %swap3A_1214 = arith.index_cast %add3A_1213 : i32 to index
            %swap3A_1215 = tpu.vector_load %arg8[%swap3A_1214] {strides = array<i32>} : memref<49152xf32, #tpu.memory_space<vmem>>, vector<16xf32>,
            tpu.vector_store %arg8[%swap3A_1214], %gather3A_1211 {strides = array<i32>} : memref<49152xf32, #tpu.memory_space<vmem>>, vector<16xf32>,
            %lt3A_1216 = arith.constant 0 : i32
            %lt3A_1217 = vector.broadcast %lt3A_1216 : i32 to vector<16xi32>
            %lt3A_1218 = arith.cmpi slt, %broadcast_in_dim3A_71, %lt3A_1217 : vector<16xi32>
            %add3A_1219 = arith.constant 16 : i32
            %add3A_1220 = vector.broadcast %add3A_1219 : i32 to vector<16xi32>
            %add3A_1221 = arith.addi %broadcast_in_dim3A_71, %add3A_1220 : vector<16xi32>
            %select_n3A_1222 = arith.select %lt3A_1218, %add3A_1221, %broadcast_in_dim3A_71 : vector<16xi1>, vector<16xi32>
            %broadcast_in_dim3A_1223 = vector.shape_cast %select_n3A_1222 : vector<16xi32> to vector<16x1xi32>
            %gather3A_1224 = vector.shape_cast %broadcast_in_dim3A_1223 : vector<16x1xi32> to vector<16xi32>
            %gather3A_1225 = tpu.dynamic_gather %gather3A_1041[%gather3A_1224] in [0] : vector<16xf32>, vector<16xi32> -> vector<16xf32>
            %add3A_1226 = arith.constant 192 : i32
            %add3A_1227 = arith.addi %add3A_1047, %add3A_1226 : i32
            %swap3A_1228 = arith.index_cast %add3A_1227 : i32 to index
            %swap3A_1229 = tpu.vector_load %arg8[%swap3A_1228] {strides = array<i32>} : memref<49152xf32, #tpu.memory_space<vmem>>, vector<16xf32>,
            tpu.vector_store %arg8[%swap3A_1228], %gather3A_1225 {strides = array<i32>} : memref<49152xf32, #tpu.memory_space<vmem>>, vector<16xf32>,
            %lt3A_1230 = arith.constant 0 : i32
            %lt3A_1231 = vector.broadcast %lt3A_1230 : i32 to vector<16xi32>
            %lt3A_1232 = arith.cmpi slt, %broadcast_in_dim3A_73, %lt3A_1231 : vector<16xi32>
            %add3A_1233 = arith.constant 16 : i32
            %add3A_1234 = vector.broadcast %add3A_1233 : i32 to vector<16xi32>
            %add3A_1235 = arith.addi %broadcast_in_dim3A_73, %add3A_1234 : vector<16xi32>
            %select_n3A_1236 = arith.select %lt3A_1232, %add3A_1235, %broadcast_in_dim3A_73 : vector<16xi1>, vector<16xi32>
            %broadcast_in_dim3A_1237 = vector.shape_cast %select_n3A_1236 : vector<16xi32> to vector<16x1xi32>
            %gather3A_1238 = vector.shape_cast %broadcast_in_dim3A_1237 : vector<16x1xi32> to vector<16xi32>
            %gather3A_1239 = tpu.dynamic_gather %gather3A_1041[%gather3A_1238] in [0] : vector<16xf32>, vector<16xi32> -> vector<16xf32>
            %add3A_1240 = arith.constant 208 : i32
            %add3A_1241 = arith.addi %add3A_1047, %add3A_1240 : i32
            %swap3A_1242 = arith.index_cast %add3A_1241 : i32 to index
            %swap3A_1243 = tpu.vector_load %arg8[%swap3A_1242] {strides = array<i32>} : memref<49152xf32, #tpu.memory_space<vmem>>, vector<16xf32>,
            tpu.vector_store %arg8[%swap3A_1242], %gather3A_1239 {strides = array<i32>} : memref<49152xf32, #tpu.memory_space<vmem>>, vector<16xf32>,
            %lt3A_1244 = arith.constant 0 : i32
            %lt3A_1245 = vector.broadcast %lt3A_1244 : i32 to vector<16xi32>
            %lt3A_1246 = arith.cmpi slt, %broadcast_in_dim3A_75, %lt3A_1245 : vector<16xi32>
            %add3A_1247 = arith.constant 16 : i32
            %add3A_1248 = vector.broadcast %add3A_1247 : i32 to vector<16xi32>
            %add3A_1249 = arith.addi %broadcast_in_dim3A_75, %add3A_1248 : vector<16xi32>
            %select_n3A_1250 = arith.select %lt3A_1246, %add3A_1249, %broadcast_in_dim3A_75 : vector<16xi1>, vector<16xi32>
            %broadcast_in_dim3A_1251 = vector.shape_cast %select_n3A_1250 : vector<16xi32> to vector<16x1xi32>
            %gather3A_1252 = vector.shape_cast %broadcast_in_dim3A_1251 : vector<16x1xi32> to vector<16xi32>
            %gather3A_1253 = tpu.dynamic_gather %gather3A_1041[%gather3A_1252] in [0] : vector<16xf32>, vector<16xi32> -> vector<16xf32>
            %add3A_1254 = arith.constant 224 : i32
            %add3A_1255 = arith.addi %add3A_1047, %add3A_1254 : i32
            %swap3A_1256 = arith.index_cast %add3A_1255 : i32 to index
            %swap3A_1257 = tpu.vector_load %arg8[%swap3A_1256] {strides = array<i32>} : memref<49152xf32, #tpu.memory_space<vmem>>, vector<16xf32>,
            tpu.vector_store %arg8[%swap3A_1256], %gather3A_1253 {strides = array<i32>} : memref<49152xf32, #tpu.memory_space<vmem>>, vector<16xf32>,
            %lt3A_1258 = arith.constant 0 : i32
            %lt3A_1259 = vector.broadcast %lt3A_1258 : i32 to vector<16xi32>
            %lt3A_1260 = arith.cmpi slt, %broadcast_in_dim3A_77, %lt3A_1259 : vector<16xi32>
            %add3A_1261 = arith.constant 16 : i32
            %add3A_1262 = vector.broadcast %add3A_1261 : i32 to vector<16xi32>
            %add3A_1263 = arith.addi %broadcast_in_dim3A_77, %add3A_1262 : vector<16xi32>
            %select_n3A_1264 = arith.select %lt3A_1260, %add3A_1263, %broadcast_in_dim3A_77 : vector<16xi1>, vector<16xi32>
            %broadcast_in_dim3A_1265 = vector.shape_cast %select_n3A_1264 : vector<16xi32> to vector<16x1xi32>
            %gather3A_1266 = vector.shape_cast %broadcast_in_dim3A_1265 : vector<16x1xi32> to vector<16xi32>
            %gather3A_1267 = tpu.dynamic_gather %gather3A_1041[%gather3A_1266] in [0] : vector<16xf32>, vector<16xi32> -> vector<16xf32>
            %add3A_1268 = arith.constant 240 : i32
            %add3A_1269 = arith.addi %add3A_1047, %add3A_1268 : i32
            %swap3A_1270 = arith.index_cast %add3A_1269 : i32 to index
            %swap3A_1271 = tpu.vector_load %arg8[%swap3A_1270] {strides = array<i32>} : memref<49152xf32, #tpu.memory_space<vmem>>, vector<16xf32>,
            tpu.vector_store %arg8[%swap3A_1270], %gather3A_1267 {strides = array<i32>} : memref<49152xf32, #tpu.memory_space<vmem>>, vector<16xf32>,
            %get3A_1272 = arith.constant 64 : index
            %get3A_1273 = tpu.vector_load %arg7[%get3A_1272] {strides = array<i32>} : memref<96xi32, #tpu.memory_space<vmem>>, vector<16xi32>,
            %mul3A_1274 = arith.constant 64 : i32
            %mul3A_1275 = vector.broadcast %mul3A_1274 : i32 to vector<16xi32>
            %mul3A_1276 = arith.muli %get3A_1273, %mul3A_1275 : vector<16xi32>
            %add3A_1277 = vector.broadcast %add3A_322 : i32 to vector<16xi32>
            %add3A_1278 = arith.addi %mul3A_1276, %add3A_1277 : vector<16xi32>
            %gather3A_1279 = tpu.vector_load_idx %arg6[%add3A_1278] : memref<960xf32, #tpu.memory_space<vmem>>[vector<16xi32>], vector<16xf32>,
            %mul3A_1280 = arith.constant 96 : i32
            %mul3A_1281 = arith.muli %scan3A_321, %mul3A_1280 : i32
            %mul3A_1282 = arith.constant 16 : i32
            %mul3A_1283 = arith.muli %mul3A_1281, %mul3A_1282 : i32
            %add3A_1284 = arith.constant 1024 : i32
            %add3A_1285 = arith.addi %mul3A_1283, %add3A_1284 : i32
            %lt3A_1286 = arith.constant 0 : i32
            %lt3A_1287 = vector.broadcast %lt3A_1286 : i32 to vector<16xi32>
            %lt3A_1288 = arith.cmpi slt, %broadcast_in_dim3A_47, %lt3A_1287 : vector<16xi32>
            %add3A_1289 = arith.constant 16 : i32
            %add3A_1290 = vector.broadcast %add3A_1289 : i32 to vector<16xi32>
            %add3A_1291 = arith.addi %broadcast_in_dim3A_47, %add3A_1290 : vector<16xi32>
            %select_n3A_1292 = arith.select %lt3A_1288, %add3A_1291, %broadcast_in_dim3A_47 : vector<16xi1>, vector<16xi32>
            %broadcast_in_dim3A_1293 = vector.shape_cast %select_n3A_1292 : vector<16xi32> to vector<16x1xi32>
            %gather3A_1294 = vector.shape_cast %broadcast_in_dim3A_1293 : vector<16x1xi32> to vector<16xi32>
            %gather3A_1295 = tpu.dynamic_gather %gather3A_1279[%gather3A_1294] in [0] : vector<16xf32>, vector<16xi32> -> vector<16xf32>
            %add3A_1296 = arith.constant 0 : i32
            %add3A_1297 = arith.addi %add3A_1285, %add3A_1296 : i32
            %swap3A_1298 = arith.index_cast %add3A_1297 : i32 to index
            %swap3A_1299 = tpu.vector_load %arg8[%swap3A_1298] {strides = array<i32>} : memref<49152xf32, #tpu.memory_space<vmem>>, vector<16xf32>,
            tpu.vector_store %arg8[%swap3A_1298], %gather3A_1295 {strides = array<i32>} : memref<49152xf32, #tpu.memory_space<vmem>>, vector<16xf32>,
            %lt3A_1300 = arith.constant 0 : i32
            %lt3A_1301 = vector.broadcast %lt3A_1300 : i32 to vector<16xi32>
            %lt3A_1302 = arith.cmpi slt, %broadcast_in_dim3A_49, %lt3A_1301 : vector<16xi32>
            %add3A_1303 = arith.constant 16 : i32
            %add3A_1304 = vector.broadcast %add3A_1303 : i32 to vector<16xi32>
            %add3A_1305 = arith.addi %broadcast_in_dim3A_49, %add3A_1304 : vector<16xi32>
            %select_n3A_1306 = arith.select %lt3A_1302, %add3A_1305, %broadcast_in_dim3A_49 : vector<16xi1>, vector<16xi32>
            %broadcast_in_dim3A_1307 = vector.shape_cast %select_n3A_1306 : vector<16xi32> to vector<16x1xi32>
            %gather3A_1308 = vector.shape_cast %broadcast_in_dim3A_1307 : vector<16x1xi32> to vector<16xi32>
            %gather3A_1309 = tpu.dynamic_gather %gather3A_1279[%gather3A_1308] in [0] : vector<16xf32>, vector<16xi32> -> vector<16xf32>
            %add3A_1310 = arith.constant 16 : i32
            %add3A_1311 = arith.addi %add3A_1285, %add3A_1310 : i32
            %swap3A_1312 = arith.index_cast %add3A_1311 : i32 to index
            %swap3A_1313 = tpu.vector_load %arg8[%swap3A_1312] {strides = array<i32>} : memref<49152xf32, #tpu.memory_space<vmem>>, vector<16xf32>,
            tpu.vector_store %arg8[%swap3A_1312], %gather3A_1309 {strides = array<i32>} : memref<49152xf32, #tpu.memory_space<vmem>>, vector<16xf32>,
            %lt3A_1314 = arith.constant 0 : i32
            %lt3A_1315 = vector.broadcast %lt3A_1314 : i32 to vector<16xi32>
            %lt3A_1316 = arith.cmpi slt, %broadcast_in_dim3A_51, %lt3A_1315 : vector<16xi32>
            %add3A_1317 = arith.constant 16 : i32
            %add3A_1318 = vector.broadcast %add3A_1317 : i32 to vector<16xi32>
            %add3A_1319 = arith.addi %broadcast_in_dim3A_51, %add3A_1318 : vector<16xi32>
            %select_n3A_1320 = arith.select %lt3A_1316, %add3A_1319, %broadcast_in_dim3A_51 : vector<16xi1>, vector<16xi32>
            %broadcast_in_dim3A_1321 = vector.shape_cast %select_n3A_1320 : vector<16xi32> to vector<16x1xi32>
            %gather3A_1322 = vector.shape_cast %broadcast_in_dim3A_1321 : vector<16x1xi32> to vector<16xi32>
            %gather3A_1323 = tpu.dynamic_gather %gather3A_1279[%gather3A_1322] in [0] : vector<16xf32>, vector<16xi32> -> vector<16xf32>
            %add3A_1324 = arith.constant 32 : i32
            %add3A_1325 = arith.addi %add3A_1285, %add3A_1324 : i32
            %swap3A_1326 = arith.index_cast %add3A_1325 : i32 to index
            %swap3A_1327 = tpu.vector_load %arg8[%swap3A_1326] {strides = array<i32>} : memref<49152xf32, #tpu.memory_space<vmem>>, vector<16xf32>,
            tpu.vector_store %arg8[%swap3A_1326], %gather3A_1323 {strides = array<i32>} : memref<49152xf32, #tpu.memory_space<vmem>>, vector<16xf32>,
            %lt3A_1328 = arith.constant 0 : i32
            %lt3A_1329 = vector.broadcast %lt3A_1328 : i32 to vector<16xi32>
            %lt3A_1330 = arith.cmpi slt, %broadcast_in_dim3A_53, %lt3A_1329 : vector<16xi32>
            %add3A_1331 = arith.constant 16 : i32
            %add3A_1332 = vector.broadcast %add3A_1331 : i32 to vector<16xi32>
            %add3A_1333 = arith.addi %broadcast_in_dim3A_53, %add3A_1332 : vector<16xi32>
            %select_n3A_1334 = arith.select %lt3A_1330, %add3A_1333, %broadcast_in_dim3A_53 : vector<16xi1>, vector<16xi32>
            %broadcast_in_dim3A_1335 = vector.shape_cast %select_n3A_1334 : vector<16xi32> to vector<16x1xi32>
            %gather3A_1336 = vector.shape_cast %broadcast_in_dim3A_1335 : vector<16x1xi32> to vector<16xi32>
            %gather3A_1337 = tpu.dynamic_gather %gather3A_1279[%gather3A_1336] in [0] : vector<16xf32>, vector<16xi32> -> vector<16xf32>
            %add3A_1338 = arith.constant 48 : i32
            %add3A_1339 = arith.addi %add3A_1285, %add3A_1338 : i32
            %swap3A_1340 = arith.index_cast %add3A_1339 : i32 to index
            %swap3A_1341 = tpu.vector_load %arg8[%swap3A_1340] {strides = array<i32>} : memref<49152xf32, #tpu.memory_space<vmem>>, vector<16xf32>,
            tpu.vector_store %arg8[%swap3A_1340], %gather3A_1337 {strides = array<i32>} : memref<49152xf32, #tpu.memory_space<vmem>>, vector<16xf32>,
            %lt3A_1342 = arith.constant 0 : i32
            %lt3A_1343 = vector.broadcast %lt3A_1342 : i32 to vector<16xi32>
            %lt3A_1344 = arith.cmpi slt, %broadcast_in_dim3A_55, %lt3A_1343 : vector<16xi32>
            %add3A_1345 = arith.constant 16 : i32
            %add3A_1346 = vector.broadcast %add3A_1345 : i32 to vector<16xi32>
            %add3A_1347 = arith.addi %broadcast_in_dim3A_55, %add3A_1346 : vector<16xi32>
            %select_n3A_1348 = arith.select %lt3A_1344, %add3A_1347, %broadcast_in_dim3A_55 : vector<16xi1>, vector<16xi32>
            %broadcast_in_dim3A_1349 = vector.shape_cast %select_n3A_1348 : vector<16xi32> to vector<16x1xi32>
            %gather3A_1350 = vector.shape_cast %broadcast_in_dim3A_1349 : vector<16x1xi32> to vector<16xi32>
            %gather3A_1351 = tpu.dynamic_gather %gather3A_1279[%gather3A_1350] in [0] : vector<16xf32>, vector<16xi32> -> vector<16xf32>
            %add3A_1352 = arith.constant 64 : i32
            %add3A_1353 = arith.addi %add3A_1285, %add3A_1352 : i32
            %swap3A_1354 = arith.index_cast %add3A_1353 : i32 to index
            %swap3A_1355 = tpu.vector_load %arg8[%swap3A_1354] {strides = array<i32>} : memref<49152xf32, #tpu.memory_space<vmem>>, vector<16xf32>,
            tpu.vector_store %arg8[%swap3A_1354], %gather3A_1351 {strides = array<i32>} : memref<49152xf32, #tpu.memory_space<vmem>>, vector<16xf32>,
            %lt3A_1356 = arith.constant 0 : i32
            %lt3A_1357 = vector.broadcast %lt3A_1356 : i32 to vector<16xi32>
            %lt3A_1358 = arith.cmpi slt, %broadcast_in_dim3A_57, %lt3A_1357 : vector<16xi32>
            %add3A_1359 = arith.constant 16 : i32
            %add3A_1360 = vector.broadcast %add3A_1359 : i32 to vector<16xi32>
            %add3A_1361 = arith.addi %broadcast_in_dim3A_57, %add3A_1360 : vector<16xi32>
            %select_n3A_1362 = arith.select %lt3A_1358, %add3A_1361, %broadcast_in_dim3A_57 : vector<16xi1>, vector<16xi32>
            %broadcast_in_dim3A_1363 = vector.shape_cast %select_n3A_1362 : vector<16xi32> to vector<16x1xi32>
            %gather3A_1364 = vector.shape_cast %broadcast_in_dim3A_1363 : vector<16x1xi32> to vector<16xi32>
            %gather3A_1365 = tpu.dynamic_gather %gather3A_1279[%gather3A_1364] in [0] : vector<16xf32>, vector<16xi32> -> vector<16xf32>
            %add3A_1366 = arith.constant 80 : i32
            %add3A_1367 = arith.addi %add3A_1285, %add3A_1366 : i32
            %swap3A_1368 = arith.index_cast %add3A_1367 : i32 to index
            %swap3A_1369 = tpu.vector_load %arg8[%swap3A_1368] {strides = array<i32>} : memref<49152xf32, #tpu.memory_space<vmem>>, vector<16xf32>,
            tpu.vector_store %arg8[%swap3A_1368], %gather3A_1365 {strides = array<i32>} : memref<49152xf32, #tpu.memory_space<vmem>>, vector<16xf32>,
            %lt3A_1370 = arith.constant 0 : i32
            %lt3A_1371 = vector.broadcast %lt3A_1370 : i32 to vector<16xi32>
            %lt3A_1372 = arith.cmpi slt, %broadcast_in_dim3A_59, %lt3A_1371 : vector<16xi32>
            %add3A_1373 = arith.constant 16 : i32
            %add3A_1374 = vector.broadcast %add3A_1373 : i32 to vector<16xi32>
            %add3A_1375 = arith.addi %broadcast_in_dim3A_59, %add3A_1374 : vector<16xi32>
            %select_n3A_1376 = arith.select %lt3A_1372, %add3A_1375, %broadcast_in_dim3A_59 : vector<16xi1>, vector<16xi32>
            %broadcast_in_dim3A_1377 = vector.shape_cast %select_n3A_1376 : vector<16xi32> to vector<16x1xi32>
            %gather3A_1378 = vector.shape_cast %broadcast_in_dim3A_1377 : vector<16x1xi32> to vector<16xi32>
            %gather3A_1379 = tpu.dynamic_gather %gather3A_1279[%gather3A_1378] in [0] : vector<16xf32>, vector<16xi32> -> vector<16xf32>
            %add3A_1380 = arith.constant 96 : i32
            %add3A_1381 = arith.addi %add3A_1285, %add3A_1380 : i32
            %swap3A_1382 = arith.index_cast %add3A_1381 : i32 to index
            %swap3A_1383 = tpu.vector_load %arg8[%swap3A_1382] {strides = array<i32>} : memref<49152xf32, #tpu.memory_space<vmem>>, vector<16xf32>,
            tpu.vector_store %arg8[%swap3A_1382], %gather3A_1379 {strides = array<i32>} : memref<49152xf32, #tpu.memory_space<vmem>>, vector<16xf32>,
            %lt3A_1384 = arith.constant 0 : i32
            %lt3A_1385 = vector.broadcast %lt3A_1384 : i32 to vector<16xi32>
            %lt3A_1386 = arith.cmpi slt, %broadcast_in_dim3A_61, %lt3A_1385 : vector<16xi32>
            %add3A_1387 = arith.constant 16 : i32
            %add3A_1388 = vector.broadcast %add3A_1387 : i32 to vector<16xi32>
            %add3A_1389 = arith.addi %broadcast_in_dim3A_61, %add3A_1388 : vector<16xi32>
            %select_n3A_1390 = arith.select %lt3A_1386, %add3A_1389, %broadcast_in_dim3A_61 : vector<16xi1>, vector<16xi32>
            %broadcast_in_dim3A_1391 = vector.shape_cast %select_n3A_1390 : vector<16xi32> to vector<16x1xi32>
            %gather3A_1392 = vector.shape_cast %broadcast_in_dim3A_1391 : vector<16x1xi32> to vector<16xi32>
            %gather3A_1393 = tpu.dynamic_gather %gather3A_1279[%gather3A_1392] in [0] : vector<16xf32>, vector<16xi32> -> vector<16xf32>
            %add3A_1394 = arith.constant 112 : i32
            %add3A_1395 = arith.addi %add3A_1285, %add3A_1394 : i32
            %swap3A_1396 = arith.index_cast %add3A_1395 : i32 to index
            %swap3A_1397 = tpu.vector_load %arg8[%swap3A_1396] {strides = array<i32>} : memref<49152xf32, #tpu.memory_space<vmem>>, vector<16xf32>,
            tpu.vector_store %arg8[%swap3A_1396], %gather3A_1393 {strides = array<i32>} : memref<49152xf32, #tpu.memory_space<vmem>>, vector<16xf32>,
            %lt3A_1398 = arith.constant 0 : i32
            %lt3A_1399 = vector.broadcast %lt3A_1398 : i32 to vector<16xi32>
            %lt3A_1400 = arith.cmpi slt, %broadcast_in_dim3A_63, %lt3A_1399 : vector<16xi32>
            %add3A_1401 = arith.constant 16 : i32
            %add3A_1402 = vector.broadcast %add3A_1401 : i32 to vector<16xi32>
            %add3A_1403 = arith.addi %broadcast_in_dim3A_63, %add3A_1402 : vector<16xi32>
            %select_n3A_1404 = arith.select %lt3A_1400, %add3A_1403, %broadcast_in_dim3A_63 : vector<16xi1>, vector<16xi32>
            %broadcast_in_dim3A_1405 = vector.shape_cast %select_n3A_1404 : vector<16xi32> to vector<16x1xi32>
            %gather3A_1406 = vector.shape_cast %broadcast_in_dim3A_1405 : vector<16x1xi32> to vector<16xi32>
            %gather3A_1407 = tpu.dynamic_gather %gather3A_1279[%gather3A_1406] in [0] : vector<16xf32>, vector<16xi32> -> vector<16xf32>
            %add3A_1408 = arith.constant 128 : i32
            %add3A_1409 = arith.addi %add3A_1285, %add3A_1408 : i32
            %swap3A_1410 = arith.index_cast %add3A_1409 : i32 to index
            %swap3A_1411 = tpu.vector_load %arg8[%swap3A_1410] {strides = array<i32>} : memref<49152xf32, #tpu.memory_space<vmem>>, vector<16xf32>,
            tpu.vector_store %arg8[%swap3A_1410], %gather3A_1407 {strides = array<i32>} : memref<49152xf32, #tpu.memory_space<vmem>>, vector<16xf32>,
            %lt3A_1412 = arith.constant 0 : i32
            %lt3A_1413 = vector.broadcast %lt3A_1412 : i32 to vector<16xi32>
            %lt3A_1414 = arith.cmpi slt, %broadcast_in_dim3A_65, %lt3A_1413 : vector<16xi32>
            %add3A_1415 = arith.constant 16 : i32
            %add3A_1416 = vector.broadcast %add3A_1415 : i32 to vector<16xi32>
            %add3A_1417 = arith.addi %broadcast_in_dim3A_65, %add3A_1416 : vector<16xi32>
            %select_n3A_1418 = arith.select %lt3A_1414, %add3A_1417, %broadcast_in_dim3A_65 : vector<16xi1>, vector<16xi32>
            %broadcast_in_dim3A_1419 = vector.shape_cast %select_n3A_1418 : vector<16xi32> to vector<16x1xi32>
            %gather3A_1420 = vector.shape_cast %broadcast_in_dim3A_1419 : vector<16x1xi32> to vector<16xi32>
            %gather3A_1421 = tpu.dynamic_gather %gather3A_1279[%gather3A_1420] in [0] : vector<16xf32>, vector<16xi32> -> vector<16xf32>
            %add3A_1422 = arith.constant 144 : i32
            %add3A_1423 = arith.addi %add3A_1285, %add3A_1422 : i32
            %swap3A_1424 = arith.index_cast %add3A_1423 : i32 to index
            %swap3A_1425 = tpu.vector_load %arg8[%swap3A_1424] {strides = array<i32>} : memref<49152xf32, #tpu.memory_space<vmem>>, vector<16xf32>,
            tpu.vector_store %arg8[%swap3A_1424], %gather3A_1421 {strides = array<i32>} : memref<49152xf32, #tpu.memory_space<vmem>>, vector<16xf32>,
            %lt3A_1426 = arith.constant 0 : i32
            %lt3A_1427 = vector.broadcast %lt3A_1426 : i32 to vector<16xi32>
            %lt3A_1428 = arith.cmpi slt, %broadcast_in_dim3A_67, %lt3A_1427 : vector<16xi32>
            %add3A_1429 = arith.constant 16 : i32
            %add3A_1430 = vector.broadcast %add3A_1429 : i32 to vector<16xi32>
            %add3A_1431 = arith.addi %broadcast_in_dim3A_67, %add3A_1430 : vector<16xi32>
            %select_n3A_1432 = arith.select %lt3A_1428, %add3A_1431, %broadcast_in_dim3A_67 : vector<16xi1>, vector<16xi32>
            %broadcast_in_dim3A_1433 = vector.shape_cast %select_n3A_1432 : vector<16xi32> to vector<16x1xi32>
            %gather3A_1434 = vector.shape_cast %broadcast_in_dim3A_1433 : vector<16x1xi32> to vector<16xi32>
            %gather3A_1435 = tpu.dynamic_gather %gather3A_1279[%gather3A_1434] in [0] : vector<16xf32>, vector<16xi32> -> vector<16xf32>
            %add3A_1436 = arith.constant 160 : i32
            %add3A_1437 = arith.addi %add3A_1285, %add3A_1436 : i32
            %swap3A_1438 = arith.index_cast %add3A_1437 : i32 to index
            %swap3A_1439 = tpu.vector_load %arg8[%swap3A_1438] {strides = array<i32>} : memref<49152xf32, #tpu.memory_space<vmem>>, vector<16xf32>,
            tpu.vector_store %arg8[%swap3A_1438], %gather3A_1435 {strides = array<i32>} : memref<49152xf32, #tpu.memory_space<vmem>>, vector<16xf32>,
            %lt3A_1440 = arith.constant 0 : i32
            %lt3A_1441 = vector.broadcast %lt3A_1440 : i32 to vector<16xi32>
            %lt3A_1442 = arith.cmpi slt, %broadcast_in_dim3A_69, %lt3A_1441 : vector<16xi32>
            %add3A_1443 = arith.constant 16 : i32
            %add3A_1444 = vector.broadcast %add3A_1443 : i32 to vector<16xi32>
            %add3A_1445 = arith.addi %broadcast_in_dim3A_69, %add3A_1444 : vector<16xi32>
            %select_n3A_1446 = arith.select %lt3A_1442, %add3A_1445, %broadcast_in_dim3A_69 : vector<16xi1>, vector<16xi32>
            %broadcast_in_dim3A_1447 = vector.shape_cast %select_n3A_1446 : vector<16xi32> to vector<16x1xi32>
            %gather3A_1448 = vector.shape_cast %broadcast_in_dim3A_1447 : vector<16x1xi32> to vector<16xi32>
            %gather3A_1449 = tpu.dynamic_gather %gather3A_1279[%gather3A_1448] in [0] : vector<16xf32>, vector<16xi32> -> vector<16xf32>
            %add3A_1450 = arith.constant 176 : i32
            %add3A_1451 = arith.addi %add3A_1285, %add3A_1450 : i32
            %swap3A_1452 = arith.index_cast %add3A_1451 : i32 to index
            %swap3A_1453 = tpu.vector_load %arg8[%swap3A_1452] {strides = array<i32>} : memref<49152xf32, #tpu.memory_space<vmem>>, vector<16xf32>,
            tpu.vector_store %arg8[%swap3A_1452], %gather3A_1449 {strides = array<i32>} : memref<49152xf32, #tpu.memory_space<vmem>>, vector<16xf32>,
            %lt3A_1454 = arith.constant 0 : i32
            %lt3A_1455 = vector.broadcast %lt3A_1454 : i32 to vector<16xi32>
            %lt3A_1456 = arith.cmpi slt, %broadcast_in_dim3A_71, %lt3A_1455 : vector<16xi32>
            %add3A_1457 = arith.constant 16 : i32
            %add3A_1458 = vector.broadcast %add3A_1457 : i32 to vector<16xi32>
            %add3A_1459 = arith.addi %broadcast_in_dim3A_71, %add3A_1458 : vector<16xi32>
            %select_n3A_1460 = arith.select %lt3A_1456, %add3A_1459, %broadcast_in_dim3A_71 : vector<16xi1>, vector<16xi32>
            %broadcast_in_dim3A_1461 = vector.shape_cast %select_n3A_1460 : vector<16xi32> to vector<16x1xi32>
            %gather3A_1462 = vector.shape_cast %broadcast_in_dim3A_1461 : vector<16x1xi32> to vector<16xi32>
            %gather3A_1463 = tpu.dynamic_gather %gather3A_1279[%gather3A_1462] in [0] : vector<16xf32>, vector<16xi32> -> vector<16xf32>
            %add3A_1464 = arith.constant 192 : i32
            %add3A_1465 = arith.addi %add3A_1285, %add3A_1464 : i32
            %swap3A_1466 = arith.index_cast %add3A_1465 : i32 to index
            %swap3A_1467 = tpu.vector_load %arg8[%swap3A_1466] {strides = array<i32>} : memref<49152xf32, #tpu.memory_space<vmem>>, vector<16xf32>,
            tpu.vector_store %arg8[%swap3A_1466], %gather3A_1463 {strides = array<i32>} : memref<49152xf32, #tpu.memory_space<vmem>>, vector<16xf32>,
            %lt3A_1468 = arith.constant 0 : i32
            %lt3A_1469 = vector.broadcast %lt3A_1468 : i32 to vector<16xi32>
            %lt3A_1470 = arith.cmpi slt, %broadcast_in_dim3A_73, %lt3A_1469 : vector<16xi32>
            %add3A_1471 = arith.constant 16 : i32
            %add3A_1472 = vector.broadcast %add3A_1471 : i32 to vector<16xi32>
            %add3A_1473 = arith.addi %broadcast_in_dim3A_73, %add3A_1472 : vector<16xi32>
            %select_n3A_1474 = arith.select %lt3A_1470, %add3A_1473, %broadcast_in_dim3A_73 : vector<16xi1>, vector<16xi32>
            %broadcast_in_dim3A_1475 = vector.shape_cast %select_n3A_1474 : vector<16xi32> to vector<16x1xi32>
            %gather3A_1476 = vector.shape_cast %broadcast_in_dim3A_1475 : vector<16x1xi32> to vector<16xi32>
            %gather3A_1477 = tpu.dynamic_gather %gather3A_1279[%gather3A_1476] in [0] : vector<16xf32>, vector<16xi32> -> vector<16xf32>
            %add3A_1478 = arith.constant 208 : i32
            %add3A_1479 = arith.addi %add3A_1285, %add3A_1478 : i32
            %swap3A_1480 = arith.index_cast %add3A_1479 : i32 to index
            %swap3A_1481 = tpu.vector_load %arg8[%swap3A_1480] {strides = array<i32>} : memref<49152xf32, #tpu.memory_space<vmem>>, vector<16xf32>,
            tpu.vector_store %arg8[%swap3A_1480], %gather3A_1477 {strides = array<i32>} : memref<49152xf32, #tpu.memory_space<vmem>>, vector<16xf32>,
            %lt3A_1482 = arith.constant 0 : i32
            %lt3A_1483 = vector.broadcast %lt3A_1482 : i32 to vector<16xi32>
            %lt3A_1484 = arith.cmpi slt, %broadcast_in_dim3A_75, %lt3A_1483 : vector<16xi32>
            %add3A_1485 = arith.constant 16 : i32
            %add3A_1486 = vector.broadcast %add3A_1485 : i32 to vector<16xi32>
            %add3A_1487 = arith.addi %broadcast_in_dim3A_75, %add3A_1486 : vector<16xi32>
            %select_n3A_1488 = arith.select %lt3A_1484, %add3A_1487, %broadcast_in_dim3A_75 : vector<16xi1>, vector<16xi32>
            %broadcast_in_dim3A_1489 = vector.shape_cast %select_n3A_1488 : vector<16xi32> to vector<16x1xi32>
            %gather3A_1490 = vector.shape_cast %broadcast_in_dim3A_1489 : vector<16x1xi32> to vector<16xi32>
            %gather3A_1491 = tpu.dynamic_gather %gather3A_1279[%gather3A_1490] in [0] : vector<16xf32>, vector<16xi32> -> vector<16xf32>
            %add3A_1492 = arith.constant 224 : i32
            %add3A_1493 = arith.addi %add3A_1285, %add3A_1492 : i32
            %swap3A_1494 = arith.index_cast %add3A_1493 : i32 to index
            %swap3A_1495 = tpu.vector_load %arg8[%swap3A_1494] {strides = array<i32>} : memref<49152xf32, #tpu.memory_space<vmem>>, vector<16xf32>,
            tpu.vector_store %arg8[%swap3A_1494], %gather3A_1491 {strides = array<i32>} : memref<49152xf32, #tpu.memory_space<vmem>>, vector<16xf32>,
            %lt3A_1496 = arith.constant 0 : i32
            %lt3A_1497 = vector.broadcast %lt3A_1496 : i32 to vector<16xi32>
            %lt3A_1498 = arith.cmpi slt, %broadcast_in_dim3A_77, %lt3A_1497 : vector<16xi32>
            %add3A_1499 = arith.constant 16 : i32
            %add3A_1500 = vector.broadcast %add3A_1499 : i32 to vector<16xi32>
            %add3A_1501 = arith.addi %broadcast_in_dim3A_77, %add3A_1500 : vector<16xi32>
            %select_n3A_1502 = arith.select %lt3A_1498, %add3A_1501, %broadcast_in_dim3A_77 : vector<16xi1>, vector<16xi32>
            %broadcast_in_dim3A_1503 = vector.shape_cast %select_n3A_1502 : vector<16xi32> to vector<16x1xi32>
            %gather3A_1504 = vector.shape_cast %broadcast_in_dim3A_1503 : vector<16x1xi32> to vector<16xi32>
            %gather3A_1505 = tpu.dynamic_gather %gather3A_1279[%gather3A_1504] in [0] : vector<16xf32>, vector<16xi32> -> vector<16xf32>
            %add3A_1506 = arith.constant 240 : i32
            %add3A_1507 = arith.addi %add3A_1285, %add3A_1506 : i32
            %swap3A_1508 = arith.index_cast %add3A_1507 : i32 to index
            %swap3A_1509 = tpu.vector_load %arg8[%swap3A_1508] {strides = array<i32>} : memref<49152xf32, #tpu.memory_space<vmem>>, vector<16xf32>,
            tpu.vector_store %arg8[%swap3A_1508], %gather3A_1505 {strides = array<i32>} : memref<49152xf32, #tpu.memory_space<vmem>>, vector<16xf32>,
            %get3A_1510 = arith.constant 80 : index
            %get3A_1511 = tpu.vector_load %arg7[%get3A_1510] {strides = array<i32>} : memref<96xi32, #tpu.memory_space<vmem>>, vector<16xi32>,
            %mul3A_1512 = arith.constant 64 : i32
            %mul3A_1513 = vector.broadcast %mul3A_1512 : i32 to vector<16xi32>
            %mul3A_1514 = arith.muli %get3A_1511, %mul3A_1513 : vector<16xi32>
            %add3A_1515 = vector.broadcast %add3A_322 : i32 to vector<16xi32>
            %add3A_1516 = arith.addi %mul3A_1514, %add3A_1515 : vector<16xi32>
            %gather3A_1517 = tpu.vector_load_idx %arg6[%add3A_1516] : memref<960xf32, #tpu.memory_space<vmem>>[vector<16xi32>], vector<16xf32>,
            %mul3A_1518 = arith.constant 96 : i32
            %mul3A_1519 = arith.muli %scan3A_321, %mul3A_1518 : i32
            %mul3A_1520 = arith.constant 16 : i32
            %mul3A_1521 = arith.muli %mul3A_1519, %mul3A_1520 : i32
            %add3A_1522 = arith.constant 1280 : i32
            %add3A_1523 = arith.addi %mul3A_1521, %add3A_1522 : i32
            %lt3A_1524 = arith.constant 0 : i32
            %lt3A_1525 = vector.broadcast %lt3A_1524 : i32 to vector<16xi32>
            %lt3A_1526 = arith.cmpi slt, %broadcast_in_dim3A_47, %lt3A_1525 : vector<16xi32>
            %add3A_1527 = arith.constant 16 : i32
            %add3A_1528 = vector.broadcast %add3A_1527 : i32 to vector<16xi32>
            %add3A_1529 = arith.addi %broadcast_in_dim3A_47, %add3A_1528 : vector<16xi32>
            %select_n3A_1530 = arith.select %lt3A_1526, %add3A_1529, %broadcast_in_dim3A_47 : vector<16xi1>, vector<16xi32>
            %broadcast_in_dim3A_1531 = vector.shape_cast %select_n3A_1530 : vector<16xi32> to vector<16x1xi32>
            %gather3A_1532 = vector.shape_cast %broadcast_in_dim3A_1531 : vector<16x1xi32> to vector<16xi32>
            %gather3A_1533 = tpu.dynamic_gather %gather3A_1517[%gather3A_1532] in [0] : vector<16xf32>, vector<16xi32> -> vector<16xf32>
            %add3A_1534 = arith.constant 0 : i32
            %add3A_1535 = arith.addi %add3A_1523, %add3A_1534 : i32
            %swap3A_1536 = arith.index_cast %add3A_1535 : i32 to index
            %swap3A_1537 = tpu.vector_load %arg8[%swap3A_1536] {strides = array<i32>} : memref<49152xf32, #tpu.memory_space<vmem>>, vector<16xf32>,
            tpu.vector_store %arg8[%swap3A_1536], %gather3A_1533 {strides = array<i32>} : memref<49152xf32, #tpu.memory_space<vmem>>, vector<16xf32>,
            %lt3A_1538 = arith.constant 0 : i32
            %lt3A_1539 = vector.broadcast %lt3A_1538 : i32 to vector<16xi32>
            %lt3A_1540 = arith.cmpi slt, %broadcast_in_dim3A_49, %lt3A_1539 : vector<16xi32>
            %add3A_1541 = arith.constant 16 : i32
            %add3A_1542 = vector.broadcast %add3A_1541 : i32 to vector<16xi32>
            %add3A_1543 = arith.addi %broadcast_in_dim3A_49, %add3A_1542 : vector<16xi32>
            %select_n3A_1544 = arith.select %lt3A_1540, %add3A_1543, %broadcast_in_dim3A_49 : vector<16xi1>, vector<16xi32>
            %broadcast_in_dim3A_1545 = vector.shape_cast %select_n3A_1544 : vector<16xi32> to vector<16x1xi32>
            %gather3A_1546 = vector.shape_cast %broadcast_in_dim3A_1545 : vector<16x1xi32> to vector<16xi32>
            %gather3A_1547 = tpu.dynamic_gather %gather3A_1517[%gather3A_1546] in [0] : vector<16xf32>, vector<16xi32> -> vector<16xf32>
            %add3A_1548 = arith.constant 16 : i32
            %add3A_1549 = arith.addi %add3A_1523, %add3A_1548 : i32
            %swap3A_1550 = arith.index_cast %add3A_1549 : i32 to index
            %swap3A_1551 = tpu.vector_load %arg8[%swap3A_1550] {strides = array<i32>} : memref<49152xf32, #tpu.memory_space<vmem>>, vector<16xf32>,
            tpu.vector_store %arg8[%swap3A_1550], %gather3A_1547 {strides = array<i32>} : memref<49152xf32, #tpu.memory_space<vmem>>, vector<16xf32>,
            %lt3A_1552 = arith.constant 0 : i32
            %lt3A_1553 = vector.broadcast %lt3A_1552 : i32 to vector<16xi32>
            %lt3A_1554 = arith.cmpi slt, %broadcast_in_dim3A_51, %lt3A_1553 : vector<16xi32>
            %add3A_1555 = arith.constant 16 : i32
            %add3A_1556 = vector.broadcast %add3A_1555 : i32 to vector<16xi32>
            %add3A_1557 = arith.addi %broadcast_in_dim3A_51, %add3A_1556 : vector<16xi32>
            %select_n3A_1558 = arith.select %lt3A_1554, %add3A_1557, %broadcast_in_dim3A_51 : vector<16xi1>, vector<16xi32>
            %broadcast_in_dim3A_1559 = vector.shape_cast %select_n3A_1558 : vector<16xi32> to vector<16x1xi32>
            %gather3A_1560 = vector.shape_cast %broadcast_in_dim3A_1559 : vector<16x1xi32> to vector<16xi32>
            %gather3A_1561 = tpu.dynamic_gather %gather3A_1517[%gather3A_1560] in [0] : vector<16xf32>, vector<16xi32> -> vector<16xf32>
            %add3A_1562 = arith.constant 32 : i32
            %add3A_1563 = arith.addi %add3A_1523, %add3A_1562 : i32
            %swap3A_1564 = arith.index_cast %add3A_1563 : i32 to index
            %swap3A_1565 = tpu.vector_load %arg8[%swap3A_1564] {strides = array<i32>} : memref<49152xf32, #tpu.memory_space<vmem>>, vector<16xf32>,
            tpu.vector_store %arg8[%swap3A_1564], %gather3A_1561 {strides = array<i32>} : memref<49152xf32, #tpu.memory_space<vmem>>, vector<16xf32>,
            %lt3A_1566 = arith.constant 0 : i32
            %lt3A_1567 = vector.broadcast %lt3A_1566 : i32 to vector<16xi32>
            %lt3A_1568 = arith.cmpi slt, %broadcast_in_dim3A_53, %lt3A_1567 : vector<16xi32>
            %add3A_1569 = arith.constant 16 : i32
            %add3A_1570 = vector.broadcast %add3A_1569 : i32 to vector<16xi32>
            %add3A_1571 = arith.addi %broadcast_in_dim3A_53, %add3A_1570 : vector<16xi32>
            %select_n3A_1572 = arith.select %lt3A_1568, %add3A_1571, %broadcast_in_dim3A_53 : vector<16xi1>, vector<16xi32>
            %broadcast_in_dim3A_1573 = vector.shape_cast %select_n3A_1572 : vector<16xi32> to vector<16x1xi32>
            %gather3A_1574 = vector.shape_cast %broadcast_in_dim3A_1573 : vector<16x1xi32> to vector<16xi32>
            %gather3A_1575 = tpu.dynamic_gather %gather3A_1517[%gather3A_1574] in [0] : vector<16xf32>, vector<16xi32> -> vector<16xf32>
            %add3A_1576 = arith.constant 48 : i32
            %add3A_1577 = arith.addi %add3A_1523, %add3A_1576 : i32
            %swap3A_1578 = arith.index_cast %add3A_1577 : i32 to index
            %swap3A_1579 = tpu.vector_load %arg8[%swap3A_1578] {strides = array<i32>} : memref<49152xf32, #tpu.memory_space<vmem>>, vector<16xf32>,
            tpu.vector_store %arg8[%swap3A_1578], %gather3A_1575 {strides = array<i32>} : memref<49152xf32, #tpu.memory_space<vmem>>, vector<16xf32>,
            %lt3A_1580 = arith.constant 0 : i32
            %lt3A_1581 = vector.broadcast %lt3A_1580 : i32 to vector<16xi32>
            %lt3A_1582 = arith.cmpi slt, %broadcast_in_dim3A_55, %lt3A_1581 : vector<16xi32>
            %add3A_1583 = arith.constant 16 : i32
            %add3A_1584 = vector.broadcast %add3A_1583 : i32 to vector<16xi32>
            %add3A_1585 = arith.addi %broadcast_in_dim3A_55, %add3A_1584 : vector<16xi32>
            %select_n3A_1586 = arith.select %lt3A_1582, %add3A_1585, %broadcast_in_dim3A_55 : vector<16xi1>, vector<16xi32>
            %broadcast_in_dim3A_1587 = vector.shape_cast %select_n3A_1586 : vector<16xi32> to vector<16x1xi32>
            %gather3A_1588 = vector.shape_cast %broadcast_in_dim3A_1587 : vector<16x1xi32> to vector<16xi32>
            %gather3A_1589 = tpu.dynamic_gather %gather3A_1517[%gather3A_1588] in [0] : vector<16xf32>, vector<16xi32> -> vector<16xf32>
            %add3A_1590 = arith.constant 64 : i32
            %add3A_1591 = arith.addi %add3A_1523, %add3A_1590 : i32
            %swap3A_1592 = arith.index_cast %add3A_1591 : i32 to index
            %swap3A_1593 = tpu.vector_load %arg8[%swap3A_1592] {strides = array<i32>} : memref<49152xf32, #tpu.memory_space<vmem>>, vector<16xf32>,
            tpu.vector_store %arg8[%swap3A_1592], %gather3A_1589 {strides = array<i32>} : memref<49152xf32, #tpu.memory_space<vmem>>, vector<16xf32>,
            %lt3A_1594 = arith.constant 0 : i32
            %lt3A_1595 = vector.broadcast %lt3A_1594 : i32 to vector<16xi32>
            %lt3A_1596 = arith.cmpi slt, %broadcast_in_dim3A_57, %lt3A_1595 : vector<16xi32>
            %add3A_1597 = arith.constant 16 : i32
            %add3A_1598 = vector.broadcast %add3A_1597 : i32 to vector<16xi32>
            %add3A_1599 = arith.addi %broadcast_in_dim3A_57, %add3A_1598 : vector<16xi32>
            %select_n3A_1600 = arith.select %lt3A_1596, %add3A_1599, %broadcast_in_dim3A_57 : vector<16xi1>, vector<16xi32>
            %broadcast_in_dim3A_1601 = vector.shape_cast %select_n3A_1600 : vector<16xi32> to vector<16x1xi32>
            %gather3A_1602 = vector.shape_cast %broadcast_in_dim3A_1601 : vector<16x1xi32> to vector<16xi32>
            %gather3A_1603 = tpu.dynamic_gather %gather3A_1517[%gather3A_1602] in [0] : vector<16xf32>, vector<16xi32> -> vector<16xf32>
            %add3A_1604 = arith.constant 80 : i32
            %add3A_1605 = arith.addi %add3A_1523, %add3A_1604 : i32
            %swap3A_1606 = arith.index_cast %add3A_1605 : i32 to index
            %swap3A_1607 = tpu.vector_load %arg8[%swap3A_1606] {strides = array<i32>} : memref<49152xf32, #tpu.memory_space<vmem>>, vector<16xf32>,
            tpu.vector_store %arg8[%swap3A_1606], %gather3A_1603 {strides = array<i32>} : memref<49152xf32, #tpu.memory_space<vmem>>, vector<16xf32>,
            %lt3A_1608 = arith.constant 0 : i32
            %lt3A_1609 = vector.broadcast %lt3A_1608 : i32 to vector<16xi32>
            %lt3A_1610 = arith.cmpi slt, %broadcast_in_dim3A_59, %lt3A_1609 : vector<16xi32>
            %add3A_1611 = arith.constant 16 : i32
            %add3A_1612 = vector.broadcast %add3A_1611 : i32 to vector<16xi32>
            %add3A_1613 = arith.addi %broadcast_in_dim3A_59, %add3A_1612 : vector<16xi32>
            %select_n3A_1614 = arith.select %lt3A_1610, %add3A_1613, %broadcast_in_dim3A_59 : vector<16xi1>, vector<16xi32>
            %broadcast_in_dim3A_1615 = vector.shape_cast %select_n3A_1614 : vector<16xi32> to vector<16x1xi32>
            %gather3A_1616 = vector.shape_cast %broadcast_in_dim3A_1615 : vector<16x1xi32> to vector<16xi32>
            %gather3A_1617 = tpu.dynamic_gather %gather3A_1517[%gather3A_1616] in [0] : vector<16xf32>, vector<16xi32> -> vector<16xf32>
            %add3A_1618 = arith.constant 96 : i32
            %add3A_1619 = arith.addi %add3A_1523, %add3A_1618 : i32
            %swap3A_1620 = arith.index_cast %add3A_1619 : i32 to index
            %swap3A_1621 = tpu.vector_load %arg8[%swap3A_1620] {strides = array<i32>} : memref<49152xf32, #tpu.memory_space<vmem>>, vector<16xf32>,
            tpu.vector_store %arg8[%swap3A_1620], %gather3A_1617 {strides = array<i32>} : memref<49152xf32, #tpu.memory_space<vmem>>, vector<16xf32>,
            %lt3A_1622 = arith.constant 0 : i32
            %lt3A_1623 = vector.broadcast %lt3A_1622 : i32 to vector<16xi32>
            %lt3A_1624 = arith.cmpi slt, %broadcast_in_dim3A_61, %lt3A_1623 : vector<16xi32>
            %add3A_1625 = arith.constant 16 : i32
            %add3A_1626 = vector.broadcast %add3A_1625 : i32 to vector<16xi32>
            %add3A_1627 = arith.addi %broadcast_in_dim3A_61, %add3A_1626 : vector<16xi32>
            %select_n3A_1628 = arith.select %lt3A_1624, %add3A_1627, %broadcast_in_dim3A_61 : vector<16xi1>, vector<16xi32>
            %broadcast_in_dim3A_1629 = vector.shape_cast %select_n3A_1628 : vector<16xi32> to vector<16x1xi32>
            %gather3A_1630 = vector.shape_cast %broadcast_in_dim3A_1629 : vector<16x1xi32> to vector<16xi32>
            %gather3A_1631 = tpu.dynamic_gather %gather3A_1517[%gather3A_1630] in [0] : vector<16xf32>, vector<16xi32> -> vector<16xf32>
            %add3A_1632 = arith.constant 112 : i32
            %add3A_1633 = arith.addi %add3A_1523, %add3A_1632 : i32
            %swap3A_1634 = arith.index_cast %add3A_1633 : i32 to index
            %swap3A_1635 = tpu.vector_load %arg8[%swap3A_1634] {strides = array<i32>} : memref<49152xf32, #tpu.memory_space<vmem>>, vector<16xf32>,
            tpu.vector_store %arg8[%swap3A_1634], %gather3A_1631 {strides = array<i32>} : memref<49152xf32, #tpu.memory_space<vmem>>, vector<16xf32>,
            %lt3A_1636 = arith.constant 0 : i32
            %lt3A_1637 = vector.broadcast %lt3A_1636 : i32 to vector<16xi32>
            %lt3A_1638 = arith.cmpi slt, %broadcast_in_dim3A_63, %lt3A_1637 : vector<16xi32>
            %add3A_1639 = arith.constant 16 : i32
            %add3A_1640 = vector.broadcast %add3A_1639 : i32 to vector<16xi32>
            %add3A_1641 = arith.addi %broadcast_in_dim3A_63, %add3A_1640 : vector<16xi32>
            %select_n3A_1642 = arith.select %lt3A_1638, %add3A_1641, %broadcast_in_dim3A_63 : vector<16xi1>, vector<16xi32>
            %broadcast_in_dim3A_1643 = vector.shape_cast %select_n3A_1642 : vector<16xi32> to vector<16x1xi32>
            %gather3A_1644 = vector.shape_cast %broadcast_in_dim3A_1643 : vector<16x1xi32> to vector<16xi32>
            %gather3A_1645 = tpu.dynamic_gather %gather3A_1517[%gather3A_1644] in [0] : vector<16xf32>, vector<16xi32> -> vector<16xf32>
            %add3A_1646 = arith.constant 128 : i32
            %add3A_1647 = arith.addi %add3A_1523, %add3A_1646 : i32
            %swap3A_1648 = arith.index_cast %add3A_1647 : i32 to index
            %swap3A_1649 = tpu.vector_load %arg8[%swap3A_1648] {strides = array<i32>} : memref<49152xf32, #tpu.memory_space<vmem>>, vector<16xf32>,
            tpu.vector_store %arg8[%swap3A_1648], %gather3A_1645 {strides = array<i32>} : memref<49152xf32, #tpu.memory_space<vmem>>, vector<16xf32>,
            %lt3A_1650 = arith.constant 0 : i32
            %lt3A_1651 = vector.broadcast %lt3A_1650 : i32 to vector<16xi32>
            %lt3A_1652 = arith.cmpi slt, %broadcast_in_dim3A_65, %lt3A_1651 : vector<16xi32>
            %add3A_1653 = arith.constant 16 : i32
            %add3A_1654 = vector.broadcast %add3A_1653 : i32 to vector<16xi32>
            %add3A_1655 = arith.addi %broadcast_in_dim3A_65, %add3A_1654 : vector<16xi32>
            %select_n3A_1656 = arith.select %lt3A_1652, %add3A_1655, %broadcast_in_dim3A_65 : vector<16xi1>, vector<16xi32>
            %broadcast_in_dim3A_1657 = vector.shape_cast %select_n3A_1656 : vector<16xi32> to vector<16x1xi32>
            %gather3A_1658 = vector.shape_cast %broadcast_in_dim3A_1657 : vector<16x1xi32> to vector<16xi32>
            %gather3A_1659 = tpu.dynamic_gather %gather3A_1517[%gather3A_1658] in [0] : vector<16xf32>, vector<16xi32> -> vector<16xf32>
            %add3A_1660 = arith.constant 144 : i32
            %add3A_1661 = arith.addi %add3A_1523, %add3A_1660 : i32
            %swap3A_1662 = arith.index_cast %add3A_1661 : i32 to index
            %swap3A_1663 = tpu.vector_load %arg8[%swap3A_1662] {strides = array<i32>} : memref<49152xf32, #tpu.memory_space<vmem>>, vector<16xf32>,
            tpu.vector_store %arg8[%swap3A_1662], %gather3A_1659 {strides = array<i32>} : memref<49152xf32, #tpu.memory_space<vmem>>, vector<16xf32>,
            %lt3A_1664 = arith.constant 0 : i32
            %lt3A_1665 = vector.broadcast %lt3A_1664 : i32 to vector<16xi32>
            %lt3A_1666 = arith.cmpi slt, %broadcast_in_dim3A_67, %lt3A_1665 : vector<16xi32>
            %add3A_1667 = arith.constant 16 : i32
            %add3A_1668 = vector.broadcast %add3A_1667 : i32 to vector<16xi32>
            %add3A_1669 = arith.addi %broadcast_in_dim3A_67, %add3A_1668 : vector<16xi32>
            %select_n3A_1670 = arith.select %lt3A_1666, %add3A_1669, %broadcast_in_dim3A_67 : vector<16xi1>, vector<16xi32>
            %broadcast_in_dim3A_1671 = vector.shape_cast %select_n3A_1670 : vector<16xi32> to vector<16x1xi32>
            %gather3A_1672 = vector.shape_cast %broadcast_in_dim3A_1671 : vector<16x1xi32> to vector<16xi32>
            %gather3A_1673 = tpu.dynamic_gather %gather3A_1517[%gather3A_1672] in [0] : vector<16xf32>, vector<16xi32> -> vector<16xf32>
            %add3A_1674 = arith.constant 160 : i32
            %add3A_1675 = arith.addi %add3A_1523, %add3A_1674 : i32
            %swap3A_1676 = arith.index_cast %add3A_1675 : i32 to index
            %swap3A_1677 = tpu.vector_load %arg8[%swap3A_1676] {strides = array<i32>} : memref<49152xf32, #tpu.memory_space<vmem>>, vector<16xf32>,
            tpu.vector_store %arg8[%swap3A_1676], %gather3A_1673 {strides = array<i32>} : memref<49152xf32, #tpu.memory_space<vmem>>, vector<16xf32>,
            %lt3A_1678 = arith.constant 0 : i32
            %lt3A_1679 = vector.broadcast %lt3A_1678 : i32 to vector<16xi32>
            %lt3A_1680 = arith.cmpi slt, %broadcast_in_dim3A_69, %lt3A_1679 : vector<16xi32>
            %add3A_1681 = arith.constant 16 : i32
            %add3A_1682 = vector.broadcast %add3A_1681 : i32 to vector<16xi32>
            %add3A_1683 = arith.addi %broadcast_in_dim3A_69, %add3A_1682 : vector<16xi32>
            %select_n3A_1684 = arith.select %lt3A_1680, %add3A_1683, %broadcast_in_dim3A_69 : vector<16xi1>, vector<16xi32>
            %broadcast_in_dim3A_1685 = vector.shape_cast %select_n3A_1684 : vector<16xi32> to vector<16x1xi32>
            %gather3A_1686 = vector.shape_cast %broadcast_in_dim3A_1685 : vector<16x1xi32> to vector<16xi32>
            %gather3A_1687 = tpu.dynamic_gather %gather3A_1517[%gather3A_1686] in [0] : vector<16xf32>, vector<16xi32> -> vector<16xf32>
            %add3A_1688 = arith.constant 176 : i32
            %add3A_1689 = arith.addi %add3A_1523, %add3A_1688 : i32
            %swap3A_1690 = arith.index_cast %add3A_1689 : i32 to index
            %swap3A_1691 = tpu.vector_load %arg8[%swap3A_1690] {strides = array<i32>} : memref<49152xf32, #tpu.memory_space<vmem>>, vector<16xf32>,
            tpu.vector_store %arg8[%swap3A_1690], %gather3A_1687 {strides = array<i32>} : memref<49152xf32, #tpu.memory_space<vmem>>, vector<16xf32>,
            %lt3A_1692 = arith.constant 0 : i32
            %lt3A_1693 = vector.broadcast %lt3A_1692 : i32 to vector<16xi32>
            %lt3A_1694 = arith.cmpi slt, %broadcast_in_dim3A_71, %lt3A_1693 : vector<16xi32>
            %add3A_1695 = arith.constant 16 : i32
            %add3A_1696 = vector.broadcast %add3A_1695 : i32 to vector<16xi32>
            %add3A_1697 = arith.addi %broadcast_in_dim3A_71, %add3A_1696 : vector<16xi32>
            %select_n3A_1698 = arith.select %lt3A_1694, %add3A_1697, %broadcast_in_dim3A_71 : vector<16xi1>, vector<16xi32>
            %broadcast_in_dim3A_1699 = vector.shape_cast %select_n3A_1698 : vector<16xi32> to vector<16x1xi32>
            %gather3A_1700 = vector.shape_cast %broadcast_in_dim3A_1699 : vector<16x1xi32> to vector<16xi32>
            %gather3A_1701 = tpu.dynamic_gather %gather3A_1517[%gather3A_1700] in [0] : vector<16xf32>, vector<16xi32> -> vector<16xf32>
            %add3A_1702 = arith.constant 192 : i32
            %add3A_1703 = arith.addi %add3A_1523, %add3A_1702 : i32
            %swap3A_1704 = arith.index_cast %add3A_1703 : i32 to index
            %swap3A_1705 = tpu.vector_load %arg8[%swap3A_1704] {strides = array<i32>} : memref<49152xf32, #tpu.memory_space<vmem>>, vector<16xf32>,
            tpu.vector_store %arg8[%swap3A_1704], %gather3A_1701 {strides = array<i32>} : memref<49152xf32, #tpu.memory_space<vmem>>, vector<16xf32>,
            %lt3A_1706 = arith.constant 0 : i32
            %lt3A_1707 = vector.broadcast %lt3A_1706 : i32 to vector<16xi32>
            %lt3A_1708 = arith.cmpi slt, %broadcast_in_dim3A_73, %lt3A_1707 : vector<16xi32>
            %add3A_1709 = arith.constant 16 : i32
            %add3A_1710 = vector.broadcast %add3A_1709 : i32 to vector<16xi32>
            %add3A_1711 = arith.addi %broadcast_in_dim3A_73, %add3A_1710 : vector<16xi32>
            %select_n3A_1712 = arith.select %lt3A_1708, %add3A_1711, %broadcast_in_dim3A_73 : vector<16xi1>, vector<16xi32>
            %broadcast_in_dim3A_1713 = vector.shape_cast %select_n3A_1712 : vector<16xi32> to vector<16x1xi32>
            %gather3A_1714 = vector.shape_cast %broadcast_in_dim3A_1713 : vector<16x1xi32> to vector<16xi32>
            %gather3A_1715 = tpu.dynamic_gather %gather3A_1517[%gather3A_1714] in [0] : vector<16xf32>, vector<16xi32> -> vector<16xf32>
            %add3A_1716 = arith.constant 208 : i32
            %add3A_1717 = arith.addi %add3A_1523, %add3A_1716 : i32
            %swap3A_1718 = arith.index_cast %add3A_1717 : i32 to index
            %swap3A_1719 = tpu.vector_load %arg8[%swap3A_1718] {strides = array<i32>} : memref<49152xf32, #tpu.memory_space<vmem>>, vector<16xf32>,
            tpu.vector_store %arg8[%swap3A_1718], %gather3A_1715 {strides = array<i32>} : memref<49152xf32, #tpu.memory_space<vmem>>, vector<16xf32>,
            %lt3A_1720 = arith.constant 0 : i32
            %lt3A_1721 = vector.broadcast %lt3A_1720 : i32 to vector<16xi32>
            %lt3A_1722 = arith.cmpi slt, %broadcast_in_dim3A_75, %lt3A_1721 : vector<16xi32>
            %add3A_1723 = arith.constant 16 : i32
            %add3A_1724 = vector.broadcast %add3A_1723 : i32 to vector<16xi32>
            %add3A_1725 = arith.addi %broadcast_in_dim3A_75, %add3A_1724 : vector<16xi32>
            %select_n3A_1726 = arith.select %lt3A_1722, %add3A_1725, %broadcast_in_dim3A_75 : vector<16xi1>, vector<16xi32>
            %broadcast_in_dim3A_1727 = vector.shape_cast %select_n3A_1726 : vector<16xi32> to vector<16x1xi32>
            %gather3A_1728 = vector.shape_cast %broadcast_in_dim3A_1727 : vector<16x1xi32> to vector<16xi32>
            %gather3A_1729 = tpu.dynamic_gather %gather3A_1517[%gather3A_1728] in [0] : vector<16xf32>, vector<16xi32> -> vector<16xf32>
            %add3A_1730 = arith.constant 224 : i32
            %add3A_1731 = arith.addi %add3A_1523, %add3A_1730 : i32
            %swap3A_1732 = arith.index_cast %add3A_1731 : i32 to index
            %swap3A_1733 = tpu.vector_load %arg8[%swap3A_1732] {strides = array<i32>} : memref<49152xf32, #tpu.memory_space<vmem>>, vector<16xf32>,
            tpu.vector_store %arg8[%swap3A_1732], %gather3A_1729 {strides = array<i32>} : memref<49152xf32, #tpu.memory_space<vmem>>, vector<16xf32>,
            %lt3A_1734 = arith.constant 0 : i32
            %lt3A_1735 = vector.broadcast %lt3A_1734 : i32 to vector<16xi32>
            %lt3A_1736 = arith.cmpi slt, %broadcast_in_dim3A_77, %lt3A_1735 : vector<16xi32>
            %add3A_1737 = arith.constant 16 : i32
            %add3A_1738 = vector.broadcast %add3A_1737 : i32 to vector<16xi32>
            %add3A_1739 = arith.addi %broadcast_in_dim3A_77, %add3A_1738 : vector<16xi32>
            %select_n3A_1740 = arith.select %lt3A_1736, %add3A_1739, %broadcast_in_dim3A_77 : vector<16xi1>, vector<16xi32>
            %broadcast_in_dim3A_1741 = vector.shape_cast %select_n3A_1740 : vector<16xi32> to vector<16x1xi32>
            %gather3A_1742 = vector.shape_cast %broadcast_in_dim3A_1741 : vector<16x1xi32> to vector<16xi32>
            %gather3A_1743 = tpu.dynamic_gather %gather3A_1517[%gather3A_1742] in [0] : vector<16xf32>, vector<16xi32> -> vector<16xf32>
            %add3A_1744 = arith.constant 240 : i32
            %add3A_1745 = arith.addi %add3A_1523, %add3A_1744 : i32
            %swap3A_1746 = arith.index_cast %add3A_1745 : i32 to index
            %swap3A_1747 = tpu.vector_load %arg8[%swap3A_1746] {strides = array<i32>} : memref<49152xf32, #tpu.memory_space<vmem>>, vector<16xf32>,
            tpu.vector_store %arg8[%swap3A_1746], %gather3A_1743 {strides = array<i32>} : memref<49152xf32, #tpu.memory_space<vmem>>, vector<16xf32>,
          }
          %scan3A_320 = arith.constant 32 : i32
        } else {
        }
        %rem3A_274 = arith.constant 98 : i32
        %rem3A_275 = arith.remsi %add3A_199, %rem3A_274 : i32
        %mul3A_276 = arith.constant 512 : i32
        %mul3A_277 = arith.muli %rem3A_275, %mul3A_276 : i32
        %add3A_278 = arith.constant 1 : i32
        %add3A_279 = arith.addi %add3A_199, %add3A_278 : i32
        %lt3A_280 = arith.cmpi slt, %add3A_279, %select_n3A_46 : i32
        %convert_element_type3A_281 = arith.extui %lt3A_280 : i1 to i32
        %cond3A_282 = arith.constant 0 : i32
        %cond3A_283 = arith.cmpi ne, %convert_element_type3A_281, %cond3A_282 : i32
        scf.if %cond3A_283 {
          %rem3A_309 = arith.constant 98 : i32
          %rem3A_310 = arith.remsi %add3A_279, %rem3A_309 : i32
          %mul3A_311 = arith.constant 512 : i32
          %mul3A_312 = arith.muli %rem3A_310, %mul3A_311 : i32
          %dma_start3A_313 = arith.constant 0 : i32
          %dma_start3A_314 = arith.constant 0 : i32
          %dma_start3A_315 = tpu.memref_slice %arg9[%dma_start3A_313, %dma_start3A_314] : memref<2x512xi32, #tpu.memory_space<vmem>> -> memref<1x512xi32, #tpu.memory_space<vmem>>
          %dma_start3A_316 = tpu.memref_squeeze %dma_start3A_315 : memref<1x512xi32, #tpu.memory_space<vmem>> -> memref<512xi32, #tpu.memory_space<vmem>>
          %dma_start3A_317 = tpu.memref_slice %arg4[%mul3A_312] : memref<50176xi32, #tpu.memory_space<hbm>> -> memref<512xi32, #tpu.memory_space<hbm>>
          %dma_start3A_318 = arith.constant 0 : i32
          %dma_start3A_319 = tpu.memref_slice %arg9[%dma_start3A_313, %dma_start3A_318] : memref<2x512xi32, #tpu.memory_space<vmem>> -> memref<1x512xi32, #tpu.memory_space<vmem>>
          %dma_start3A_320 = tpu.memref_squeeze %dma_start3A_319 : memref<1x512xi32, #tpu.memory_space<vmem>> -> memref<512xi32, #tpu.memory_space<vmem>>
          %dma_start3A_321 = tpu.memref_slice %arg4[%mul3A_312] : memref<50176xi32, #tpu.memory_space<hbm>> -> memref<512xi32, #tpu.memory_space<hbm>>
          tpu.enqueue_dma source(%dma_start3A_321 : memref<512xi32, #tpu.memory_space<hbm>>) target(%dma_start3A_320 : memref<512xi32, #tpu.memory_space<vmem>>) target_semaphore(%arg11 : memref<!tpu.dma_semaphore, #tpu.memory_space<semaphore_mem>>)
        } else {
        }
        %dma_wait3A = arith.constant 1 : i32
        %dma_wait3A_284 = arith.constant 0 : i32
        %dma_wait3A_285 = tpu.memref_slice %arg9[%dma_wait3A, %dma_wait3A_284] : memref<2x512xi32, #tpu.memory_space<vmem>> -> memref<1x512xi32, #tpu.memory_space<vmem>>
        %dma_wait3A_286 = tpu.memref_squeeze %dma_wait3A_285 : memref<1x512xi32, #tpu.memory_space<vmem>> -> memref<512xi32, #tpu.memory_space<vmem>>
        %dma_wait3A_287 = arith.constant 0 : i32
        %dma_wait3A_288 = tpu.memref_slice %arg4[%dma_wait3A_287] : memref<50176xi32, #tpu.memory_space<hbm>> -> memref<512xi32, #tpu.memory_space<hbm>>
        %dma_wait3A_289 = arith.constant 0 : i32
        %dma_wait3A_290 = tpu.memref_slice %arg9[%dma_wait3A, %dma_wait3A_289] : memref<2x512xi32, #tpu.memory_space<vmem>> -> memref<1x512xi32, #tpu.memory_space<vmem>>
        %dma_wait3A_291 = tpu.memref_squeeze %dma_wait3A_290 : memref<1x512xi32, #tpu.memory_space<vmem>> -> memref<512xi32, #tpu.memory_space<vmem>>
        %dma_wait3A_292 = arith.constant 0 : i32
        %dma_wait3A_293 = tpu.memref_slice %arg4[%dma_wait3A_292] : memref<50176xi32, #tpu.memory_space<hbm>> -> memref<512xi32, #tpu.memory_space<hbm>>
        tpu.wait_dma2 semaphore(%arg12 : memref<!tpu.dma_semaphore, #tpu.memory_space<semaphore_mem>>) src(%dma_wait3A_293 : memref<512xi32, #tpu.memory_space<hbm>>) dst(%dma_wait3A_291 : memref<512xi32, #tpu.memory_space<vmem>>)
        %scan3A_294 = arith.constant 0 : i32
        %scan3A_295 = arith.constant 0 : i32
        %scan3A_296 = arith.constant 16 : i32
        %scan3A_297 = arith.addi %scan3A_295, %scan3A_296 : i32
        %scan3A_298 = arith.constant 1 : i32
        scf.for %scan3A_309 = %scan3A_295 to %scan3A_297 step %scan3A_298  : i32 {
          %mul3A_310 = arith.constant 2 : i32
          %mul3A_311 = arith.muli %mul3A_310, %scan3A_309 : i32
          %add3A_312 = arith.constant 0 : i32
          %add3A_313 = arith.addi %mul3A_311, %add3A_312 : i32
          %mul3A_314 = arith.constant 16 : i32
          %mul3A_315 = arith.muli %add3A_313, %mul3A_314 : i32
          %get3A = arith.constant 1 : i32
          %get3A_316 = arith.index_cast %get3A : i32 to index
          %get3A_317 = arith.index_cast %mul3A_315 : i32 to index
          %get3A_318 = tpu.vector_load %arg9[%get3A_316, %get3A_317] {strides = array<i32>} : memref<2x512xi32, #tpu.memory_space<vmem>>, vector<16xi32>,
          %mul3A_319 = arith.constant 16 : i32
          %mul3A_320 = vector.broadcast %mul3A_319 : i32 to vector<16xi32>
          %mul3A_321 = arith.muli %get3A_318, %mul3A_320 : vector<16xi32>
          %add3A_322 = arith.addi %mul3A_321, %iota3A : vector<16xi32>
          %gather3A = arith.constant 0 : i32
          %gather3A_323 = tpu.memref_slice %arg8[%gather3A] : memref<49152xf32, #tpu.memory_space<vmem>> -> memref<1536xf32, #tpu.memory_space<vmem>>
          %gather3A_324 = tpu.vector_load_idx %gather3A_323[%add3A_322] : memref<1536xf32, #tpu.memory_space<vmem>>[vector<16xi32>], vector<16xf32>,
          %gather3A_325 = arith.constant 1536 : i32
          %gather3A_326 = tpu.memref_slice %arg8[%gather3A_325] : memref<49152xf32, #tpu.memory_space<vmem>> -> memref<1536xf32, #tpu.memory_space<vmem>>
          %gather3A_327 = tpu.vector_load_idx %gather3A_326[%add3A_322] : memref<1536xf32, #tpu.memory_space<vmem>>[vector<16xi32>], vector<16xf32>,
          %gather3A_328 = arith.constant 3072 : i32
          %gather3A_329 = tpu.memref_slice %arg8[%gather3A_328] : memref<49152xf32, #tpu.memory_space<vmem>> -> memref<1536xf32, #tpu.memory_space<vmem>>
          %gather3A_330 = tpu.vector_load_idx %gather3A_329[%add3A_322] : memref<1536xf32, #tpu.memory_space<vmem>>[vector<16xi32>], vector<16xf32>,
          %gather3A_331 = arith.constant 4608 : i32
          %gather3A_332 = tpu.memref_slice %arg8[%gather3A_331] : memref<49152xf32, #tpu.memory_space<vmem>> -> memref<1536xf32, #tpu.memory_space<vmem>>
          %gather3A_333 = tpu.vector_load_idx %gather3A_332[%add3A_322] : memref<1536xf32, #tpu.memory_space<vmem>>[vector<16xi32>], vector<16xf32>,
          %gather3A_334 = arith.constant 6144 : i32
          %gather3A_335 = tpu.memref_slice %arg8[%gather3A_334] : memref<49152xf32, #tpu.memory_space<vmem>> -> memref<1536xf32, #tpu.memory_space<vmem>>
          %gather3A_336 = tpu.vector_load_idx %gather3A_335[%add3A_322] : memref<1536xf32, #tpu.memory_space<vmem>>[vector<16xi32>], vector<16xf32>,
          %gather3A_337 = arith.constant 7680 : i32
          %gather3A_338 = tpu.memref_slice %arg8[%gather3A_337] : memref<49152xf32, #tpu.memory_space<vmem>> -> memref<1536xf32, #tpu.memory_space<vmem>>
          %gather3A_339 = tpu.vector_load_idx %gather3A_338[%add3A_322] : memref<1536xf32, #tpu.memory_space<vmem>>[vector<16xi32>], vector<16xf32>,
          %gather3A_340 = arith.constant 9216 : i32
          %gather3A_341 = tpu.memref_slice %arg8[%gather3A_340] : memref<49152xf32, #tpu.memory_space<vmem>> -> memref<1536xf32, #tpu.memory_space<vmem>>
          %gather3A_342 = tpu.vector_load_idx %gather3A_341[%add3A_322] : memref<1536xf32, #tpu.memory_space<vmem>>[vector<16xi32>], vector<16xf32>,
          %gather3A_343 = arith.constant 10752 : i32
          %gather3A_344 = tpu.memref_slice %arg8[%gather3A_343] : memref<49152xf32, #tpu.memory_space<vmem>> -> memref<1536xf32, #tpu.memory_space<vmem>>
          %gather3A_345 = tpu.vector_load_idx %gather3A_344[%add3A_322] : memref<1536xf32, #tpu.memory_space<vmem>>[vector<16xi32>], vector<16xf32>,
          %gather3A_346 = arith.constant 12288 : i32
          %gather3A_347 = tpu.memref_slice %arg8[%gather3A_346] : memref<49152xf32, #tpu.memory_space<vmem>> -> memref<1536xf32, #tpu.memory_space<vmem>>
          %gather3A_348 = tpu.vector_load_idx %gather3A_347[%add3A_322] : memref<1536xf32, #tpu.memory_space<vmem>>[vector<16xi32>], vector<16xf32>,
          %swap3A = arith.constant 1 : i32
          %swap3A_349 = arith.constant 0 : i32
          %swap3A_350 = arith.index_cast %swap3A : i32 to index
          %swap3A_351 = arith.index_cast %swap3A_349 : i32 to index
          %swap3A_352 = arith.index_cast %mul3A_315 : i32 to index
          %swap3A_353 = tpu.vector_load %arg10[%swap3A_350, %swap3A_351, %swap3A_352] {strides = array<i32>} : memref<2x32x512xf32, #tpu.memory_space<vmem>>, vector<16xf32>,
          tpu.vector_store %arg10[%swap3A_350, %swap3A_351, %swap3A_352], %gather3A_324 {strides = array<i32>} : memref<2x32x512xf32, #tpu.memory_space<vmem>>, vector<16xf32>,
          %gather3A_354 = arith.constant 13824 : i32
          %gather3A_355 = tpu.memref_slice %arg8[%gather3A_354] : memref<49152xf32, #tpu.memory_space<vmem>> -> memref<1536xf32, #tpu.memory_space<vmem>>
          %gather3A_356 = tpu.vector_load_idx %gather3A_355[%add3A_322] : memref<1536xf32, #tpu.memory_space<vmem>>[vector<16xi32>], vector<16xf32>,
          %swap3A_357 = arith.constant 1 : i32
          %swap3A_358 = arith.constant 1 : i32
          %swap3A_359 = arith.index_cast %swap3A_357 : i32 to index
          %swap3A_360 = arith.index_cast %swap3A_358 : i32 to index
          %swap3A_361 = arith.index_cast %mul3A_315 : i32 to index
          %swap3A_362 = tpu.vector_load %arg10[%swap3A_359, %swap3A_360, %swap3A_361] {strides = array<i32>} : memref<2x32x512xf32, #tpu.memory_space<vmem>>, vector<16xf32>,
          tpu.vector_store %arg10[%swap3A_359, %swap3A_360, %swap3A_361], %gather3A_327 {strides = array<i32>} : memref<2x32x512xf32, #tpu.memory_space<vmem>>, vector<16xf32>,
          %gather3A_363 = arith.constant 15360 : i32
          %gather3A_364 = tpu.memref_slice %arg8[%gather3A_363] : memref<49152xf32, #tpu.memory_space<vmem>> -> memref<1536xf32, #tpu.memory_space<vmem>>
          %gather3A_365 = tpu.vector_load_idx %gather3A_364[%add3A_322] : memref<1536xf32, #tpu.memory_space<vmem>>[vector<16xi32>], vector<16xf32>,
          %swap3A_366 = arith.constant 1 : i32
          %swap3A_367 = arith.constant 2 : i32
          %swap3A_368 = arith.index_cast %swap3A_366 : i32 to index
          %swap3A_369 = arith.index_cast %swap3A_367 : i32 to index
          %swap3A_370 = arith.index_cast %mul3A_315 : i32 to index
          %swap3A_371 = tpu.vector_load %arg10[%swap3A_368, %swap3A_369, %swap3A_370] {strides = array<i32>} : memref<2x32x512xf32, #tpu.memory_space<vmem>>, vector<16xf32>,
          tpu.vector_store %arg10[%swap3A_368, %swap3A_369, %swap3A_370], %gather3A_330 {strides = array<i32>} : memref<2x32x512xf32, #tpu.memory_space<vmem>>, vector<16xf32>,
          %gather3A_372 = arith.constant 16896 : i32
          %gather3A_373 = tpu.memref_slice %arg8[%gather3A_372] : memref<49152xf32, #tpu.memory_space<vmem>> -> memref<1536xf32, #tpu.memory_space<vmem>>
          %gather3A_374 = tpu.vector_load_idx %gather3A_373[%add3A_322] : memref<1536xf32, #tpu.memory_space<vmem>>[vector<16xi32>], vector<16xf32>,
          %swap3A_375 = arith.constant 1 : i32
          %swap3A_376 = arith.constant 3 : i32
          %swap3A_377 = arith.index_cast %swap3A_375 : i32 to index
          %swap3A_378 = arith.index_cast %swap3A_376 : i32 to index
          %swap3A_379 = arith.index_cast %mul3A_315 : i32 to index
          %swap3A_380 = tpu.vector_load %arg10[%swap3A_377, %swap3A_378, %swap3A_379] {strides = array<i32>} : memref<2x32x512xf32, #tpu.memory_space<vmem>>, vector<16xf32>,
          tpu.vector_store %arg10[%swap3A_377, %swap3A_378, %swap3A_379], %gather3A_333 {strides = array<i32>} : memref<2x32x512xf32, #tpu.memory_space<vmem>>, vector<16xf32>,
          %gather3A_381 = arith.constant 18432 : i32
          %gather3A_382 = tpu.memref_slice %arg8[%gather3A_381] : memref<49152xf32, #tpu.memory_space<vmem>> -> memref<1536xf32, #tpu.memory_space<vmem>>
          %gather3A_383 = tpu.vector_load_idx %gather3A_382[%add3A_322] : memref<1536xf32, #tpu.memory_space<vmem>>[vector<16xi32>], vector<16xf32>,
          %swap3A_384 = arith.constant 1 : i32
          %swap3A_385 = arith.constant 4 : i32
          %swap3A_386 = arith.index_cast %swap3A_384 : i32 to index
          %swap3A_387 = arith.index_cast %swap3A_385 : i32 to index
          %swap3A_388 = arith.index_cast %mul3A_315 : i32 to index
          %swap3A_389 = tpu.vector_load %arg10[%swap3A_386, %swap3A_387, %swap3A_388] {strides = array<i32>} : memref<2x32x512xf32, #tpu.memory_space<vmem>>, vector<16xf32>,
          tpu.vector_store %arg10[%swap3A_386, %swap3A_387, %swap3A_388], %gather3A_336 {strides = array<i32>} : memref<2x32x512xf32, #tpu.memory_space<vmem>>, vector<16xf32>,
          %gather3A_390 = arith.constant 19968 : i32
          %gather3A_391 = tpu.memref_slice %arg8[%gather3A_390] : memref<49152xf32, #tpu.memory_space<vmem>> -> memref<1536xf32, #tpu.memory_space<vmem>>
          %gather3A_392 = tpu.vector_load_idx %gather3A_391[%add3A_322] : memref<1536xf32, #tpu.memory_space<vmem>>[vector<16xi32>], vector<16xf32>,
          %swap3A_393 = arith.constant 1 : i32
          %swap3A_394 = arith.constant 5 : i32
          %swap3A_395 = arith.index_cast %swap3A_393 : i32 to index
          %swap3A_396 = arith.index_cast %swap3A_394 : i32 to index
          %swap3A_397 = arith.index_cast %mul3A_315 : i32 to index
          %swap3A_398 = tpu.vector_load %arg10[%swap3A_395, %swap3A_396, %swap3A_397] {strides = array<i32>} : memref<2x32x512xf32, #tpu.memory_space<vmem>>, vector<16xf32>,
          tpu.vector_store %arg10[%swap3A_395, %swap3A_396, %swap3A_397], %gather3A_339 {strides = array<i32>} : memref<2x32x512xf32, #tpu.memory_space<vmem>>, vector<16xf32>,
          %gather3A_399 = arith.constant 21504 : i32
          %gather3A_400 = tpu.memref_slice %arg8[%gather3A_399] : memref<49152xf32, #tpu.memory_space<vmem>> -> memref<1536xf32, #tpu.memory_space<vmem>>
          %gather3A_401 = tpu.vector_load_idx %gather3A_400[%add3A_322] : memref<1536xf32, #tpu.memory_space<vmem>>[vector<16xi32>], vector<16xf32>,
          %swap3A_402 = arith.constant 1 : i32
          %swap3A_403 = arith.constant 6 : i32
          %swap3A_404 = arith.index_cast %swap3A_402 : i32 to index
          %swap3A_405 = arith.index_cast %swap3A_403 : i32 to index
          %swap3A_406 = arith.index_cast %mul3A_315 : i32 to index
          %swap3A_407 = tpu.vector_load %arg10[%swap3A_404, %swap3A_405, %swap3A_406] {strides = array<i32>} : memref<2x32x512xf32, #tpu.memory_space<vmem>>, vector<16xf32>,
          tpu.vector_store %arg10[%swap3A_404, %swap3A_405, %swap3A_406], %gather3A_342 {strides = array<i32>} : memref<2x32x512xf32, #tpu.memory_space<vmem>>, vector<16xf32>,
          %gather3A_408 = arith.constant 23040 : i32
          %gather3A_409 = tpu.memref_slice %arg8[%gather3A_408] : memref<49152xf32, #tpu.memory_space<vmem>> -> memref<1536xf32, #tpu.memory_space<vmem>>
          %gather3A_410 = tpu.vector_load_idx %gather3A_409[%add3A_322] : memref<1536xf32, #tpu.memory_space<vmem>>[vector<16xi32>], vector<16xf32>,
          %swap3A_411 = arith.constant 1 : i32
          %swap3A_412 = arith.constant 7 : i32
          %swap3A_413 = arith.index_cast %swap3A_411 : i32 to index
          %swap3A_414 = arith.index_cast %swap3A_412 : i32 to index
          %swap3A_415 = arith.index_cast %mul3A_315 : i32 to index
          %swap3A_416 = tpu.vector_load %arg10[%swap3A_413, %swap3A_414, %swap3A_415] {strides = array<i32>} : memref<2x32x512xf32, #tpu.memory_space<vmem>>, vector<16xf32>,
          tpu.vector_store %arg10[%swap3A_413, %swap3A_414, %swap3A_415], %gather3A_345 {strides = array<i32>} : memref<2x32x512xf32, #tpu.memory_space<vmem>>, vector<16xf32>,
          %gather3A_417 = arith.constant 24576 : i32
          %gather3A_418 = tpu.memref_slice %arg8[%gather3A_417] : memref<49152xf32, #tpu.memory_space<vmem>> -> memref<1536xf32, #tpu.memory_space<vmem>>
          %gather3A_419 = tpu.vector_load_idx %gather3A_418[%add3A_322] : memref<1536xf32, #tpu.memory_space<vmem>>[vector<16xi32>], vector<16xf32>,
          %swap3A_420 = arith.constant 1 : i32
          %swap3A_421 = arith.constant 8 : i32
          %swap3A_422 = arith.index_cast %swap3A_420 : i32 to index
          %swap3A_423 = arith.index_cast %swap3A_421 : i32 to index
          %swap3A_424 = arith.index_cast %mul3A_315 : i32 to index
          %swap3A_425 = tpu.vector_load %arg10[%swap3A_422, %swap3A_423, %swap3A_424] {strides = array<i32>} : memref<2x32x512xf32, #tpu.memory_space<vmem>>, vector<16xf32>,
          tpu.vector_store %arg10[%swap3A_422, %swap3A_423, %swap3A_424], %gather3A_348 {strides = array<i32>} : memref<2x32x512xf32, #tpu.memory_space<vmem>>, vector<16xf32>,
          %gather3A_426 = arith.constant 26112 : i32
          %gather3A_427 = tpu.memref_slice %arg8[%gather3A_426] : memref<49152xf32, #tpu.memory_space<vmem>> -> memref<1536xf32, #tpu.memory_space<vmem>>
          %gather3A_428 = tpu.vector_load_idx %gather3A_427[%add3A_322] : memref<1536xf32, #tpu.memory_space<vmem>>[vector<16xi32>], vector<16xf32>,
          %swap3A_429 = arith.constant 1 : i32
          %swap3A_430 = arith.constant 9 : i32
          %swap3A_431 = arith.index_cast %swap3A_429 : i32 to index
          %swap3A_432 = arith.index_cast %swap3A_430 : i32 to index
          %swap3A_433 = arith.index_cast %mul3A_315 : i32 to index
          %swap3A_434 = tpu.vector_load %arg10[%swap3A_431, %swap3A_432, %swap3A_433] {strides = array<i32>} : memref<2x32x512xf32, #tpu.memory_space<vmem>>, vector<16xf32>,
          tpu.vector_store %arg10[%swap3A_431, %swap3A_432, %swap3A_433], %gather3A_356 {strides = array<i32>} : memref<2x32x512xf32, #tpu.memory_space<vmem>>, vector<16xf32>,
          %gather3A_435 = arith.constant 27648 : i32
          %gather3A_436 = tpu.memref_slice %arg8[%gather3A_435] : memref<49152xf32, #tpu.memory_space<vmem>> -> memref<1536xf32, #tpu.memory_space<vmem>>
          %gather3A_437 = tpu.vector_load_idx %gather3A_436[%add3A_322] : memref<1536xf32, #tpu.memory_space<vmem>>[vector<16xi32>], vector<16xf32>,
          %swap3A_438 = arith.constant 1 : i32
          %swap3A_439 = arith.constant 10 : i32
          %swap3A_440 = arith.index_cast %swap3A_438 : i32 to index
          %swap3A_441 = arith.index_cast %swap3A_439 : i32 to index
          %swap3A_442 = arith.index_cast %mul3A_315 : i32 to index
          %swap3A_443 = tpu.vector_load %arg10[%swap3A_440, %swap3A_441, %swap3A_442] {strides = array<i32>} : memref<2x32x512xf32, #tpu.memory_space<vmem>>, vector<16xf32>,
          tpu.vector_store %arg10[%swap3A_440, %swap3A_441, %swap3A_442], %gather3A_365 {strides = array<i32>} : memref<2x32x512xf32, #tpu.memory_space<vmem>>, vector<16xf32>,
          %gather3A_444 = arith.constant 29184 : i32
          %gather3A_445 = tpu.memref_slice %arg8[%gather3A_444] : memref<49152xf32, #tpu.memory_space<vmem>> -> memref<1536xf32, #tpu.memory_space<vmem>>
          %gather3A_446 = tpu.vector_load_idx %gather3A_445[%add3A_322] : memref<1536xf32, #tpu.memory_space<vmem>>[vector<16xi32>], vector<16xf32>,
          %swap3A_447 = arith.constant 1 : i32
          %swap3A_448 = arith.constant 11 : i32
          %swap3A_449 = arith.index_cast %swap3A_447 : i32 to index
          %swap3A_450 = arith.index_cast %swap3A_448 : i32 to index
          %swap3A_451 = arith.index_cast %mul3A_315 : i32 to index
          %swap3A_452 = tpu.vector_load %arg10[%swap3A_449, %swap3A_450, %swap3A_451] {strides = array<i32>} : memref<2x32x512xf32, #tpu.memory_space<vmem>>, vector<16xf32>,
          tpu.vector_store %arg10[%swap3A_449, %swap3A_450, %swap3A_451], %gather3A_374 {strides = array<i32>} : memref<2x32x512xf32, #tpu.memory_space<vmem>>, vector<16xf32>,
          %gather3A_453 = arith.constant 30720 : i32
          %gather3A_454 = tpu.memref_slice %arg8[%gather3A_453] : memref<49152xf32, #tpu.memory_space<vmem>> -> memref<1536xf32, #tpu.memory_space<vmem>>
          %gather3A_455 = tpu.vector_load_idx %gather3A_454[%add3A_322] : memref<1536xf32, #tpu.memory_space<vmem>>[vector<16xi32>], vector<16xf32>,
          %swap3A_456 = arith.constant 1 : i32
          %swap3A_457 = arith.constant 12 : i32
          %swap3A_458 = arith.index_cast %swap3A_456 : i32 to index
          %swap3A_459 = arith.index_cast %swap3A_457 : i32 to index
          %swap3A_460 = arith.index_cast %mul3A_315 : i32 to index
          %swap3A_461 = tpu.vector_load %arg10[%swap3A_458, %swap3A_459, %swap3A_460] {strides = array<i32>} : memref<2x32x512xf32, #tpu.memory_space<vmem>>, vector<16xf32>,
          tpu.vector_store %arg10[%swap3A_458, %swap3A_459, %swap3A_460], %gather3A_383 {strides = array<i32>} : memref<2x32x512xf32, #tpu.memory_space<vmem>>, vector<16xf32>,
          %gather3A_462 = arith.constant 32256 : i32
          %gather3A_463 = tpu.memref_slice %arg8[%gather3A_462] : memref<49152xf32, #tpu.memory_space<vmem>> -> memref<1536xf32, #tpu.memory_space<vmem>>
          %gather3A_464 = tpu.vector_load_idx %gather3A_463[%add3A_322] : memref<1536xf32, #tpu.memory_space<vmem>>[vector<16xi32>], vector<16xf32>,
          %swap3A_465 = arith.constant 1 : i32
          %swap3A_466 = arith.constant 13 : i32
          %swap3A_467 = arith.index_cast %swap3A_465 : i32 to index
          %swap3A_468 = arith.index_cast %swap3A_466 : i32 to index
          %swap3A_469 = arith.index_cast %mul3A_315 : i32 to index
          %swap3A_470 = tpu.vector_load %arg10[%swap3A_467, %swap3A_468, %swap3A_469] {strides = array<i32>} : memref<2x32x512xf32, #tpu.memory_space<vmem>>, vector<16xf32>,
          tpu.vector_store %arg10[%swap3A_467, %swap3A_468, %swap3A_469], %gather3A_392 {strides = array<i32>} : memref<2x32x512xf32, #tpu.memory_space<vmem>>, vector<16xf32>,
          %gather3A_471 = arith.constant 33792 : i32
          %gather3A_472 = tpu.memref_slice %arg8[%gather3A_471] : memref<49152xf32, #tpu.memory_space<vmem>> -> memref<1536xf32, #tpu.memory_space<vmem>>
          %gather3A_473 = tpu.vector_load_idx %gather3A_472[%add3A_322] : memref<1536xf32, #tpu.memory_space<vmem>>[vector<16xi32>], vector<16xf32>,
          %swap3A_474 = arith.constant 1 : i32
          %swap3A_475 = arith.constant 14 : i32
          %swap3A_476 = arith.index_cast %swap3A_474 : i32 to index
          %swap3A_477 = arith.index_cast %swap3A_475 : i32 to index
          %swap3A_478 = arith.index_cast %mul3A_315 : i32 to index
          %swap3A_479 = tpu.vector_load %arg10[%swap3A_476, %swap3A_477, %swap3A_478] {strides = array<i32>} : memref<2x32x512xf32, #tpu.memory_space<vmem>>, vector<16xf32>,
          tpu.vector_store %arg10[%swap3A_476, %swap3A_477, %swap3A_478], %gather3A_401 {strides = array<i32>} : memref<2x32x512xf32, #tpu.memory_space<vmem>>, vector<16xf32>,
          %gather3A_480 = arith.constant 35328 : i32
          %gather3A_481 = tpu.memref_slice %arg8[%gather3A_480] : memref<49152xf32, #tpu.memory_space<vmem>> -> memref<1536xf32, #tpu.memory_space<vmem>>
          %gather3A_482 = tpu.vector_load_idx %gather3A_481[%add3A_322] : memref<1536xf32, #tpu.memory_space<vmem>>[vector<16xi32>], vector<16xf32>,
          %swap3A_483 = arith.constant 1 : i32
          %swap3A_484 = arith.constant 15 : i32
          %swap3A_485 = arith.index_cast %swap3A_483 : i32 to index
          %swap3A_486 = arith.index_cast %swap3A_484 : i32 to index
          %swap3A_487 = arith.index_cast %mul3A_315 : i32 to index
          %swap3A_488 = tpu.vector_load %arg10[%swap3A_485, %swap3A_486, %swap3A_487] {strides = array<i32>} : memref<2x32x512xf32, #tpu.memory_space<vmem>>, vector<16xf32>,
          tpu.vector_store %arg10[%swap3A_485, %swap3A_486, %swap3A_487], %gather3A_410 {strides = array<i32>} : memref<2x32x512xf32, #tpu.memory_space<vmem>>, vector<16xf32>,
          %gather3A_489 = arith.constant 36864 : i32
          %gather3A_490 = tpu.memref_slice %arg8[%gather3A_489] : memref<49152xf32, #tpu.memory_space<vmem>> -> memref<1536xf32, #tpu.memory_space<vmem>>
          %gather3A_491 = tpu.vector_load_idx %gather3A_490[%add3A_322] : memref<1536xf32, #tpu.memory_space<vmem>>[vector<16xi32>], vector<16xf32>,
          %swap3A_492 = arith.constant 1 : i32
          %swap3A_493 = arith.constant 16 : i32
          %swap3A_494 = arith.index_cast %swap3A_492 : i32 to index
          %swap3A_495 = arith.index_cast %swap3A_493 : i32 to index
          %swap3A_496 = arith.index_cast %mul3A_315 : i32 to index
          %swap3A_497 = tpu.vector_load %arg10[%swap3A_494, %swap3A_495, %swap3A_496] {strides = array<i32>} : memref<2x32x512xf32, #tpu.memory_space<vmem>>, vector<16xf32>,
          tpu.vector_store %arg10[%swap3A_494, %swap3A_495, %swap3A_496], %gather3A_419 {strides = array<i32>} : memref<2x32x512xf32, #tpu.memory_space<vmem>>, vector<16xf32>,
          %gather3A_498 = arith.constant 38400 : i32
          %gather3A_499 = tpu.memref_slice %arg8[%gather3A_498] : memref<49152xf32, #tpu.memory_space<vmem>> -> memref<1536xf32, #tpu.memory_space<vmem>>
          %gather3A_500 = tpu.vector_load_idx %gather3A_499[%add3A_322] : memref<1536xf32, #tpu.memory_space<vmem>>[vector<16xi32>], vector<16xf32>,
          %swap3A_501 = arith.constant 1 : i32
          %swap3A_502 = arith.constant 17 : i32
          %swap3A_503 = arith.index_cast %swap3A_501 : i32 to index
          %swap3A_504 = arith.index_cast %swap3A_502 : i32 to index
          %swap3A_505 = arith.index_cast %mul3A_315 : i32 to index
          %swap3A_506 = tpu.vector_load %arg10[%swap3A_503, %swap3A_504, %swap3A_505] {strides = array<i32>} : memref<2x32x512xf32, #tpu.memory_space<vmem>>, vector<16xf32>,
          tpu.vector_store %arg10[%swap3A_503, %swap3A_504, %swap3A_505], %gather3A_428 {strides = array<i32>} : memref<2x32x512xf32, #tpu.memory_space<vmem>>, vector<16xf32>,
          %gather3A_507 = arith.constant 39936 : i32
          %gather3A_508 = tpu.memref_slice %arg8[%gather3A_507] : memref<49152xf32, #tpu.memory_space<vmem>> -> memref<1536xf32, #tpu.memory_space<vmem>>
          %gather3A_509 = tpu.vector_load_idx %gather3A_508[%add3A_322] : memref<1536xf32, #tpu.memory_space<vmem>>[vector<16xi32>], vector<16xf32>,
          %swap3A_510 = arith.constant 1 : i32
          %swap3A_511 = arith.constant 18 : i32
          %swap3A_512 = arith.index_cast %swap3A_510 : i32 to index
          %swap3A_513 = arith.index_cast %swap3A_511 : i32 to index
          %swap3A_514 = arith.index_cast %mul3A_315 : i32 to index
          %swap3A_515 = tpu.vector_load %arg10[%swap3A_512, %swap3A_513, %swap3A_514] {strides = array<i32>} : memref<2x32x512xf32, #tpu.memory_space<vmem>>, vector<16xf32>,
          tpu.vector_store %arg10[%swap3A_512, %swap3A_513, %swap3A_514], %gather3A_437 {strides = array<i32>} : memref<2x32x512xf32, #tpu.memory_space<vmem>>, vector<16xf32>,
          %gather3A_516 = arith.constant 41472 : i32
          %gather3A_517 = tpu.memref_slice %arg8[%gather3A_516] : memref<49152xf32, #tpu.memory_space<vmem>> -> memref<1536xf32, #tpu.memory_space<vmem>>
          %gather3A_518 = tpu.vector_load_idx %gather3A_517[%add3A_322] : memref<1536xf32, #tpu.memory_space<vmem>>[vector<16xi32>], vector<16xf32>,
          %swap3A_519 = arith.constant 1 : i32
          %swap3A_520 = arith.constant 19 : i32
          %swap3A_521 = arith.index_cast %swap3A_519 : i32 to index
          %swap3A_522 = arith.index_cast %swap3A_520 : i32 to index
          %swap3A_523 = arith.index_cast %mul3A_315 : i32 to index
          %swap3A_524 = tpu.vector_load %arg10[%swap3A_521, %swap3A_522, %swap3A_523] {strides = array<i32>} : memref<2x32x512xf32, #tpu.memory_space<vmem>>, vector<16xf32>,
          tpu.vector_store %arg10[%swap3A_521, %swap3A_522, %swap3A_523], %gather3A_446 {strides = array<i32>} : memref<2x32x512xf32, #tpu.memory_space<vmem>>, vector<16xf32>,
          %gather3A_525 = arith.constant 43008 : i32
          %gather3A_526 = tpu.memref_slice %arg8[%gather3A_525] : memref<49152xf32, #tpu.memory_space<vmem>> -> memref<1536xf32, #tpu.memory_space<vmem>>
          %gather3A_527 = tpu.vector_load_idx %gather3A_526[%add3A_322] : memref<1536xf32, #tpu.memory_space<vmem>>[vector<16xi32>], vector<16xf32>,
          %swap3A_528 = arith.constant 1 : i32
          %swap3A_529 = arith.constant 20 : i32
          %swap3A_530 = arith.index_cast %swap3A_528 : i32 to index
          %swap3A_531 = arith.index_cast %swap3A_529 : i32 to index
          %swap3A_532 = arith.index_cast %mul3A_315 : i32 to index
          %swap3A_533 = tpu.vector_load %arg10[%swap3A_530, %swap3A_531, %swap3A_532] {strides = array<i32>} : memref<2x32x512xf32, #tpu.memory_space<vmem>>, vector<16xf32>,
          tpu.vector_store %arg10[%swap3A_530, %swap3A_531, %swap3A_532], %gather3A_455 {strides = array<i32>} : memref<2x32x512xf32, #tpu.memory_space<vmem>>, vector<16xf32>,
          %gather3A_534 = arith.constant 44544 : i32
          %gather3A_535 = tpu.memref_slice %arg8[%gather3A_534] : memref<49152xf32, #tpu.memory_space<vmem>> -> memref<1536xf32, #tpu.memory_space<vmem>>
          %gather3A_536 = tpu.vector_load_idx %gather3A_535[%add3A_322] : memref<1536xf32, #tpu.memory_space<vmem>>[vector<16xi32>], vector<16xf32>,
          %swap3A_537 = arith.constant 1 : i32
          %swap3A_538 = arith.constant 21 : i32
          %swap3A_539 = arith.index_cast %swap3A_537 : i32 to index
          %swap3A_540 = arith.index_cast %swap3A_538 : i32 to index
          %swap3A_541 = arith.index_cast %mul3A_315 : i32 to index
          %swap3A_542 = tpu.vector_load %arg10[%swap3A_539, %swap3A_540, %swap3A_541] {strides = array<i32>} : memref<2x32x512xf32, #tpu.memory_space<vmem>>, vector<16xf32>,
          tpu.vector_store %arg10[%swap3A_539, %swap3A_540, %swap3A_541], %gather3A_464 {strides = array<i32>} : memref<2x32x512xf32, #tpu.memory_space<vmem>>, vector<16xf32>,
          %gather3A_543 = arith.constant 46080 : i32
          %gather3A_544 = tpu.memref_slice %arg8[%gather3A_543] : memref<49152xf32, #tpu.memory_space<vmem>> -> memref<1536xf32, #tpu.memory_space<vmem>>
          %gather3A_545 = tpu.vector_load_idx %gather3A_544[%add3A_322] : memref<1536xf32, #tpu.memory_space<vmem>>[vector<16xi32>], vector<16xf32>,
          %swap3A_546 = arith.constant 1 : i32
          %swap3A_547 = arith.constant 22 : i32
          %swap3A_548 = arith.index_cast %swap3A_546 : i32 to index
          %swap3A_549 = arith.index_cast %swap3A_547 : i32 to index
          %swap3A_550 = arith.index_cast %mul3A_315 : i32 to index
          %swap3A_551 = tpu.vector_load %arg10[%swap3A_548, %swap3A_549, %swap3A_550] {strides = array<i32>} : memref<2x32x512xf32, #tpu.memory_space<vmem>>, vector<16xf32>,
          tpu.vector_store %arg10[%swap3A_548, %swap3A_549, %swap3A_550], %gather3A_473 {strides = array<i32>} : memref<2x32x512xf32, #tpu.memory_space<vmem>>, vector<16xf32>,
          %gather3A_552 = arith.constant 47616 : i32
          %gather3A_553 = tpu.memref_slice %arg8[%gather3A_552] : memref<49152xf32, #tpu.memory_space<vmem>> -> memref<1536xf32, #tpu.memory_space<vmem>>
          %gather3A_554 = tpu.vector_load_idx %gather3A_553[%add3A_322] : memref<1536xf32, #tpu.memory_space<vmem>>[vector<16xi32>], vector<16xf32>,
          %swap3A_555 = arith.constant 1 : i32
          %swap3A_556 = arith.constant 23 : i32
          %swap3A_557 = arith.index_cast %swap3A_555 : i32 to index
          %swap3A_558 = arith.index_cast %swap3A_556 : i32 to index
          %swap3A_559 = arith.index_cast %mul3A_315 : i32 to index
          %swap3A_560 = tpu.vector_load %arg10[%swap3A_557, %swap3A_558, %swap3A_559] {strides = array<i32>} : memref<2x32x512xf32, #tpu.memory_space<vmem>>, vector<16xf32>,
          tpu.vector_store %arg10[%swap3A_557, %swap3A_558, %swap3A_559], %gather3A_482 {strides = array<i32>} : memref<2x32x512xf32, #tpu.memory_space<vmem>>, vector<16xf32>,
          %swap3A_561 = arith.constant 1 : i32
          %swap3A_562 = arith.constant 24 : i32
          %swap3A_563 = arith.index_cast %swap3A_561 : i32 to index
          %swap3A_564 = arith.index_cast %swap3A_562 : i32 to index
          %swap3A_565 = arith.index_cast %mul3A_315 : i32 to index
          %swap3A_566 = tpu.vector_load %arg10[%swap3A_563, %swap3A_564, %swap3A_565] {strides = array<i32>} : memref<2x32x512xf32, #tpu.memory_space<vmem>>, vector<16xf32>,
          tpu.vector_store %arg10[%swap3A_563, %swap3A_564, %swap3A_565], %gather3A_491 {strides = array<i32>} : memref<2x32x512xf32, #tpu.memory_space<vmem>>, vector<16xf32>,
          %swap3A_567 = arith.constant 1 : i32
          %swap3A_568 = arith.constant 25 : i32
          %swap3A_569 = arith.index_cast %swap3A_567 : i32 to index
          %swap3A_570 = arith.index_cast %swap3A_568 : i32 to index
          %swap3A_571 = arith.index_cast %mul3A_315 : i32 to index
          %swap3A_572 = tpu.vector_load %arg10[%swap3A_569, %swap3A_570, %swap3A_571] {strides = array<i32>} : memref<2x32x512xf32, #tpu.memory_space<vmem>>, vector<16xf32>,
          tpu.vector_store %arg10[%swap3A_569, %swap3A_570, %swap3A_571], %gather3A_500 {strides = array<i32>} : memref<2x32x512xf32, #tpu.memory_space<vmem>>, vector<16xf32>,
          %swap3A_573 = arith.constant 1 : i32
          %swap3A_574 = arith.constant 26 : i32
          %swap3A_575 = arith.index_cast %swap3A_573 : i32 to index
          %swap3A_576 = arith.index_cast %swap3A_574 : i32 to index
          %swap3A_577 = arith.index_cast %mul3A_315 : i32 to index
          %swap3A_578 = tpu.vector_load %arg10[%swap3A_575, %swap3A_576, %swap3A_577] {strides = array<i32>} : memref<2x32x512xf32, #tpu.memory_space<vmem>>, vector<16xf32>,
          tpu.vector_store %arg10[%swap3A_575, %swap3A_576, %swap3A_577], %gather3A_509 {strides = array<i32>} : memref<2x32x512xf32, #tpu.memory_space<vmem>>, vector<16xf32>,
          %swap3A_579 = arith.constant 1 : i32
          %swap3A_580 = arith.constant 27 : i32
          %swap3A_581 = arith.index_cast %swap3A_579 : i32 to index
          %swap3A_582 = arith.index_cast %swap3A_580 : i32 to index
          %swap3A_583 = arith.index_cast %mul3A_315 : i32 to index
          %swap3A_584 = tpu.vector_load %arg10[%swap3A_581, %swap3A_582, %swap3A_583] {strides = array<i32>} : memref<2x32x512xf32, #tpu.memory_space<vmem>>, vector<16xf32>,
          tpu.vector_store %arg10[%swap3A_581, %swap3A_582, %swap3A_583], %gather3A_518 {strides = array<i32>} : memref<2x32x512xf32, #tpu.memory_space<vmem>>, vector<16xf32>,
          %swap3A_585 = arith.constant 1 : i32
          %swap3A_586 = arith.constant 28 : i32
          %swap3A_587 = arith.index_cast %swap3A_585 : i32 to index
          %swap3A_588 = arith.index_cast %swap3A_586 : i32 to index
          %swap3A_589 = arith.index_cast %mul3A_315 : i32 to index
          %swap3A_590 = tpu.vector_load %arg10[%swap3A_587, %swap3A_588, %swap3A_589] {strides = array<i32>} : memref<2x32x512xf32, #tpu.memory_space<vmem>>, vector<16xf32>,
          tpu.vector_store %arg10[%swap3A_587, %swap3A_588, %swap3A_589], %gather3A_527 {strides = array<i32>} : memref<2x32x512xf32, #tpu.memory_space<vmem>>, vector<16xf32>,
          %swap3A_591 = arith.constant 1 : i32
          %swap3A_592 = arith.constant 29 : i32
          %swap3A_593 = arith.index_cast %swap3A_591 : i32 to index
          %swap3A_594 = arith.index_cast %swap3A_592 : i32 to index
          %swap3A_595 = arith.index_cast %mul3A_315 : i32 to index
          %swap3A_596 = tpu.vector_load %arg10[%swap3A_593, %swap3A_594, %swap3A_595] {strides = array<i32>} : memref<2x32x512xf32, #tpu.memory_space<vmem>>, vector<16xf32>,
          tpu.vector_store %arg10[%swap3A_593, %swap3A_594, %swap3A_595], %gather3A_536 {strides = array<i32>} : memref<2x32x512xf32, #tpu.memory_space<vmem>>, vector<16xf32>,
          %swap3A_597 = arith.constant 1 : i32
          %swap3A_598 = arith.constant 30 : i32
          %swap3A_599 = arith.index_cast %swap3A_597 : i32 to index
          %swap3A_600 = arith.index_cast %swap3A_598 : i32 to index
          %swap3A_601 = arith.index_cast %mul3A_315 : i32 to index
          %swap3A_602 = tpu.vector_load %arg10[%swap3A_599, %swap3A_600, %swap3A_601] {strides = array<i32>} : memref<2x32x512xf32, #tpu.memory_space<vmem>>, vector<16xf32>,
          tpu.vector_store %arg10[%swap3A_599, %swap3A_600, %swap3A_601], %gather3A_545 {strides = array<i32>} : memref<2x32x512xf32, #tpu.memory_space<vmem>>, vector<16xf32>,
          %swap3A_603 = arith.constant 1 : i32
          %swap3A_604 = arith.constant 31 : i32
          %swap3A_605 = arith.index_cast %swap3A_603 : i32 to index
          %swap3A_606 = arith.index_cast %swap3A_604 : i32 to index
          %swap3A_607 = arith.index_cast %mul3A_315 : i32 to index
          %swap3A_608 = tpu.vector_load %arg10[%swap3A_605, %swap3A_606, %swap3A_607] {strides = array<i32>} : memref<2x32x512xf32, #tpu.memory_space<vmem>>, vector<16xf32>,
          tpu.vector_store %arg10[%swap3A_605, %swap3A_606, %swap3A_607], %gather3A_554 {strides = array<i32>} : memref<2x32x512xf32, #tpu.memory_space<vmem>>, vector<16xf32>,
          %mul3A_609 = arith.constant 2 : i32
          %mul3A_610 = arith.muli %mul3A_609, %scan3A_309 : i32
          %add3A_611 = arith.constant 1 : i32
          %add3A_612 = arith.addi %mul3A_610, %add3A_611 : i32
          %mul3A_613 = arith.constant 16 : i32
          %mul3A_614 = arith.muli %add3A_612, %mul3A_613 : i32
          %get3A_615 = arith.constant 1 : i32
          %get3A_616 = arith.index_cast %get3A_615 : i32 to index
          %get3A_617 = arith.index_cast %mul3A_614 : i32 to index
          %get3A_618 = tpu.vector_load %arg9[%get3A_616, %get3A_617] {strides = array<i32>} : memref<2x512xi32, #tpu.memory_space<vmem>>, vector<16xi32>,
          %mul3A_619 = arith.constant 16 : i32
          %mul3A_620 = vector.broadcast %mul3A_619 : i32 to vector<16xi32>
          %mul3A_621 = arith.muli %get3A_618, %mul3A_620 : vector<16xi32>
          %add3A_622 = arith.addi %mul3A_621, %iota3A : vector<16xi32>
          %gather3A_623 = arith.constant 0 : i32
          %gather3A_624 = tpu.memref_slice %arg8[%gather3A_623] : memref<49152xf32, #tpu.memory_space<vmem>> -> memref<1536xf32, #tpu.memory_space<vmem>>
          %gather3A_625 = tpu.vector_load_idx %gather3A_624[%add3A_622] : memref<1536xf32, #tpu.memory_space<vmem>>[vector<16xi32>], vector<16xf32>,
          %gather3A_626 = arith.constant 1536 : i32
          %gather3A_627 = tpu.memref_slice %arg8[%gather3A_626] : memref<49152xf32, #tpu.memory_space<vmem>> -> memref<1536xf32, #tpu.memory_space<vmem>>
          %gather3A_628 = tpu.vector_load_idx %gather3A_627[%add3A_622] : memref<1536xf32, #tpu.memory_space<vmem>>[vector<16xi32>], vector<16xf32>,
          %gather3A_629 = arith.constant 3072 : i32
          %gather3A_630 = tpu.memref_slice %arg8[%gather3A_629] : memref<49152xf32, #tpu.memory_space<vmem>> -> memref<1536xf32, #tpu.memory_space<vmem>>
          %gather3A_631 = tpu.vector_load_idx %gather3A_630[%add3A_622] : memref<1536xf32, #tpu.memory_space<vmem>>[vector<16xi32>], vector<16xf32>,
          %gather3A_632 = arith.constant 4608 : i32
          %gather3A_633 = tpu.memref_slice %arg8[%gather3A_632] : memref<49152xf32, #tpu.memory_space<vmem>> -> memref<1536xf32, #tpu.memory_space<vmem>>
          %gather3A_634 = tpu.vector_load_idx %gather3A_633[%add3A_622] : memref<1536xf32, #tpu.memory_space<vmem>>[vector<16xi32>], vector<16xf32>,
          %gather3A_635 = arith.constant 6144 : i32
          %gather3A_636 = tpu.memref_slice %arg8[%gather3A_635] : memref<49152xf32, #tpu.memory_space<vmem>> -> memref<1536xf32, #tpu.memory_space<vmem>>
          %gather3A_637 = tpu.vector_load_idx %gather3A_636[%add3A_622] : memref<1536xf32, #tpu.memory_space<vmem>>[vector<16xi32>], vector<16xf32>,
          %gather3A_638 = arith.constant 7680 : i32
          %gather3A_639 = tpu.memref_slice %arg8[%gather3A_638] : memref<49152xf32, #tpu.memory_space<vmem>> -> memref<1536xf32, #tpu.memory_space<vmem>>
          %gather3A_640 = tpu.vector_load_idx %gather3A_639[%add3A_622] : memref<1536xf32, #tpu.memory_space<vmem>>[vector<16xi32>], vector<16xf32>,
          %gather3A_641 = arith.constant 9216 : i32
          %gather3A_642 = tpu.memref_slice %arg8[%gather3A_641] : memref<49152xf32, #tpu.memory_space<vmem>> -> memref<1536xf32, #tpu.memory_space<vmem>>
          %gather3A_643 = tpu.vector_load_idx %gather3A_642[%add3A_622] : memref<1536xf32, #tpu.memory_space<vmem>>[vector<16xi32>], vector<16xf32>,
          %gather3A_644 = arith.constant 10752 : i32
          %gather3A_645 = tpu.memref_slice %arg8[%gather3A_644] : memref<49152xf32, #tpu.memory_space<vmem>> -> memref<1536xf32, #tpu.memory_space<vmem>>
          %gather3A_646 = tpu.vector_load_idx %gather3A_645[%add3A_622] : memref<1536xf32, #tpu.memory_space<vmem>>[vector<16xi32>], vector<16xf32>,
          %gather3A_647 = arith.constant 12288 : i32
          %gather3A_648 = tpu.memref_slice %arg8[%gather3A_647] : memref<49152xf32, #tpu.memory_space<vmem>> -> memref<1536xf32, #tpu.memory_space<vmem>>
          %gather3A_649 = tpu.vector_load_idx %gather3A_648[%add3A_622] : memref<1536xf32, #tpu.memory_space<vmem>>[vector<16xi32>], vector<16xf32>,
          %swap3A_650 = arith.constant 1 : i32
          %swap3A_651 = arith.constant 0 : i32
          %swap3A_652 = arith.index_cast %swap3A_650 : i32 to index
          %swap3A_653 = arith.index_cast %swap3A_651 : i32 to index
          %swap3A_654 = arith.index_cast %mul3A_614 : i32 to index
          %swap3A_655 = tpu.vector_load %arg10[%swap3A_652, %swap3A_653, %swap3A_654] {strides = array<i32>} : memref<2x32x512xf32, #tpu.memory_space<vmem>>, vector<16xf32>,
          tpu.vector_store %arg10[%swap3A_652, %swap3A_653, %swap3A_654], %gather3A_625 {strides = array<i32>} : memref<2x32x512xf32, #tpu.memory_space<vmem>>, vector<16xf32>,
          %gather3A_656 = arith.constant 13824 : i32
          %gather3A_657 = tpu.memref_slice %arg8[%gather3A_656] : memref<49152xf32, #tpu.memory_space<vmem>> -> memref<1536xf32, #tpu.memory_space<vmem>>
          %gather3A_658 = tpu.vector_load_idx %gather3A_657[%add3A_622] : memref<1536xf32, #tpu.memory_space<vmem>>[vector<16xi32>], vector<16xf32>,
          %swap3A_659 = arith.constant 1 : i32
          %swap3A_660 = arith.constant 1 : i32
          %swap3A_661 = arith.index_cast %swap3A_659 : i32 to index
          %swap3A_662 = arith.index_cast %swap3A_660 : i32 to index
          %swap3A_663 = arith.index_cast %mul3A_614 : i32 to index
          %swap3A_664 = tpu.vector_load %arg10[%swap3A_661, %swap3A_662, %swap3A_663] {strides = array<i32>} : memref<2x32x512xf32, #tpu.memory_space<vmem>>, vector<16xf32>,
          tpu.vector_store %arg10[%swap3A_661, %swap3A_662, %swap3A_663], %gather3A_628 {strides = array<i32>} : memref<2x32x512xf32, #tpu.memory_space<vmem>>, vector<16xf32>,
          %gather3A_665 = arith.constant 15360 : i32
          %gather3A_666 = tpu.memref_slice %arg8[%gather3A_665] : memref<49152xf32, #tpu.memory_space<vmem>> -> memref<1536xf32, #tpu.memory_space<vmem>>
          %gather3A_667 = tpu.vector_load_idx %gather3A_666[%add3A_622] : memref<1536xf32, #tpu.memory_space<vmem>>[vector<16xi32>], vector<16xf32>,
          %swap3A_668 = arith.constant 1 : i32
          %swap3A_669 = arith.constant 2 : i32
          %swap3A_670 = arith.index_cast %swap3A_668 : i32 to index
          %swap3A_671 = arith.index_cast %swap3A_669 : i32 to index
          %swap3A_672 = arith.index_cast %mul3A_614 : i32 to index
          %swap3A_673 = tpu.vector_load %arg10[%swap3A_670, %swap3A_671, %swap3A_672] {strides = array<i32>} : memref<2x32x512xf32, #tpu.memory_space<vmem>>, vector<16xf32>,
          tpu.vector_store %arg10[%swap3A_670, %swap3A_671, %swap3A_672], %gather3A_631 {strides = array<i32>} : memref<2x32x512xf32, #tpu.memory_space<vmem>>, vector<16xf32>,
          %gather3A_674 = arith.constant 16896 : i32
          %gather3A_675 = tpu.memref_slice %arg8[%gather3A_674] : memref<49152xf32, #tpu.memory_space<vmem>> -> memref<1536xf32, #tpu.memory_space<vmem>>
          %gather3A_676 = tpu.vector_load_idx %gather3A_675[%add3A_622] : memref<1536xf32, #tpu.memory_space<vmem>>[vector<16xi32>], vector<16xf32>,
          %swap3A_677 = arith.constant 1 : i32
          %swap3A_678 = arith.constant 3 : i32
          %swap3A_679 = arith.index_cast %swap3A_677 : i32 to index
          %swap3A_680 = arith.index_cast %swap3A_678 : i32 to index
          %swap3A_681 = arith.index_cast %mul3A_614 : i32 to index
          %swap3A_682 = tpu.vector_load %arg10[%swap3A_679, %swap3A_680, %swap3A_681] {strides = array<i32>} : memref<2x32x512xf32, #tpu.memory_space<vmem>>, vector<16xf32>,
          tpu.vector_store %arg10[%swap3A_679, %swap3A_680, %swap3A_681], %gather3A_634 {strides = array<i32>} : memref<2x32x512xf32, #tpu.memory_space<vmem>>, vector<16xf32>,
          %gather3A_683 = arith.constant 18432 : i32
          %gather3A_684 = tpu.memref_slice %arg8[%gather3A_683] : memref<49152xf32, #tpu.memory_space<vmem>> -> memref<1536xf32, #tpu.memory_space<vmem>>
          %gather3A_685 = tpu.vector_load_idx %gather3A_684[%add3A_622] : memref<1536xf32, #tpu.memory_space<vmem>>[vector<16xi32>], vector<16xf32>,
          %swap3A_686 = arith.constant 1 : i32
          %swap3A_687 = arith.constant 4 : i32
          %swap3A_688 = arith.index_cast %swap3A_686 : i32 to index
          %swap3A_689 = arith.index_cast %swap3A_687 : i32 to index
          %swap3A_690 = arith.index_cast %mul3A_614 : i32 to index
          %swap3A_691 = tpu.vector_load %arg10[%swap3A_688, %swap3A_689, %swap3A_690] {strides = array<i32>} : memref<2x32x512xf32, #tpu.memory_space<vmem>>, vector<16xf32>,
          tpu.vector_store %arg10[%swap3A_688, %swap3A_689, %swap3A_690], %gather3A_637 {strides = array<i32>} : memref<2x32x512xf32, #tpu.memory_space<vmem>>, vector<16xf32>,
          %gather3A_692 = arith.constant 19968 : i32
          %gather3A_693 = tpu.memref_slice %arg8[%gather3A_692] : memref<49152xf32, #tpu.memory_space<vmem>> -> memref<1536xf32, #tpu.memory_space<vmem>>
          %gather3A_694 = tpu.vector_load_idx %gather3A_693[%add3A_622] : memref<1536xf32, #tpu.memory_space<vmem>>[vector<16xi32>], vector<16xf32>,
          %swap3A_695 = arith.constant 1 : i32
          %swap3A_696 = arith.constant 5 : i32
          %swap3A_697 = arith.index_cast %swap3A_695 : i32 to index
          %swap3A_698 = arith.index_cast %swap3A_696 : i32 to index
          %swap3A_699 = arith.index_cast %mul3A_614 : i32 to index
          %swap3A_700 = tpu.vector_load %arg10[%swap3A_697, %swap3A_698, %swap3A_699] {strides = array<i32>} : memref<2x32x512xf32, #tpu.memory_space<vmem>>, vector<16xf32>,
          tpu.vector_store %arg10[%swap3A_697, %swap3A_698, %swap3A_699], %gather3A_640 {strides = array<i32>} : memref<2x32x512xf32, #tpu.memory_space<vmem>>, vector<16xf32>,
          %gather3A_701 = arith.constant 21504 : i32
          %gather3A_702 = tpu.memref_slice %arg8[%gather3A_701] : memref<49152xf32, #tpu.memory_space<vmem>> -> memref<1536xf32, #tpu.memory_space<vmem>>
          %gather3A_703 = tpu.vector_load_idx %gather3A_702[%add3A_622] : memref<1536xf32, #tpu.memory_space<vmem>>[vector<16xi32>], vector<16xf32>,
          %swap3A_704 = arith.constant 1 : i32
          %swap3A_705 = arith.constant 6 : i32
          %swap3A_706 = arith.index_cast %swap3A_704 : i32 to index
          %swap3A_707 = arith.index_cast %swap3A_705 : i32 to index
          %swap3A_708 = arith.index_cast %mul3A_614 : i32 to index
          %swap3A_709 = tpu.vector_load %arg10[%swap3A_706, %swap3A_707, %swap3A_708] {strides = array<i32>} : memref<2x32x512xf32, #tpu.memory_space<vmem>>, vector<16xf32>,
          tpu.vector_store %arg10[%swap3A_706, %swap3A_707, %swap3A_708], %gather3A_643 {strides = array<i32>} : memref<2x32x512xf32, #tpu.memory_space<vmem>>, vector<16xf32>,
          %gather3A_710 = arith.constant 23040 : i32
          %gather3A_711 = tpu.memref_slice %arg8[%gather3A_710] : memref<49152xf32, #tpu.memory_space<vmem>> -> memref<1536xf32, #tpu.memory_space<vmem>>
          %gather3A_712 = tpu.vector_load_idx %gather3A_711[%add3A_622] : memref<1536xf32, #tpu.memory_space<vmem>>[vector<16xi32>], vector<16xf32>,
          %swap3A_713 = arith.constant 1 : i32
          %swap3A_714 = arith.constant 7 : i32
          %swap3A_715 = arith.index_cast %swap3A_713 : i32 to index
          %swap3A_716 = arith.index_cast %swap3A_714 : i32 to index
          %swap3A_717 = arith.index_cast %mul3A_614 : i32 to index
          %swap3A_718 = tpu.vector_load %arg10[%swap3A_715, %swap3A_716, %swap3A_717] {strides = array<i32>} : memref<2x32x512xf32, #tpu.memory_space<vmem>>, vector<16xf32>,
          tpu.vector_store %arg10[%swap3A_715, %swap3A_716, %swap3A_717], %gather3A_646 {strides = array<i32>} : memref<2x32x512xf32, #tpu.memory_space<vmem>>, vector<16xf32>,
          %gather3A_719 = arith.constant 24576 : i32
          %gather3A_720 = tpu.memref_slice %arg8[%gather3A_719] : memref<49152xf32, #tpu.memory_space<vmem>> -> memref<1536xf32, #tpu.memory_space<vmem>>
          %gather3A_721 = tpu.vector_load_idx %gather3A_720[%add3A_622] : memref<1536xf32, #tpu.memory_space<vmem>>[vector<16xi32>], vector<16xf32>,
          %swap3A_722 = arith.constant 1 : i32
          %swap3A_723 = arith.constant 8 : i32
          %swap3A_724 = arith.index_cast %swap3A_722 : i32 to index
          %swap3A_725 = arith.index_cast %swap3A_723 : i32 to index
          %swap3A_726 = arith.index_cast %mul3A_614 : i32 to index
          %swap3A_727 = tpu.vector_load %arg10[%swap3A_724, %swap3A_725, %swap3A_726] {strides = array<i32>} : memref<2x32x512xf32, #tpu.memory_space<vmem>>, vector<16xf32>,
          tpu.vector_store %arg10[%swap3A_724, %swap3A_725, %swap3A_726], %gather3A_649 {strides = array<i32>} : memref<2x32x512xf32, #tpu.memory_space<vmem>>, vector<16xf32>,
          %gather3A_728 = arith.constant 26112 : i32
          %gather3A_729 = tpu.memref_slice %arg8[%gather3A_728] : memref<49152xf32, #tpu.memory_space<vmem>> -> memref<1536xf32, #tpu.memory_space<vmem>>
          %gather3A_730 = tpu.vector_load_idx %gather3A_729[%add3A_622] : memref<1536xf32, #tpu.memory_space<vmem>>[vector<16xi32>], vector<16xf32>,
          %swap3A_731 = arith.constant 1 : i32
          %swap3A_732 = arith.constant 9 : i32
          %swap3A_733 = arith.index_cast %swap3A_731 : i32 to index
          %swap3A_734 = arith.index_cast %swap3A_732 : i32 to index
          %swap3A_735 = arith.index_cast %mul3A_614 : i32 to index
          %swap3A_736 = tpu.vector_load %arg10[%swap3A_733, %swap3A_734, %swap3A_735] {strides = array<i32>} : memref<2x32x512xf32, #tpu.memory_space<vmem>>, vector<16xf32>,
          tpu.vector_store %arg10[%swap3A_733, %swap3A_734, %swap3A_735], %gather3A_658 {strides = array<i32>} : memref<2x32x512xf32, #tpu.memory_space<vmem>>, vector<16xf32>,
          %gather3A_737 = arith.constant 27648 : i32
          %gather3A_738 = tpu.memref_slice %arg8[%gather3A_737] : memref<49152xf32, #tpu.memory_space<vmem>> -> memref<1536xf32, #tpu.memory_space<vmem>>
          %gather3A_739 = tpu.vector_load_idx %gather3A_738[%add3A_622] : memref<1536xf32, #tpu.memory_space<vmem>>[vector<16xi32>], vector<16xf32>,
          %swap3A_740 = arith.constant 1 : i32
          %swap3A_741 = arith.constant 10 : i32
          %swap3A_742 = arith.index_cast %swap3A_740 : i32 to index
          %swap3A_743 = arith.index_cast %swap3A_741 : i32 to index
          %swap3A_744 = arith.index_cast %mul3A_614 : i32 to index
          %swap3A_745 = tpu.vector_load %arg10[%swap3A_742, %swap3A_743, %swap3A_744] {strides = array<i32>} : memref<2x32x512xf32, #tpu.memory_space<vmem>>, vector<16xf32>,
          tpu.vector_store %arg10[%swap3A_742, %swap3A_743, %swap3A_744], %gather3A_667 {strides = array<i32>} : memref<2x32x512xf32, #tpu.memory_space<vmem>>, vector<16xf32>,
          %gather3A_746 = arith.constant 29184 : i32
          %gather3A_747 = tpu.memref_slice %arg8[%gather3A_746] : memref<49152xf32, #tpu.memory_space<vmem>> -> memref<1536xf32, #tpu.memory_space<vmem>>
          %gather3A_748 = tpu.vector_load_idx %gather3A_747[%add3A_622] : memref<1536xf32, #tpu.memory_space<vmem>>[vector<16xi32>], vector<16xf32>,
          %swap3A_749 = arith.constant 1 : i32
          %swap3A_750 = arith.constant 11 : i32
          %swap3A_751 = arith.index_cast %swap3A_749 : i32 to index
          %swap3A_752 = arith.index_cast %swap3A_750 : i32 to index
          %swap3A_753 = arith.index_cast %mul3A_614 : i32 to index
          %swap3A_754 = tpu.vector_load %arg10[%swap3A_751, %swap3A_752, %swap3A_753] {strides = array<i32>} : memref<2x32x512xf32, #tpu.memory_space<vmem>>, vector<16xf32>,
          tpu.vector_store %arg10[%swap3A_751, %swap3A_752, %swap3A_753], %gather3A_676 {strides = array<i32>} : memref<2x32x512xf32, #tpu.memory_space<vmem>>, vector<16xf32>,
          %gather3A_755 = arith.constant 30720 : i32
          %gather3A_756 = tpu.memref_slice %arg8[%gather3A_755] : memref<49152xf32, #tpu.memory_space<vmem>> -> memref<1536xf32, #tpu.memory_space<vmem>>
          %gather3A_757 = tpu.vector_load_idx %gather3A_756[%add3A_622] : memref<1536xf32, #tpu.memory_space<vmem>>[vector<16xi32>], vector<16xf32>,
          %swap3A_758 = arith.constant 1 : i32
          %swap3A_759 = arith.constant 12 : i32
          %swap3A_760 = arith.index_cast %swap3A_758 : i32 to index
          %swap3A_761 = arith.index_cast %swap3A_759 : i32 to index
          %swap3A_762 = arith.index_cast %mul3A_614 : i32 to index
          %swap3A_763 = tpu.vector_load %arg10[%swap3A_760, %swap3A_761, %swap3A_762] {strides = array<i32>} : memref<2x32x512xf32, #tpu.memory_space<vmem>>, vector<16xf32>,
          tpu.vector_store %arg10[%swap3A_760, %swap3A_761, %swap3A_762], %gather3A_685 {strides = array<i32>} : memref<2x32x512xf32, #tpu.memory_space<vmem>>, vector<16xf32>,
          %gather3A_764 = arith.constant 32256 : i32
          %gather3A_765 = tpu.memref_slice %arg8[%gather3A_764] : memref<49152xf32, #tpu.memory_space<vmem>> -> memref<1536xf32, #tpu.memory_space<vmem>>
          %gather3A_766 = tpu.vector_load_idx %gather3A_765[%add3A_622] : memref<1536xf32, #tpu.memory_space<vmem>>[vector<16xi32>], vector<16xf32>,
          %swap3A_767 = arith.constant 1 : i32
          %swap3A_768 = arith.constant 13 : i32
          %swap3A_769 = arith.index_cast %swap3A_767 : i32 to index
          %swap3A_770 = arith.index_cast %swap3A_768 : i32 to index
          %swap3A_771 = arith.index_cast %mul3A_614 : i32 to index
          %swap3A_772 = tpu.vector_load %arg10[%swap3A_769, %swap3A_770, %swap3A_771] {strides = array<i32>} : memref<2x32x512xf32, #tpu.memory_space<vmem>>, vector<16xf32>,
          tpu.vector_store %arg10[%swap3A_769, %swap3A_770, %swap3A_771], %gather3A_694 {strides = array<i32>} : memref<2x32x512xf32, #tpu.memory_space<vmem>>, vector<16xf32>,
          %gather3A_773 = arith.constant 33792 : i32
          %gather3A_774 = tpu.memref_slice %arg8[%gather3A_773] : memref<49152xf32, #tpu.memory_space<vmem>> -> memref<1536xf32, #tpu.memory_space<vmem>>
          %gather3A_775 = tpu.vector_load_idx %gather3A_774[%add3A_622] : memref<1536xf32, #tpu.memory_space<vmem>>[vector<16xi32>], vector<16xf32>,
          %swap3A_776 = arith.constant 1 : i32
          %swap3A_777 = arith.constant 14 : i32
          %swap3A_778 = arith.index_cast %swap3A_776 : i32 to index
          %swap3A_779 = arith.index_cast %swap3A_777 : i32 to index
          %swap3A_780 = arith.index_cast %mul3A_614 : i32 to index
          %swap3A_781 = tpu.vector_load %arg10[%swap3A_778, %swap3A_779, %swap3A_780] {strides = array<i32>} : memref<2x32x512xf32, #tpu.memory_space<vmem>>, vector<16xf32>,
          tpu.vector_store %arg10[%swap3A_778, %swap3A_779, %swap3A_780], %gather3A_703 {strides = array<i32>} : memref<2x32x512xf32, #tpu.memory_space<vmem>>, vector<16xf32>,
          %gather3A_782 = arith.constant 35328 : i32
          %gather3A_783 = tpu.memref_slice %arg8[%gather3A_782] : memref<49152xf32, #tpu.memory_space<vmem>> -> memref<1536xf32, #tpu.memory_space<vmem>>
          %gather3A_784 = tpu.vector_load_idx %gather3A_783[%add3A_622] : memref<1536xf32, #tpu.memory_space<vmem>>[vector<16xi32>], vector<16xf32>,
          %swap3A_785 = arith.constant 1 : i32
          %swap3A_786 = arith.constant 15 : i32
          %swap3A_787 = arith.index_cast %swap3A_785 : i32 to index
          %swap3A_788 = arith.index_cast %swap3A_786 : i32 to index
          %swap3A_789 = arith.index_cast %mul3A_614 : i32 to index
          %swap3A_790 = tpu.vector_load %arg10[%swap3A_787, %swap3A_788, %swap3A_789] {strides = array<i32>} : memref<2x32x512xf32, #tpu.memory_space<vmem>>, vector<16xf32>,
          tpu.vector_store %arg10[%swap3A_787, %swap3A_788, %swap3A_789], %gather3A_712 {strides = array<i32>} : memref<2x32x512xf32, #tpu.memory_space<vmem>>, vector<16xf32>,
          %gather3A_791 = arith.constant 36864 : i32
          %gather3A_792 = tpu.memref_slice %arg8[%gather3A_791] : memref<49152xf32, #tpu.memory_space<vmem>> -> memref<1536xf32, #tpu.memory_space<vmem>>
          %gather3A_793 = tpu.vector_load_idx %gather3A_792[%add3A_622] : memref<1536xf32, #tpu.memory_space<vmem>>[vector<16xi32>], vector<16xf32>,
          %swap3A_794 = arith.constant 1 : i32
          %swap3A_795 = arith.constant 16 : i32
          %swap3A_796 = arith.index_cast %swap3A_794 : i32 to index
          %swap3A_797 = arith.index_cast %swap3A_795 : i32 to index
          %swap3A_798 = arith.index_cast %mul3A_614 : i32 to index
          %swap3A_799 = tpu.vector_load %arg10[%swap3A_796, %swap3A_797, %swap3A_798] {strides = array<i32>} : memref<2x32x512xf32, #tpu.memory_space<vmem>>, vector<16xf32>,
          tpu.vector_store %arg10[%swap3A_796, %swap3A_797, %swap3A_798], %gather3A_721 {strides = array<i32>} : memref<2x32x512xf32, #tpu.memory_space<vmem>>, vector<16xf32>,
          %gather3A_800 = arith.constant 38400 : i32
          %gather3A_801 = tpu.memref_slice %arg8[%gather3A_800] : memref<49152xf32, #tpu.memory_space<vmem>> -> memref<1536xf32, #tpu.memory_space<vmem>>
          %gather3A_802 = tpu.vector_load_idx %gather3A_801[%add3A_622] : memref<1536xf32, #tpu.memory_space<vmem>>[vector<16xi32>], vector<16xf32>,
          %swap3A_803 = arith.constant 1 : i32
          %swap3A_804 = arith.constant 17 : i32
          %swap3A_805 = arith.index_cast %swap3A_803 : i32 to index
          %swap3A_806 = arith.index_cast %swap3A_804 : i32 to index
          %swap3A_807 = arith.index_cast %mul3A_614 : i32 to index
          %swap3A_808 = tpu.vector_load %arg10[%swap3A_805, %swap3A_806, %swap3A_807] {strides = array<i32>} : memref<2x32x512xf32, #tpu.memory_space<vmem>>, vector<16xf32>,
          tpu.vector_store %arg10[%swap3A_805, %swap3A_806, %swap3A_807], %gather3A_730 {strides = array<i32>} : memref<2x32x512xf32, #tpu.memory_space<vmem>>, vector<16xf32>,
          %gather3A_809 = arith.constant 39936 : i32
          %gather3A_810 = tpu.memref_slice %arg8[%gather3A_809] : memref<49152xf32, #tpu.memory_space<vmem>> -> memref<1536xf32, #tpu.memory_space<vmem>>
          %gather3A_811 = tpu.vector_load_idx %gather3A_810[%add3A_622] : memref<1536xf32, #tpu.memory_space<vmem>>[vector<16xi32>], vector<16xf32>,
          %swap3A_812 = arith.constant 1 : i32
          %swap3A_813 = arith.constant 18 : i32
          %swap3A_814 = arith.index_cast %swap3A_812 : i32 to index
          %swap3A_815 = arith.index_cast %swap3A_813 : i32 to index
          %swap3A_816 = arith.index_cast %mul3A_614 : i32 to index
          %swap3A_817 = tpu.vector_load %arg10[%swap3A_814, %swap3A_815, %swap3A_816] {strides = array<i32>} : memref<2x32x512xf32, #tpu.memory_space<vmem>>, vector<16xf32>,
          tpu.vector_store %arg10[%swap3A_814, %swap3A_815, %swap3A_816], %gather3A_739 {strides = array<i32>} : memref<2x32x512xf32, #tpu.memory_space<vmem>>, vector<16xf32>,
          %gather3A_818 = arith.constant 41472 : i32
          %gather3A_819 = tpu.memref_slice %arg8[%gather3A_818] : memref<49152xf32, #tpu.memory_space<vmem>> -> memref<1536xf32, #tpu.memory_space<vmem>>
          %gather3A_820 = tpu.vector_load_idx %gather3A_819[%add3A_622] : memref<1536xf32, #tpu.memory_space<vmem>>[vector<16xi32>], vector<16xf32>,
          %swap3A_821 = arith.constant 1 : i32
          %swap3A_822 = arith.constant 19 : i32
          %swap3A_823 = arith.index_cast %swap3A_821 : i32 to index
          %swap3A_824 = arith.index_cast %swap3A_822 : i32 to index
          %swap3A_825 = arith.index_cast %mul3A_614 : i32 to index
          %swap3A_826 = tpu.vector_load %arg10[%swap3A_823, %swap3A_824, %swap3A_825] {strides = array<i32>} : memref<2x32x512xf32, #tpu.memory_space<vmem>>, vector<16xf32>,
          tpu.vector_store %arg10[%swap3A_823, %swap3A_824, %swap3A_825], %gather3A_748 {strides = array<i32>} : memref<2x32x512xf32, #tpu.memory_space<vmem>>, vector<16xf32>,
          %gather3A_827 = arith.constant 43008 : i32
          %gather3A_828 = tpu.memref_slice %arg8[%gather3A_827] : memref<49152xf32, #tpu.memory_space<vmem>> -> memref<1536xf32, #tpu.memory_space<vmem>>
          %gather3A_829 = tpu.vector_load_idx %gather3A_828[%add3A_622] : memref<1536xf32, #tpu.memory_space<vmem>>[vector<16xi32>], vector<16xf32>,
          %swap3A_830 = arith.constant 1 : i32
          %swap3A_831 = arith.constant 20 : i32
          %swap3A_832 = arith.index_cast %swap3A_830 : i32 to index
          %swap3A_833 = arith.index_cast %swap3A_831 : i32 to index
          %swap3A_834 = arith.index_cast %mul3A_614 : i32 to index
          %swap3A_835 = tpu.vector_load %arg10[%swap3A_832, %swap3A_833, %swap3A_834] {strides = array<i32>} : memref<2x32x512xf32, #tpu.memory_space<vmem>>, vector<16xf32>,
          tpu.vector_store %arg10[%swap3A_832, %swap3A_833, %swap3A_834], %gather3A_757 {strides = array<i32>} : memref<2x32x512xf32, #tpu.memory_space<vmem>>, vector<16xf32>,
          %gather3A_836 = arith.constant 44544 : i32
          %gather3A_837 = tpu.memref_slice %arg8[%gather3A_836] : memref<49152xf32, #tpu.memory_space<vmem>> -> memref<1536xf32, #tpu.memory_space<vmem>>
          %gather3A_838 = tpu.vector_load_idx %gather3A_837[%add3A_622] : memref<1536xf32, #tpu.memory_space<vmem>>[vector<16xi32>], vector<16xf32>,
          %swap3A_839 = arith.constant 1 : i32
          %swap3A_840 = arith.constant 21 : i32
          %swap3A_841 = arith.index_cast %swap3A_839 : i32 to index
          %swap3A_842 = arith.index_cast %swap3A_840 : i32 to index
          %swap3A_843 = arith.index_cast %mul3A_614 : i32 to index
          %swap3A_844 = tpu.vector_load %arg10[%swap3A_841, %swap3A_842, %swap3A_843] {strides = array<i32>} : memref<2x32x512xf32, #tpu.memory_space<vmem>>, vector<16xf32>,
          tpu.vector_store %arg10[%swap3A_841, %swap3A_842, %swap3A_843], %gather3A_766 {strides = array<i32>} : memref<2x32x512xf32, #tpu.memory_space<vmem>>, vector<16xf32>,
          %gather3A_845 = arith.constant 46080 : i32
          %gather3A_846 = tpu.memref_slice %arg8[%gather3A_845] : memref<49152xf32, #tpu.memory_space<vmem>> -> memref<1536xf32, #tpu.memory_space<vmem>>
          %gather3A_847 = tpu.vector_load_idx %gather3A_846[%add3A_622] : memref<1536xf32, #tpu.memory_space<vmem>>[vector<16xi32>], vector<16xf32>,
          %swap3A_848 = arith.constant 1 : i32
          %swap3A_849 = arith.constant 22 : i32
          %swap3A_850 = arith.index_cast %swap3A_848 : i32 to index
          %swap3A_851 = arith.index_cast %swap3A_849 : i32 to index
          %swap3A_852 = arith.index_cast %mul3A_614 : i32 to index
          %swap3A_853 = tpu.vector_load %arg10[%swap3A_850, %swap3A_851, %swap3A_852] {strides = array<i32>} : memref<2x32x512xf32, #tpu.memory_space<vmem>>, vector<16xf32>,
          tpu.vector_store %arg10[%swap3A_850, %swap3A_851, %swap3A_852], %gather3A_775 {strides = array<i32>} : memref<2x32x512xf32, #tpu.memory_space<vmem>>, vector<16xf32>,
          %gather3A_854 = arith.constant 47616 : i32
          %gather3A_855 = tpu.memref_slice %arg8[%gather3A_854] : memref<49152xf32, #tpu.memory_space<vmem>> -> memref<1536xf32, #tpu.memory_space<vmem>>
          %gather3A_856 = tpu.vector_load_idx %gather3A_855[%add3A_622] : memref<1536xf32, #tpu.memory_space<vmem>>[vector<16xi32>], vector<16xf32>,
          %swap3A_857 = arith.constant 1 : i32
          %swap3A_858 = arith.constant 23 : i32
          %swap3A_859 = arith.index_cast %swap3A_857 : i32 to index
          %swap3A_860 = arith.index_cast %swap3A_858 : i32 to index
          %swap3A_861 = arith.index_cast %mul3A_614 : i32 to index
          %swap3A_862 = tpu.vector_load %arg10[%swap3A_859, %swap3A_860, %swap3A_861] {strides = array<i32>} : memref<2x32x512xf32, #tpu.memory_space<vmem>>, vector<16xf32>,
          tpu.vector_store %arg10[%swap3A_859, %swap3A_860, %swap3A_861], %gather3A_784 {strides = array<i32>} : memref<2x32x512xf32, #tpu.memory_space<vmem>>, vector<16xf32>,
          %swap3A_863 = arith.constant 1 : i32
          %swap3A_864 = arith.constant 24 : i32
          %swap3A_865 = arith.index_cast %swap3A_863 : i32 to index
          %swap3A_866 = arith.index_cast %swap3A_864 : i32 to index
          %swap3A_867 = arith.index_cast %mul3A_614 : i32 to index
          %swap3A_868 = tpu.vector_load %arg10[%swap3A_865, %swap3A_866, %swap3A_867] {strides = array<i32>} : memref<2x32x512xf32, #tpu.memory_space<vmem>>, vector<16xf32>,
          tpu.vector_store %arg10[%swap3A_865, %swap3A_866, %swap3A_867], %gather3A_793 {strides = array<i32>} : memref<2x32x512xf32, #tpu.memory_space<vmem>>, vector<16xf32>,
          %swap3A_869 = arith.constant 1 : i32
          %swap3A_870 = arith.constant 25 : i32
          %swap3A_871 = arith.index_cast %swap3A_869 : i32 to index
          %swap3A_872 = arith.index_cast %swap3A_870 : i32 to index
          %swap3A_873 = arith.index_cast %mul3A_614 : i32 to index
          %swap3A_874 = tpu.vector_load %arg10[%swap3A_871, %swap3A_872, %swap3A_873] {strides = array<i32>} : memref<2x32x512xf32, #tpu.memory_space<vmem>>, vector<16xf32>,
          tpu.vector_store %arg10[%swap3A_871, %swap3A_872, %swap3A_873], %gather3A_802 {strides = array<i32>} : memref<2x32x512xf32, #tpu.memory_space<vmem>>, vector<16xf32>,
          %swap3A_875 = arith.constant 1 : i32
          %swap3A_876 = arith.constant 26 : i32
          %swap3A_877 = arith.index_cast %swap3A_875 : i32 to index
          %swap3A_878 = arith.index_cast %swap3A_876 : i32 to index
          %swap3A_879 = arith.index_cast %mul3A_614 : i32 to index
          %swap3A_880 = tpu.vector_load %arg10[%swap3A_877, %swap3A_878, %swap3A_879] {strides = array<i32>} : memref<2x32x512xf32, #tpu.memory_space<vmem>>, vector<16xf32>,
          tpu.vector_store %arg10[%swap3A_877, %swap3A_878, %swap3A_879], %gather3A_811 {strides = array<i32>} : memref<2x32x512xf32, #tpu.memory_space<vmem>>, vector<16xf32>,
          %swap3A_881 = arith.constant 1 : i32
          %swap3A_882 = arith.constant 27 : i32
          %swap3A_883 = arith.index_cast %swap3A_881 : i32 to index
          %swap3A_884 = arith.index_cast %swap3A_882 : i32 to index
          %swap3A_885 = arith.index_cast %mul3A_614 : i32 to index
          %swap3A_886 = tpu.vector_load %arg10[%swap3A_883, %swap3A_884, %swap3A_885] {strides = array<i32>} : memref<2x32x512xf32, #tpu.memory_space<vmem>>, vector<16xf32>,
          tpu.vector_store %arg10[%swap3A_883, %swap3A_884, %swap3A_885], %gather3A_820 {strides = array<i32>} : memref<2x32x512xf32, #tpu.memory_space<vmem>>, vector<16xf32>,
          %swap3A_887 = arith.constant 1 : i32
          %swap3A_888 = arith.constant 28 : i32
          %swap3A_889 = arith.index_cast %swap3A_887 : i32 to index
          %swap3A_890 = arith.index_cast %swap3A_888 : i32 to index
          %swap3A_891 = arith.index_cast %mul3A_614 : i32 to index
          %swap3A_892 = tpu.vector_load %arg10[%swap3A_889, %swap3A_890, %swap3A_891] {strides = array<i32>} : memref<2x32x512xf32, #tpu.memory_space<vmem>>, vector<16xf32>,
          tpu.vector_store %arg10[%swap3A_889, %swap3A_890, %swap3A_891], %gather3A_829 {strides = array<i32>} : memref<2x32x512xf32, #tpu.memory_space<vmem>>, vector<16xf32>,
          %swap3A_893 = arith.constant 1 : i32
          %swap3A_894 = arith.constant 29 : i32
          %swap3A_895 = arith.index_cast %swap3A_893 : i32 to index
          %swap3A_896 = arith.index_cast %swap3A_894 : i32 to index
          %swap3A_897 = arith.index_cast %mul3A_614 : i32 to index
          %swap3A_898 = tpu.vector_load %arg10[%swap3A_895, %swap3A_896, %swap3A_897] {strides = array<i32>} : memref<2x32x512xf32, #tpu.memory_space<vmem>>, vector<16xf32>,
          tpu.vector_store %arg10[%swap3A_895, %swap3A_896, %swap3A_897], %gather3A_838 {strides = array<i32>} : memref<2x32x512xf32, #tpu.memory_space<vmem>>, vector<16xf32>,
          %swap3A_899 = arith.constant 1 : i32
          %swap3A_900 = arith.constant 30 : i32
          %swap3A_901 = arith.index_cast %swap3A_899 : i32 to index
          %swap3A_902 = arith.index_cast %swap3A_900 : i32 to index
          %swap3A_903 = arith.index_cast %mul3A_614 : i32 to index
          %swap3A_904 = tpu.vector_load %arg10[%swap3A_901, %swap3A_902, %swap3A_903] {strides = array<i32>} : memref<2x32x512xf32, #tpu.memory_space<vmem>>, vector<16xf32>,
          tpu.vector_store %arg10[%swap3A_901, %swap3A_902, %swap3A_903], %gather3A_847 {strides = array<i32>} : memref<2x32x512xf32, #tpu.memory_space<vmem>>, vector<16xf32>,
          %swap3A_905 = arith.constant 1 : i32
          %swap3A_906 = arith.constant 31 : i32
          %swap3A_907 = arith.index_cast %swap3A_905 : i32 to index
          %swap3A_908 = arith.index_cast %swap3A_906 : i32 to index
          %swap3A_909 = arith.index_cast %mul3A_614 : i32 to index
          %swap3A_910 = tpu.vector_load %arg10[%swap3A_907, %swap3A_908, %swap3A_909] {strides = array<i32>} : memref<2x32x512xf32, #tpu.memory_space<vmem>>, vector<16xf32>,
          tpu.vector_store %arg10[%swap3A_907, %swap3A_908, %swap3A_909], %gather3A_856 {strides = array<i32>} : memref<2x32x512xf32, #tpu.memory_space<vmem>>, vector<16xf32>,
        }
        %scan3A_299 = arith.constant 16 : i32
        %lt3A_300 = arith.constant 97 : i32
        %lt3A_301 = arith.cmpi slt, %rem3A_275, %lt3A_300 : i32
        %convert_element_type3A_302 = arith.extui %lt3A_301 : i1 to i32
        %cond3A_303 = arith.constant 0 : i32
        %cond3A_304 = arith.cmpi ne, %convert_element_type3A_302, %cond3A_303 : i32
        scf.if %cond3A_304 {
          %mul3A_309 = arith.constant 32 : i32
          %mul3A_310 = arith.muli %sub3A_264, %mul3A_309 : i32
          %dma_start3A_311 = arith.constant 1 : i32
          %dma_start3A_312 = arith.constant 0 : i32
          %dma_start3A_313 = arith.constant 0 : i32
          %dma_start3A_314 = tpu.memref_slice %arg10[%dma_start3A_311, %dma_start3A_312, %dma_start3A_313] : memref<2x32x512xf32, #tpu.memory_space<vmem>> -> memref<1x32x512xf32, #tpu.memory_space<vmem>>
          %dma_start3A_315 = tpu.memref_squeeze %dma_start3A_314 : memref<1x32x512xf32, #tpu.memory_space<vmem>> -> memref<32x512xf32, #tpu.memory_space<vmem>>
          %dma_start3A_316 = tpu.memref_slice %arg5[%select_n3A_261, %mul3A_310, %mul3A_277] : memref<19x64x50000xf32, #tpu.memory_space<hbm>> -> memref<1x32x512xf32, #tpu.memory_space<hbm>>
          %dma_start3A_317 = tpu.memref_squeeze %dma_start3A_316 : memref<1x32x512xf32, #tpu.memory_space<hbm>> -> memref<32x512xf32, #tpu.memory_space<hbm>>
          %dma_start3A_318 = tpu.memref_slice %arg5[%select_n3A_261, %mul3A_310, %mul3A_277] : memref<19x64x50000xf32, #tpu.memory_space<hbm>> -> memref<1x32x512xf32, #tpu.memory_space<hbm>>
          %dma_start3A_319 = tpu.memref_squeeze %dma_start3A_318 : memref<1x32x512xf32, #tpu.memory_space<hbm>> -> memref<32x512xf32, #tpu.memory_space<hbm>>
          %dma_start3A_320 = arith.constant 0 : i32
          %dma_start3A_321 = arith.constant 0 : i32
          %dma_start3A_322 = tpu.memref_slice %arg10[%dma_start3A_311, %dma_start3A_320, %dma_start3A_321] : memref<2x32x512xf32, #tpu.memory_space<vmem>> -> memref<1x32x512xf32, #tpu.memory_space<vmem>>
          %dma_start3A_323 = tpu.memref_squeeze %dma_start3A_322 : memref<1x32x512xf32, #tpu.memory_space<vmem>> -> memref<32x512xf32, #tpu.memory_space<vmem>>
          tpu.enqueue_dma source(%dma_start3A_323 : memref<32x512xf32, #tpu.memory_space<vmem>>) target(%dma_start3A_319 : memref<32x512xf32, #tpu.memory_space<hbm>>) target_semaphore(%arg14 : memref<!tpu.dma_semaphore, #tpu.memory_space<semaphore_mem>>)
        } else {
        }
        %eq3A = arith.constant 97 : i32
        %eq3A_305 = arith.cmpi eq, %rem3A_275, %eq3A : i32
        %convert_element_type3A_306 = arith.extui %eq3A_305 : i1 to i32
        %cond3A_307 = arith.constant 0 : i32
        %cond3A_308 = arith.cmpi ne, %convert_element_type3A_306, %cond3A_307 : i32
        scf.if %cond3A_308 {
          %mul3A_309 = arith.constant 32 : i32
          %mul3A_310 = arith.muli %sub3A_264, %mul3A_309 : i32
          %dma_start3A_311 = arith.constant 1 : i32
          %dma_start3A_312 = arith.constant 0 : i32
          %dma_start3A_313 = arith.constant 0 : i32
          %dma_start3A_314 = tpu.memref_slice %arg10[%dma_start3A_311, %dma_start3A_312, %dma_start3A_313] : memref<2x32x512xf32, #tpu.memory_space<vmem>> -> memref<1x32x384xf32, #tpu.memory_space<vmem>>
          %dma_start3A_315 = tpu.memref_squeeze %dma_start3A_314 : memref<1x32x384xf32, #tpu.memory_space<vmem>> -> memref<32x384xf32, #tpu.memory_space<vmem>>
          %dma_start3A_316 = tpu.memref_slice %arg5[%select_n3A_261, %mul3A_310, %mul3A_277] : memref<19x64x50000xf32, #tpu.memory_space<hbm>> -> memref<1x32x384xf32, #tpu.memory_space<hbm>>
          %dma_start3A_317 = tpu.memref_squeeze %dma_start3A_316 : memref<1x32x384xf32, #tpu.memory_space<hbm>> -> memref<32x384xf32, #tpu.memory_space<hbm>>
          %dma_start3A_318 = tpu.memref_slice %arg5[%select_n3A_261, %mul3A_310, %mul3A_277] : memref<19x64x50000xf32, #tpu.memory_space<hbm>> -> memref<1x32x384xf32, #tpu.memory_space<hbm>>
          %dma_start3A_319 = tpu.memref_squeeze %dma_start3A_318 : memref<1x32x384xf32, #tpu.memory_space<hbm>> -> memref<32x384xf32, #tpu.memory_space<hbm>>
          %dma_start3A_320 = arith.constant 0 : i32
          %dma_start3A_321 = arith.constant 0 : i32
          %dma_start3A_322 = tpu.memref_slice %arg10[%dma_start3A_311, %dma_start3A_320, %dma_start3A_321] : memref<2x32x512xf32, #tpu.memory_space<vmem>> -> memref<1x32x384xf32, #tpu.memory_space<vmem>>
          %dma_start3A_323 = tpu.memref_squeeze %dma_start3A_322 : memref<1x32x384xf32, #tpu.memory_space<vmem>> -> memref<32x384xf32, #tpu.memory_space<vmem>>
          tpu.enqueue_dma source(%dma_start3A_323 : memref<32x384xf32, #tpu.memory_space<vmem>>) target(%dma_start3A_319 : memref<32x384xf32, #tpu.memory_space<hbm>>) target_semaphore(%arg15 : memref<!tpu.dma_semaphore, #tpu.memory_space<semaphore_mem>>)
          %dma_wait3A_324 = arith.constant 1 : i32
          %dma_wait3A_325 = arith.constant 0 : i32
          %dma_wait3A_326 = arith.constant 0 : i32
          %dma_wait3A_327 = tpu.memref_slice %arg10[%dma_wait3A_324, %dma_wait3A_325, %dma_wait3A_326] : memref<2x32x512xf32, #tpu.memory_space<vmem>> -> memref<1x32x384xf32, #tpu.memory_space<vmem>>
          %dma_wait3A_328 = tpu.memref_squeeze %dma_wait3A_327 : memref<1x32x384xf32, #tpu.memory_space<vmem>> -> memref<32x384xf32, #tpu.memory_space<vmem>>
          %dma_wait3A_329 = tpu.memref_slice %arg5[%select_n3A_261, %mul3A_310, %mul3A_277] : memref<19x64x50000xf32, #tpu.memory_space<hbm>> -> memref<1x32x384xf32, #tpu.memory_space<hbm>>
          %dma_wait3A_330 = tpu.memref_squeeze %dma_wait3A_329 : memref<1x32x384xf32, #tpu.memory_space<hbm>> -> memref<32x384xf32, #tpu.memory_space<hbm>>
          %dma_wait3A_331 = tpu.memref_slice %arg5[%select_n3A_261, %mul3A_310, %mul3A_277] : memref<19x64x50000xf32, #tpu.memory_space<hbm>> -> memref<1x32x384xf32, #tpu.memory_space<hbm>>
          %dma_wait3A_332 = tpu.memref_squeeze %dma_wait3A_331 : memref<1x32x384xf32, #tpu.memory_space<hbm>> -> memref<32x384xf32, #tpu.memory_space<hbm>>
          %dma_wait3A_333 = arith.constant 0 : i32
          %dma_wait3A_334 = arith.constant 0 : i32
          %dma_wait3A_335 = tpu.memref_slice %arg10[%dma_wait3A_324, %dma_wait3A_333, %dma_wait3A_334] : memref<2x32x512xf32, #tpu.memory_space<vmem>> -> memref<1x32x384xf32, #tpu.memory_space<vmem>>
          %dma_wait3A_336 = tpu.memref_squeeze %dma_wait3A_335 : memref<1x32x384xf32, #tpu.memory_space<vmem>> -> memref<32x384xf32, #tpu.memory_space<vmem>>
          tpu.wait_dma2 semaphore(%arg15 : memref<!tpu.dma_semaphore, #tpu.memory_space<semaphore_mem>>) src(%dma_wait3A_336 : memref<32x384xf32, #tpu.memory_space<vmem>>) dst(%dma_wait3A_332 : memref<32x384xf32, #tpu.memory_space<hbm>>)
        } else {
        }
      } else {
      }
      %select_n3A_269 = arith.select %lt3A_265, %select_n3A_237, %select_n3A_194 : i32
      scf.yield %select_n3A_269 : i32
    }
    %scan3A_95 = arith.constant 59 : i32
    %add3A_96 = arith.constant 116 : i32
    %add3A_97 = arith.addi %select_n3A, %add3A_96 : i32
    %add3A_98 = arith.constant 0 : i32
    %add3A_99 = arith.addi %add3A_97, %add3A_98 : i32
    %lt3A = arith.cmpi slt, %add3A_99, %select_n3A_46 : i32
    %rem3A_100 = arith.constant 98 : i32
    %rem3A_101 = arith.remsi %add3A_99, %rem3A_100 : i32
    %ne3A_102 = arith.constant 97 : i32
    %ne3A_103 = arith.cmpi ne, %rem3A_101, %ne3A_102 : i32
    %and3A_104 = arith.andi %lt3A, %ne3A_103 : i1
    %convert_element_type3A = arith.extui %and3A_104 : i1 to i32
    %cond3A = arith.constant 0 : i32
    %cond3A_105 = arith.cmpi ne, %convert_element_type3A, %cond3A : i32
    scf.if %cond3A_105 {
      %dma_wait3A = arith.constant 0 : i32
      %dma_wait3A_119 = arith.constant 0 : i32
      %dma_wait3A_120 = arith.constant 0 : i32
      %dma_wait3A_121 = arith.constant 0 : i32
      %dma_wait3A_122 = tpu.memref_slice %arg10[%dma_wait3A, %dma_wait3A_120, %dma_wait3A_121] : memref<2x32x512xf32, #tpu.memory_space<vmem>> -> memref<1x32x512xf32, #tpu.memory_space<vmem>>
      %dma_wait3A_123 = tpu.memref_squeeze %dma_wait3A_122 : memref<1x32x512xf32, #tpu.memory_space<vmem>> -> memref<32x512xf32, #tpu.memory_space<vmem>>
      %dma_wait3A_124 = arith.constant 0 : i32
      %dma_wait3A_125 = arith.constant 0 : i32
      %dma_wait3A_126 = tpu.memref_slice %arg5[%dma_wait3A_119, %dma_wait3A_124, %dma_wait3A_125] : memref<19x64x50000xf32, #tpu.memory_space<hbm>> -> memref<1x32x512xf32, #tpu.memory_space<hbm>>
      %dma_wait3A_127 = tpu.memref_squeeze %dma_wait3A_126 : memref<1x32x512xf32, #tpu.memory_space<hbm>> -> memref<32x512xf32, #tpu.memory_space<hbm>>
      %dma_wait3A_128 = arith.constant 0 : i32
      %dma_wait3A_129 = arith.constant 0 : i32
      %dma_wait3A_130 = tpu.memref_slice %arg5[%dma_wait3A_119, %dma_wait3A_128, %dma_wait3A_129] : memref<19x64x50000xf32, #tpu.memory_space<hbm>> -> memref<1x32x512xf32, #tpu.memory_space<hbm>>
      %dma_wait3A_131 = tpu.memref_squeeze %dma_wait3A_130 : memref<1x32x512xf32, #tpu.memory_space<hbm>> -> memref<32x512xf32, #tpu.memory_space<hbm>>
      %dma_wait3A_132 = arith.constant 0 : i32
      %dma_wait3A_133 = arith.constant 0 : i32
      %dma_wait3A_134 = tpu.memref_slice %arg10[%dma_wait3A, %dma_wait3A_132, %dma_wait3A_133] : memref<2x32x512xf32, #tpu.memory_space<vmem>> -> memref<1x32x512xf32, #tpu.memory_space<vmem>>
      %dma_wait3A_135 = tpu.memref_squeeze %dma_wait3A_134 : memref<1x32x512xf32, #tpu.memory_space<vmem>> -> memref<32x512xf32, #tpu.memory_space<vmem>>
      tpu.wait_dma2 semaphore(%arg13 : memref<!tpu.dma_semaphore, #tpu.memory_space<semaphore_mem>>) src(%dma_wait3A_135 : memref<32x512xf32, #tpu.memory_space<vmem>>) dst(%dma_wait3A_131 : memref<32x512xf32, #tpu.memory_space<hbm>>)
    } else {
    }
    %add3A_106 = arith.constant 116 : i32
    %add3A_107 = arith.addi %select_n3A, %add3A_106 : i32
    %add3A_108 = arith.constant 1 : i32
    %add3A_109 = arith.addi %add3A_107, %add3A_108 : i32
    %lt3A_110 = arith.cmpi slt, %add3A_109, %select_n3A_46 : i32
    %rem3A_111 = arith.constant 98 : i32
    %rem3A_112 = arith.remsi %add3A_109, %rem3A_111 : i32
    %ne3A_113 = arith.constant 97 : i32
    %ne3A_114 = arith.cmpi ne, %rem3A_112, %ne3A_113 : i32
    %and3A_115 = arith.andi %lt3A_110, %ne3A_114 : i1
    %convert_element_type3A_116 = arith.extui %and3A_115 : i1 to i32
    %cond3A_117 = arith.constant 0 : i32
    %cond3A_118 = arith.cmpi ne, %convert_element_type3A_116, %cond3A_117 : i32
    scf.if %cond3A_118 {
      %dma_wait3A = arith.constant 1 : i32
      %dma_wait3A_119 = arith.constant 0 : i32
      %dma_wait3A_120 = arith.constant 0 : i32
      %dma_wait3A_121 = arith.constant 0 : i32
      %dma_wait3A_122 = tpu.memref_slice %arg10[%dma_wait3A, %dma_wait3A_120, %dma_wait3A_121] : memref<2x32x512xf32, #tpu.memory_space<vmem>> -> memref<1x32x512xf32, #tpu.memory_space<vmem>>
      %dma_wait3A_123 = tpu.memref_squeeze %dma_wait3A_122 : memref<1x32x512xf32, #tpu.memory_space<vmem>> -> memref<32x512xf32, #tpu.memory_space<vmem>>
      %dma_wait3A_124 = arith.constant 0 : i32
      %dma_wait3A_125 = arith.constant 0 : i32
      %dma_wait3A_126 = tpu.memref_slice %arg5[%dma_wait3A_119, %dma_wait3A_124, %dma_wait3A_125] : memref<19x64x50000xf32, #tpu.memory_space<hbm>> -> memref<1x32x512xf32, #tpu.memory_space<hbm>>
      %dma_wait3A_127 = tpu.memref_squeeze %dma_wait3A_126 : memref<1x32x512xf32, #tpu.memory_space<hbm>> -> memref<32x512xf32, #tpu.memory_space<hbm>>
      %dma_wait3A_128 = arith.constant 0 : i32
      %dma_wait3A_129 = arith.constant 0 : i32
      %dma_wait3A_130 = tpu.memref_slice %arg5[%dma_wait3A_119, %dma_wait3A_128, %dma_wait3A_129] : memref<19x64x50000xf32, #tpu.memory_space<hbm>> -> memref<1x32x512xf32, #tpu.memory_space<hbm>>
      %dma_wait3A_131 = tpu.memref_squeeze %dma_wait3A_130 : memref<1x32x512xf32, #tpu.memory_space<hbm>> -> memref<32x512xf32, #tpu.memory_space<hbm>>
      %dma_wait3A_132 = arith.constant 0 : i32
      %dma_wait3A_133 = arith.constant 0 : i32
      %dma_wait3A_134 = tpu.memref_slice %arg10[%dma_wait3A, %dma_wait3A_132, %dma_wait3A_133] : memref<2x32x512xf32, #tpu.memory_space<vmem>> -> memref<1x32x512xf32, #tpu.memory_space<vmem>>
      %dma_wait3A_135 = tpu.memref_squeeze %dma_wait3A_134 : memref<1x32x512xf32, #tpu.memory_space<vmem>> -> memref<32x512xf32, #tpu.memory_space<vmem>>
      tpu.wait_dma2 semaphore(%arg14 : memref<!tpu.dma_semaphore, #tpu.memory_space<semaphore_mem>>) src(%dma_wait3A_135 : memref<32x512xf32, #tpu.memory_space<vmem>>) dst(%dma_wait3A_131 : memref<32x512xf32, #tpu.memory_space<hbm>>)
    } else {
    }
    return
  }
}

</mosaic_0001>

<sc_bundles>
// kernel: kernel.3.cloned.1.call-start
scs
__scs_entry_jumppad:
0x0: {  	(pc) =	sbr.rel $0x88, $3  }
0x1: {  	(tag) =	ssettag $0x0;
	lr =	simm.s32 $0x1  }
0x2: {  	[smem:$0x3F9E] =	sst lr;
	_ =	strace $0xD0000000  }
0x3: {  	_ = 	snop  }
0x4: {  	_ = 	snop  }
0x5: {  	_ = 	snop  }
0x6: {  	_ = 	snop  }
0x7: {  	_ = 	snop  }
__scs_overlays_trampoline_lowered:
0x8: {  	[smem:$0x3FAD] =	sst s0  }
0x9: {  	[smem:$0x3FAE] =	sst s1  }
0xa: {  	[smem:$0x3FAF] =	sst s2  }
0xb: {  	[smem:$0x3FB0] =	sst s3  }
0xc: {  	[smem:$0x3FB1] =	sst s4  }
0xd: {  	[smem:$0x3FB2] =	sst s5  }
0xe: {  	[smem:$0x3FB3] =	sst s6  }
0xf: {  	[smem:$0x3FB4] =	sst s7  }
0x10: {  	[smem:$0x3FB5] =	sst s8  }
0x11: {  	[smem:$0x3FB6] =	sst s9;
	s0 =	simm.s32 @!p0 $0x0  }
0x12: {  	s1 =	sld [smem:$0x3F9C];
	s0 =	simm.s32 @p0 $0x1  }
0x13: {  	[smem:$0x3FB7] =	sst s0;
	s0 =	simm.s32 @!p1 $0x0  }
0x14: {  	s2 =	sld [smem:$0x3F9B];
	s0 =	simm.s32 @p1 $0x1  }
0x15: {  	[smem:$0x3FB8] =	sst s0;
	s0 =	simm.s32 @!p2 $0x0  }
0x16: {  	s3 =	sld [smem:$0x3FDB];
	s0 =	simm.s32 @p2 $0x1  }
0x17: {  	s4 =	simm.s32 $0x1BF5;
	[smem:$0x3FBA] =	sst s0  }
0x18: {  	s0 =	sld [smem:$0x3F9D];
	_ =	swait.ge [sflag:s4], $0x0  }
0x19: {  	s7 =	sld [smem:$0x3F9E]  }
0x1a: {  	s8 =	sadd.s32 $0xFFFFE003, lr  }
0x1b: {  	s9 =	sadd.s32 $0xFFFFFEF7, lr;
	s5 =	simm.s32 $0xFFFFFFFF;
	p2 =	slt.u32 s8, $0xFFFFF086  }
0x1c: {  	p1 =	slt.u32 s9, $0xF7A;
	s5 =	simm.s32 @!p2 $0x0  }
0x1d: {  	s5 =	simm.s32 @p1 $0x1;
	p0 =	seq.s32 s7, s2  }
0x1e: {  	s7 =	smul.u32 @!p0 $0xF7A, s2;
	p2 =	seq.s32 @!p0 s5, $0x0  }
0x1f: {  	s9 =	smul.u32 $0xF7A, s1;
	s8 =	simm.s32 @!p0 $0x1BF5;
	p2 =	por !p2, p0  }
0x20: {  	[sflag:s8] =	ssyncset.s32 @!p0 $0xFFFFF086;
	s6 =	sadd.s32 @!p0 s3, s7;
	s7 =	simm.s32 @!p0 $0x108  }
0x21: {  	s3 =	sadd.s32 s3, s9;
	s6 =	sadd.s32 @!p0 $0x88, s6;
	s7 =	simm.s32 @p2 $0x1082  }
0x22: {  	[simem:s7], [sflag:s8] =	dma.local @!p0 [hbm:s6], $0xF7A  }
0x23: {  	s9 =	sor.u32 $0xD0000000, s2;
	s6 =	simm.s32 $0x108;
	_ =	swait.ge @!p0 [sflag:s8], $0x0  }
0x24: {  	s3 =	sadd.s32 $0x88, s3;
	s6 =	simm.s32 @!p1 $0x1082;
	[sflag:s4] =	ssyncset.s32 $0xFFFFF086  }
0x25: {  	[simem:s6], [sflag:s4] =	dma.local [hbm:s3], $0xF7A  }
0x26: {  	[smem:$0x3F9E] =	sst s1;
	(tag) =	ssettag s2;
	_ =	strace s9  }
0x27: {  	s1 =	sld [smem:$0x3FAE]  }
0x28: {  	s2 =	sld [smem:$0x3FAF]  }
0x29: {  	s4 =	sld [smem:$0x3FB1]  }
0x2a: {  	p0 =	seq.s32 s5, $0x0;
	s5 =	sld [smem:$0x3FB2]  }
0x2b: {  	s6 =	sld [smem:$0x3FB3]  }
0x2c: {  	s7 =	sld [smem:$0x3FB4]  }
0x2d: {  	s3 =	simm.s32 $0x108;
	s8 =	sld [smem:$0x3FB5]  }
0x2e: {  	s3 =	simm.s32 @!p0 $0x1082;
	s9 =	sld [smem:$0x3FB6]  }
0x2f: {  	lr =	sadd.s32 s0, s3;
	s0 =	sld [smem:$0x3FAD]  }
0x30: {  	s3 =	sld [smem:$0x3FB0]  }
0x31: {  	[smem:$0x3FB9] =	sst s10  }
0x32: {  	s10 =	sld [smem:$0x3FB7];
	_ =	sdelay $0x3  }
0x33: {  	p0 =	seq.s32 s10, $0x1;
	s10 =	sld [smem:$0x3FB9];
	_ =	sdelay $0x3  }
0x34: {  	[smem:$0x3FB9] =	sst s10  }
0x35: {  	s10 =	sld [smem:$0x3FB8];
	_ =	sdelay $0x3  }
0x36: {  	p1 =	seq.s32 s10, $0x1;
	s10 =	sld [smem:$0x3FB9];
	_ =	sdelay $0x3  }
0x37: {  	[smem:$0x3FB9] =	sst s10  }
0x38: {  	s10 =	sld [smem:$0x3FBA]  }
0x39: {  	_ = 	snop;
	(pc) =	sbr.ind lr, $3  }
0x3a: {  	_ = 	snop  }
0x3b: {  	_ = 	snop  }
0x3c: {  	p2 =	seq.s32 s10, $0x1;
	s10 =	sld [smem:$0x3FB9]  }
0x3d: {  	_ =	shalt  }
0x3e: {  	_ =	shalt  }
0x3f: {  	_ =	shalt  }
0x40: {  	_ =	shalt  }
0x41: {  	_ =	shalt  }
0x42: {  	_ =	shalt  }
0x43: {  	_ =	shalt  }
0x44: {  	_ =	shalt  }
0x45: {  	_ =	shalt  }
0x46: {  	_ =	shalt  }
0x47: {  	_ =	shalt  }
0x48: {  	_ =	shalt  }
0x49: {  	_ =	shalt  }
0x4a: {  	_ =	shalt  }
0x4b: {  	_ =	shalt  }
0x4c: {  	_ =	shalt  }
0x4d: {  	_ =	shalt  }
0x4e: {  	_ =	shalt  }
0x4f: {  	_ =	shalt  }
0x50: {  	_ =	shalt  }
0x51: {  	_ =	shalt  }
0x52: {  	_ =	shalt  }
0x53: {  	_ =	shalt  }
0x54: {  	_ =	shalt  }
0x55: {  	_ =	shalt  }
0x56: {  	_ =	shalt  }
0x57: {  	_ =	shalt  }
0x58: {  	_ =	shalt  }
0x59: {  	_ =	shalt  }
0x5a: {  	_ =	shalt  }
0x5b: {  	_ =	shalt  }
0x5c: {  	_ =	shalt  }
0x5d: {  	_ =	shalt  }
0x5e: {  	_ =	shalt  }
0x5f: {  	_ =	shalt  }
0x60: {  	_ =	shalt  }
0x61: {  	_ =	shalt  }
0x62: {  	_ =	shalt  }
0x63: {  	_ =	shalt  }
0x64: {  	_ =	shalt  }
0x65: {  	_ =	shalt  }
0x66: {  	_ =	shalt  }
0x67: {  	_ =	shalt  }
0x68: {  	_ =	shalt  }
0x69: {  	_ =	shalt  }
0x6a: {  	_ =	shalt  }
0x6b: {  	_ =	shalt  }
0x6c: {  	_ =	shalt  }
0x6d: {  	_ =	shalt  }
0x6e: {  	_ =	shalt  }
0x6f: {  	_ =	shalt  }
0x70: {  	_ =	shalt  }
0x71: {  	_ =	shalt  }
0x72: {  	_ =	shalt  }
0x73: {  	_ =	shalt  }
0x74: {  	_ =	shalt  }
0x75: {  	_ =	shalt  }
0x76: {  	_ =	shalt  }
0x77: {  	_ =	shalt  }
0x78: {  	_ =	shalt  }
0x79: {  	_ =	shalt  }
0x7a: {  	_ =	shalt  }
0x7b: {  	_ =	shalt  }
0x7c: {  	_ =	shalt  }
0x7d: {  	_ =	shalt  }
0x7e: {  	_ =	shalt  }
0x7f: {  	_ =	shalt  }
0x80: {  	_ =	shalt  }
0x81: {  	_ =	shalt  }
0x82: {  	_ =	shalt  }
0x83: {  	_ =	shalt  }
0x84: {  	_ =	shalt  }
0x85: {  	_ =	shalt  }
0x86: {  	_ =	shalt  }
0x87: {  	_ =	shalt  }
.Lfunc_end0:
.L_simem_size_0:
called_computation_lowered:
.L_overlay_start_0:
0x88: {  	s2 =	sld [smem:$0x3FD9]  }
0x89: {  	s3 =	sld [smem:$0x3FFE];
	_ =	sdelay $0x1  }
0x8a: {  	s1 =	srdreg.scid  }
0x8b: {  	s0 =	sand.u32 $0x1, s1  }
0x8c: {  	s17 =	sshll.u32 s0, $0xA;
	s2 =	sadd.s32 s3, s2  }
0x8d: {  	s2 =	sadd.s32 s2, s17  }
0x8e: {  	[smem:$0x3FC5] =	sst s2  }
0x8f: {  	_ = 	snop  }
0x90: {  	s2 =	sld [smem:$0x3FD0];
	(tm) =	ssettm $0x1  }
0x91: {  	s18 =	sld [smem:$0x3FFB];
	_ =	sdelay $0x3  }
0x92: {  	_ =	strace s18  }
0x93: {  	s3 =	sld [smem:$0x3FFC];
	_ =	sdelay $0x3  }
0x94: {  	_ =	strace s3  }
0x95: {  	s3 =	sld [smem:$0x3FFD];
	_ =	sdelay $0x3  }
0x96: {  	_ =	strace s3  }
0x97: {  	_ =	strace $0x8FFFFFFF  }
0x98: {  	s19 =	sld [smem:$0x3FDB];
	_ =	sdelay $0x1  }
0x99: {  	s4 =	simm.s32 $_scs_section_size  }
0x9a: {  	s5 =	simm.s32 $_size__tile_overlayer_lowered;
	s6 =	simm.s32 $_tile_overlayer_lowered  }
0x9b: {  	s22 =	simm.s32 $0x1BFF;
	s21 =	sshll.u32 s6, $0x1;
	s3 =	sadd.s32 s4, s19  }
0x9c: {  	s7 =	simm.s32 $0x0;
	s20 =	sshll.u32 s5, $0x1;
	s5 =	sadd.s32 s21, s3  }
0x9d: {  	[timem:s7], [sflag:s22] =	dma.local [hbm:s5], s20  }
0x9e: {  	_ =	swait.ge [sflag:s22], s20  }
0x9f: {  	s4 =	ssub.s32 $0x0, s20;
	[sflag:s22] =	ssyncset.done $0x0  }
0xa0: {  	[sflag:s22] =	ssyncadd.s32 s4;
	_ =	sdelay $0x1  }
0xa1: {  	s23 =	simm.s32 $0x1B8B  }
0xa2: {  	_ =	swait.ge [sflag:s23], $0x1  }
0xa3: {  	[sflag:s23] =	ssyncset.done $0x0  }
0xa4: {  	s25 =	simm.s32 $0x1B8E;
	s24 =	sld [smem:$0x3FFE];
	[sflag:s23] =	ssyncadd.s32 $0xFFFFFFFF  }
0xa5: {  	s26 =	simm.s32 $execute0_lowered;
	[smem:$0x3FD2] =	sst s25  }
0xa6: {  	s5 =	sshll.u32 s26, $0x1;
	_ =	strace $0x80000046;
	[dreg:$0x1] =	wrdreg $0xFFFFFFFF  }
0xa7: {  	s28 =	simm.s32 $_size_execute0_lowered;
	s3 =	sadd.s32 s3, s5;
	[dreg:$0x0] =	wrdreg $0x0  }
0xa8: {  	s5 =	sshll.u32 s28, $0x1;
	[dreg:$0x2] =	wrdreg s3  }
0xa9: {  	[dreg:$0x3] =	wrdreg s5  }
0xaa: {  	[dreg:$0x4] =	wrdreg $0xC0  }
0xab: {  	_ =	task [dreg:s7], $0x5FFFF  }
0xac: {  	[dreg:$0x1] =	wrdreg $0xFFFFFFFF  }
0xad: {  	[dreg:$0x0] =	wrdreg $0x60  }
0xae: {  	[dreg:$0x2] =	wrdreg s24  }
0xaf: {  	[dreg:$0x3] =	wrdreg s2  }
0xb0: {  	[dreg:$0x4] =	wrdreg $0x9  }
0xb1: {  	_ =	task.clear_ibuf [dreg:s7], $0x5FFFF;
	_ =	strace $0x90000046  }
0xb2: {  	s29 =	simm.s32 $0x9;
	_ =	strace $0x80000048  }
0xb3: {  	_ =	swait.ge [sflag:s29], $0x1  }
0xb4: {  	[sflag:s29] =	ssyncadd.s32 $0xFFFFFFFF  }
0xb5: {  	_ =	strace $0x90000048  }
0xb6: {  	_ =	sfence  }
0xb7: {  	s30 =	sld [smem:$0x0];
	_ =	sdelay $0x2  }
0xb8: {  	s31 =	sshll.u32 s1, $0xD;
	s1 =	sshrl.u32 s1, $0x2  }
0xb9: {  	s3 =	sand.u32 $0x4000, s31;
	s1 =	sadd.s32 s1, s30  }
0xba: {  	s0 =	sor.u32 s3, s0;
	s1 =	sshll.u32 s1, $0x11  }
0xbb: {  	s0 =	sor.u32 s1, s0  }
0xbc: {  	s0 =	sadd.s32 $0x8F2B, s0  }
0xbd: {  	[sflag:s0] =	ssyncadd.remote.s32 $0x1  }
0xbe: {  	_ =	sfence.sel $0xFFFF  }
0xbf: {  	[dreg:$0x0] =	wrdreg $0xFFFFFFFF;
	(pc) =	sbr.abs _section_cstart, $3  }
0xc0: {  	[dreg:$0x1] =	wrdreg $0xFFFFFFFF  }
0xc1: {  	_ =	task.clear_ibuf [dreg:s7], $0x2FFFF;
	_ =	strace $0x9FFFFFFF  }
0xc2: {  	(tm) =	ssettm $0x7FFFFFFF  }
0xc3: {  	_ =	shalt  }
tec
execute0_lowered:
.L_overlay_start_1:
0x0: {  	(tag) =	ssettag $0x1  }
0x1: {  	s0 =	srdreg.scid  }
0x2: {  	s7 =	stileid.u32;
	s2 =	rddreg [dreg:$0x0];
	s9 =	simm.s32 $0x0  }
0x3: {  	s0 =	sand.u32 $0x1, s0;
	s1 =	sshll.u32 s7, $0x1;
	[smem:$0x7FF] =	sst s9  }
0x4: {  	s5 =	sadd.s32 $0x400, s2;
	s10 =	sadd.s32 $0x600, s2;
	s17 =	sadd.s32 $0x1000, s2  }
0x5: {  	s28 =	smul.u32 $0x1D18, s7;
	s1 =	sor.u32 s0, s1;
	_ =	strace $0x80000047  }
0x6: {  	s4 =	ssub.s32 $0x2, s0;
	[dreg:$0x4] =	wrdreg s5;
	s0 =	smul.u32 $0xE8C, s0  }
0x7: {  	[dreg:$0x5] =	wrdreg s10;
	s1 =	smul.u32 $0xE8C, s1;
	s16 =	sshrl.u32 s4, $0x1  }
0x8: {  	s31 =	simm.s32 $0x480;
	[dreg:$0x6] =	wrdreg s17;
	s18 =	ssub.s32 s4, s16  }
0x9: {  	s0 =	sadd.s32 s0, s28;
	s8 =	sshrl.u32 s1, $0x5;
	s1 =	sadd.s32 $0xE8C, s1  }
0xa: {  	s2 =	smax.u32 s18, $0x1;
	s0 =	sshrl.u32 s0, $0x5;
	s3 =	smul.u32 $0xA73, s8  }
0xb: {  	s6 =	smul.u32 $0x58D1, s8;
	s11 =	sshrl.u32 s1, $0x5;
	[dreg:$0x3] =	wrdreg s8  }
0xc: {  	s23 =	sadd.s32 $0x74, s8;
	s26 =	sadd.s32 $0x75, s8;
	[dreg:$0x9] =	wrdreg s2  }
0xd: {  	[dreg:$0xd] =	wrdreg s0;
	s0 =	sadd.s32 $0x1, s0;
	s2 =	simm.s32 $0x0  }
0xe: {  	p0 =	slt.u32 s23, s11;
	p6 =	slt.u32 s26, s11;
	s3 =	sshrl.u32 s3, $0x12  }
0xf: {  	[dreg:$0xe] =	wrdreg s0;
	s19 =	sadd.s32 $0x289783, s6;
	s3 =	smul.u32 $0x62, s3  }
0x10: {  	[dreg:$0x7] =	wrdreg s11;
	s22 =	sadd.s32 $0x28F054, s6;
	s21 =	sand.u32 $0xFFFE, s19  }
0x11: {  	s4 =	sshll.u32 s19, $0xF;
	s24 =	sand.u32 $0xFFFE, s22;
	s3 =	ssub.s32 s8, s3  }
0x12: {  	s5 =	sshll.u32 s22, $0xF;
	s20 =	sshll.u32 s3, $0x6;
	s3 =	sshrl.u32 s21, $0x1  }
0x13: {  	s3 =	sor.u32 s4, s3;
	s4 =	sshrl.u32 s24, $0x1;
	s1 =	sand.u32 $0xFFC0, s20  }
0x14: {  	v0 =	vlaneseq.u32;
	v1 =	vimm.s32 $0x6;
	s3 =	sand.u32 $0xFFFF, s3;
	s25 =	sor.u32 s5, s4;
	s1 =	sadd.s32 s1, s17  }
.Ltmp0:
0x15: {  	v2 =	vimm.s32 $0x0;
	v3 =	vimm.s32 $0x1;
	v4 =	vimm.s32 $0x2;
	p1 =	sgt.u32 s3, $0x29B;
	s3 =	sand.u32 $0xFFFF, s25;
	(pc) =	sbr.rel .LBB2_1-.Ltmp0, $4  }
0x16: {  	v5 =	vimm.s32 $0x3;
	v6 =	vimm.s32 $0x4;
	v7 =	vimm.s32 $0x5;
	s29 =	sadd.s32 $0x10, s1;
	s30 =	sadd.s32 $0x20, s1;
	[dreg:$0x8] =	wrdreg s1  }
0x17: {  	v8 =	vimm.s32 $0x7;
	v9 =	vimm.s32 $0x8;
	v10 =	vimm.s32 $0x9;
	s1 =	sadd.s32 $0x30, s1;
	p2 =	sgt.u32 s3, $0x29B;
	[dreg:$0xa] =	wrdreg s29  }
0x18: {  	v11 =	vimm.s32 $0xA;
	v12 =	vimm.s32 $0xB;
	v13 =	vimm.s32 $0xC;
	p0 =	por !p0, !p1;
	[dreg:$0xb] =	wrdreg s30;
	p1 =	por !p6, !p2  }
0x19: {  	v14 =	vimm.s32 $0xD;
	v15 =	vimm.s32 $0xE;
	v16 =	vimm.s32 $0xF;
	[dreg:$0xc] =	wrdreg s1;
	p0 =	por !p0, !p0;
	p1 =	por !p1, !p1  }
.LBB2_18:
0x1a: {  	s0 =	simm.s32 @p0 $0x3  }
0x1b: {  	_ =	swait.ge @p0 [sflag:s0], $0x4000  }
0x1c: {  	[sflag:s0] =	ssyncset.done @p0 $0x0  }
0x1d: {  	[sflag:s0] =	ssyncadd.s32 @p0 $0xFFFFC000;
	s0 =	simm.s32 @p1 $0x4  }
0x1e: {  	_ =	swait.ge @p1 [sflag:s0], $0x4000  }
0x1f: {  	s2 =	rddreg [dreg:$0xf]  }
0x20: {  	s1 =	rddreg [dreg:$0x9];
	s2 =	sadd.s32 $0x1, s2  }
0x21: {  	p2 =	sne.s32 s2, s1  }
.Ltmp1:
0x22: {  	_ = 	snop;
	(pc) =	sbr.rel @!p2 .LBB2_19-.Ltmp1, $3  }
0x23: {  	_ =	sdelay $0x1  }
0x24: {  	[sflag:s0] =	ssyncset.done @p1 $0x0  }
0x25: {  	[sflag:s0] =	ssyncadd.s32 @p1 $0xFFFFC000  }
.LBB2_1:
0x26: {  	[dreg:$0xf] =	wrdreg s2  }
0x27: {  	s0 =	rddreg [dreg:$0x8]  }
0x28: {  	s1 =	simm.s32 $0xC480;
	s24 =	rddreg [dreg:$0xa]  }
0x29: {  	[tilespmem:s1], [sflag:$0x1] =	stream.linear.gather [hbm4b:s0+s9], $0x80, $0x38;
	[tilespmem:$0x14880] =	vst v63  }
0x2a: {  	s25 =	simm.s32 $0xC580;
	s26 =	rddreg [dreg:$0xb]  }
0x2b: {  	[tilespmem:s25], [sflag:$0x1] =	stream.linear.gather [hbm4b:s24+s9], $0x80, $0x38;
	[tilespmem:$0x14880] =	vst v63  }
.Ltmp2:
0x2c: {  	s29 =	rddreg [dreg:$0xc];
	(pc) =	sbr.rel .LBB2_2-.Ltmp2, $4  }
0x2d: {  	s28 =	simm.s32 $0xC680;
	s30 =	simm.s32 $0xC780;
	s4 =	rddreg [dreg:$0xe]  }
0x2e: {  	[tilespmem:s28], [sflag:$0x1] =	stream.linear.gather [hbm4b:s26+s9], $0x80, $0x38;
	[tilespmem:$0x14880] =	vst v63  }
0x2f: {  	s5 =	rddreg [dreg:$0xd];
	s6 =	simm.s32 $0x0;
	s0 =	simm.s32 $0xFFFFFFFF  }
0x30: {  	[tilespmem:s30], [sflag:$0x1] =	stream.linear.gather [hbm4b:s29+s9], $0x80, $0x38;
	[tilespmem:$0x14880] =	vst v63  }
.LBB2_16:
0x31: {  	s0 =	rddreg [dreg:$0x17]  }
0x32: {  	s1 =	rddreg [dreg:$0x1a];
	s0 =	smul.u32 $0x30E000, s0  }
0x33: {  	s7 =	rddreg [dreg:$0x19];
	s1 =	smul.u32 $0x187000, s1  }
0x34: {  	p2 =	sgt.u32 s7, $0x60  }
0x35: {  	s2 =	sadd.s32 @p2 s1, s0  }
0x36: {  	s2 =	sadd.s32 @p2 $0x61000, s2  }
0x37: {  	s6 =	rddreg [dreg:$0x1];
	s2 =	sshrl.u32 @p2 s2, $0x3  }
0x38: {  	s3 =	simm.s32 @p2 $0x0;
	s4 =	simm.s32 @p2 $0x10880;
	s2 =	sadd.s32 @p2 s6, s2  }
0x39: {  	[hbm4b:s2+s3] =	stream.linear.scatter @p2 [tilespmem:s4], [sflag:$0x5], $0xC00, $0x38;
	[tilespmem:$0x14880] =	vst v63  }
0x3a: {  	s5 =	simm.s32 @p2 $0x11880;
	s4 =	sadd.s32 @p2 $0xC380, s2  }
0x3b: {  	[hbm4b:s4+s3] =	stream.linear.scatter @p2 [tilespmem:s5], [sflag:$0x5], $0xC00, $0x38;
	[tilespmem:$0x14880] =	vst v63  }
0x3c: {  	s4 =	sadd.s32 @p2 $0x18700, s2;
	s5 =	simm.s32 @p2 $0x12880  }
0x3d: {  	[hbm4b:s4+s3] =	stream.linear.scatter @p2 [tilespmem:s5], [sflag:$0x5], $0xC00, $0x38;
	[tilespmem:$0x14880] =	vst v63  }
0x3e: {  	s2 =	sadd.s32 @p2 $0x24A80, s2;
	s4 =	simm.s32 @p2 $0x13880  }
0x3f: {  	[hbm4b:s2+s3] =	stream.linear.scatter @p2 [tilespmem:s4], [sflag:$0x5], $0xC00, $0x38;
	[tilespmem:$0x14880] =	vst v63  }
0x40: {  	s2 =	sshll.u32 @!p2 s7, $0xC;
	s3 =	simm.s32 @p2 $0x5  }
0x41: {  	s0 =	sadd.s32 @!p2 s2, s0;
	_ =	swait.ge @p2 [sflag:s3], $0x3000  }
0x42: {  	s2 =	simm.s32 @!p2 $0x61C00;
	s0 =	sadd.s32 @!p2 s1, s0;
	s11 =	rddreg [dreg:$0x7]  }
0x43: {  	[sflag:s3] =	ssyncset.done @p2 $0x0;
	s1 =	simm.s32 @!p2 $0x1000;
	s4 =	rddreg [dreg:$0x10]  }
0x44: {  	s5 =	rddreg [dreg:$0x11];
	s0 =	sshrl.u32 @!p2 s0, $0x3;
	[sflag:s3] =	ssyncadd.s32 @p2 $0xFFFFD000  }
0x45: {  	s3 =	simm.s32 @!p2 $0x10880;
	s0 =	sadd.s32 @!p2 s6, s0;
	s6 =	rddreg [dreg:$0x12]  }
0x46: {  	[hbm4b:s0+s1] =	stream.strided.scatter @!p2 [tilespmem:s3], [sflag:$0x4], $0x4000, s2, s1, $0x38;
	[tilespmem:$0x14880] =	vst v63  }
0x47: {  	s9 =	simm.s32 $0x0;
	s31 =	simm.s32 $0x480;
	s0 =	rddreg [dreg:$0x15]  }
.LBB2_17:
0x48: {  	s6 =	sadd.s32 $0x1, s6  }
0x49: {  	p2 =	sne.s32 s6, $0x3B  }
.Ltmp3:
0x4a: {  	_ = 	snop;
	(pc) =	sbr.rel @!p2 .LBB2_18-.Ltmp3, $2  }
0x4b: {  	_ =	sdelay $0x2  }
0x4c: {  	s5 =	sadd.s32 $0x2, s5;
	s4 =	sadd.s32 $0x2, s4  }
.LBB2_2:
0x4d: {  	s1 =	sshll.u32 s6, $0x1;
	s2 =	rddreg [dreg:$0x3]  }
0x4e: {  	s7 =	sadd.s32 s2, s1  }
0x4f: {  	s1 =	sadd.s32 $0xFFFFFFFE, s7  }
0x50: {  	s30 =	smulhi.u32 $0x5397829D, s1;
	s3 =	sshra.s32 s1, $0x1F  }
0x51: {  	s3 =	smul.u32 $0x5397829D, s3;
	_ =	sdelay $0x1  }
0x52: {  	s2 =	sadd.s32 s3, s30  }
0x53: {  	s3 =	sshrl.u32 s2, $0x1F;
	s2 =	sshra.s32 s2, $0x5  }
0x54: {  	s2 =	sadd.s32 s3, s2  }
0x55: {  	p2 =	seq.s32 s6, $0x0;
	s2 =	smul.u32 $0x62, s2  }
0x56: {  	p3 =	sge.s32 @!p2 s1, s11  }
0x57: {  	p4 =	por p3, p2;
	s1 =	ssub.s32 s1, s2  }
0x58: {  	p4 =	seq.s32 @!p4 s1, $0x61  }
0x59: {  	p3 =	por @!p2 p4, p3;
	p4 =	slt.u32 s7, s11  }
.Ltmp4:
0x5a: {  	p3 =	por p3, p2;
	(pc) =	sbr.rel @!p4 .LBB2_3-.Ltmp4, $4  }
0x5b: {  	s1 =	simm.s32 @!p3 $0x3  }
0x5c: {  	_ =	swait.ge @!p3 [sflag:s1], $0x4000;
	[dreg:$0x10] =	wrdreg s4  }
0x5d: {  	[dreg:$0x11] =	wrdreg s5;
	[sflag:s1] =	ssyncset.done @!p3 $0x0  }
0x5e: {  	[dreg:$0x12] =	wrdreg s6;
	[sflag:s1] =	ssyncadd.s32 @!p3 $0xFFFFC000  }
0x5f: {  	s1 =	smulhi.u32 $0x5397829D, s7;
	_ =	sdelay $0x1  }
0x60: {  	s8 =	sshrl.u32 s1, $0x5  }
0x61: {  	s2 =	sand.u32 $0x1, s8  }
0x62: {  	p3 =	slt.u32 s7, $0x62;
	p4 =	seq.s32 s2, $0x1  }
0x63: {  	p4 =	por !p3, !p4  }
0x64: {  	s2 =	simm.s32 $0x1;
	p4 =	por !p4, !p4  }
0x65: {  	s2 =	simm.s32 @!p4 $0x0;
	p4 =	seq.s32 s8, s0  }
.Ltmp5:
0x66: {  	_ = 	snop;
	(pc) =	sbr.rel @p4 .LBB2_7-.Ltmp5, $3  }
0x67: {  	_ =	sdelay $0x1  }
0x68: {  	s1 =	sshrl.u32 s1, $0x6  }
0x69: {  	s10 =	ssub.s32 s1, s2  }
0x6a: {  	s0 =	smul.u32 $0x60, s10  }
0x6b: {  	s1 =	smulhi.u32 $0x5397829D, s5;
	s2 =	rddreg [dreg:$0x4];
	s23 =	simm.s32 $0x0  }
0x6c: {  	s25 =	simm.s32 $0x400;
	s26 =	smul.u32 $0x3C0, s10;
	s0 =	sshrl.u32 s0, $0x3  }
0x6d: {  	s3 =	simm.s32 $0x6;
	s28 =	sshrl.u32 s1, $0x5;
	s0 =	sadd.s32 s2, s0  }
0x6e: {  	[tilespmem:s25], [sflag:$0x6] =	stream.linear.gather [hbm4b:s0+s23], $0x60, $0x38;
	[tilespmem:$0x14880] =	vst v63  }
0x6f: {  	s2 =	sand.u32 $0x1, s28;
	s0 =	sshrl.u32 s26, $0x3;
	_ =	swait.ge [sflag:s3], $0x60  }
0x70: {  	p4 =	seq.s32 s2, $0x1;
	[sflag:s3] =	ssyncset.done $0x0;
	s29 =	rddreg [dreg:$0x5]  }
0x71: {  	p3 =	por !p3, !p4;
	[sflag:s3] =	ssyncadd.s32 $0xFFFFFFA0;
	s0 =	sadd.s32 s29, s0  }
0x72: {  	[tilespmem:s23], [sflag:$0x6] =	stream.linear.gather [hbm4b:s0+s23], $0x3C0, $0x38;
	[tilespmem:$0x14880] =	vst v63  }
0x73: {  	p3 =	por !p3, !p3;
	s0 =	simm.s32 $0x1  }
0x74: {  	s30 =	sshrl.u32 s1, $0x6;
	s0 =	simm.s32 @!p3 $0x0  }
0x75: {  	_ =	swait.ge [sflag:s3], $0x3C0;
	s0 =	ssub.s32 s30, s0  }
0x76: {  	s1 =	sand.u32 $0x7FFFFFE0, s1;
	[sflag:s3] =	ssyncset.done $0x0;
	s0 =	sshll.u32 s0, $0x6  }
0x77: {  	s25 =	simm.s32 $0x780;
	[sflag:s3] =	ssyncadd.s32 $0xFFFFFC40;
	s24 =	ssub.s32 s1, s0  }
.LBB2_6:
0x78: {  	v17 =	vld [tilespmem:$0x400];
	_ =	sdelay $0x4  }
0x79: {  	s26 =	sadd.s32 s23, s24;
	v17 =	vshll.u32 v17, $0x6  }
0x7a: {  	v17 =	vadd.s32 s26, v17;
	_ =	sdelay $0x4  }
0x7b: {  	v17 =	vld.idx.msk [tilespmem:v17+s9+$0x0], $0xffff;
	_ =	sdelay $0x4  }
0x7c: {  	v18 =	vperm.xlane v17, v2  }
0x7d: {  	v19 =	vperm.xlane v17, v3  }
0x7e: {  	[tilespmem:s25+$0xFFFFFD00] =	vst v18;
	v18 =	vperm.xlane v17, v4  }
0x7f: {  	[tilespmem:s25+$0xFFFFFD10] =	vst v19;
	v19 =	vperm.xlane v17, v5  }
0x80: {  	[tilespmem:s25+$0xFFFFFD20] =	vst v18;
	v18 =	vperm.xlane v17, v6  }
0x81: {  	[tilespmem:s25+$0xFFFFFD30] =	vst v19;
	v19 =	vperm.xlane v17, v7  }
0x82: {  	[tilespmem:s25+$0xFFFFFD40] =	vst v18;
	v18 =	vperm.xlane v17, v1  }
0x83: {  	[tilespmem:s25+$0xFFFFFD50] =	vst v19;
	v19 =	vperm.xlane v17, v8  }
0x84: {  	[tilespmem:s25+$0xFFFFFD60] =	vst v18;
	v18 =	vperm.xlane v17, v9  }
0x85: {  	[tilespmem:s25+$0xFFFFFD70] =	vst v19;
	v19 =	vperm.xlane v17, v10  }
0x86: {  	[tilespmem:s25+$0xFFFFFD80] =	vst v18;
	v18 =	vperm.xlane v17, v11  }
0x87: {  	[tilespmem:s25+$0xFFFFFD90] =	vst v19;
	v19 =	vperm.xlane v17, v12  }
0x88: {  	[tilespmem:s25+$0xFFFFFDA0] =	vst v18;
	v18 =	vperm.xlane v17, v13  }
0x89: {  	[tilespmem:s25+$0xFFFFFDB0] =	vst v19;
	v19 =	vperm.xlane v17, v14  }
0x8a: {  	[tilespmem:s25+$0xFFFFFDC0] =	vst v18;
	v18 =	vperm.xlane v17, v15  }
0x8b: {  	[tilespmem:s25+$0xFFFFFDD0] =	vst v19;
	v17 =	vperm.xlane v17, v16  }
0x8c: {  	[tilespmem:s25+$0xFFFFFDE0] =	vst v18  }
0x8d: {  	[tilespmem:s25+$0xFFFFFDF0] =	vst v17  }
0x8e: {  	v17 =	vld [tilespmem:$0x410];
	_ =	sdelay $0x4  }
0x8f: {  	v17 =	vshll.u32 v17, $0x6  }
0x90: {  	v17 =	vadd.s32 s26, v17;
	_ =	sdelay $0x4  }
0x91: {  	v17 =	vld.idx.msk [tilespmem:v17+s9+$0x0], $0xffff;
	_ =	sdelay $0x4  }
0x92: {  	v18 =	vperm.xlane v17, v2  }
0x93: {  	v19 =	vperm.xlane v17, v3  }
0x94: {  	[tilespmem:s25+$0xFFFFFE00] =	vst v18;
	v18 =	vperm.xlane v17, v4  }
0x95: {  	[tilespmem:s25+$0xFFFFFE10] =	vst v19;
	v19 =	vperm.xlane v17, v5  }
0x96: {  	[tilespmem:s25+$0xFFFFFE20] =	vst v18;
	v18 =	vperm.xlane v17, v6  }
0x97: {  	[tilespmem:s25+$0xFFFFFE30] =	vst v19;
	v19 =	vperm.xlane v17, v7  }
0x98: {  	[tilespmem:s25+$0xFFFFFE40] =	vst v18;
	v18 =	vperm.xlane v17, v1  }
0x99: {  	[tilespmem:s25+$0xFFFFFE50] =	vst v19;
	v19 =	vperm.xlane v17, v8  }
0x9a: {  	[tilespmem:s25+$0xFFFFFE60] =	vst v18;
	v18 =	vperm.xlane v17, v9  }
0x9b: {  	[tilespmem:s25+$0xFFFFFE70] =	vst v19;
	v19 =	vperm.xlane v17, v10  }
0x9c: {  	[tilespmem:s25+$0xFFFFFE80] =	vst v18;
	v18 =	vperm.xlane v17, v11  }
0x9d: {  	[tilespmem:s25+$0xFFFFFE90] =	vst v19;
	v19 =	vperm.xlane v17, v12  }
0x9e: {  	[tilespmem:s25+$0xFFFFFEA0] =	vst v18;
	v18 =	vperm.xlane v17, v13  }
0x9f: {  	[tilespmem:s25+$0xFFFFFEB0] =	vst v19;
	v19 =	vperm.xlane v17, v14  }
0xa0: {  	[tilespmem:s25+$0xFFFFFEC0] =	vst v18;
	v18 =	vperm.xlane v17, v15  }
0xa1: {  	[tilespmem:s25+$0xFFFFFED0] =	vst v19;
	v17 =	vperm.xlane v17, v16  }
0xa2: {  	[tilespmem:s25+$0xFFFFFEE0] =	vst v18  }
0xa3: {  	[tilespmem:s25+$0xFFFFFEF0] =	vst v17  }
0xa4: {  	v17 =	vld [tilespmem:$0x420];
	_ =	sdelay $0x4  }
0xa5: {  	v17 =	vshll.u32 v17, $0x6  }
0xa6: {  	v17 =	vadd.s32 s26, v17;
	_ =	sdelay $0x4  }
0xa7: {  	v17 =	vld.idx.msk [tilespmem:v17+s9+$0x0], $0xffff;
	_ =	sdelay $0x4  }
0xa8: {  	v18 =	vperm.xlane v17, v2  }
0xa9: {  	v19 =	vperm.xlane v17, v3  }
0xaa: {  	[tilespmem:s25+$0xFFFFFF00] =	vst v18;
	v18 =	vperm.xlane v17, v4  }
0xab: {  	[tilespmem:s25+$0xFFFFFF10] =	vst v19;
	v19 =	vperm.xlane v17, v5  }
0xac: {  	[tilespmem:s25+$0xFFFFFF20] =	vst v18;
	v18 =	vperm.xlane v17, v6  }
0xad: {  	[tilespmem:s25+$0xFFFFFF30] =	vst v19;
	v19 =	vperm.xlane v17, v7  }
0xae: {  	[tilespmem:s25+$0xFFFFFF40] =	vst v18;
	v18 =	vperm.xlane v17, v1  }
0xaf: {  	[tilespmem:s25+$0xFFFFFF50] =	vst v19;
	v19 =	vperm.xlane v17, v8  }
0xb0: {  	[tilespmem:s25+$0xFFFFFF60] =	vst v18;
	v18 =	vperm.xlane v17, v9  }
0xb1: {  	[tilespmem:s25+$0xFFFFFF70] =	vst v19;
	v19 =	vperm.xlane v17, v10  }
0xb2: {  	[tilespmem:s25+$0xFFFFFF80] =	vst v18;
	v18 =	vperm.xlane v17, v11  }
0xb3: {  	[tilespmem:s25+$0xFFFFFF90] =	vst v19;
	v19 =	vperm.xlane v17, v12  }
0xb4: {  	[tilespmem:s25+$0xFFFFFFA0] =	vst v18;
	v18 =	vperm.xlane v17, v13  }
0xb5: {  	[tilespmem:s25+$0xFFFFFFB0] =	vst v19;
	v19 =	vperm.xlane v17, v14  }
0xb6: {  	[tilespmem:s25+$0xFFFFFFC0] =	vst v18;
	v18 =	vperm.xlane v17, v15  }
0xb7: {  	[tilespmem:s25+$0xFFFFFFD0] =	vst v19;
	v17 =	vperm.xlane v17, v16  }
0xb8: {  	[tilespmem:s25+$0xFFFFFFE0] =	vst v18  }
0xb9: {  	[tilespmem:s25+$0xFFFFFFF0] =	vst v17  }
0xba: {  	v17 =	vld [tilespmem:$0x430];
	_ =	sdelay $0x4  }
0xbb: {  	v17 =	vshll.u32 v17, $0x6  }
0xbc: {  	v17 =	vadd.s32 s26, v17;
	_ =	sdelay $0x4  }
0xbd: {  	v17 =	vld.idx.msk [tilespmem:v17+s9+$0x0], $0xffff;
	_ =	sdelay $0x4  }
0xbe: {  	v18 =	vperm.xlane v17, v2  }
0xbf: {  	v19 =	vperm.xlane v17, v3  }
0xc0: {  	[tilespmem:s25+$0x0] =	vst v18;
	v18 =	vperm.xlane v17, v4  }
0xc1: {  	[tilespmem:s25+$0x10] =	vst v19;
	v19 =	vperm.xlane v17, v5  }
0xc2: {  	[tilespmem:s25+$0x20] =	vst v18;
	v18 =	vperm.xlane v17, v6  }
0xc3: {  	[tilespmem:s25+$0x30] =	vst v19;
	v19 =	vperm.xlane v17, v7  }
0xc4: {  	[tilespmem:s25+$0x40] =	vst v18;
	v18 =	vperm.xlane v17, v1  }
0xc5: {  	[tilespmem:s25+$0x50] =	vst v19;
	v19 =	vperm.xlane v17, v8  }
0xc6: {  	[tilespmem:s25+$0x60] =	vst v18;
	v18 =	vperm.xlane v17, v9  }
0xc7: {  	[tilespmem:s25+$0x70] =	vst v19;
	v19 =	vperm.xlane v17, v10  }
0xc8: {  	[tilespmem:s25+$0x80] =	vst v18;
	v18 =	vperm.xlane v17, v11  }
0xc9: {  	[tilespmem:s25+$0x90] =	vst v19;
	v19 =	vperm.xlane v17, v12  }
0xca: {  	[tilespmem:s25+$0xA0] =	vst v18;
	v18 =	vperm.xlane v17, v13  }
0xcb: {  	[tilespmem:s25+$0xB0] =	vst v19;
	v19 =	vperm.xlane v17, v14  }
0xcc: {  	[tilespmem:s25+$0xC0] =	vst v18;
	v18 =	vperm.xlane v17, v15  }
0xcd: {  	[tilespmem:s25+$0xD0] =	vst v19;
	v17 =	vperm.xlane v17, v16  }
0xce: {  	[tilespmem:s25+$0xE0] =	vst v18  }
0xcf: {  	[tilespmem:s25+$0xF0] =	vst v17  }
0xd0: {  	v17 =	vld [tilespmem:$0x440];
	_ =	sdelay $0x4  }
0xd1: {  	v17 =	vshll.u32 v17, $0x6  }
0xd2: {  	v17 =	vadd.s32 s26, v17;
	_ =	sdelay $0x4  }
0xd3: {  	v17 =	vld.idx.msk [tilespmem:v17+s9+$0x0], $0xffff;
	_ =	sdelay $0x4  }
0xd4: {  	v18 =	vperm.xlane v17, v2  }
0xd5: {  	v19 =	vperm.xlane v17, v3  }
0xd6: {  	[tilespmem:s25+$0x100] =	vst v18;
	v18 =	vperm.xlane v17, v4  }
0xd7: {  	[tilespmem:s25+$0x110] =	vst v19;
	v19 =	vperm.xlane v17, v5  }
0xd8: {  	[tilespmem:s25+$0x120] =	vst v18;
	v18 =	vperm.xlane v17, v6  }
0xd9: {  	[tilespmem:s25+$0x130] =	vst v19;
	v19 =	vperm.xlane v17, v7  }
0xda: {  	[tilespmem:s25+$0x140] =	vst v18;
	v18 =	vperm.xlane v17, v1  }
0xdb: {  	[tilespmem:s25+$0x150] =	vst v19;
	v19 =	vperm.xlane v17, v8  }
0xdc: {  	[tilespmem:s25+$0x160] =	vst v18;
	v18 =	vperm.xlane v17, v9  }
0xdd: {  	[tilespmem:s25+$0x170] =	vst v19;
	v19 =	vperm.xlane v17, v10  }
0xde: {  	[tilespmem:s25+$0x180] =	vst v18;
	v18 =	vperm.xlane v17, v11  }
0xdf: {  	[tilespmem:s25+$0x190] =	vst v19;
	v19 =	vperm.xlane v17, v12  }
0xe0: {  	[tilespmem:s25+$0x1A0] =	vst v18;
	v18 =	vperm.xlane v17, v13  }
0xe1: {  	[tilespmem:s25+$0x1B0] =	vst v19;
	v19 =	vperm.xlane v17, v14  }
0xe2: {  	[tilespmem:s25+$0x1C0] =	vst v18;
	v18 =	vperm.xlane v17, v15  }
0xe3: {  	[tilespmem:s25+$0x1D0] =	vst v19;
	v17 =	vperm.xlane v17, v16  }
0xe4: {  	[tilespmem:s25+$0x1E0] =	vst v18  }
0xe5: {  	[tilespmem:s25+$0x1F0] =	vst v17  }
0xe6: {  	v17 =	vld [tilespmem:$0x450];
	_ =	sdelay $0x4  }
0xe7: {  	v17 =	vshll.u32 v17, $0x6  }
0xe8: {  	v17 =	vadd.s32 s26, v17;
	_ =	sdelay $0x4  }
0xe9: {  	v17 =	vld.idx.msk [tilespmem:v17+s9+$0x0], $0xffff;
	_ =	sdelay $0x4  }
0xea: {  	v18 =	vperm.xlane v17, v2  }
0xeb: {  	v19 =	vperm.xlane v17, v3  }
0xec: {  	[tilespmem:s25+$0x200] =	vst v18;
	v18 =	vperm.xlane v17, v4  }
0xed: {  	[tilespmem:s25+$0x210] =	vst v19;
	v19 =	vperm.xlane v17, v5  }
0xee: {  	[tilespmem:s25+$0x220] =	vst v18;
	v18 =	vperm.xlane v17, v6  }
0xef: {  	[tilespmem:s25+$0x230] =	vst v19;
	v19 =	vperm.xlane v17, v7  }
0xf0: {  	[tilespmem:s25+$0x240] =	vst v18;
	v18 =	vperm.xlane v17, v1  }
0xf1: {  	[tilespmem:s25+$0x250] =	vst v19;
	v19 =	vperm.xlane v17, v8  }
0xf2: {  	[tilespmem:s25+$0x260] =	vst v18;
	v18 =	vperm.xlane v17, v9  }
0xf3: {  	[tilespmem:s25+$0x270] =	vst v19;
	v19 =	vperm.xlane v17, v10  }
0xf4: {  	[tilespmem:s25+$0x280] =	vst v18;
	v18 =	vperm.xlane v17, v11  }
0xf5: {  	[tilespmem:s25+$0x290] =	vst v19;
	v19 =	vperm.xlane v17, v12  }
0xf6: {  	p3 =	sne.s32 s23, $0x1F;
	[tilespmem:s25+$0x2A0] =	vst v18;
	v18 =	vperm.xlane v17, v13  }
.Ltmp6:
0xf7: {  	[tilespmem:s25+$0x2B0] =	vst v19;
	v19 =	vperm.xlane v17, v14;
	(pc) =	sbr.rel @p3 .LBB2_6-.Ltmp6, $4  }
0xf8: {  	[tilespmem:s25+$0x2C0] =	vst v18;
	v18 =	vperm.xlane v17, v15  }
0xf9: {  	[tilespmem:s25+$0x2D0] =	vst v19;
	v17 =	vperm.xlane v17, v16  }
0xfa: {  	[tilespmem:s25+$0x2E0] =	vst v18  }
0xfb: {  	s23 =	sadd.s32 $0x1, s23;
	[tilespmem:s25+$0x2F0] =	vst v17;
	s25 =	sadd.s32 $0x600, s25  }
.LBB2_7:
0xfc: {  	s1 =	sadd.s32 $0x1, s7  }
0xfd: {  	p3 =	sge.u32 s1, s11  }
0xfe: {  	s0 =	smulhi.u32 @!p3 $0x5397829D, s1;
	_ =	sdelay $0x1  }
0xff: {  	s0 =	sshrl.u32 @!p3 s0, $0x5  }
0x100: {  	s0 =	smul.u32 @!p3 $0x62, s0;
	_ =	sdelay $0x1  }
0x101: {  	[dreg:$0x14] =	wrdreg s1;
	s0 =	ssub.s32 @!p3 s1, s0  }
0x102: {  	s1 =	rddreg [dreg:$0x6];
	s0 =	sshll.u32 @!p3 s0, $0x6  }
0x103: {  	s2 =	simm.s32 @!p3 $0xC500;
	s0 =	sadd.s32 @!p3 s1, s0;
	s1 =	simm.s32 @!p3 $0x0  }
0x104: {  	[tilespmem:s2], [sflag:$0x2] =	stream.linear.gather @!p3 [hbm4b:s0+s1], $0x80, $0x38;
	[tilespmem:$0x14880] =	vst v63  }
0x105: {  	s28 =	smul.u32 $0x62, s8;
	s3 =	simm.s32 @!p3 $0xC600;
	s2 =	sadd.s32 @!p3 $0x10, s0  }
0x106: {  	[tilespmem:s3], [sflag:$0x2] =	stream.linear.gather @!p3 [hbm4b:s2+s1], $0x80, $0x38;
	[tilespmem:$0x14880] =	vst v63  }
0x107: {  	[dreg:$0x18] =	wrdreg s10;
	s2 =	sadd.s32 @!p3 $0x20, s0;
	s3 =	simm.s32 @!p3 $0xC700  }
0x108: {  	[tilespmem:s3], [sflag:$0x2] =	stream.linear.gather @!p3 [hbm4b:s2+s1], $0x80, $0x38;
	[tilespmem:$0x14880] =	vst v63  }
0x109: {  	s30 =	simm.s32 $0x1;
	s0 =	sadd.s32 @!p3 $0x30, s0;
	s3 =	simm.s32 @!p3 $0xC800  }
0x10a: {  	[tilespmem:s3], [sflag:$0x2] =	stream.linear.gather @!p3 [hbm4b:s0+s1], $0x80, $0x38;
	[tilespmem:$0x14880] =	vst v63  }
0x10b: {  	s2 =	ssub.s32 s7, s28;
	_ =	swait.ge [sflag:s30], $0x200;
	[dreg:$0x13] =	wrdreg s7  }
0x10c: {  	s29 =	sshll.u32 s10, $0x1;
	s24 =	simm.s32 $0x0;
	[dreg:$0x1b] =	wrdreg s2  }
0x10d: {  	s0 =	ssub.s32 s8, s29;
	[dreg:$0x16] =	wrdreg s8;
	[sflag:s30] =	ssyncset.done $0x0  }
0x10e: {  	s25 =	simm.s32 $0x0;
	[dreg:$0x1c] =	wrdreg s0;
	[sflag:s30] =	ssyncadd.s32 $0xFFFFFE00  }
.LBB2_8:
0x10f: {  	s5 =	sand.u32 $0xC00, s25  }
0x110: {  	s0 =	sshrl.u32 s5, $0x2  }
0x111: {  	s10 =	sand.u32 $0x60, s24;
	s0 =	sor.u32 $0xC480, s0  }
0x112: {  	s1 =	sor.u32 s10, s0  }
0x113: {  	v17 =	vld [tilespmem:s1+$0x0];
	_ =	sdelay $0x4  }
0x114: {  	v17 =	vshll.u32 v17, $0x4  }
0x115: {  	v17 =	vor.u32 v0, v17;
	_ =	sdelay $0x4  }
0x116: {  	s6 =	simm.s32 $0xA80;
	v18 =	vld.idx.msk [tilespmem:v17+s31+$0x0], $0xffff  }
0x117: {  	s7 =	simm.s32 $0x1080;
	v19 =	vld.idx.msk [tilespmem:v17+s6+$0x0], $0xffff  }
0x118: {  	s8 =	simm.s32 $0x1680;
	v20 =	vld.idx.msk [tilespmem:v17+s7+$0x0], $0xffff  }
0x119: {  	s9 =	simm.s32 $0x1C80;
	v21 =	vld.idx.msk [tilespmem:v17+s8+$0x0], $0xffff  }
0x11a: {  	s11 =	simm.s32 $0x2280;
	v22 =	vld.idx.msk [tilespmem:v17+s9+$0x0], $0xffff  }
0x11b: {  	s12 =	simm.s32 $0x2880;
	v23 =	vld.idx.msk [tilespmem:v17+s11+$0x0], $0xffff  }
0x11c: {  	s13 =	simm.s32 $0x2E80;
	s1 =	sadd.s32 $0xC880, s5;
	v24 =	vld.idx.msk [tilespmem:v17+s12+$0x0], $0xffff  }
0x11d: {  	s2 =	simm.s32 $0x3480;
	s14 =	sor.u32 s10, s1;
	v25 =	vld.idx.msk [tilespmem:v17+s13+$0x0], $0xffff  }
0x11e: {  	s3 =	simm.s32 $0x3A80;
	v26 =	vld.idx.msk [tilespmem:v17+s2+$0x0], $0xffff;
	[tilespmem:s14+$0x0] =	vst v18  }
0x11f: {  	s15 =	simm.s32 $0x4080;
	v18 =	vld.idx.msk [tilespmem:v17+s3+$0x0], $0xffff;
	[tilespmem:s14+$0x80] =	vst v19  }
0x120: {  	s16 =	simm.s32 $0x4680;
	v19 =	vld.idx.msk [tilespmem:v17+s15+$0x0], $0xffff;
	[tilespmem:s14+$0x100] =	vst v20  }
0x121: {  	s17 =	simm.s32 $0x4C80;
	v20 =	vld.idx.msk [tilespmem:v17+s16+$0x0], $0xffff;
	[tilespmem:s14+$0x180] =	vst v21  }
0x122: {  	s18 =	simm.s32 $0x5280;
	v21 =	vld.idx.msk [tilespmem:v17+s17+$0x0], $0xffff;
	[tilespmem:s14+$0x200] =	vst v22  }
0x123: {  	s19 =	simm.s32 $0x5880;
	v22 =	vld.idx.msk [tilespmem:v17+s18+$0x0], $0xffff;
	[tilespmem:s14+$0x280] =	vst v23  }
0x124: {  	s20 =	simm.s32 $0x5E80;
	s11 =	sadd.s32 $0xD880, s5;
	v23 =	vld.idx.msk [tilespmem:v17+s19+$0x0], $0xffff;
	[tilespmem:s14+$0x300] =	vst v24  }
0x125: {  	s21 =	simm.s32 $0x6480;
	s9 =	sadd.s32 $0xD900, s5;
	s22 =	sor.u32 s10, s11;
	v24 =	vld.idx.msk [tilespmem:v17+s20+$0x0], $0xffff;
	[tilespmem:s14+$0x380] =	vst v25  }
0x126: {  	s23 =	simm.s32 $0x6A80;
	s12 =	sadd.s32 $0xD980, s5;
	s26 =	sor.u32 s10, s9;
	v25 =	vld.idx.msk [tilespmem:v17+s21+$0x0], $0xffff;
	[tilespmem:s22+$0x0] =	vst v26  }
0x127: {  	s28 =	simm.s32 $0x7080;
	s6 =	sadd.s32 $0xDA00, s5;
	s29 =	sor.u32 s10, s12;
	v26 =	vld.idx.msk [tilespmem:v17+s23+$0x0], $0xffff;
	[tilespmem:s26+$0x0] =	vst v18  }
0x128: {  	s30 =	simm.s32 $0x7680;
	s13 =	sadd.s32 $0xDA80, s5;
	s3 =	sor.u32 s10, s6;
	v18 =	vld.idx.msk [tilespmem:v17+s28+$0x0], $0xffff;
	[tilespmem:s29+$0x0] =	vst v19  }
0x129: {  	s4 =	simm.s32 $0x7C80;
	s7 =	sor.u32 s10, s13;
	v19 =	vld.idx.msk [tilespmem:v17+s30+$0x0], $0xffff;
	[tilespmem:s3+$0x0] =	vst v20;
	s3 =	sadd.s32 $0xDB00, s5  }
0x12a: {  	s8 =	simm.s32 $0x8280;
	s2 =	sadd.s32 $0xDB80, s5;
	v20 =	vld.idx.msk [tilespmem:v17+s4+$0x0], $0xffff;
	[tilespmem:s7+$0x0] =	vst v21;
	s14 =	sor.u32 s10, s3  }
0x12b: {  	s15 =	sor.u32 s10, s2;
	s4 =	simm.s32 $0x8880;
	s7 =	sadd.s32 $0xDC00, s5;
	v21 =	vld.idx.msk [tilespmem:v17+s8+$0x0], $0xffff;
	[tilespmem:s14+$0x0] =	vst v22  }
0x12c: {  	s16 =	simm.s32 $0x8E80;
	s17 =	sor.u32 s10, s7;
	s8 =	sadd.s32 $0xE880, s5;
	v22 =	vld.idx.msk [tilespmem:v17+s4+$0x0], $0xffff;
	[tilespmem:s15+$0x0] =	vst v23  }
0x12d: {  	s18 =	simm.s32 $0x9480;
	s14 =	sadd.s32 $0xE900, s5;
	s19 =	sor.u32 s10, s8;
	v23 =	vld.idx.msk [tilespmem:v17+s16+$0x0], $0xffff;
	[tilespmem:s17+$0x0] =	vst v24  }
0x12e: {  	s20 =	simm.s32 $0x9A80;
	s21 =	sor.u32 s10, s14;
	s15 =	sadd.s32 $0xE980, s5;
	v24 =	vld.idx.msk [tilespmem:v17+s18+$0x0], $0xffff;
	[tilespmem:s19+$0x0] =	vst v25  }
0x12f: {  	s22 =	simm.s32 $0xA080;
	s4 =	sadd.s32 $0xEA00, s5;
	s23 =	sor.u32 s10, s15;
	v25 =	vld.idx.msk [tilespmem:v17+s20+$0x0], $0xffff;
	[tilespmem:s21+$0x0] =	vst v26  }
0x130: {  	s16 =	simm.s32 $0xA680;
	s26 =	sor.u32 s10, s4;
	v26 =	vld.idx.msk [tilespmem:v17+s22+$0x0], $0xffff;
	[tilespmem:s23+$0x0] =	vst v18  }
0x131: {  	s17 =	simm.s32 $0xAC80;
	v18 =	vld.idx.msk [tilespmem:v17+s16+$0x0], $0xffff;
	[tilespmem:s26+$0x0] =	vst v19;
	s16 =	sadd.s32 $0xEA80, s5  }
0x132: {  	v19 =	vld.idx.msk [tilespmem:v17+s17+$0x0], $0xffff;
	s28 =	sor.u32 s10, s16;
	s17 =	sadd.s32 $0xEB00, s5  }
0x133: {  	s18 =	simm.s32 $0xB280;
	[tilespmem:s28+$0x0] =	vst v20;
	s29 =	sor.u32 s10, s17  }
0x134: {  	s19 =	simm.s32 $0xB880;
	v20 =	vld.idx.msk [tilespmem:v17+s18+$0x0], $0xffff;
	[tilespmem:s29+$0x0] =	vst v21;
	s18 =	sadd.s32 $0xEB80, s5  }
0x135: {  	v21 =	vld.idx.msk [tilespmem:v17+s19+$0x0], $0xffff;
	s30 =	sor.u32 s10, s18;
	s19 =	sadd.s32 $0xEC00, s5  }
0x136: {  	s20 =	sadd.s32 $0xF880, s5;
	s23 =	simm.s32 $0xBE80;
	[tilespmem:s30+$0x0] =	vst v22;
	s21 =	sor.u32 s10, s19  }
0x137: {  	s22 =	sor.u32 s10, s20;
	v17 =	vld.idx.msk [tilespmem:v17+s23+$0x0], $0xffff;
	[tilespmem:s21+$0x0] =	vst v23;
	s21 =	sadd.s32 $0xF900, s5  }
0x138: {  	[tilespmem:s22+$0x0] =	vst v24;
	s26 =	sor.u32 s10, s21;
	s22 =	sadd.s32 $0xF980, s5  }
0x139: {  	[tilespmem:s26+$0x0] =	vst v25;
	s28 =	sor.u32 s10, s22;
	s26 =	sadd.s32 $0xFA00, s5  }
0x13a: {  	[tilespmem:s28+$0x0] =	vst v26;
	s29 =	sor.u32 s10, s26;
	s28 =	sadd.s32 $0xFA80, s5  }
0x13b: {  	[tilespmem:s29+$0x0] =	vst v18;
	s30 =	sor.u32 s10, s28;
	s29 =	sadd.s32 $0xFB00, s5  }
0x13c: {  	[tilespmem:s30+$0x0] =	vst v19;
	s31 =	sor.u32 s10, s29;
	s30 =	sadd.s32 $0xFB80, s5  }
0x13d: {  	s5 =	sadd.s32 $0xFC00, s5;
	[tilespmem:s31+$0x0] =	vst v20;
	s31 =	sor.u32 s10, s30  }
0x13e: {  	[tilespmem:s31+$0x0] =	vst v21;
	s31 =	sor.u32 s10, s5;
	s10 =	sor.u32 $0x10, s10  }
0x13f: {  	[tilespmem:s31+$0x0] =	vst v17;
	s0 =	sor.u32 s10, s0  }
0x140: {  	v17 =	vld [tilespmem:s0+$0x0];
	_ =	sdelay $0x4  }
0x141: {  	v17 =	vshll.u32 v17, $0x4  }
0x142: {  	v17 =	vor.u32 v0, v17;
	_ =	sdelay $0x3  }
0x143: {  	s31 =	simm.s32 $0x480  }
0x144: {  	s0 =	simm.s32 $0xA80;
	v18 =	vld.idx.msk [tilespmem:v17+s31+$0x0], $0xffff  }
0x145: {  	v19 =	vld.idx.msk [tilespmem:v17+s0+$0x0], $0xffff;
	s0 =	simm.s32 $0x1080  }
0x146: {  	v20 =	vld.idx.msk [tilespmem:v17+s0+$0x0], $0xffff;
	s0 =	simm.s32 $0x1680  }
0x147: {  	v21 =	vld.idx.msk [tilespmem:v17+s0+$0x0], $0xffff;
	s0 =	simm.s32 $0x1C80  }
0x148: {  	v22 =	vld.idx.msk [tilespmem:v17+s0+$0x0], $0xffff;
	s0 =	simm.s32 $0x2280  }
0x149: {  	v23 =	vld.idx.msk [tilespmem:v17+s0+$0x0], $0xffff;
	s0 =	simm.s32 $0x2880  }
0x14a: {  	v24 =	vld.idx.msk [tilespmem:v17+s0+$0x0], $0xffff;
	s0 =	simm.s32 $0x2E80  }
0x14b: {  	v25 =	vld.idx.msk [tilespmem:v17+s0+$0x0], $0xffff;
	s0 =	simm.s32 $0x3480  }
0x14c: {  	v26 =	vld.idx.msk [tilespmem:v17+s0+$0x0], $0xffff;
	s0 =	sor.u32 s10, s1  }
0x14d: {  	s1 =	simm.s32 $0x3A80;
	[tilespmem:s0+$0x0] =	vst v18  }
0x14e: {  	v18 =	vld.idx.msk [tilespmem:v17+s1+$0x0], $0xffff;
	[tilespmem:s0+$0x80] =	vst v19;
	s1 =	simm.s32 $0x4080  }
0x14f: {  	v19 =	vld.idx.msk [tilespmem:v17+s1+$0x0], $0xffff;
	[tilespmem:s0+$0x100] =	vst v20;
	s1 =	simm.s32 $0x4680  }
0x150: {  	v20 =	vld.idx.msk [tilespmem:v17+s1+$0x0], $0xffff;
	[tilespmem:s0+$0x180] =	vst v21;
	s1 =	simm.s32 $0x4C80  }
0x151: {  	v21 =	vld.idx.msk [tilespmem:v17+s1+$0x0], $0xffff;
	[tilespmem:s0+$0x200] =	vst v22;
	s1 =	simm.s32 $0x5280  }
0x152: {  	v22 =	vld.idx.msk [tilespmem:v17+s1+$0x0], $0xffff;
	[tilespmem:s0+$0x280] =	vst v23;
	s1 =	simm.s32 $0x5880  }
0x153: {  	v23 =	vld.idx.msk [tilespmem:v17+s1+$0x0], $0xffff;
	[tilespmem:s0+$0x300] =	vst v24;
	s1 =	simm.s32 $0x5E80  }
0x154: {  	s11 =	sor.u32 s10, s11;
	v24 =	vld.idx.msk [tilespmem:v17+s1+$0x0], $0xffff;
	[tilespmem:s0+$0x380] =	vst v25;
	s1 =	simm.s32 $0x6480  }
0x155: {  	s9 =	sor.u32 s10, s9;
	v25 =	vld.idx.msk [tilespmem:v17+s1+$0x0], $0xffff;
	[tilespmem:s11+$0x0] =	vst v26;
	s1 =	simm.s32 $0x6A80  }
0x156: {  	s11 =	simm.s32 $0x7080;
	v26 =	vld.idx.msk [tilespmem:v17+s1+$0x0], $0xffff;
	[tilespmem:s9+$0x0] =	vst v18;
	s1 =	sor.u32 s10, s12  }
0x157: {  	s9 =	simm.s32 $0x7680;
	v18 =	vld.idx.msk [tilespmem:v17+s11+$0x0], $0xffff;
	[tilespmem:s1+$0x0] =	vst v19;
	s11 =	sor.u32 s10, s6  }
0x158: {  	s12 =	simm.s32 $0x7C80;
	s1 =	sor.u32 s10, s13;
	v19 =	vld.idx.msk [tilespmem:v17+s9+$0x0], $0xffff;
	[tilespmem:s11+$0x0] =	vst v20  }
0x159: {  	s6 =	simm.s32 $0x8280;
	s9 =	sor.u32 s10, s3;
	v20 =	vld.idx.msk [tilespmem:v17+s12+$0x0], $0xffff;
	[tilespmem:s1+$0x0] =	vst v21  }
0x15a: {  	s11 =	simm.s32 $0x8880;
	s12 =	sor.u32 s10, s2;
	v21 =	vld.idx.msk [tilespmem:v17+s6+$0x0], $0xffff;
	[tilespmem:s9+$0x0] =	vst v22  }
0x15b: {  	s13 =	simm.s32 $0x8E80;
	s1 =	sor.u32 s10, s7;
	v22 =	vld.idx.msk [tilespmem:v17+s11+$0x0], $0xffff;
	[tilespmem:s12+$0x0] =	vst v23  }
0x15c: {  	s3 =	sor.u32 s10, s8;
	s2 =	simm.s32 $0x9480;
	v23 =	vld.idx.msk [tilespmem:v17+s13+$0x0], $0xffff;
	[tilespmem:s1+$0x0] =	vst v24  }
0x15d: {  	s7 =	sor.u32 s10, s14;
	s6 =	simm.s32 $0x9A80;
	v24 =	vld.idx.msk [tilespmem:v17+s2+$0x0], $0xffff;
	[tilespmem:s3+$0x0] =	vst v25  }
0x15e: {  	s8 =	simm.s32 $0xA080;
	s9 =	sor.u32 s10, s15;
	v25 =	vld.idx.msk [tilespmem:v17+s6+$0x0], $0xffff;
	[tilespmem:s7+$0x0] =	vst v26  }
0x15f: {  	s11 =	simm.s32 $0xA680;
	s12 =	sor.u32 s10, s4;
	v26 =	vld.idx.msk [tilespmem:v17+s8+$0x0], $0xffff;
	[tilespmem:s9+$0x0] =	vst v18  }
0x160: {  	s14 =	sor.u32 s10, s16;
	s13 =	simm.s32 $0xAC80;
	v18 =	vld.idx.msk [tilespmem:v17+s11+$0x0], $0xffff;
	[tilespmem:s12+$0x0] =	vst v19  }
0x161: {  	s16 =	sor.u32 s10, s17;
	s15 =	simm.s32 $0xB280;
	v19 =	vld.idx.msk [tilespmem:v17+s13+$0x0], $0xffff;
	[tilespmem:s14+$0x0] =	vst v20  }
0x162: {  	s18 =	sor.u32 s10, s18;
	s17 =	simm.s32 $0xB880;
	v20 =	vld.idx.msk [tilespmem:v17+s15+$0x0], $0xffff;
	[tilespmem:s16+$0x0] =	vst v21  }
0x163: {  	s19 =	sor.u32 s10, s19;
	v21 =	vld.idx.msk [tilespmem:v17+s17+$0x0], $0xffff;
	[tilespmem:s18+$0x0] =	vst v22  }
0x164: {  	s20 =	sor.u32 s10, s20;
	v17 =	vld.idx.msk [tilespmem:v17+s23+$0x0], $0xffff;
	[tilespmem:s19+$0x0] =	vst v23  }
0x165: {  	s21 =	sor.u32 s10, s21;
	[tilespmem:s20+$0x0] =	vst v24  }
0x166: {  	s22 =	sor.u32 s10, s22;
	[tilespmem:s21+$0x0] =	vst v25  }
0x167: {  	p3 =	sne.s32 s25, $0xF00;
	s23 =	sor.u32 s10, s26;
	[tilespmem:s22+$0x0] =	vst v26  }
.Ltmp7:
0x168: {  	s26 =	sor.u32 s10, s28;
	[tilespmem:s23+$0x0] =	vst v18;
	(pc) =	sbr.rel @p3 .LBB2_8-.Ltmp7, $4  }
0x169: {  	s28 =	sor.u32 s10, s29;
	[tilespmem:s26+$0x0] =	vst v19  }
0x16a: {  	s29 =	sor.u32 s10, s30;
	[tilespmem:s28+$0x0] =	vst v20  }
0x16b: {  	s30 =	sor.u32 s10, s5;
	[tilespmem:s29+$0x0] =	vst v21  }
0x16c: {  	s24 =	sadd.s32 $0x20, s24;
	s25 =	sadd.s32 $0x100, s25;
	[tilespmem:s30+$0x0] =	vst v17  }
0x16d: {  	s0 =	rddreg [dreg:$0x18]  }
0x16e: {  	s1 =	rddreg [dreg:$0x1c];
	s0 =	smul.u32 $0x30E000, s0  }
0x16f: {  	s7 =	rddreg [dreg:$0x1b];
	s1 =	smul.u32 $0x187000, s1  }
0x170: {  	p3 =	sgt.u32 s7, $0x60  }
0x171: {  	s2 =	sadd.s32 @p3 s1, s0  }
0x172: {  	s2 =	sadd.s32 @p3 $0x61000, s2  }
0x173: {  	s6 =	rddreg [dreg:$0x1];
	s2 =	sshrl.u32 @p3 s2, $0x3  }
0x174: {  	s3 =	simm.s32 @p3 $0x0;
	s4 =	simm.s32 @p3 $0xC880;
	s2 =	sadd.s32 @p3 s6, s2  }
0x175: {  	[hbm4b:s2+s3] =	stream.linear.scatter @p3 [tilespmem:s4], [sflag:$0x5], $0xC00, $0x38;
	[tilespmem:$0x14880] =	vst v63  }
0x176: {  	s5 =	simm.s32 @p3 $0xD880;
	s4 =	sadd.s32 @p3 $0xC380, s2  }
0x177: {  	[hbm4b:s4+s3] =	stream.linear.scatter @p3 [tilespmem:s5], [sflag:$0x5], $0xC00, $0x38;
	[tilespmem:$0x14880] =	vst v63  }
0x178: {  	s4 =	sadd.s32 @p3 $0x18700, s2;
	s5 =	simm.s32 @p3 $0xE880  }
0x179: {  	[hbm4b:s4+s3] =	stream.linear.scatter @p3 [tilespmem:s5], [sflag:$0x5], $0xC00, $0x38;
	[tilespmem:$0x14880] =	vst v63  }
0x17a: {  	s2 =	sadd.s32 @p3 $0x24A80, s2;
	s4 =	simm.s32 @p3 $0xF880  }
0x17b: {  	[hbm4b:s2+s3] =	stream.linear.scatter @p3 [tilespmem:s4], [sflag:$0x5], $0xC00, $0x38;
	[tilespmem:$0x14880] =	vst v63  }
0x17c: {  	s3 =	simm.s32 @p3 $0x5  }
0x17d: {  	_ =	swait.ge @p3 [sflag:s3], $0x3000  }
0x17e: {  	s2 =	sshll.u32 @!p3 s7, $0xC;
	s11 =	rddreg [dreg:$0x7]  }
0x17f: {  	s0 =	sadd.s32 @!p3 s2, s0;
	s2 =	simm.s32 @!p3 $0x61C00;
	s4 =	rddreg [dreg:$0x10]  }
0x180: {  	s0 =	sadd.s32 @!p3 s1, s0;
	[sflag:s3] =	ssyncset.done @p3 $0x0;
	s5 =	rddreg [dreg:$0x11]  }
.Ltmp8:
0x181: {  	s1 =	simm.s32 @!p3 $0x1000;
	s7 =	rddreg [dreg:$0x13];
	(pc) =	sbr.rel .LBB2_10-.Ltmp8, $4  }
0x182: {  	s8 =	rddreg [dreg:$0x14];
	s0 =	sshrl.u32 @!p3 s0, $0x3;
	[sflag:s3] =	ssyncadd.s32 @p3 $0xFFFFD000  }
0x183: {  	s3 =	simm.s32 @!p3 $0xC880;
	s0 =	sadd.s32 @!p3 s6, s0;
	s6 =	rddreg [dreg:$0x12]  }
0x184: {  	[hbm4b:s0+s1] =	stream.strided.scatter @!p3 [tilespmem:s3], [sflag:$0x3], $0x4000, s2, s1, $0x38;
	[tilespmem:$0x14880] =	vst v63  }
0x185: {  	s9 =	simm.s32 $0x0;
	s0 =	rddreg [dreg:$0x16]  }
.LBB2_3:
0x186: {  	s8 =	sadd.s32 $0x1, s7  }
.LBB2_10:
0x187: {  	s1 =	sadd.s32 $0xFFFFFFFF, s7  }
0x188: {  	s2 =	smulhi.u32 $0x5397829D, s1;
	s3 =	sshra.s32 s1, $0x1F  }
0x189: {  	s3 =	smul.u32 $0x5397829D, s3;
	_ =	sdelay $0x1  }
0x18a: {  	s2 =	sadd.s32 s3, s2  }
0x18b: {  	s3 =	sshrl.u32 s2, $0x1F;
	s2 =	sshra.s32 s2, $0x5  }
0x18c: {  	s2 =	sadd.s32 s3, s2  }
0x18d: {  	s2 =	smul.u32 $0x62, s2  }
0x18e: {  	p3 =	sgt.u32 @!p2 s7, s11  }
0x18f: {  	p4 =	por p3, p2;
	s1 =	ssub.s32 s1, s2  }
0x190: {  	p4 =	seq.s32 @!p4 s1, $0x61  }
0x191: {  	p3 =	por @!p2 p4, p3  }
0x192: {  	p2 =	por p3, p2;
	p3 =	sge.u32 s8, s11  }
.Ltmp9:
0x193: {  	_ = 	snop;
	(pc) =	sbr.rel @p3 .LBB2_17-.Ltmp9, $4  }
0x194: {  	s1 =	simm.s32 @!p2 $0x4  }
0x195: {  	_ =	swait.ge @!p2 [sflag:s1], $0x4000  }
0x196: {  	[sflag:s1] =	ssyncset.done @!p2 $0x0  }
0x197: {  	[sflag:s1] =	ssyncadd.s32 @!p2 $0xFFFFC000  }
0x198: {  	s1 =	smulhi.u32 $0x5397829D, s8;
	_ =	sdelay $0x1  }
0x199: {  	s10 =	sshrl.u32 s1, $0x5  }
0x19a: {  	s2 =	sand.u32 $0x1, s10  }
0x19b: {  	p2 =	slt.u32 s7, $0x61;
	p3 =	seq.s32 s2, $0x1  }
0x19c: {  	p3 =	por !p2, !p3  }
0x19d: {  	s2 =	simm.s32 $0x1;
	p3 =	por !p3, !p3  }
0x19e: {  	s2 =	simm.s32 @!p3 $0x0;
	p3 =	seq.s32 s10, s0  }
.Ltmp10:
0x19f: {  	_ = 	snop;
	(pc) =	sbr.rel @p3 .LBB2_14-.Ltmp10, $3  }
0x1a0: {  	_ =	sdelay $0x1  }
0x1a1: {  	s1 =	sshrl.u32 s1, $0x6  }
0x1a2: {  	s12 =	ssub.s32 s1, s2  }
0x1a3: {  	s0 =	smul.u32 $0x60, s12  }
0x1a4: {  	s1 =	smulhi.u32 $0x5397829D, s4;
	s2 =	rddreg [dreg:$0x4];
	s23 =	simm.s32 $0x0  }
0x1a5: {  	s25 =	simm.s32 $0x400;
	s26 =	smul.u32 $0x3C0, s12;
	s0 =	sshrl.u32 s0, $0x3  }
0x1a6: {  	s3 =	simm.s32 $0x6;
	s28 =	sshrl.u32 s1, $0x5;
	s0 =	sadd.s32 s2, s0  }
0x1a7: {  	[tilespmem:s25], [sflag:$0x6] =	stream.linear.gather [hbm4b:s0+s23], $0x60, $0x38;
	[tilespmem:$0x14880] =	vst v63  }
0x1a8: {  	s30 =	sand.u32 $0x7FFFFFE0, s1;
	s2 =	sand.u32 $0x1, s28;
	s0 =	sshrl.u32 s26, $0x3  }
0x1a9: {  	p3 =	seq.s32 s2, $0x1;
	s2 =	simm.s32 $0xFFFFFFFF;
	_ =	swait.ge [sflag:s3], $0x60  }
0x1aa: {  	p2 =	por !p2, !p3;
	[sflag:s3] =	ssyncset.done $0x0;
	s29 =	rddreg [dreg:$0x5]  }
0x1ab: {  	p2 =	por !p2, !p2;
	[sflag:s3] =	ssyncadd.s32 $0xFFFFFFA0;
	s0 =	sadd.s32 s29, s0  }
0x1ac: {  	[tilespmem:s23], [sflag:$0x6] =	stream.linear.gather [hbm4b:s0+s23], $0x3C0, $0x38;
	[tilespmem:$0x14880] =	vst v63  }
0x1ad: {  	s1 =	sand.u32 $0x7FFFFFC0, s1;
	s2 =	simm.s32 @!p2 $0x0;
	_ =	swait.ge [sflag:s3], $0x3C0  }
0x1ae: {  	s0 =	ssub.s32 s30, s1;
	s31 =	sshll.u32 s2, $0x6;
	[sflag:s3] =	ssyncset.done $0x0  }
0x1af: {  	s25 =	simm.s32 $0x780;
	s24 =	ssub.s32 s0, s31;
	[sflag:s3] =	ssyncadd.s32 $0xFFFFFC40  }
.LBB2_13:
0x1b0: {  	v17 =	vld [tilespmem:$0x400];
	_ =	sdelay $0x4  }
0x1b1: {  	s26 =	sadd.s32 s23, s24;
	v17 =	vshll.u32 v17, $0x6  }
0x1b2: {  	v17 =	vadd.s32 s26, v17;
	_ =	sdelay $0x4  }
0x1b3: {  	v17 =	vld.idx.msk [tilespmem:v17+s9+$0x0], $0xffff;
	_ =	sdelay $0x4  }
0x1b4: {  	v18 =	vperm.xlane v17, v2  }
0x1b5: {  	v19 =	vperm.xlane v17, v3  }
0x1b6: {  	[tilespmem:s25+$0xFFFFFD00] =	vst v18;
	v18 =	vperm.xlane v17, v4  }
0x1b7: {  	[tilespmem:s25+$0xFFFFFD10] =	vst v19;
	v19 =	vperm.xlane v17, v5  }
0x1b8: {  	[tilespmem:s25+$0xFFFFFD20] =	vst v18;
	v18 =	vperm.xlane v17, v6  }
0x1b9: {  	[tilespmem:s25+$0xFFFFFD30] =	vst v19;
	v19 =	vperm.xlane v17, v7  }
0x1ba: {  	[tilespmem:s25+$0xFFFFFD40] =	vst v18;
	v18 =	vperm.xlane v17, v1  }
0x1bb: {  	[tilespmem:s25+$0xFFFFFD50] =	vst v19;
	v19 =	vperm.xlane v17, v8  }
0x1bc: {  	[tilespmem:s25+$0xFFFFFD60] =	vst v18;
	v18 =	vperm.xlane v17, v9  }
0x1bd: {  	[tilespmem:s25+$0xFFFFFD70] =	vst v19;
	v19 =	vperm.xlane v17, v10  }
0x1be: {  	[tilespmem:s25+$0xFFFFFD80] =	vst v18;
	v18 =	vperm.xlane v17, v11  }
0x1bf: {  	[tilespmem:s25+$0xFFFFFD90] =	vst v19;
	v19 =	vperm.xlane v17, v12  }
0x1c0: {  	[tilespmem:s25+$0xFFFFFDA0] =	vst v18;
	v18 =	vperm.xlane v17, v13  }
0x1c1: {  	[tilespmem:s25+$0xFFFFFDB0] =	vst v19;
	v19 =	vperm.xlane v17, v14  }
0x1c2: {  	[tilespmem:s25+$0xFFFFFDC0] =	vst v18;
	v18 =	vperm.xlane v17, v15  }
0x1c3: {  	[tilespmem:s25+$0xFFFFFDD0] =	vst v19;
	v17 =	vperm.xlane v17, v16  }
0x1c4: {  	[tilespmem:s25+$0xFFFFFDE0] =	vst v18  }
0x1c5: {  	[tilespmem:s25+$0xFFFFFDF0] =	vst v17  }
0x1c6: {  	v17 =	vld [tilespmem:$0x410];
	_ =	sdelay $0x4  }
0x1c7: {  	v17 =	vshll.u32 v17, $0x6  }
0x1c8: {  	v17 =	vadd.s32 s26, v17;
	_ =	sdelay $0x4  }
0x1c9: {  	v17 =	vld.idx.msk [tilespmem:v17+s9+$0x0], $0xffff;
	_ =	sdelay $0x4  }
0x1ca: {  	v18 =	vperm.xlane v17, v2  }
0x1cb: {  	v19 =	vperm.xlane v17, v3  }
0x1cc: {  	[tilespmem:s25+$0xFFFFFE00] =	vst v18;
	v18 =	vperm.xlane v17, v4  }
0x1cd: {  	[tilespmem:s25+$0xFFFFFE10] =	vst v19;
	v19 =	vperm.xlane v17, v5  }
0x1ce: {  	[tilespmem:s25+$0xFFFFFE20] =	vst v18;
	v18 =	vperm.xlane v17, v6  }
0x1cf: {  	[tilespmem:s25+$0xFFFFFE30] =	vst v19;
	v19 =	vperm.xlane v17, v7  }
0x1d0: {  	[tilespmem:s25+$0xFFFFFE40] =	vst v18;
	v18 =	vperm.xlane v17, v1  }
0x1d1: {  	[tilespmem:s25+$0xFFFFFE50] =	vst v19;
	v19 =	vperm.xlane v17, v8  }
0x1d2: {  	[tilespmem:s25+$0xFFFFFE60] =	vst v18;
	v18 =	vperm.xlane v17, v9  }
0x1d3: {  	[tilespmem:s25+$0xFFFFFE70] =	vst v19;
	v19 =	vperm.xlane v17, v10  }
0x1d4: {  	[tilespmem:s25+$0xFFFFFE80] =	vst v18;
	v18 =	vperm.xlane v17, v11  }
0x1d5: {  	[tilespmem:s25+$0xFFFFFE90] =	vst v19;
	v19 =	vperm.xlane v17, v12  }
0x1d6: {  	[tilespmem:s25+$0xFFFFFEA0] =	vst v18;
	v18 =	vperm.xlane v17, v13  }
0x1d7: {  	[tilespmem:s25+$0xFFFFFEB0] =	vst v19;
	v19 =	vperm.xlane v17, v14  }
0x1d8: {  	[tilespmem:s25+$0xFFFFFEC0] =	vst v18;
	v18 =	vperm.xlane v17, v15  }
0x1d9: {  	[tilespmem:s25+$0xFFFFFED0] =	vst v19;
	v17 =	vperm.xlane v17, v16  }
0x1da: {  	[tilespmem:s25+$0xFFFFFEE0] =	vst v18  }
0x1db: {  	[tilespmem:s25+$0xFFFFFEF0] =	vst v17  }
0x1dc: {  	v17 =	vld [tilespmem:$0x420];
	_ =	sdelay $0x4  }
0x1dd: {  	v17 =	vshll.u32 v17, $0x6  }
0x1de: {  	v17 =	vadd.s32 s26, v17;
	_ =	sdelay $0x4  }
0x1df: {  	v17 =	vld.idx.msk [tilespmem:v17+s9+$0x0], $0xffff;
	_ =	sdelay $0x4  }
0x1e0: {  	v18 =	vperm.xlane v17, v2  }
0x1e1: {  	v19 =	vperm.xlane v17, v3  }
0x1e2: {  	[tilespmem:s25+$0xFFFFFF00] =	vst v18;
	v18 =	vperm.xlane v17, v4  }
0x1e3: {  	[tilespmem:s25+$0xFFFFFF10] =	vst v19;
	v19 =	vperm.xlane v17, v5  }
0x1e4: {  	[tilespmem:s25+$0xFFFFFF20] =	vst v18;
	v18 =	vperm.xlane v17, v6  }
0x1e5: {  	[tilespmem:s25+$0xFFFFFF30] =	vst v19;
	v19 =	vperm.xlane v17, v7  }
0x1e6: {  	[tilespmem:s25+$0xFFFFFF40] =	vst v18;
	v18 =	vperm.xlane v17, v1  }
0x1e7: {  	[tilespmem:s25+$0xFFFFFF50] =	vst v19;
	v19 =	vperm.xlane v17, v8  }
0x1e8: {  	[tilespmem:s25+$0xFFFFFF60] =	vst v18;
	v18 =	vperm.xlane v17, v9  }
0x1e9: {  	[tilespmem:s25+$0xFFFFFF70] =	vst v19;
	v19 =	vperm.xlane v17, v10  }
0x1ea: {  	[tilespmem:s25+$0xFFFFFF80] =	vst v18;
	v18 =	vperm.xlane v17, v11  }
0x1eb: {  	[tilespmem:s25+$0xFFFFFF90] =	vst v19;
	v19 =	vperm.xlane v17, v12  }
0x1ec: {  	[tilespmem:s25+$0xFFFFFFA0] =	vst v18;
	v18 =	vperm.xlane v17, v13  }
0x1ed: {  	[tilespmem:s25+$0xFFFFFFB0] =	vst v19;
	v19 =	vperm.xlane v17, v14  }
0x1ee: {  	[tilespmem:s25+$0xFFFFFFC0] =	vst v18;
	v18 =	vperm.xlane v17, v15  }
0x1ef: {  	[tilespmem:s25+$0xFFFFFFD0] =	vst v19;
	v17 =	vperm.xlane v17, v16  }
0x1f0: {  	[tilespmem:s25+$0xFFFFFFE0] =	vst v18  }
0x1f1: {  	[tilespmem:s25+$0xFFFFFFF0] =	vst v17  }
0x1f2: {  	v17 =	vld [tilespmem:$0x430];
	_ =	sdelay $0x4  }
0x1f3: {  	v17 =	vshll.u32 v17, $0x6  }
0x1f4: {  	v17 =	vadd.s32 s26, v17;
	_ =	sdelay $0x4  }
0x1f5: {  	v17 =	vld.idx.msk [tilespmem:v17+s9+$0x0], $0xffff;
	_ =	sdelay $0x4  }
0x1f6: {  	v18 =	vperm.xlane v17, v2  }
0x1f7: {  	v19 =	vperm.xlane v17, v3  }
0x1f8: {  	[tilespmem:s25+$0x0] =	vst v18;
	v18 =	vperm.xlane v17, v4  }
0x1f9: {  	[tilespmem:s25+$0x10] =	vst v19;
	v19 =	vperm.xlane v17, v5  }
0x1fa: {  	[tilespmem:s25+$0x20] =	vst v18;
	v18 =	vperm.xlane v17, v6  }
0x1fb: {  	[tilespmem:s25+$0x30] =	vst v19;
	v19 =	vperm.xlane v17, v7  }
0x1fc: {  	[tilespmem:s25+$0x40] =	vst v18;
	v18 =	vperm.xlane v17, v1  }
0x1fd: {  	[tilespmem:s25+$0x50] =	vst v19;
	v19 =	vperm.xlane v17, v8  }
0x1fe: {  	[tilespmem:s25+$0x60] =	vst v18;
	v18 =	vperm.xlane v17, v9  }
0x1ff: {  	[tilespmem:s25+$0x70] =	vst v19;
	v19 =	vperm.xlane v17, v10  }
0x200: {  	[tilespmem:s25+$0x80] =	vst v18;
	v18 =	vperm.xlane v17, v11  }
0x201: {  	[tilespmem:s25+$0x90] =	vst v19;
	v19 =	vperm.xlane v17, v12  }
0x202: {  	[tilespmem:s25+$0xA0] =	vst v18;
	v18 =	vperm.xlane v17, v13  }
0x203: {  	[tilespmem:s25+$0xB0] =	vst v19;
	v19 =	vperm.xlane v17, v14  }
0x204: {  	[tilespmem:s25+$0xC0] =	vst v18;
	v18 =	vperm.xlane v17, v15  }
0x205: {  	[tilespmem:s25+$0xD0] =	vst v19;
	v17 =	vperm.xlane v17, v16  }
0x206: {  	[tilespmem:s25+$0xE0] =	vst v18  }
0x207: {  	[tilespmem:s25+$0xF0] =	vst v17  }
0x208: {  	v17 =	vld [tilespmem:$0x440];
	_ =	sdelay $0x4  }
0x209: {  	v17 =	vshll.u32 v17, $0x6  }
0x20a: {  	v17 =	vadd.s32 s26, v17;
	_ =	sdelay $0x4  }
0x20b: {  	v17 =	vld.idx.msk [tilespmem:v17+s9+$0x0], $0xffff;
	_ =	sdelay $0x4  }
0x20c: {  	v18 =	vperm.xlane v17, v2  }
0x20d: {  	v19 =	vperm.xlane v17, v3  }
0x20e: {  	[tilespmem:s25+$0x100] =	vst v18;
	v18 =	vperm.xlane v17, v4  }
0x20f: {  	[tilespmem:s25+$0x110] =	vst v19;
	v19 =	vperm.xlane v17, v5  }
0x210: {  	[tilespmem:s25+$0x120] =	vst v18;
	v18 =	vperm.xlane v17, v6  }
0x211: {  	[tilespmem:s25+$0x130] =	vst v19;
	v19 =	vperm.xlane v17, v7  }
0x212: {  	[tilespmem:s25+$0x140] =	vst v18;
	v18 =	vperm.xlane v17, v1  }
0x213: {  	[tilespmem:s25+$0x150] =	vst v19;
	v19 =	vperm.xlane v17, v8  }
0x214: {  	[tilespmem:s25+$0x160] =	vst v18;
	v18 =	vperm.xlane v17, v9  }
0x215: {  	[tilespmem:s25+$0x170] =	vst v19;
	v19 =	vperm.xlane v17, v10  }
0x216: {  	[tilespmem:s25+$0x180] =	vst v18;
	v18 =	vperm.xlane v17, v11  }
0x217: {  	[tilespmem:s25+$0x190] =	vst v19;
	v19 =	vperm.xlane v17, v12  }
0x218: {  	[tilespmem:s25+$0x1A0] =	vst v18;
	v18 =	vperm.xlane v17, v13  }
0x219: {  	[tilespmem:s25+$0x1B0] =	vst v19;
	v19 =	vperm.xlane v17, v14  }
0x21a: {  	[tilespmem:s25+$0x1C0] =	vst v18;
	v18 =	vperm.xlane v17, v15  }
0x21b: {  	[tilespmem:s25+$0x1D0] =	vst v19;
	v17 =	vperm.xlane v17, v16  }
0x21c: {  	[tilespmem:s25+$0x1E0] =	vst v18  }
0x21d: {  	[tilespmem:s25+$0x1F0] =	vst v17  }
0x21e: {  	v17 =	vld [tilespmem:$0x450];
	_ =	sdelay $0x4  }
0x21f: {  	v17 =	vshll.u32 v17, $0x6  }
0x220: {  	v17 =	vadd.s32 s26, v17;
	_ =	sdelay $0x4  }
0x221: {  	v17 =	vld.idx.msk [tilespmem:v17+s9+$0x0], $0xffff;
	_ =	sdelay $0x4  }
0x222: {  	v18 =	vperm.xlane v17, v2  }
0x223: {  	v19 =	vperm.xlane v17, v3  }
0x224: {  	[tilespmem:s25+$0x200] =	vst v18;
	v18 =	vperm.xlane v17, v4  }
0x225: {  	[tilespmem:s25+$0x210] =	vst v19;
	v19 =	vperm.xlane v17, v5  }
0x226: {  	[tilespmem:s25+$0x220] =	vst v18;
	v18 =	vperm.xlane v17, v6  }
0x227: {  	[tilespmem:s25+$0x230] =	vst v19;
	v19 =	vperm.xlane v17, v7  }
0x228: {  	[tilespmem:s25+$0x240] =	vst v18;
	v18 =	vperm.xlane v17, v1  }
0x229: {  	[tilespmem:s25+$0x250] =	vst v19;
	v19 =	vperm.xlane v17, v8  }
0x22a: {  	[tilespmem:s25+$0x260] =	vst v18;
	v18 =	vperm.xlane v17, v9  }
0x22b: {  	[tilespmem:s25+$0x270] =	vst v19;
	v19 =	vperm.xlane v17, v10  }
0x22c: {  	[tilespmem:s25+$0x280] =	vst v18;
	v18 =	vperm.xlane v17, v11  }
0x22d: {  	[tilespmem:s25+$0x290] =	vst v19;
	v19 =	vperm.xlane v17, v12  }
0x22e: {  	p2 =	sne.s32 s23, $0x1F;
	[tilespmem:s25+$0x2A0] =	vst v18;
	v18 =	vperm.xlane v17, v13  }
.Ltmp11:
0x22f: {  	[tilespmem:s25+$0x2B0] =	vst v19;
	v19 =	vperm.xlane v17, v14;
	(pc) =	sbr.rel @p2 .LBB2_13-.Ltmp11, $4  }
0x230: {  	[tilespmem:s25+$0x2C0] =	vst v18;
	v18 =	vperm.xlane v17, v15  }
0x231: {  	[tilespmem:s25+$0x2D0] =	vst v19;
	v17 =	vperm.xlane v17, v16  }
0x232: {  	[tilespmem:s25+$0x2E0] =	vst v18  }
0x233: {  	s23 =	sadd.s32 $0x1, s23;
	[tilespmem:s25+$0x2F0] =	vst v17;
	s25 =	sadd.s32 $0x600, s25  }
.LBB2_14:
0x234: {  	s0 =	sadd.s32 $0x2, s7  }
0x235: {  	p2 =	sge.u32 s0, s11  }
0x236: {  	s1 =	smulhi.u32 @!p2 $0x5397829D, s0;
	_ =	sdelay $0x1  }
0x237: {  	s1 =	sshrl.u32 @!p2 s1, $0x5  }
0x238: {  	s1 =	smul.u32 @!p2 $0x62, s1;
	_ =	sdelay $0x1  }
0x239: {  	[dreg:$0x17] =	wrdreg s12;
	s0 =	ssub.s32 @!p2 s0, s1  }
0x23a: {  	s29 =	smul.u32 $0x62, s10;
	s1 =	rddreg [dreg:$0x6];
	s0 =	sshll.u32 @!p2 s0, $0x6  }
0x23b: {  	s2 =	simm.s32 @!p2 $0xC480;
	s0 =	sadd.s32 @!p2 s1, s0;
	s1 =	simm.s32 @!p2 $0x0  }
0x23c: {  	[tilespmem:s2], [sflag:$0x1] =	stream.linear.gather @!p2 [hbm4b:s0+s1], $0x80, $0x38;
	[tilespmem:$0x14880] =	vst v63  }
0x23d: {  	s30 =	sshll.u32 s12, $0x1;
	s3 =	simm.s32 @!p2 $0xC580;
	s2 =	sadd.s32 @!p2 $0x10, s0  }
0x23e: {  	[tilespmem:s3], [sflag:$0x1] =	stream.linear.gather @!p2 [hbm4b:s2+s1], $0x80, $0x38;
	[tilespmem:$0x14880] =	vst v63  }
0x23f: {  	s31 =	simm.s32 $0x2;
	s2 =	sadd.s32 @!p2 $0x20, s0;
	s3 =	simm.s32 @!p2 $0xC680  }
0x240: {  	[tilespmem:s3], [sflag:$0x1] =	stream.linear.gather @!p2 [hbm4b:s2+s1], $0x80, $0x38;
	[tilespmem:$0x14880] =	vst v63  }
0x241: {  	s0 =	sadd.s32 @!p2 $0x30, s0;
	s3 =	simm.s32 @!p2 $0xC780;
	s2 =	ssub.s32 s8, s29  }
0x242: {  	[tilespmem:s3], [sflag:$0x1] =	stream.linear.gather @!p2 [hbm4b:s0+s1], $0x80, $0x38;
	[tilespmem:$0x14880] =	vst v63  }
0x243: {  	s23 =	simm.s32 $0x0;
	_ =	swait.ge [sflag:s31], $0x200;
	[dreg:$0x19] =	wrdreg s2  }
0x244: {  	s0 =	ssub.s32 s10, s30;
	[dreg:$0x15] =	wrdreg s10;
	[sflag:s31] =	ssyncset.done $0x0  }
0x245: {  	s24 =	simm.s32 $0x0;
	[dreg:$0x1a] =	wrdreg s0;
	[sflag:s31] =	ssyncadd.s32 $0xFFFFFE00  }
.LBB2_15:
0x246: {  	s31 =	sand.u32 $0xC00, s24  }
0x247: {  	s0 =	sshrl.u32 s31, $0x2  }
0x248: {  	s28 =	sand.u32 $0x60, s23;
	s0 =	sor.u32 $0xC480, s0  }
0x249: {  	[smem:$0x7FB] =	sst s0;
	s0 =	sor.u32 s28, s0  }
0x24a: {  	v17 =	vld [tilespmem:s0+$0x80];
	_ =	sdelay $0x4  }
0x24b: {  	v17 =	vshll.u32 v17, $0x4  }
0x24c: {  	v17 =	vor.u32 v0, v17;
	_ =	sdelay $0x3  }
0x24d: {  	s12 =	simm.s32 $0x480  }
0x24e: {  	s13 =	simm.s32 $0xA80;
	v18 =	vld.idx.msk [tilespmem:v17+s12+$0x0], $0xffff  }
0x24f: {  	s14 =	simm.s32 $0x1080;
	v19 =	vld.idx.msk [tilespmem:v17+s13+$0x0], $0xffff  }
0x250: {  	s15 =	simm.s32 $0x1680;
	v20 =	vld.idx.msk [tilespmem:v17+s14+$0x0], $0xffff  }
0x251: {  	s16 =	simm.s32 $0x1C80;
	v21 =	vld.idx.msk [tilespmem:v17+s15+$0x0], $0xffff  }
0x252: {  	s17 =	simm.s32 $0x2280;
	v22 =	vld.idx.msk [tilespmem:v17+s16+$0x0], $0xffff  }
0x253: {  	s18 =	simm.s32 $0x2880;
	s19 =	simm.s32 $0x2E80;
	s20 =	simm.s32 $0x3480;
	v23 =	vld.idx.msk [tilespmem:v17+s17+$0x0], $0xffff  }
0x254: {  	s25 =	simm.s32 $0x3A80;
	s30 =	simm.s32 $0x4080;
	s1 =	sadd.s32 $0x10880, s31;
	v24 =	vld.idx.msk [tilespmem:v17+s18+$0x0], $0xffff  }
0x255: {  	s4 =	simm.s32 $0x4680;
	s22 =	sadd.s32 $0x10900, s31;
	s21 =	sor.u32 s28, s1;
	v25 =	vld.idx.msk [tilespmem:v17+s19+$0x0], $0xffff  }
0x256: {  	s7 =	simm.s32 $0x4C80;
	s29 =	sadd.s32 $0x10980, s31;
	s26 =	sor.u32 s28, s22;
	v26 =	vld.idx.msk [tilespmem:v17+s20+$0x0], $0xffff;
	[tilespmem:s21+$0x0] =	vst v18  }
0x257: {  	s9 =	simm.s32 $0x5280;
	s3 =	sadd.s32 $0x10A00, s31;
	s2 =	sor.u32 s28, s29;
	v18 =	vld.idx.msk [tilespmem:v17+s25+$0x0], $0xffff;
	[tilespmem:s26+$0x0] =	vst v19  }
0x258: {  	s11 =	simm.s32 $0x5880;
	s6 =	sadd.s32 $0x10A80, s31;
	s5 =	sor.u32 s28, s3;
	v19 =	vld.idx.msk [tilespmem:v17+s30+$0x0], $0xffff;
	[tilespmem:s2+$0x0] =	vst v20  }
0x259: {  	[dreg:$0x1e] =	wrdreg s1;
	s8 =	sor.u32 s28, s6;
	s30 =	sadd.s32 $0x10B00, s31;
	v20 =	vld.idx.msk [tilespmem:v17+s4+$0x0], $0xffff;
	[tilespmem:s5+$0x0] =	vst v21  }
0x25a: {  	[dreg:$0x1f] =	wrdreg s29;
	s29 =	sadd.s32 $0x10B80, s31;
	s10 =	sor.u32 s28, s30;
	v21 =	vld.idx.msk [tilespmem:v17+s7+$0x0], $0xffff;
	[tilespmem:s8+$0x0] =	vst v22  }
0x25b: {  	[dreg:$0x1d] =	wrdreg s22;
	s12 =	sor.u32 s28, s29;
	s26 =	sadd.s32 $0x10C00, s31;
	v22 =	vld.idx.msk [tilespmem:v17+s9+$0x0], $0xffff;
	[tilespmem:s10+$0x0] =	vst v23  }
0x25c: {  	s13 =	simm.s32 $0x5E80;
	s25 =	sadd.s32 $0x11880, s31;
	s14 =	sor.u32 s28, s26;
	v23 =	vld.idx.msk [tilespmem:v17+s11+$0x0], $0xffff;
	[tilespmem:s12+$0x0] =	vst v24  }
0x25d: {  	s15 =	simm.s32 $0x6480;
	s19 =	sadd.s32 $0x11900, s31;
	s16 =	sor.u32 s28, s25;
	v24 =	vld.idx.msk [tilespmem:v17+s13+$0x0], $0xffff;
	[tilespmem:s14+$0x0] =	vst v25  }
0x25e: {  	[smem:$0x7FC] =	sst s3;
	s17 =	simm.s32 $0x6A80;
	s18 =	sor.u32 s28, s19;
	v25 =	vld.idx.msk [tilespmem:v17+s15+$0x0], $0xffff;
	[tilespmem:s16+$0x0] =	vst v26  }
0x25f: {  	[smem:$0x7FD] =	sst s6;
	v26 =	vld.idx.msk [tilespmem:v17+s17+$0x0], $0xffff;
	[tilespmem:s18+$0x0] =	vst v18;
	s18 =	sadd.s32 $0x11980, s31  }
0x260: {  	s20 =	simm.s32 $0x7080;
	s17 =	sadd.s32 $0x11A00, s31;
	s21 =	sor.u32 s28, s18  }
0x261: {  	s22 =	simm.s32 $0x7680;
	s16 =	sadd.s32 $0x11A80, s31;
	v18 =	vld.idx.msk [tilespmem:v17+s20+$0x0], $0xffff;
	s1 =	sor.u32 s28, s17;
	[tilespmem:s21+$0x0] =	vst v19  }
0x262: {  	s2 =	simm.s32 $0x7C80;
	s15 =	sadd.s32 $0x11B00, s31;
	s3 =	sor.u32 s28, s16;
	v19 =	vld.idx.msk [tilespmem:v17+s22+$0x0], $0xffff;
	[tilespmem:s1+$0x0] =	vst v20  }
0x263: {  	s4 =	simm.s32 $0x8280;
	s14 =	sadd.s32 $0x11B80, s31;
	s5 =	sor.u32 s28, s15;
	v20 =	vld.idx.msk [tilespmem:v17+s2+$0x0], $0xffff;
	[tilespmem:s3+$0x0] =	vst v21  }
0x264: {  	s6 =	simm.s32 $0x8880;
	s13 =	sadd.s32 $0x11C00, s31;
	s7 =	sor.u32 s28, s14;
	v21 =	vld.idx.msk [tilespmem:v17+s4+$0x0], $0xffff;
	[tilespmem:s5+$0x0] =	vst v22  }
0x265: {  	s8 =	simm.s32 $0x8E80;
	s12 =	sadd.s32 $0x12880, s31;
	s9 =	sor.u32 s28, s13;
	v22 =	vld.idx.msk [tilespmem:v17+s6+$0x0], $0xffff;
	[tilespmem:s7+$0x0] =	vst v23  }
0x266: {  	s10 =	simm.s32 $0x9480;
	s11 =	sor.u32 s28, s12;
	v23 =	vld.idx.msk [tilespmem:v17+s8+$0x0], $0xffff;
	[tilespmem:s9+$0x0] =	vst v24  }
0x267: {  	s20 =	simm.s32 $0x9A80;
	v24 =	vld.idx.msk [tilespmem:v17+s10+$0x0], $0xffff;
	[tilespmem:s11+$0x0] =	vst v25;
	s11 =	sadd.s32 $0x12900, s31  }
0x268: {  	v25 =	vld.idx.msk [tilespmem:v17+s20+$0x0], $0xffff;
	s21 =	sor.u32 s28, s11;
	s20 =	sadd.s32 $0x12980, s31  }
0x269: {  	s22 =	simm.s32 $0xA080;
	s10 =	sadd.s32 $0x12A00, s31;
	[tilespmem:s21+$0x0] =	vst v26;
	s1 =	sor.u32 s28, s20  }
0x26a: {  	s2 =	simm.s32 $0xA680;
	s9 =	sadd.s32 $0x12A80, s31;
	s3 =	sor.u32 s28, s10;
	v26 =	vld.idx.msk [tilespmem:v17+s22+$0x0], $0xffff;
	[tilespmem:s1+$0x0] =	vst v18  }
0x26b: {  	s4 =	simm.s32 $0xAC80;
	s7 =	sadd.s32 $0x12B00, s31;
	s5 =	sor.u32 s28, s9;
	v18 =	vld.idx.msk [tilespmem:v17+s2+$0x0], $0xffff;
	[tilespmem:s3+$0x0] =	vst v19  }
0x26c: {  	s6 =	simm.s32 $0xB280;
	s8 =	sor.u32 s28, s7;
	v19 =	vld.idx.msk [tilespmem:v17+s4+$0x0], $0xffff;
	[tilespmem:s5+$0x0] =	vst v20  }
0x26d: {  	s21 =	simm.s32 $0xB880;
	v20 =	vld.idx.msk [tilespmem:v17+s6+$0x0], $0xffff;
	[tilespmem:s8+$0x0] =	vst v21;
	s8 =	sadd.s32 $0x12B80, s31  }
0x26e: {  	v21 =	vld.idx.msk [tilespmem:v17+s21+$0x0], $0xffff;
	s22 =	sor.u32 s28, s8;
	s21 =	sadd.s32 $0x12C00, s31  }
0x26f: {  	s1 =	simm.s32 $0xBE80;
	[tilespmem:s22+$0x0] =	vst v22;
	s2 =	sor.u32 s28, s21;
	s22 =	sadd.s32 $0x13880, s31  }
0x270: {  	s6 =	sadd.s32 $0x13900, s31;
	v17 =	vld.idx.msk [tilespmem:v17+s1+$0x0], $0xffff;
	[tilespmem:s2+$0x0] =	vst v23;
	s3 =	sor.u32 s28, s22  }
0x271: {  	s5 =	sadd.s32 $0x13980, s31;
	s4 =	sor.u32 s28, s6;
	[tilespmem:s3+$0x0] =	vst v24  }
0x272: {  	s1 =	sor.u32 s28, s5;
	[tilespmem:s4+$0x0] =	vst v25;
	s4 =	sadd.s32 $0x13A00, s31  }
0x273: {  	s3 =	sadd.s32 $0x13A80, s31;
	[tilespmem:s1+$0x0] =	vst v26;
	s2 =	sor.u32 s28, s4  }
0x274: {  	s1 =	sor.u32 s28, s3;
	[tilespmem:s2+$0x0] =	vst v18;
	s2 =	sadd.s32 $0x13B00, s31  }
0x275: {  	[tilespmem:s1+$0x0] =	vst v19;
	s0 =	sor.u32 s28, s2;
	s1 =	sadd.s32 $0x13B80, s31  }
0x276: {  	s31 =	sadd.s32 $0x13C00, s31;
	[tilespmem:s0+$0x0] =	vst v20;
	s0 =	sor.u32 s28, s1  }
0x277: {  	[tilespmem:s0+$0x0] =	vst v21;
	s0 =	sor.u32 s28, s31  }
0x278: {  	[tilespmem:s0+$0x0] =	vst v17;
	s0 =	sld [smem:$0x7FB];
	_ =	sdelay $0x1  }
0x279: {  	s28 =	sor.u32 $0x10, s28  }
0x27a: {  	s0 =	sor.u32 s28, s0  }
0x27b: {  	v17 =	vld [tilespmem:s0+$0x80];
	_ =	sdelay $0x4  }
0x27c: {  	v17 =	vshll.u32 v17, $0x4  }
0x27d: {  	v17 =	vor.u32 v0, v17;
	_ =	sdelay $0x3  }
0x27e: {  	s0 =	simm.s32 $0x480  }
0x27f: {  	v18 =	vld.idx.msk [tilespmem:v17+s0+$0x0], $0xffff;
	s0 =	simm.s32 $0xA80  }
0x280: {  	v19 =	vld.idx.msk [tilespmem:v17+s0+$0x0], $0xffff;
	s0 =	simm.s32 $0x1080  }
0x281: {  	v20 =	vld.idx.msk [tilespmem:v17+s0+$0x0], $0xffff;
	s0 =	simm.s32 $0x1680  }
0x282: {  	v21 =	vld.idx.msk [tilespmem:v17+s0+$0x0], $0xffff;
	s0 =	simm.s32 $0x1C80  }
0x283: {  	v22 =	vld.idx.msk [tilespmem:v17+s0+$0x0], $0xffff;
	s0 =	simm.s32 $0x2280  }
0x284: {  	v23 =	vld.idx.msk [tilespmem:v17+s0+$0x0], $0xffff;
	s0 =	simm.s32 $0x2880  }
0x285: {  	v24 =	vld.idx.msk [tilespmem:v17+s0+$0x0], $0xffff;
	s0 =	simm.s32 $0x2E80  }
0x286: {  	v25 =	vld.idx.msk [tilespmem:v17+s0+$0x0], $0xffff;
	s0 =	simm.s32 $0x3480  }
0x287: {  	v26 =	vld.idx.msk [tilespmem:v17+s0+$0x0], $0xffff;
	s0 =	rddreg [dreg:$0x1e]  }
0x288: {  	s0 =	sor.u32 s28, s0  }
0x289: {  	[tilespmem:s0+$0x0] =	vst v18;
	s0 =	simm.s32 $0x3A80  }
0x28a: {  	v18 =	vld.idx.msk [tilespmem:v17+s0+$0x0], $0xffff;
	s0 =	rddreg [dreg:$0x1d]  }
0x28b: {  	s0 =	sor.u32 s28, s0  }
0x28c: {  	[tilespmem:s0+$0x0] =	vst v19;
	s0 =	simm.s32 $0x4080  }
0x28d: {  	v19 =	vld.idx.msk [tilespmem:v17+s0+$0x0], $0xffff;
	s0 =	rddreg [dreg:$0x1f]  }
0x28e: {  	s0 =	sor.u32 s28, s0  }
0x28f: {  	[tilespmem:s0+$0x0] =	vst v20;
	s0 =	simm.s32 $0x4680  }
0x290: {  	v20 =	vld.idx.msk [tilespmem:v17+s0+$0x0], $0xffff;
	s0 =	sld [smem:$0x7FC];
	_ =	sdelay $0x2  }
0x291: {  	s0 =	sor.u32 s28, s0  }
0x292: {  	[tilespmem:s0+$0x0] =	vst v21;
	s0 =	simm.s32 $0x4C80  }
0x293: {  	v21 =	vld.idx.msk [tilespmem:v17+s0+$0x0], $0xffff;
	s0 =	sld [smem:$0x7FD];
	_ =	sdelay $0x2  }
0x294: {  	s0 =	sor.u32 s28, s0  }
0x295: {  	s30 =	sor.u32 s28, s30;
	[tilespmem:s0+$0x0] =	vst v22;
	s0 =	simm.s32 $0x5280  }
0x296: {  	v22 =	vld.idx.msk [tilespmem:v17+s0+$0x0], $0xffff;
	[tilespmem:s30+$0x0] =	vst v23;
	s30 =	simm.s32 $0x5880  }
0x297: {  	v23 =	vld.idx.msk [tilespmem:v17+s30+$0x0], $0xffff;
	s30 =	sor.u32 s28, s29  }
0x298: {  	s29 =	simm.s32 $0x5E80;
	[tilespmem:s30+$0x0] =	vst v24;
	s30 =	sor.u32 s28, s26  }
0x299: {  	s26 =	simm.s32 $0x6480;
	v24 =	vld.idx.msk [tilespmem:v17+s29+$0x0], $0xffff;
	[tilespmem:s30+$0x0] =	vst v25;
	s29 =	sor.u32 s28, s25  }
0x29a: {  	s30 =	simm.s32 $0x6A80;
	s25 =	sor.u32 s28, s19;
	v25 =	vld.idx.msk [tilespmem:v17+s26+$0x0], $0xffff;
	[tilespmem:s29+$0x0] =	vst v26  }
0x29b: {  	s26 =	simm.s32 $0x7080;
	s29 =	sor.u32 s28, s18;
	v26 =	vld.idx.msk [tilespmem:v17+s30+$0x0], $0xffff;
	[tilespmem:s25+$0x0] =	vst v18  }
0x29c: {  	s18 =	sor.u32 s28, s17;
	s30 =	simm.s32 $0x7680;
	v18 =	vld.idx.msk [tilespmem:v17+s26+$0x0], $0xffff;
	[tilespmem:s29+$0x0] =	vst v19  }
0x29d: {  	s19 =	simm.s32 $0x7C80;
	s25 =	sor.u32 s28, s16;
	v19 =	vld.idx.msk [tilespmem:v17+s30+$0x0], $0xffff;
	[tilespmem:s18+$0x0] =	vst v20  }
0x29e: {  	s26 =	simm.s32 $0x8280;
	s29 =	sor.u32 s28, s15;
	v20 =	vld.idx.msk [tilespmem:v17+s19+$0x0], $0xffff;
	[tilespmem:s25+$0x0] =	vst v21  }
0x29f: {  	s14 =	sor.u32 s28, s14;
	s30 =	simm.s32 $0x8880;
	v21 =	vld.idx.msk [tilespmem:v17+s26+$0x0], $0xffff;
	[tilespmem:s29+$0x0] =	vst v22  }
0x2a0: {  	s16 =	sor.u32 s28, s13;
	s15 =	simm.s32 $0x8E80;
	v22 =	vld.idx.msk [tilespmem:v17+s30+$0x0], $0xffff;
	[tilespmem:s14+$0x0] =	vst v23  }
0x2a1: {  	s17 =	simm.s32 $0x9480;
	s18 =	sor.u32 s28, s12;
	v23 =	vld.idx.msk [tilespmem:v17+s15+$0x0], $0xffff;
	[tilespmem:s16+$0x0] =	vst v24  }
0x2a2: {  	s19 =	simm.s32 $0x9A80;
	s25 =	sor.u32 s28, s11;
	v24 =	vld.idx.msk [tilespmem:v17+s17+$0x0], $0xffff;
	[tilespmem:s18+$0x0] =	vst v25  }
0x2a3: {  	s26 =	simm.s32 $0xA080;
	s29 =	sor.u32 s28, s20;
	v25 =	vld.idx.msk [tilespmem:v17+s19+$0x0], $0xffff;
	[tilespmem:s25+$0x0] =	vst v26  }
0x2a4: {  	s11 =	sor.u32 s28, s10;
	s30 =	simm.s32 $0xA680;
	v26 =	vld.idx.msk [tilespmem:v17+s26+$0x0], $0xffff;
	[tilespmem:s29+$0x0] =	vst v18  }
0x2a5: {  	s13 =	sor.u32 s28, s9;
	s12 =	simm.s32 $0xAC80;
	v18 =	vld.idx.msk [tilespmem:v17+s30+$0x0], $0xffff;
	[tilespmem:s11+$0x0] =	vst v19  }
0x2a6: {  	s14 =	simm.s32 $0xB280;
	s15 =	sor.u32 s28, s7;
	v19 =	vld.idx.msk [tilespmem:v17+s12+$0x0], $0xffff;
	[tilespmem:s13+$0x0] =	vst v20  }
0x2a7: {  	s16 =	simm.s32 $0xB880;
	s17 =	sor.u32 s28, s8;
	v20 =	vld.idx.msk [tilespmem:v17+s14+$0x0], $0xffff;
	[tilespmem:s15+$0x0] =	vst v21  }
0x2a8: {  	s18 =	simm.s32 $0xBE80;
	s19 =	sor.u32 s28, s21;
	v21 =	vld.idx.msk [tilespmem:v17+s16+$0x0], $0xffff;
	[tilespmem:s17+$0x0] =	vst v22  }
0x2a9: {  	s20 =	sor.u32 s28, s22;
	v17 =	vld.idx.msk [tilespmem:v17+s18+$0x0], $0xffff;
	[tilespmem:s19+$0x0] =	vst v23  }
0x2aa: {  	s21 =	sor.u32 s28, s6;
	[tilespmem:s20+$0x0] =	vst v24  }
0x2ab: {  	s22 =	sor.u32 s28, s5;
	[tilespmem:s21+$0x0] =	vst v25  }
0x2ac: {  	p2 =	sne.s32 s24, $0xF00;
	s25 =	sor.u32 s28, s4;
	[tilespmem:s22+$0x0] =	vst v26  }
.Ltmp12:
0x2ad: {  	s26 =	sor.u32 s28, s3;
	[tilespmem:s25+$0x0] =	vst v18;
	(pc) =	sbr.rel @p2 .LBB2_15-.Ltmp12, $4  }
0x2ae: {  	s29 =	sor.u32 s28, s2;
	[tilespmem:s26+$0x0] =	vst v19  }
0x2af: {  	s30 =	sor.u32 s28, s1;
	[tilespmem:s29+$0x0] =	vst v20  }
0x2b0: {  	s31 =	sor.u32 s28, s31;
	[tilespmem:s30+$0x0] =	vst v21  }
0x2b1: {  	s23 =	sadd.s32 $0x20, s23;
	s24 =	sadd.s32 $0x100, s24;
	[tilespmem:s31+$0x0] =	vst v17  }
.Ltmp13:
0x2b2: {  	_ = 	snop;
	(pc) =	sbr.rel .LBB2_16-.Ltmp13, $1  }
0x2b3: {  	_ =	sdelay $0x3  }
.LBB2_19:
0x2b4: {  	_ =	sfence.sel $0x180000  }
0x2b5: {  	[bflag:$0x0] =	sbarrier.arrive $0xFFFF  }
0x2b6: {  	_ =	strace $0x90000047  }
0x2b7: {  	s0 =	stileid.u32;
	[bflag:$0x2] =	sbarrier.arrive $0xFFFF  }
0x2b8: {  	p0 =	sne.s32 s0, $0x0;
	s0 =	rddreg [dreg:$0x2]  }
0x2b9: {  	s0 =	sadd.s32 @!p0 $0x100000, s0  }
0x2ba: {  	[sflag:s0] =	ssyncadd.tile.s32 @!p0 $0x1;
	_ =	shalt  }
.Lfunc_end2:
_tile_overlayer_lowered:
.L_overlay_start_2:
0x2bb: {  	(tag) =	ssettag $0x2  }
0x2bc: {  	s0 =	rddreg [dreg:$0x0];
	s2 =	stileid.u32  }
0x2bd: {  	s1 =	rddreg [dreg:$0x1];
	p0 =	sne.s32 s2, $0x0  }
0x2be: {  	s3 =	rddreg [dreg:$0x2];
	[bflag:$0x3] =	sbarrier.arrive $0xFFFF;
	s2 =	simm.s32 @!p0 $0x1C06  }
0x2bf: {  	[timem:s3], [sflag:s2] =	dma.local @!p0 [hbm:s0], s1  }
0x2c0: {  	s0 =	simm.s32 @!p0 $0x6  }
0x2c1: {  	_ =	swait.ge @!p0 [sflag:s0], s1  }
0x2c2: {  	s1 =	ssub.s32 @!p0 $0x0, s1;
	[sflag:s0] =	ssyncset.done @!p0 $0x0  }
0x2c3: {  	[sflag:s0] =	ssyncadd.s32 @!p0 s1  }
0x2c4: {  	[bflag:$0x3] =	sbarrier.arrive $0xFFFF  }
0x2c5: {  	_ =	shalt  }

</sc_bundles>
